<compile_context>
chip_gen: v7x
topology: tpu7x:2x2x1
jax: 0.10.2.dev20260603
libtpu: 0.0.44.dev20260713+nightly
codegen_flags: <defaults>
</compile_context>

<pallas_src>
import dataclasses
import functools

import jax
import jax.numpy as jnp
import numpy as np
from jax import lax
from jax.experimental import pallas as pl
from jax.experimental.pallas import tpu as pltpu
from jax.experimental.pallas import tpu_sc as plsc

E1 = 160000
EDGES = 320000
N_NODES = 10000
T_SEQ = 8
H = 16
BLK = 640
BN = 1000
NTILE = 32
CCH = 64

IL32 = np.array([(j % 4) * 8 + j // 4 for j in range(32)])
IL128 = np.array([(j % 4) * 32 + j // 4 for j in range(128)])


def _leaky(x, s=0.01):
    return jnp.where(x >= 0, x, s * x)



def _pack_gru_pair(l1, l2):
    packed = []
    for (Wi1, Wh1, bi1, bh1), (Wi2, Wh2, bi2, bh2) in zip(l1, l2):
        def cat(W1, W2):
            W1T, W2T = W1.T, W2.T
            cols = []
            for g in range(3):
                z1 = jnp.zeros_like(W2T[:, :16])
                z2 = jnp.zeros_like(W1T[:, :16])
                cols.append(jnp.concatenate([
                    jnp.concatenate([W1T[:, 16 * g:16 * g + 16], z2], axis=1),
                    jnp.concatenate([z1, W2T[:, 16 * g:16 * g + 16]], axis=1),
                ], axis=0))
            return jnp.concatenate(cols, axis=1)

        def bcat(b1, b2):
            return jnp.concatenate([b1[0:16], b2[0:16], b1[16:32], b2[16:32],
                                    b1[32:48], b2[32:48]])

        packed.append((cat(Wi1, Wi2), cat(Wh1, Wh2), bcat(bi1, bi2), bcat(bh1, bh2)))
    return packed


def _gru_edge_kernel(m1_ref, m2_ref, lc_ref, h0a_ref, h0b_ref, h1a_ref, h1b_ref,
                     wi0_ref, wh0_ref, bi0_ref, bh0_ref,
                     wi1_ref, wh1_ref, bi1_ref, bh1_ref,
                     p1_ref, p2_ref, b1_ref, b2_ref, mall_ref,
                     h1l0_ref, h1l1_ref, h2l0_ref, h2l1_ref, ae4_ref):
    h0c = jnp.concatenate([h0a_ref[...], h0b_ref[...]], axis=1)
    h1c = jnp.concatenate([h1a_ref[...], h1b_ref[...]], axis=1)
    wi0 = wi0_ref[...]
    wh0 = wh0_ref[...]
    wi1 = wi1_ref[...]
    wh1 = wh1_ref[...]
    bi0 = bi0_ref[...]
    bh0 = bh0_ref[...]
    bi1 = bi1_ref[...]
    bh1 = bh1_ref[...]

    def gates(gi, gh, h):
        r = jax.nn.sigmoid(gi[:, 0:32] + gh[:, 0:32])
        z = jax.nn.sigmoid(gi[:, 32:64] + gh[:, 32:64])
        n = jnp.tanh(gi[:, 64:96] + r * gh[:, 64:96])
        return (1.0 - z) * n + z * h

    for t in range(T_SEQ):
        gi0 = (m1_ref[:, t:t + 1] * wi0[0:1, :]
               + m2_ref[:, t:t + 1] * wi0[1:2, :]) + bi0
        gh0 = jnp.dot(h0c, wh0, preferred_element_type=jnp.float32) + bh0
        h0c = gates(gi0, gh0, h0c)
        gi1 = jnp.dot(h0c, wi1, preferred_element_type=jnp.float32) + bi1
        gh1 = jnp.dot(h1c, wh1, preferred_element_type=jnp.float32) + bh1
        h1c = gates(gi1, gh1, h1c)

    h1l0_ref[...] = h0c[:, 0:16]
    h1l1_ref[...] = h1c[:, 0:16]
    h2l0_ref[...] = h0c[:, 16:32]
    h2l1_ref[...] = h1c[:, 16:32]

    f1 = jnp.concatenate([h0c[:, 0:16], h1c[:, 0:16]], axis=1)
    f2 = jnp.concatenate([h0c[:, 16:32], h1c[:, 16:32]], axis=1)
    ea1 = (lc_ref[...] * p1_ref[0:1, :]
           + jnp.dot(f1, p1_ref[1:33], preferred_element_type=jnp.float32)
           + b1_ref[...])
    ea2 = jnp.dot(f2, p2_ref[...], preferred_element_type=jnp.float32) + b2_ref[...]
    mall = mall_ref[...]
    ae4_ref[0] = jnp.dot(ea1, mall, preferred_element_type=jnp.float32)
    ae4_ref[1] = jnp.dot(ea2, mall, preferred_element_type=jnp.float32)


def _run_gru_stage(local_costs, a2s_msg, a2s_h, s2a_msg, s2a_h, params, m_all):
    m1 = a2s_msg.reshape(E1, T_SEQ)
    m2 = s2a_msg.reshape(E1, T_SEQ)
    g = _pack_gru_pair(params['gru1'], params['gru2'])
    (wi0, wh0, bi0, bh0), (wi1, wh1, bi1, bh1) = g
    p1 = params['proj1_W'].T
    p2 = params['proj2_W'].T
    h_flat_1 = a2s_h.reshape(2 * E1, H)
    h_flat_2 = s2a_h.reshape(2 * E1, H)

    grid = E1 // BLK
    gb = E1 // BLK
    full = lambda shape: pl.BlockSpec(shape, lambda i: (0, 0))
    row2 = lambda v: v.reshape(1, -1)
    out_shapes = [jax.ShapeDtypeStruct((E1, H), jnp.float32)] * 4 + [
        jax.ShapeDtypeStruct((2, E1, 16), jnp.float32)]
    blk = lambda: pl.BlockSpec((BLK, H), lambda i: (i, 0))
    h1l0, h1l1, h2l0, h2l1, ae4 = pl.pallas_call(
        _gru_edge_kernel,
        grid=(grid,),
        in_specs=[
            pl.BlockSpec((BLK, T_SEQ), lambda i: (i, 0)),
            pl.BlockSpec((BLK, T_SEQ), lambda i: (i, 0)),
            pl.BlockSpec((BLK, 1), lambda i: (i, 0)),
            pl.BlockSpec((BLK, H), lambda i: (i, 0)),
            pl.BlockSpec((BLK, H), lambda i: (i, 0)),
            pl.BlockSpec((BLK, H), lambda i: (i + gb, 0)),
            pl.BlockSpec((BLK, H), lambda i: (i + gb, 0)),
            full((2, 96)), full((32, 96)), full((1, 96)), full((1, 96)),
            full((32, 96)), full((32, 96)), full((1, 96)), full((1, 96)),
            full((33, 16)), full((32, 16)), full((1, 16)), full((1, 16)),
            full((16, 16)),
        ],
        out_specs=[blk(), blk(), blk(), blk(),
                   pl.BlockSpec((2, BLK, 16), lambda i: (0, i, 0))],
        out_shape=out_shapes,
    )(m1, m2, local_costs, h_flat_1, h_flat_2, h_flat_1, h_flat_2,
      wi0, wh0, row2(bi0), row2(bh0), wi1, wh1, row2(bi1), row2(bh1),
      p1, p2, row2(params['proj1_b']), row2(params['proj2_b']), m_all)
    h1 = jnp.stack([h1l0, h1l1], axis=0)
    h2 = jnp.stack([h2l0, h2l1], axis=0)
    return h1, h2, ae4.reshape(EDGES, 16)



def _make_sc_conv(ch, conv_idx):
    accw = 128
    nchunks = EDGES // CCH
    kmax = (nchunks + NTILE - 1) // NTILE
    zr = 40
    nrch = N_NODES // zr
    rkmax = (nrch + 15) // 16
    mesh = plsc.VectorSubcoreMesh(core_axis_name="c", subcore_axis_name="s")
    cp = pltpu.CompilerParams()
    if "needs_layout_passes" in pltpu.CompilerParams.__dataclass_fields__:
        cp = dataclasses.replace(cp, needs_layout_passes=False)

    sw = 128

    @functools.partial(
        pl.kernel, mesh=mesh, compiler_params=cp,
        out_type=jax.ShapeDtypeStruct((2, N_NODES, accw), jnp.float32),
        scratch_types=[
            pltpu.VMEM((CCH,), jnp.int32),
            pltpu.VMEM((CCH,), jnp.int32),
            pltpu.VMEM((CCH, sw), jnp.float32),
            pltpu.VMEM((CCH, 128), jnp.float32),
            pltpu.VMEM((CCH, 16), jnp.float32),
            pltpu.VMEM((CCH, accw), jnp.float32),
            pltpu.VMEM((zr, accw), jnp.float32),
            pltpu.VMEM_SHARED((N_NODES, accw), jnp.float32),
        ],
    )
    def sc_conv(src_hbm, dst_hbm, srctab_hbm, dsttab_hbm, ae_hbm, out_hbm,
                srcv, dstv, srcbuf, dstbuf, aebuf, prodbuf, zbuf, acc):
        cid = lax.axis_index("c")
        sid = lax.axis_index("s")
        wid = sid * 2 + cid
        iota16 = lax.iota(jnp.int32, 16)
        colidx = (iota16 & 3) + (ch + 4 * conv_idx)
        zv = jnp.zeros((16,), jnp.float32)

        @pl.loop(0, zr)
        def _(r):
            for cslot in range(accw // 16):
                zbuf[r, pl.ds(cslot * 16, 16)] = zv

        @pl.loop(0, CCH)
        def _(r):
            for cslot in range(accw // 16):
                prodbuf[r, pl.ds(cslot * 16, 16)] = zv

        @pl.loop(0, rkmax)
        def _(k):
            rchunk = k * 16 + sid

            @pl.when(rchunk < nrch)
            def _():
                pltpu.sync_copy(zbuf, acc.at[pl.ds(rchunk * zr, zr)])

        plsc.subcore_barrier()

        @pl.loop(0, kmax)
        def _(k):
            chunk = k * NTILE + wid

            @pl.when(chunk < nchunks)
            def _():
                base = chunk * CCH
                pltpu.sync_copy(src_hbm.at[pl.ds(base, CCH)], srcv)
                pltpu.sync_copy(dst_hbm.at[pl.ds(base, CCH)], dstv)
                pltpu.sync_copy(srctab_hbm.at[srcv], srcbuf)
                pltpu.sync_copy(dsttab_hbm.at[dstv], dstbuf)
                pltpu.sync_copy(ae_hbm.at[pl.ds(base, CCH)], aebuf)

                @pl.loop(0, CCH)
                def _(e):
                    a = srcbuf[e, pl.ds(ch, 16)] + dstbuf[e, pl.ds(0, 16)] + aebuf[e, :]
                    ex = jnp.exp(jnp.maximum(a, 0.2 * a))
                    prodbuf[e, pl.ds(ch, 16)] = ex
                    erow = jnp.full((16,), e, jnp.int32)
                    bc = plsc.load_gather(prodbuf, [erow, colidx])
                    for half in range(ch // 16):
                        prodbuf[e, pl.ds(16 * half, 16)] = (
                            srcbuf[e, pl.ds(16 * half, 16)] * bc)

                pltpu.sync_copy(prodbuf, acc.at[dstv], add=True)

        plsc.subcore_barrier()

        @pl.loop(0, rkmax)
        def _(k):
            rchunk = k * 16 + sid

            @pl.when(rchunk < nrch)
            def _():
                r0 = rchunk * zr
                pltpu.sync_copy(acc.at[pl.ds(r0, zr)],
                                out_hbm.at[cid, pl.ds(r0, zr)])

    return sc_conv


_SC_CACHE = {}


def _sc_conv(ch, conv_idx):
    key = (ch, conv_idx)
    if key not in _SC_CACHE:
        _SC_CACHE[key] = _make_sc_conv(ch, conv_idx)
    return _SC_CACHE[key]



def _prep1_kernel(x_ref, ws_ref, wd_ref, st_o, dt_o):
    xb = x_ref[...]
    st_o[...] = jnp.dot(xb, ws_ref[...], preferred_element_type=jnp.float32)
    dt_o[...] = jnp.dot(xb, wd_ref[...], preferred_element_type=jnp.float32)


def _prep1(x, w_src, w_dst):
    grid = N_NODES // BN
    full = lambda shape: pl.BlockSpec(shape, lambda i: (0, 0))
    return pl.pallas_call(
        _prep1_kernel,
        grid=(grid,),
        in_specs=[pl.BlockSpec((BN, 128), lambda i: (i, 0)),
                  full((128, 128)), full((128, 128))],
        out_specs=[pl.BlockSpec((BN, 128), lambda i: (i, 0)),
                   pl.BlockSpec((BN, 128), lambda i: (i, 0))],
        out_shape=[jax.ShapeDtypeStruct((N_NODES, 128), jnp.float32),
                   jax.ShapeDtypeStruct((N_NODES, 128), jnp.float32)],
    )(x, w_src, w_dst)


def _make_prep_mid(conv_idx, sw_next):
    den_off = 32 + 4 * conv_idx

    def body(a0_ref, a1_ref, bias_ref, ws_ref, wd_ref, st_o, dt_o):
        num = a0_ref[:, 0:32] + a1_ref[:, 0:32]
        den = (a0_ref[:, den_off:den_off + 4] + a1_ref[:, den_off:den_off + 4])
        denb = jnp.tile(den, (1, 8))
        h = _leaky(num / (denb + 1e-16) + bias_ref[...])
        st_o[...] = jnp.dot(h, ws_ref[...], preferred_element_type=jnp.float32)
        dt_o[...] = jnp.dot(h, wd_ref[...], preferred_element_type=jnp.float32)

    def run(acc, bias_int, w_src, w_dst):
        accf = acc.reshape(2 * N_NODES, 128)
        grid = N_NODES // BN
        gb = N_NODES // BN
        full = lambda shape: pl.BlockSpec(shape, lambda i: (0, 0))
        return pl.pallas_call(
            body,
            grid=(grid,),
            in_specs=[pl.BlockSpec((BN, 128), lambda i: (i, 0)),
                      pl.BlockSpec((BN, 128), lambda i: (i + gb, 0)),
                      full((1, 32)), full((32, sw_next)), full((32, 128))],
            out_specs=[pl.BlockSpec((BN, sw_next), lambda i: (i, 0)),
                       pl.BlockSpec((BN, 128), lambda i: (i, 0))],
            out_shape=[jax.ShapeDtypeStruct((N_NODES, sw_next), jnp.float32),
                       jax.ShapeDtypeStruct((N_NODES, 128), jnp.float32)],
        )(accf, accf, bias_int, w_src, w_dst)

    return run


_prep_mid = [_make_prep_mid(0, 128), _make_prep_mid(1, 128)]


def _prep4_kernel(a0_ref, a1_ref, bias_ref, wsa_ref, wsb_ref, wd_ref,
                  sta_o, stb_o, dt_o):
    num = a0_ref[:, 0:32] + a1_ref[:, 0:32]
    den = a0_ref[:, 40:44] + a1_ref[:, 40:44]
    denb = jnp.tile(den, (1, 8))
    h = _leaky(num / (denb + 1e-16) + bias_ref[...])
    sta_o[...] = jnp.dot(h, wsa_ref[...], preferred_element_type=jnp.float32)
    stb_o[...] = jnp.dot(h, wsb_ref[...], preferred_element_type=jnp.float32)
    dt_o[...] = jnp.dot(h, wd_ref[...], preferred_element_type=jnp.float32)


def _prep4(acc, bias_int, w_src_a, w_src_b, w_dst):
    accf = acc.reshape(2 * N_NODES, 128)
    grid = N_NODES // BN
    gb = N_NODES // BN
    full = lambda shape: pl.BlockSpec(shape, lambda i: (0, 0))
    obs = lambda: pl.BlockSpec((BN, 128), lambda i: (i, 0))
    return pl.pallas_call(
        _prep4_kernel,
        grid=(grid,),
        in_specs=[pl.BlockSpec((BN, 128), lambda i: (i, 0)),
                  pl.BlockSpec((BN, 128), lambda i: (i + gb, 0)),
                  full((1, 32)), full((32, 128)), full((32, 128)),
                  full((32, 128))],
        out_specs=[obs(), obs(), obs()],
        out_shape=[jax.ShapeDtypeStruct((N_NODES, 128), jnp.float32)] * 3,
    )(accf, accf, bias_int, w_src_a, w_src_b, w_dst)


def _final_kernel(a0a_ref, a1a_ref, a0b_ref, a1b_ref, bias_ref, sa_ref, sb_ref,
                  sidx_ref, dom_ref, wq_ref, wk_ref, bs_ref, ni_ref,
                  w_ref, pool_ref):
    i = pl.program_id(0)
    numa = a0a_ref[:, 0:64] + a1a_ref[:, 0:64]
    numb = a0b_ref[:, 0:64] + a1b_ref[:, 0:64]
    den = a0a_ref[:, 76:80] + a1a_ref[:, 76:80]
    denb = jnp.tile(den, (1, 16))
    qa = numa / (denb + 1e-16)
    qb = numb / (denb + 1e-16)
    h4 = _leaky(jnp.dot(qa, sa_ref[...], preferred_element_type=jnp.float32)
                + jnp.dot(qb, sb_ref[...], preferred_element_type=jnp.float32)
                + bias_ref[...])
    sidx = sidx_ref[0]
    seg = lax.broadcasted_iota(jnp.int32, (64, BN), 0) + 1
    oh = (seg == sidx).astype(jnp.float32)
    contrib = jnp.dot(oh, h4, preferred_element_type=jnp.float32)

    @pl.when(i == 0)
    def _():
        pool_ref[...] = jnp.zeros_like(pool_ref)

    pool_ref[...] += contrib

    @pl.when(i == (N_NODES // BN) - 1)
    def _():
        poolv = pool_ref[...] / dom_ref[...]
        alpha = jnp.dot(poolv, wq_ref[...], preferred_element_type=jnp.float32)
        beta = jnp.dot(poolv, wk_ref[...], preferred_element_type=jnp.float32)
        scores = jax.nn.sigmoid(alpha + beta[:, 0][None, :] + bs_ref[0, 0])
        idxs = ni_ref[:, 0]
        cols8 = lax.broadcasted_iota(jnp.int32, (8, 64), 1)
        rsel = (idxs[:, None] == cols8).astype(jnp.float32)
        srows = jnp.dot(rsel, scores, preferred_element_type=jnp.float32)
        sels = []
        for j in range(3):
            cm = (ni_ref[:, 1 + j][:, None] == cols8).astype(jnp.float32)
            sels.append(jnp.sum(srows * cm, axis=1, keepdims=True))
        sel = jnp.concatenate(sels, axis=1)
        m = jnp.max(sel, axis=1, keepdims=True)
        e = jnp.exp(sel - m)
        w_ref[...] = e / jnp.sum(e, axis=1, keepdims=True)


def _final(acc4a, acc4b, bias4, s_a, s_b, sidx3, dom, wq, wk, bs, ni):
    accfa = acc4a.reshape(2 * N_NODES, 128)
    accfb = acc4b.reshape(2 * N_NODES, 128)
    grid = N_NODES // BN
    gb = N_NODES // BN
    full = lambda shape: pl.BlockSpec(shape, lambda i: tuple(0 for _ in shape))
    return pl.pallas_call(
        _final_kernel,
        grid=(grid,),
        in_specs=[pl.BlockSpec((BN, 128), lambda i: (i, 0)),
                  pl.BlockSpec((BN, 128), lambda i: (i + gb, 0)),
                  pl.BlockSpec((BN, 128), lambda i: (i, 0)),
                  pl.BlockSpec((BN, 128), lambda i: (i + gb, 0)),
                  full((1, 32)), full((64, 32)), full((64, 32)),
                  pl.BlockSpec((1, 1, BN), lambda i: (i, 0, 0)),
                  full((64, 1)), full((32, 1)), full((32, 1)), full((1, 1)),
                  full((8, 4))],
        out_specs=pl.BlockSpec((8, 3), lambda i: (0, 0)),
        out_shape=jax.ShapeDtypeStruct((8, 3), jnp.float32),
        scratch_shapes=[pltpu.VMEM((64, 32), jnp.float32)],
    )(accfa, accfa, accfb, accfb, bias4, s_a, s_b, sidx3, dom, wq, wk, bs, ni)



def _att_reduce(W, att, heads, out_ch):
    return jnp.einsum('hoi,ho->ih', W.reshape(heads, out_ch, W.shape[1]), att)


def _pad16(mat, off):
    z = jnp.zeros((mat.shape[0], 16), jnp.float32)
    return z.at[:, off:off + 4].set(mat)


def kernel(x, edge_index, local_costs, ass_to_sum_msg, ass_to_sum_hidden,
           sum_to_ass_msg, sum_to_ass_hidden, scatter_indexes,
           scatter_dom_size, neighbor_idx_info, params):
    il32 = jnp.asarray(IL32)
    il128 = jnp.asarray(IL128)

    convs = [params['conv1'], params['conv2'], params['conv3'], params['conv4']]
    m_cols = []
    for c, (p, out_ch) in enumerate(zip(convs, [8, 8, 8, 32])):
        m_cols.append(_att_reduce(p['W_e'], p['att_edge'], 4, out_ch))
    m_all = jnp.concatenate(m_cols, axis=1)

    w1_int = convs[0]['W'].T[:, il32]
    a1s = _pad16(_att_reduce(convs[0]['W'], convs[0]['att_src'], 4, 8), 0)
    a1d = _pad16(_att_reduce(convs[0]['W'], convs[0]['att_dst'], 4, 8), 0)
    z80 = jnp.zeros((128, 80), jnp.float32)
    z112 = jnp.zeros((128, 112), jnp.float32)
    w1_src = jnp.concatenate([w1_int, a1s, z80], axis=1)
    w1_dst = jnp.concatenate([a1d, z112], axis=1)

    mid_ws, mid_wd, mid_bias = [], [], []
    for c, (p, out_ch, ilo) in enumerate(
            [(convs[1], 8, il32), (convs[2], 8, il32), (convs[3], 32, il128)],
            start=1):
        Wp = p['W'][:, il32]
        w_int = Wp.T[:, ilo]
        a_s = _pad16(_att_reduce(Wp, p['att_src'], 4, out_ch), 4 * c)
        a_d = _pad16(_att_reduce(Wp, p['att_dst'], 4, out_ch), 4 * c)
        zd = jnp.zeros((32, 112), jnp.float32)
        mid_wd.append(jnp.concatenate([a_d, zd], axis=1))
        if c < 3:
            zs = jnp.zeros((32, 80), jnp.float32)
            mid_ws.append(jnp.concatenate([w_int, a_s, zs], axis=1))
        else:
            zs = jnp.zeros((32, 48), jnp.float32)
            mid_ws.append(jnp.concatenate([w_int[:, 0:64], a_s, zs], axis=1))
            mid_ws.append(jnp.concatenate([w_int[:, 64:128], a_s, zs], axis=1))
    for c in range(1, 3):
        mid_bias.append(convs[c]['bias'][il32].reshape(1, 32))

    h1, h2, ae4 = _run_gru_stage(
        local_costs, ass_to_sum_msg, ass_to_sum_hidden,
        sum_to_ass_msg, sum_to_ass_hidden, params, m_all)

    src = edge_index[0]
    dst = edge_index[1]

    st, dt = _prep1(x, w1_src, w1_dst)
    acc = _sc_conv(32, 0)(src, dst, st, dt, ae4)
    bias1_int = convs[0]['bias'][il32].reshape(1, 32)
    st, dt = _prep_mid[0](acc, bias1_int, mid_ws[0], mid_wd[0])
    acc = _sc_conv(32, 1)(src, dst, st, dt, ae4)
    st, dt = _prep_mid[1](acc, mid_bias[0], mid_ws[1], mid_wd[1])
    acc = _sc_conv(32, 2)(src, dst, st, dt, ae4)
    sta, stb, dt = _prep4(acc, mid_bias[1], mid_ws[2], mid_ws[3], mid_wd[2])
    acc4a = _sc_conv(64, 3)(src, dst, sta, dt, ae4)
    acc4b = _sc_conv(64, 3)(src, dst, stb, dt, ae4)

    s_np = np.zeros((128, 32), np.float32)
    for j in range(128):
        s_np[j, j // 4] = 0.25
    s_a = jnp.asarray(s_np[0:64, 0:32])
    s_b = jnp.asarray(s_np[64:128, 0:32])
    bias4 = convs[3]['bias'].reshape(1, 32)
    ws = params['attn_Ws'][0]
    wq = (params['attn_Wq'].T @ ws[0:32]).reshape(32, 1)
    wk = (params['attn_Wk'].T @ ws[32:64]).reshape(32, 1)
    bs = params['attn_bs'].reshape(1, 1)
    sidx3 = scatter_indexes.reshape(N_NODES // BN, 1, BN)

    w = _final(acc4a, acc4b, bias4, s_a, s_b, sidx3, scatter_dom_size,
               wq, wk, bs, neighbor_idx_info)
    return (w.reshape(8, 3, 1), h1, h2)

# --- scband reference (transcript-rebuilt; emitter-appended) ---
"""Pipeline reference for scband-attentive-bp-36910948942100 (READ-ONLY COPY).

The authoritative reference and input builder live on the scoring server;
editing this copy changes nothing except your own understanding.
"""

import jax, jax.numpy as jnp
import numpy as np

N_NODES = 10000
N_EDGES = 320000
E1 = N_EDGES // 2
T_SEQ = 8
N_LAYERS = 2
H_GRU = 16
D_IN = 128
D_EDGE = 16
D_OUT = 32
N_DIR = 64


def leaky_relu(x, s=0.01):
    return jnp.where(x >= 0, x, s * x)


def gru_forward(x, h0, layers):
    inp = x
    h_out = []
    for l in range(len(layers)):
        W_ih, W_hh, b_ih, b_hh = layers[l]

        def step(h, xt, W_ih=W_ih, W_hh=W_hh, b_ih=b_ih, b_hh=b_hh):
            gi = xt @ W_ih.T + b_ih
            gh = h @ W_hh.T + b_hh
            i_r, i_z, i_n = jnp.split(gi, 3, axis=-1)
            h_r, h_z, h_n = jnp.split(gh, 3, axis=-1)
            r = jax.nn.sigmoid(i_r + h_r)
            z = jax.nn.sigmoid(i_z + h_z)
            n = jnp.tanh(i_n + r * h_n)
            hn = (1.0 - z) * n + z * h
            return hn, hn

        xs = jnp.swapaxes(inp, 0, 1)
        h_last, ys = jax.lax.scan(step, h0[l], xs)
        inp = jnp.swapaxes(ys, 0, 1)
        h_out.append(h_last)
    return jnp.stack(h_out, 0)


def gat_conv(x, edge_index, edge_attr, p, heads, out_ch, concat):
    N = x.shape[0]
    src = edge_index[0]
    dst = edge_index[1]
    xl = (x @ p['W'].T).reshape(N, heads, out_ch)
    el = (edge_attr @ p['W_e'].T).reshape(-1, heads, out_ch)
    a = (xl * p['att_src']).sum(-1)[src] + (xl * p['att_dst']).sum(-1)[dst] + (el * p['att_edge']).sum(-1)
    a = leaky_relu(a, 0.2)
    amax = jax.ops.segment_max(a, dst, num_segments=N)
    amax = jnp.where(jnp.isfinite(amax), amax, 0.0)
    ex = jnp.exp(a - amax[dst])
    den = jax.ops.segment_sum(ex, dst, num_segments=N)
    w = ex / (den[dst] + 1e-16)
    out = jax.ops.segment_sum(xl[src] * w[:, :, None], dst, num_segments=N)
    if concat:
        out = out.reshape(N, heads * out_ch)
    else:
        out = out.mean(axis=1)
    return out + p['bias']


def _lin(k, o, i):
    return (jax.random.normal(k, (o, i), jnp.float32) / np.sqrt(i)).astype(jnp.float32)


def _gat_params(key, in_ch, heads, out_ch, edge_dim, concat):
    k = jax.random.split(key, 5)
    return {
        'W': _lin(k[0], heads * out_ch, in_ch),
        'W_e': _lin(k[1], heads * out_ch, edge_dim),
        'att_src': jax.random.normal(k[2], (heads, out_ch), jnp.float32) * 0.1,
        'att_dst': jax.random.normal(k[3], (heads, out_ch), jnp.float32) * 0.1,
        'att_edge': jax.random.normal(k[4], (heads, out_ch), jnp.float32) * 0.1,
        'bias': jnp.zeros((heads * out_ch if concat else out_ch,), jnp.float32),
    }


def _gru_params(key, in_dim, hid, layers):
    out = []
    for l in range(layers):
        k = jax.random.split(jax.random.fold_in(key, l), 4)
        i = in_dim if l == 0 else hid
        out.append((_lin(k[0], 3 * hid, i), _lin(k[1], 3 * hid, hid), jnp.zeros((3 * hid,), jnp.float32), jnp.zeros((3 * hid,), jnp.float32)))
    return out


def make_params(key):
    ks = jax.random.split(key, 12)
    return {
        'gru1': _gru_params(ks[0], 1, H_GRU, N_LAYERS),
        'gru2': _gru_params(ks[1], 1, H_GRU, N_LAYERS),
        'proj1_W': _lin(ks[2], D_EDGE, N_LAYERS * H_GRU + 1),
        'proj1_b': jnp.zeros((D_EDGE,), jnp.float32),
        'proj2_W': _lin(ks[3], D_EDGE, N_LAYERS * H_GRU),
        'proj2_b': jnp.zeros((D_EDGE,), jnp.float32),
        'conv1': _gat_params(ks[4], D_IN, 4, 8, D_EDGE, True),
        'conv2': _gat_params(ks[5], 32, 4, 8, D_EDGE, True),
        'conv3': _gat_params(ks[6], 32, 4, 8, D_EDGE, True),
        'conv4': _gat_params(ks[7], 32, 4, D_OUT, D_EDGE, False),
        'attn_Wq': _lin(ks[8], D_OUT, D_OUT),
        'attn_Wk': _lin(ks[9], D_OUT, D_OUT),
        'attn_Ws': _lin(ks[10], 1, 2 * D_OUT),
        'attn_bs': jnp.zeros((1,), jnp.float32),
    }


def setup_inputs(seed: int = 0):
    key = jax.random.key(seed)
    ks = jax.random.split(key, 12)
    return {
        'x': jax.random.normal(ks[0], (N_NODES, D_IN), jnp.float32),
        'edge_index': jax.random.randint(ks[1], (2, N_EDGES), 0, N_NODES),
        'local_costs': jax.random.normal(ks[2], (E1, 1), jnp.float32),
        'ass_to_sum_msg': jax.random.normal(ks[3], (E1, T_SEQ, 1), jnp.float32),
        'ass_to_sum_hidden': jax.random.normal(ks[4], (N_LAYERS, E1, H_GRU), jnp.float32),
        'sum_to_ass_msg': jax.random.normal(ks[5], (E1, T_SEQ, 1), jnp.float32),
        'sum_to_ass_hidden': jax.random.normal(ks[6], (N_LAYERS, E1, H_GRU), jnp.float32),
        'scatter_indexes': jax.random.randint(ks[7], (N_NODES,), 0, N_DIR + 1),
        'scatter_dom_size': jnp.ones((N_DIR, 1), jnp.float32),
        'neighbor_idx_info': jax.random.randint(ks[8], (8, 4), 0, N_DIR),
        'params': make_params(ks[9]),
    }


def _forward(x, local_costs, a2s_msg, a2s_h, s2a_msg, s2a_h, dom, params, edge_index, scatter_indexes, neighbor_info):
    h1 = gru_forward(a2s_msg, a2s_h, params['gru1'])
    f1 = jnp.transpose(h1, (1, 0, 2)).reshape(h1.shape[1], -1)
    ea1 = jnp.concatenate([local_costs, f1], axis=1) @ params['proj1_W'].T + params['proj1_b']
    h2 = gru_forward(s2a_msg, s2a_h, params['gru2'])
    f2 = jnp.transpose(h2, (1, 0, 2)).reshape(h2.shape[1], -1)
    ea2 = f2 @ params['proj2_W'].T + params['proj2_b']
    edge_attr = jnp.concatenate([ea1, ea2], axis=0)
    h = leaky_relu(gat_conv(x, edge_index, edge_attr, params['conv1'], 4, 8, True))
    h = leaky_relu(gat_conv(h, edge_index, edge_attr, params['conv2'], 4, 8, True))
    h = leaky_relu(gat_conv(h, edge_index, edge_attr, params['conv3'], 4, 8, True))
    h = leaky_relu(gat_conv(h, edge_index, edge_attr, params['conv4'], 4, D_OUT, False))
    pooling = jax.ops.segment_sum(h, scatter_indexes, num_segments=N_DIR + 1)[1:]
    pooling = pooling / dom
    q = jnp.repeat(pooling, N_DIR, axis=0)
    kk = jnp.tile(pooling, (N_DIR, 1))
    qp = q @ params['attn_Wq'].T
    kp = kk @ params['attn_Wk'].T
    scores = jax.nn.sigmoid(jnp.concatenate([qp, kp], axis=1) @ params['attn_Ws'].T + params['attn_bs'])
    idxs = neighbor_info[:, 0]
    srcs = neighbor_info[:, 1:]
    sel = scores[srcs + idxs[:, None] * N_DIR]
    w = jax.nn.softmax(sel, axis=1) * 1.0
    return (w, h1, h2)


def reference(x, edge_index, local_costs, ass_to_sum_msg, ass_to_sum_hidden, sum_to_ass_msg, sum_to_ass_hidden, scatter_indexes, scatter_dom_size, neighbor_idx_info, params):
    return _forward(x, local_costs, ass_to_sum_msg, ass_to_sum_hidden, sum_to_ass_msg, sum_to_ass_hidden, scatter_dom_size, params, edge_index, scatter_indexes, neighbor_idx_info)

if __name__ == "__main__":
    import jax
    _d = setup_inputs()
    print(jax.jit(kernel)(*tuple(_d.values())))

</pallas_src>

<mosaic_0001>
#map = affine_map<(d0, d1) -> (0)>
#map1 = affine_map<(d0, d1) -> (0, 0)>
#map2 = affine_map<(d0, d1) -> (0, 0, 0)>
module attributes {stable_mosaic.version = 14 : i64} {
  func.func @sc_conv(%arg0: i32, %arg1: i32, %arg2: memref<320000xi32, #tpu.memory_space<hbm>>, %arg3: memref<320000xi32, #tpu.memory_space<hbm>>, %arg4: memref<10000x128xf32, #tpu.memory_space<hbm>>, %arg5: memref<10000x128xf32, #tpu.memory_space<hbm>>, %arg6: memref<320000x16xf32, #tpu.memory_space<hbm>>, %arg7: memref<2x10000x128xf32, #tpu.memory_space<hbm>>, %arg8: memref<64xi32, #tpu.memory_space<vmem>>, %arg9: memref<64xi32, #tpu.memory_space<vmem>>, %arg10: memref<64x128xf32, #tpu.memory_space<vmem>>, %arg11: memref<64x128xf32, #tpu.memory_space<vmem>>, %arg12: memref<64x16xf32, #tpu.memory_space<vmem>>, %arg13: memref<64x128xf32, #tpu.memory_space<vmem>>, %arg14: memref<40x128xf32, #tpu.memory_space<vmem>>, %arg15: memref<10000x128xf32, #tpu.memory_space<vmem_shared>>) attributes {dimension_semantics = [#tpu.dimension_semantics<core_parallel>, #tpu.dimension_semantics<subcore_parallel>], iteration_bounds = array<i64: 2, 16>, scalar_prefetch = 0 : i64, scratch_operands = 8 : i64, tpu.core_type = #tpu.core_type<sc_vector_subcore>, window_params = [{transform_indices = #map}, {transform_indices = #map}, {transform_indices = #map1}, {transform_indices = #map1}, {transform_indices = #map1}, {transform_indices = #map2}]} {
    %mul3A = arith.constant 2 : i32
    %mul3A_0 = arith.muli %arg1, %mul3A : i32
    %add3A = arith.addi %mul3A_0, %arg0 : i32
    %iota3A = tpu.iota {dimensions = array<i32: 0>} : vector<16xi32>
    %and3A = arith.constant 3 : i32
    %and3A_1 = vector.broadcast %and3A : i32 to vector<16xi32>
    %and3A_2 = arith.andi %iota3A, %and3A_1 : vector<16xi32>
    %add3A_3 = arith.constant 40 : i32
    %add3A_4 = vector.broadcast %add3A_3 : i32 to vector<16xi32>
    %add3A_5 = arith.addi %and3A_2, %add3A_4 : vector<16xi32>
    %broadcast_in_dim3A = arith.constant 0.000000e+00 : f32
    %broadcast_in_dim3A_6 = vector.broadcast %broadcast_in_dim3A : f32 to vector<16xf32>
    %scan3A = arith.constant 0 : i32
    %scan3A_7 = arith.constant 40 : i32
    %scan3A_8 = arith.addi %scan3A, %scan3A_7 : i32
    %scan3A_9 = arith.constant 1 : i32
    scf.for %scan3A_32 = %scan3A to %scan3A_8 step %scan3A_9  : i32 {
      %mul3A_33 = arith.constant 1 : i32
      %mul3A_34 = arith.muli %scan3A_32, %mul3A_33 : i32
      %add3A_35 = arith.constant 0 : i32
      %add3A_36 = arith.addi %add3A_35, %mul3A_34 : i32
      %swap3A = arith.index_cast %add3A_36 : i32 to index
      %swap3A_37 = arith.constant 0 : index
      %swap3A_38 = tpu.vector_load %arg14[%swap3A, %swap3A_37] {strides = array<i32>} : memref<40x128xf32, #tpu.memory_space<vmem>>, vector<16xf32>,
      tpu.vector_store %arg14[%swap3A, %swap3A_37], %broadcast_in_dim3A_6 {strides = array<i32>} : memref<40x128xf32, #tpu.memory_space<vmem>>, vector<16xf32>,
      %swap3A_39 = arith.index_cast %add3A_36 : i32 to index
      %swap3A_40 = arith.constant 16 : index
      %swap3A_41 = tpu.vector_load %arg14[%swap3A_39, %swap3A_40] {strides = array<i32>} : memref<40x128xf32, #tpu.memory_space<vmem>>, vector<16xf32>,
      tpu.vector_store %arg14[%swap3A_39, %swap3A_40], %broadcast_in_dim3A_6 {strides = array<i32>} : memref<40x128xf32, #tpu.memory_space<vmem>>, vector<16xf32>,
      %swap3A_42 = arith.index_cast %add3A_36 : i32 to index
      %swap3A_43 = arith.constant 32 : index
      %swap3A_44 = tpu.vector_load %arg14[%swap3A_42, %swap3A_43] {strides = array<i32>} : memref<40x128xf32, #tpu.memory_space<vmem>>, vector<16xf32>,
      tpu.vector_store %arg14[%swap3A_42, %swap3A_43], %broadcast_in_dim3A_6 {strides = array<i32>} : memref<40x128xf32, #tpu.memory_space<vmem>>, vector<16xf32>,
      %swap3A_45 = arith.index_cast %add3A_36 : i32 to index
      %swap3A_46 = arith.constant 48 : index
      %swap3A_47 = tpu.vector_load %arg14[%swap3A_45, %swap3A_46] {strides = array<i32>} : memref<40x128xf32, #tpu.memory_space<vmem>>, vector<16xf32>,
      tpu.vector_store %arg14[%swap3A_45, %swap3A_46], %broadcast_in_dim3A_6 {strides = array<i32>} : memref<40x128xf32, #tpu.memory_space<vmem>>, vector<16xf32>,
      %swap3A_48 = arith.index_cast %add3A_36 : i32 to index
      %swap3A_49 = arith.constant 64 : index
      %swap3A_50 = tpu.vector_load %arg14[%swap3A_48, %swap3A_49] {strides = array<i32>} : memref<40x128xf32, #tpu.memory_space<vmem>>, vector<16xf32>,
      tpu.vector_store %arg14[%swap3A_48, %swap3A_49], %broadcast_in_dim3A_6 {strides = array<i32>} : memref<40x128xf32, #tpu.memory_space<vmem>>, vector<16xf32>,
      %swap3A_51 = arith.index_cast %add3A_36 : i32 to index
      %swap3A_52 = arith.constant 80 : index
      %swap3A_53 = tpu.vector_load %arg14[%swap3A_51, %swap3A_52] {strides = array<i32>} : memref<40x128xf32, #tpu.memory_space<vmem>>, vector<16xf32>,
      tpu.vector_store %arg14[%swap3A_51, %swap3A_52], %broadcast_in_dim3A_6 {strides = array<i32>} : memref<40x128xf32, #tpu.memory_space<vmem>>, vector<16xf32>,
      %swap3A_54 = arith.index_cast %add3A_36 : i32 to index
      %swap3A_55 = arith.constant 96 : index
      %swap3A_56 = tpu.vector_load %arg14[%swap3A_54, %swap3A_55] {strides = array<i32>} : memref<40x128xf32, #tpu.memory_space<vmem>>, vector<16xf32>,
      tpu.vector_store %arg14[%swap3A_54, %swap3A_55], %broadcast_in_dim3A_6 {strides = array<i32>} : memref<40x128xf32, #tpu.memory_space<vmem>>, vector<16xf32>,
      %swap3A_57 = arith.index_cast %add3A_36 : i32 to index
      %swap3A_58 = arith.constant 112 : index
      %swap3A_59 = tpu.vector_load %arg14[%swap3A_57, %swap3A_58] {strides = array<i32>} : memref<40x128xf32, #tpu.memory_space<vmem>>, vector<16xf32>,
      tpu.vector_store %arg14[%swap3A_57, %swap3A_58], %broadcast_in_dim3A_6 {strides = array<i32>} : memref<40x128xf32, #tpu.memory_space<vmem>>, vector<16xf32>,
    }
    %scan3A_10 = arith.constant 40 : i32
    %scan3A_11 = arith.constant 0 : i32
    %scan3A_12 = arith.constant 64 : i32
    %scan3A_13 = arith.addi %scan3A_11, %scan3A_12 : i32
    %scan3A_14 = arith.constant 1 : i32
    scf.for %scan3A_32 = %scan3A_11 to %scan3A_13 step %scan3A_14  : i32 {
      %mul3A_33 = arith.constant 1 : i32
      %mul3A_34 = arith.muli %scan3A_32, %mul3A_33 : i32
      %add3A_35 = arith.constant 0 : i32
      %add3A_36 = arith.addi %add3A_35, %mul3A_34 : i32
      %swap3A = arith.index_cast %add3A_36 : i32 to index
      %swap3A_37 = arith.constant 0 : index
      %swap3A_38 = tpu.vector_load %arg13[%swap3A, %swap3A_37] {strides = array<i32>} : memref<64x128xf32, #tpu.memory_space<vmem>>, vector<16xf32>,
      tpu.vector_store %arg13[%swap3A, %swap3A_37], %broadcast_in_dim3A_6 {strides = array<i32>} : memref<64x128xf32, #tpu.memory_space<vmem>>, vector<16xf32>,
      %swap3A_39 = arith.index_cast %add3A_36 : i32 to index
      %swap3A_40 = arith.constant 16 : index
      %swap3A_41 = tpu.vector_load %arg13[%swap3A_39, %swap3A_40] {strides = array<i32>} : memref<64x128xf32, #tpu.memory_space<vmem>>, vector<16xf32>,
      tpu.vector_store %arg13[%swap3A_39, %swap3A_40], %broadcast_in_dim3A_6 {strides = array<i32>} : memref<64x128xf32, #tpu.memory_space<vmem>>, vector<16xf32>,
      %swap3A_42 = arith.index_cast %add3A_36 : i32 to index
      %swap3A_43 = arith.constant 32 : index
      %swap3A_44 = tpu.vector_load %arg13[%swap3A_42, %swap3A_43] {strides = array<i32>} : memref<64x128xf32, #tpu.memory_space<vmem>>, vector<16xf32>,
      tpu.vector_store %arg13[%swap3A_42, %swap3A_43], %broadcast_in_dim3A_6 {strides = array<i32>} : memref<64x128xf32, #tpu.memory_space<vmem>>, vector<16xf32>,
      %swap3A_45 = arith.index_cast %add3A_36 : i32 to index
      %swap3A_46 = arith.constant 48 : index
      %swap3A_47 = tpu.vector_load %arg13[%swap3A_45, %swap3A_46] {strides = array<i32>} : memref<64x128xf32, #tpu.memory_space<vmem>>, vector<16xf32>,
      tpu.vector_store %arg13[%swap3A_45, %swap3A_46], %broadcast_in_dim3A_6 {strides = array<i32>} : memref<64x128xf32, #tpu.memory_space<vmem>>, vector<16xf32>,
      %swap3A_48 = arith.index_cast %add3A_36 : i32 to index
      %swap3A_49 = arith.constant 64 : index
      %swap3A_50 = tpu.vector_load %arg13[%swap3A_48, %swap3A_49] {strides = array<i32>} : memref<64x128xf32, #tpu.memory_space<vmem>>, vector<16xf32>,
      tpu.vector_store %arg13[%swap3A_48, %swap3A_49], %broadcast_in_dim3A_6 {strides = array<i32>} : memref<64x128xf32, #tpu.memory_space<vmem>>, vector<16xf32>,
      %swap3A_51 = arith.index_cast %add3A_36 : i32 to index
      %swap3A_52 = arith.constant 80 : index
      %swap3A_53 = tpu.vector_load %arg13[%swap3A_51, %swap3A_52] {strides = array<i32>} : memref<64x128xf32, #tpu.memory_space<vmem>>, vector<16xf32>,
      tpu.vector_store %arg13[%swap3A_51, %swap3A_52], %broadcast_in_dim3A_6 {strides = array<i32>} : memref<64x128xf32, #tpu.memory_space<vmem>>, vector<16xf32>,
      %swap3A_54 = arith.index_cast %add3A_36 : i32 to index
      %swap3A_55 = arith.constant 96 : index
      %swap3A_56 = tpu.vector_load %arg13[%swap3A_54, %swap3A_55] {strides = array<i32>} : memref<64x128xf32, #tpu.memory_space<vmem>>, vector<16xf32>,
      tpu.vector_store %arg13[%swap3A_54, %swap3A_55], %broadcast_in_dim3A_6 {strides = array<i32>} : memref<64x128xf32, #tpu.memory_space<vmem>>, vector<16xf32>,
      %swap3A_57 = arith.index_cast %add3A_36 : i32 to index
      %swap3A_58 = arith.constant 112 : index
      %swap3A_59 = tpu.vector_load %arg13[%swap3A_57, %swap3A_58] {strides = array<i32>} : memref<64x128xf32, #tpu.memory_space<vmem>>, vector<16xf32>,
      tpu.vector_store %arg13[%swap3A_57, %swap3A_58], %broadcast_in_dim3A_6 {strides = array<i32>} : memref<64x128xf32, #tpu.memory_space<vmem>>, vector<16xf32>,
    }
    %scan3A_15 = arith.constant 64 : i32
    %scan3A_16 = arith.constant 0 : i32
    %scan3A_17 = arith.constant 16 : i32
    %scan3A_18 = arith.addi %scan3A_16, %scan3A_17 : i32
    %scan3A_19 = arith.constant 1 : i32
    scf.for %scan3A_32 = %scan3A_16 to %scan3A_18 step %scan3A_19  : i32 {
      %mul3A_33 = arith.constant 1 : i32
      %mul3A_34 = arith.muli %scan3A_32, %mul3A_33 : i32
      %add3A_35 = arith.constant 0 : i32
      %add3A_36 = arith.addi %add3A_35, %mul3A_34 : i32
      %mul3A_37 = arith.constant 16 : i32
      %mul3A_38 = arith.muli %add3A_36, %mul3A_37 : i32
      %add3A_39 = arith.addi %mul3A_38, %arg1 : i32
      %lt3A = arith.constant 250 : i32
      %lt3A_40 = arith.cmpi slt, %add3A_39, %lt3A : i32
      %convert_element_type3A = arith.extui %lt3A_40 : i1 to i32
      %cond3A = arith.constant 0 : i32
      %cond3A_41 = arith.cmpi ne, %convert_element_type3A, %cond3A : i32
      scf.if %cond3A_41 {
        %mul3A_42 = arith.constant 40 : i32
        %mul3A_43 = arith.muli %add3A_39, %mul3A_42 : i32
        "tpu.region"() ({
          %run_scoped3A = tpu.sem_alloc : memref<!tpu.dma_semaphore, #tpu.memory_space<semaphore_mem>>
          %dma_start3A = arith.constant 0 : i32
          %dma_start3A_44 = tpu.memref_slice %arg15[%mul3A_43, %dma_start3A] : memref<10000x128xf32, #tpu.memory_space<vmem_shared>> -> memref<40x128xf32, #tpu.memory_space<vmem_shared>>
          %dma_start3A_45 = arith.constant 0 : i32
          %dma_start3A_46 = tpu.memref_slice %arg15[%mul3A_43, %dma_start3A_45] : memref<10000x128xf32, #tpu.memory_space<vmem_shared>> -> memref<40x128xf32, #tpu.memory_space<vmem_shared>>
          tpu.enqueue_dma source(%arg14 : memref<40x128xf32, #tpu.memory_space<vmem>>) target(%dma_start3A_46 : memref<40x128xf32, #tpu.memory_space<vmem_shared>>) target_semaphore(%run_scoped3A : memref<!tpu.dma_semaphore, #tpu.memory_space<semaphore_mem>>)
          %dma_wait3A = arith.constant 0 : i32
          %dma_wait3A_47 = tpu.memref_slice %arg15[%mul3A_43, %dma_wait3A] : memref<10000x128xf32, #tpu.memory_space<vmem_shared>> -> memref<40x128xf32, #tpu.memory_space<vmem_shared>>
          %dma_wait3A_48 = arith.constant 0 : i32
          %dma_wait3A_49 = tpu.memref_slice %arg15[%mul3A_43, %dma_wait3A_48] : memref<10000x128xf32, #tpu.memory_space<vmem_shared>> -> memref<40x128xf32, #tpu.memory_space<vmem_shared>>
          tpu.wait_dma2 semaphore(%run_scoped3A : memref<!tpu.dma_semaphore, #tpu.memory_space<semaphore_mem>>) src(%arg14 : memref<40x128xf32, #tpu.memory_space<vmem>>) dst(%dma_wait3A_49 : memref<40x128xf32, #tpu.memory_space<vmem_shared>>)
          tpu.yield
        }) : () -> ()
      } else {
      }
    }
    %scan3A_20 = arith.constant 16 : i32
    %barrier3A = arith.constant 0 : index
    tpu.barrier barrier_id(%barrier3A)
    %scan3A_21 = arith.constant 0 : i32
    %scan3A_22 = arith.constant 157 : i32
    %scan3A_23 = arith.addi %scan3A_21, %scan3A_22 : i32
    %scan3A_24 = arith.constant 1 : i32
    scf.for %scan3A_32 = %scan3A_21 to %scan3A_23 step %scan3A_24  : i32 {
      %mul3A_33 = arith.constant 1 : i32
      %mul3A_34 = arith.muli %scan3A_32, %mul3A_33 : i32
      %add3A_35 = arith.constant 0 : i32
      %add3A_36 = arith.addi %add3A_35, %mul3A_34 : i32
      %mul3A_37 = arith.constant 32 : i32
      %mul3A_38 = arith.muli %add3A_36, %mul3A_37 : i32
      %add3A_39 = arith.addi %mul3A_38, %add3A : i32
      %lt3A = arith.constant 5000 : i32
      %lt3A_40 = arith.cmpi slt, %add3A_39, %lt3A : i32
      %convert_element_type3A = arith.extui %lt3A_40 : i1 to i32
      %cond3A = arith.constant 0 : i32
      %cond3A_41 = arith.cmpi ne, %convert_element_type3A, %cond3A : i32
      scf.if %cond3A_41 {
        %mul3A_42 = arith.constant 64 : i32
        %mul3A_43 = arith.muli %add3A_39, %mul3A_42 : i32
        "tpu.region"() ({
          %run_scoped3A = tpu.sem_alloc : memref<!tpu.dma_semaphore, #tpu.memory_space<semaphore_mem>>
          %dma_start3A = tpu.memref_slice %arg2[%mul3A_43] : memref<320000xi32, #tpu.memory_space<hbm>> -> memref<64xi32, #tpu.memory_space<hbm>>
          %dma_start3A_49 = tpu.memref_slice %arg2[%mul3A_43] : memref<320000xi32, #tpu.memory_space<hbm>> -> memref<64xi32, #tpu.memory_space<hbm>>
          tpu.enqueue_dma source(%dma_start3A_49 : memref<64xi32, #tpu.memory_space<hbm>>) target(%arg8 : memref<64xi32, #tpu.memory_space<vmem>>) target_semaphore(%run_scoped3A : memref<!tpu.dma_semaphore, #tpu.memory_space<semaphore_mem>>)
          %dma_wait3A = tpu.memref_slice %arg2[%mul3A_43] : memref<320000xi32, #tpu.memory_space<hbm>> -> memref<64xi32, #tpu.memory_space<hbm>>
          %dma_wait3A_50 = tpu.memref_slice %arg2[%mul3A_43] : memref<320000xi32, #tpu.memory_space<hbm>> -> memref<64xi32, #tpu.memory_space<hbm>>
          tpu.wait_dma2 semaphore(%run_scoped3A : memref<!tpu.dma_semaphore, #tpu.memory_space<semaphore_mem>>) src(%dma_wait3A_50 : memref<64xi32, #tpu.memory_space<hbm>>) dst(%arg8 : memref<64xi32, #tpu.memory_space<vmem>>)
          tpu.yield
        }) : () -> ()
        "tpu.region"() ({
          %run_scoped3A = tpu.sem_alloc : memref<!tpu.dma_semaphore, #tpu.memory_space<semaphore_mem>>
          %dma_start3A = tpu.memref_slice %arg3[%mul3A_43] : memref<320000xi32, #tpu.memory_space<hbm>> -> memref<64xi32, #tpu.memory_space<hbm>>
          %dma_start3A_49 = tpu.memref_slice %arg3[%mul3A_43] : memref<320000xi32, #tpu.memory_space<hbm>> -> memref<64xi32, #tpu.memory_space<hbm>>
          tpu.enqueue_dma source(%dma_start3A_49 : memref<64xi32, #tpu.memory_space<hbm>>) target(%arg9 : memref<64xi32, #tpu.memory_space<vmem>>) target_semaphore(%run_scoped3A : memref<!tpu.dma_semaphore, #tpu.memory_space<semaphore_mem>>)
          %dma_wait3A = tpu.memref_slice %arg3[%mul3A_43] : memref<320000xi32, #tpu.memory_space<hbm>> -> memref<64xi32, #tpu.memory_space<hbm>>
          %dma_wait3A_50 = tpu.memref_slice %arg3[%mul3A_43] : memref<320000xi32, #tpu.memory_space<hbm>> -> memref<64xi32, #tpu.memory_space<hbm>>
          tpu.wait_dma2 semaphore(%run_scoped3A : memref<!tpu.dma_semaphore, #tpu.memory_space<semaphore_mem>>) src(%dma_wait3A_50 : memref<64xi32, #tpu.memory_space<hbm>>) dst(%arg9 : memref<64xi32, #tpu.memory_space<vmem>>)
          tpu.yield
        }) : () -> ()
        "tpu.region"() ({
          %run_scoped3A = tpu.sem_alloc : memref<!tpu.dma_semaphore, #tpu.memory_space<semaphore_mem>>
          %dma_start3A = arith.constant 0 : i32
          %dma_start3A_49 = arith.constant 0 : i32
          %dma_start3A_50 = tpu.memref_slice %arg4[%dma_start3A, %dma_start3A_49] : memref<10000x128xf32, #tpu.memory_space<hbm>> -> memref<10000x128xf32, #tpu.memory_space<hbm>>
          tpu.enqueue_indirect_dma source(%dma_start3A_50 : memref<10000x128xf32, #tpu.memory_space<hbm>>) target(%arg10 : memref<64x128xf32, #tpu.memory_space<vmem>>) offsets(%arg8 : memref<64xi32, #tpu.memory_space<vmem>>) semaphore(%run_scoped3A : memref<!tpu.dma_semaphore, #tpu.memory_space<semaphore_mem>>)
          %dma_wait3A = arith.constant 0 : i32
          %dma_wait3A_51 = arith.constant 0 : i32
          %dma_wait3A_52 = tpu.memref_slice %arg4[%dma_wait3A, %dma_wait3A_51] : memref<10000x128xf32, #tpu.memory_space<hbm>> -> memref<10000x128xf32, #tpu.memory_space<hbm>>
          tpu.wait_indirect_dma semaphore(%run_scoped3A : memref<!tpu.dma_semaphore, #tpu.memory_space<semaphore_mem>>) src(%dma_wait3A_52 : memref<10000x128xf32, #tpu.memory_space<hbm>>) dst(%arg10 : memref<64x128xf32, #tpu.memory_space<vmem>>)
          tpu.yield
        }) : () -> ()
        "tpu.region"() ({
          %run_scoped3A = tpu.sem_alloc : memref<!tpu.dma_semaphore, #tpu.memory_space<semaphore_mem>>
          %dma_start3A = arith.constant 0 : i32
          %dma_start3A_49 = arith.constant 0 : i32
          %dma_start3A_50 = tpu.memref_slice %arg5[%dma_start3A, %dma_start3A_49] : memref<10000x128xf32, #tpu.memory_space<hbm>> -> memref<10000x128xf32, #tpu.memory_space<hbm>>
          tpu.enqueue_indirect_dma source(%dma_start3A_50 : memref<10000x128xf32, #tpu.memory_space<hbm>>) target(%arg11 : memref<64x128xf32, #tpu.memory_space<vmem>>) offsets(%arg9 : memref<64xi32, #tpu.memory_space<vmem>>) semaphore(%run_scoped3A : memref<!tpu.dma_semaphore, #tpu.memory_space<semaphore_mem>>)
          %dma_wait3A = arith.constant 0 : i32
          %dma_wait3A_51 = arith.constant 0 : i32
          %dma_wait3A_52 = tpu.memref_slice %arg5[%dma_wait3A, %dma_wait3A_51] : memref<10000x128xf32, #tpu.memory_space<hbm>> -> memref<10000x128xf32, #tpu.memory_space<hbm>>
          tpu.wait_indirect_dma semaphore(%run_scoped3A : memref<!tpu.dma_semaphore, #tpu.memory_space<semaphore_mem>>) src(%dma_wait3A_52 : memref<10000x128xf32, #tpu.memory_space<hbm>>) dst(%arg11 : memref<64x128xf32, #tpu.memory_space<vmem>>)
          tpu.yield
        }) : () -> ()
        "tpu.region"() ({
          %run_scoped3A = tpu.sem_alloc : memref<!tpu.dma_semaphore, #tpu.memory_space<semaphore_mem>>
          %dma_start3A = arith.constant 0 : i32
          %dma_start3A_49 = tpu.memref_slice %arg6[%mul3A_43, %dma_start3A] : memref<320000x16xf32, #tpu.memory_space<hbm>> -> memref<64x16xf32, #tpu.memory_space<hbm>>
          %dma_start3A_50 = arith.constant 0 : i32
          %dma_start3A_51 = tpu.memref_slice %arg6[%mul3A_43, %dma_start3A_50] : memref<320000x16xf32, #tpu.memory_space<hbm>> -> memref<64x16xf32, #tpu.memory_space<hbm>>
          tpu.enqueue_dma source(%dma_start3A_51 : memref<64x16xf32, #tpu.memory_space<hbm>>) target(%arg12 : memref<64x16xf32, #tpu.memory_space<vmem>>) target_semaphore(%run_scoped3A : memref<!tpu.dma_semaphore, #tpu.memory_space<semaphore_mem>>)
          %dma_wait3A = arith.constant 0 : i32
          %dma_wait3A_52 = tpu.memref_slice %arg6[%mul3A_43, %dma_wait3A] : memref<320000x16xf32, #tpu.memory_space<hbm>> -> memref<64x16xf32, #tpu.memory_space<hbm>>
          %dma_wait3A_53 = arith.constant 0 : i32
          %dma_wait3A_54 = tpu.memref_slice %arg6[%mul3A_43, %dma_wait3A_53] : memref<320000x16xf32, #tpu.memory_space<hbm>> -> memref<64x16xf32, #tpu.memory_space<hbm>>
          tpu.wait_dma2 semaphore(%run_scoped3A : memref<!tpu.dma_semaphore, #tpu.memory_space<semaphore_mem>>) src(%dma_wait3A_54 : memref<64x16xf32, #tpu.memory_space<hbm>>) dst(%arg12 : memref<64x16xf32, #tpu.memory_space<vmem>>)
          tpu.yield
        }) : () -> ()
        %scan3A_44 = arith.constant 0 : i32
        %scan3A_45 = arith.constant 64 : i32
        %scan3A_46 = arith.addi %scan3A_44, %scan3A_45 : i32
        %scan3A_47 = arith.constant 1 : i32
        scf.for %scan3A_49 = %scan3A_44 to %scan3A_46 step %scan3A_47  : i32 {
          %mul3A_50 = arith.constant 1 : i32
          %mul3A_51 = arith.muli %scan3A_49, %mul3A_50 : i32
          %add3A_52 = arith.constant 0 : i32
          %add3A_53 = arith.addi %add3A_52, %mul3A_51 : i32
          %get3A = arith.index_cast %add3A_53 : i32 to index
          %get3A_54 = arith.constant 32 : index
          %get3A_55 = tpu.vector_load %arg10[%get3A, %get3A_54] {strides = array<i32>} : memref<64x128xf32, #tpu.memory_space<vmem>>, vector<16xf32>,
          %get3A_56 = arith.index_cast %add3A_53 : i32 to index
          %get3A_57 = arith.constant 0 : index
          %get3A_58 = tpu.vector_load %arg11[%get3A_56, %get3A_57] {strides = array<i32>} : memref<64x128xf32, #tpu.memory_space<vmem>>, vector<16xf32>,
          %add3A_59 = arith.addf %get3A_55, %get3A_58 : vector<16xf32>
          %get3A_60 = arith.index_cast %add3A_53 : i32 to index
          %get3A_61 = arith.constant 0 : index
          %get3A_62 = tpu.vector_load %arg12[%get3A_60, %get3A_61] {strides = array<i32>} : memref<64x16xf32, #tpu.memory_space<vmem>>, vector<16xf32>,
          %add3A_63 = arith.addf %add3A_59, %get3A_62 : vector<16xf32>
          %mul3A_64 = arith.constant 2.000000e-01 : f32
          %mul3A_65 = vector.broadcast %mul3A_64 : f32 to vector<16xf32>
          %mul3A_66 = arith.mulf %mul3A_65, %add3A_63 : vector<16xf32>
          %max3A = arith.maximumf %add3A_63, %mul3A_66 : vector<16xf32>
          %exp3A = math.exp %max3A : vector<16xf32>
          %swap3A = arith.index_cast %add3A_53 : i32 to index
          %swap3A_67 = arith.constant 32 : index
          %swap3A_68 = tpu.vector_load %arg13[%swap3A, %swap3A_67] {strides = array<i32>} : memref<64x128xf32, #tpu.memory_space<vmem>>, vector<16xf32>,
          tpu.vector_store %arg13[%swap3A, %swap3A_67], %exp3A {strides = array<i32>} : memref<64x128xf32, #tpu.memory_space<vmem>>, vector<16xf32>,
          %broadcast_in_dim3A_69 = vector.broadcast %add3A_53 : i32 to vector<16xi32>
          %gather3A = tpu.vector_load_idx %arg13[%broadcast_in_dim3A_69, %add3A_5] : memref<64x128xf32, #tpu.memory_space<vmem>>[vector<16xi32>, vector<16xi32>], vector<16xf32>,
          %get3A_70 = arith.index_cast %add3A_53 : i32 to index
          %get3A_71 = arith.constant 0 : index
          %get3A_72 = tpu.vector_load %arg10[%get3A_70, %get3A_71] {strides = array<i32>} : memref<64x128xf32, #tpu.memory_space<vmem>>, vector<16xf32>,
          %mul3A_73 = arith.mulf %get3A_72, %gather3A : vector<16xf32>
          %swap3A_74 = arith.index_cast %add3A_53 : i32 to index
          %swap3A_75 = arith.constant 0 : index
          %swap3A_76 = tpu.vector_load %arg13[%swap3A_74, %swap3A_75] {strides = array<i32>} : memref<64x128xf32, #tpu.memory_space<vmem>>, vector<16xf32>,
          tpu.vector_store %arg13[%swap3A_74, %swap3A_75], %mul3A_73 {strides = array<i32>} : memref<64x128xf32, #tpu.memory_space<vmem>>, vector<16xf32>,
          %get3A_77 = arith.index_cast %add3A_53 : i32 to index
          %get3A_78 = arith.constant 16 : index
          %get3A_79 = tpu.vector_load %arg10[%get3A_77, %get3A_78] {strides = array<i32>} : memref<64x128xf32, #tpu.memory_space<vmem>>, vector<16xf32>,
          %mul3A_80 = arith.mulf %get3A_79, %gather3A : vector<16xf32>
          %swap3A_81 = arith.index_cast %add3A_53 : i32 to index
          %swap3A_82 = arith.constant 16 : index
          %swap3A_83 = tpu.vector_load %arg13[%swap3A_81, %swap3A_82] {strides = array<i32>} : memref<64x128xf32, #tpu.memory_space<vmem>>, vector<16xf32>,
          tpu.vector_store %arg13[%swap3A_81, %swap3A_82], %mul3A_80 {strides = array<i32>} : memref<64x128xf32, #tpu.memory_space<vmem>>, vector<16xf32>,
        }
        %scan3A_48 = arith.constant 64 : i32
        "tpu.region"() ({
          %run_scoped3A = tpu.sem_alloc : memref<!tpu.dma_semaphore, #tpu.memory_space<semaphore_mem>>
          %dma_start3A = arith.constant 0 : i32
          %dma_start3A_49 = arith.constant 0 : i32
          %dma_start3A_50 = tpu.memref_slice %arg15[%dma_start3A, %dma_start3A_49] : memref<10000x128xf32, #tpu.memory_space<vmem_shared>> -> memref<10000x128xf32, #tpu.memory_space<vmem_shared>>
          tpu.enqueue_indirect_dma source(%arg13 : memref<64x128xf32, #tpu.memory_space<vmem>>) target(%dma_start3A_50 : memref<10000x128xf32, #tpu.memory_space<vmem_shared>>) offsets(%arg9 : memref<64xi32, #tpu.memory_space<vmem>>) semaphore(%run_scoped3A : memref<!tpu.dma_semaphore, #tpu.memory_space<semaphore_mem>>) {add = true}
          %dma_wait3A = arith.constant 0 : i32
          %dma_wait3A_51 = arith.constant 0 : i32
          %dma_wait3A_52 = tpu.memref_slice %arg15[%dma_wait3A, %dma_wait3A_51] : memref<10000x128xf32, #tpu.memory_space<vmem_shared>> -> memref<10000x128xf32, #tpu.memory_space<vmem_shared>>
          tpu.wait_indirect_dma semaphore(%run_scoped3A : memref<!tpu.dma_semaphore, #tpu.memory_space<semaphore_mem>>) src(%arg13 : memref<64x128xf32, #tpu.memory_space<vmem>>) dst(%dma_wait3A_52 : memref<10000x128xf32, #tpu.memory_space<vmem_shared>>)
          tpu.yield
        }) : () -> ()
      } else {
      }
    }
    %scan3A_25 = arith.constant 157 : i32
    %barrier3A_26 = arith.constant 0 : index
    tpu.barrier barrier_id(%barrier3A_26)
    %scan3A_27 = arith.constant 0 : i32
    %scan3A_28 = arith.constant 16 : i32
    %scan3A_29 = arith.addi %scan3A_27, %scan3A_28 : i32
    %scan3A_30 = arith.constant 1 : i32
    scf.for %scan3A_32 = %scan3A_27 to %scan3A_29 step %scan3A_30  : i32 {
      %mul3A_33 = arith.constant 1 : i32
      %mul3A_34 = arith.muli %scan3A_32, %mul3A_33 : i32
      %add3A_35 = arith.constant 0 : i32
      %add3A_36 = arith.addi %add3A_35, %mul3A_34 : i32
      %mul3A_37 = arith.constant 16 : i32
      %mul3A_38 = arith.muli %add3A_36, %mul3A_37 : i32
      %add3A_39 = arith.addi %mul3A_38, %arg1 : i32
      %lt3A = arith.constant 250 : i32
      %lt3A_40 = arith.cmpi slt, %add3A_39, %lt3A : i32
      %convert_element_type3A = arith.extui %lt3A_40 : i1 to i32
      %cond3A = arith.constant 0 : i32
      %cond3A_41 = arith.cmpi ne, %convert_element_type3A, %cond3A : i32
      scf.if %cond3A_41 {
        %mul3A_42 = arith.constant 40 : i32
        %mul3A_43 = arith.muli %add3A_39, %mul3A_42 : i32
        "tpu.region"() ({
          %run_scoped3A = tpu.sem_alloc : memref<!tpu.dma_semaphore, #tpu.memory_space<semaphore_mem>>
          %dma_start3A = arith.constant 0 : i32
          %dma_start3A_44 = tpu.memref_slice %arg7[%arg0, %mul3A_43, %dma_start3A] : memref<2x10000x128xf32, #tpu.memory_space<hbm>> -> memref<1x40x128xf32, #tpu.memory_space<hbm>>
          %dma_start3A_45 = tpu.memref_squeeze %dma_start3A_44 : memref<1x40x128xf32, #tpu.memory_space<hbm>> -> memref<40x128xf32, #tpu.memory_space<hbm>>
          %dma_start3A_46 = arith.constant 0 : i32
          %dma_start3A_47 = tpu.memref_slice %arg15[%mul3A_43, %dma_start3A_46] : memref<10000x128xf32, #tpu.memory_space<vmem_shared>> -> memref<40x128xf32, #tpu.memory_space<vmem_shared>>
          tpu.enqueue_dma source(%dma_start3A_47 : memref<40x128xf32, #tpu.memory_space<vmem_shared>>) target(%dma_start3A_45 : memref<40x128xf32, #tpu.memory_space<hbm>>) target_semaphore(%run_scoped3A : memref<!tpu.dma_semaphore, #tpu.memory_space<semaphore_mem>>)
          %dma_wait3A = arith.constant 0 : i32
          %dma_wait3A_48 = tpu.memref_slice %arg7[%arg0, %mul3A_43, %dma_wait3A] : memref<2x10000x128xf32, #tpu.memory_space<hbm>> -> memref<1x40x128xf32, #tpu.memory_space<hbm>>
          %dma_wait3A_49 = tpu.memref_squeeze %dma_wait3A_48 : memref<1x40x128xf32, #tpu.memory_space<hbm>> -> memref<40x128xf32, #tpu.memory_space<hbm>>
          %dma_wait3A_50 = arith.constant 0 : i32
          %dma_wait3A_51 = tpu.memref_slice %arg15[%mul3A_43, %dma_wait3A_50] : memref<10000x128xf32, #tpu.memory_space<vmem_shared>> -> memref<40x128xf32, #tpu.memory_space<vmem_shared>>
          tpu.wait_dma2 semaphore(%run_scoped3A : memref<!tpu.dma_semaphore, #tpu.memory_space<semaphore_mem>>) src(%dma_wait3A_51 : memref<40x128xf32, #tpu.memory_space<vmem_shared>>) dst(%dma_wait3A_49 : memref<40x128xf32, #tpu.memory_space<hbm>>)
          tpu.yield
        }) : () -> ()
      } else {
      }
    }
    %scan3A_31 = arith.constant 16 : i32
    return
  }
}

#map = affine_map<(d0, d1) -> (0)>
#map1 = affine_map<(d0, d1) -> (0, 0)>
#map2 = affine_map<(d0, d1) -> (0, 0, 0)>
module attributes {stable_mosaic.version = 14 : i64} {
  func.func @sc_conv(%arg0: i32, %arg1: i32, %arg2: memref<320000xi32, #tpu.memory_space<hbm>>, %arg3: memref<320000xi32, #tpu.memory_space<hbm>>, %arg4: memref<10000x128xf32, #tpu.memory_space<hbm>>, %arg5: memref<10000x128xf32, #tpu.memory_space<hbm>>, %arg6: memref<320000x16xf32, #tpu.memory_space<hbm>>, %arg7: memref<2x10000x128xf32, #tpu.memory_space<hbm>>, %arg8: memref<64xi32, #tpu.memory_space<vmem>>, %arg9: memref<64xi32, #tpu.memory_space<vmem>>, %arg10: memref<64x128xf32, #tpu.memory_space<vmem>>, %arg11: memref<64x128xf32, #tpu.memory_space<vmem>>, %arg12: memref<64x16xf32, #tpu.memory_space<vmem>>, %arg13: memref<64x128xf32, #tpu.memory_space<vmem>>, %arg14: memref<40x128xf32, #tpu.memory_space<vmem>>, %arg15: memref<10000x128xf32, #tpu.memory_space<vmem_shared>>) attributes {dimension_semantics = [#tpu.dimension_semantics<core_parallel>, #tpu.dimension_semantics<subcore_parallel>], iteration_bounds = array<i64: 2, 16>, scalar_prefetch = 0 : i64, scratch_operands = 8 : i64, tpu.core_type = #tpu.core_type<sc_vector_subcore>, window_params = [{transform_indices = #map}, {transform_indices = #map}, {transform_indices = #map1}, {transform_indices = #map1}, {transform_indices = #map1}, {transform_indices = #map2}]} {
    %mul3A = arith.constant 2 : i32
    %mul3A_0 = arith.muli %arg1, %mul3A : i32
    %add3A = arith.addi %mul3A_0, %arg0 : i32
    %iota3A = tpu.iota {dimensions = array<i32: 0>} : vector<16xi32>
    %and3A = arith.constant 3 : i32
    %and3A_1 = vector.broadcast %and3A : i32 to vector<16xi32>
    %and3A_2 = arith.andi %iota3A, %and3A_1 : vector<16xi32>
    %add3A_3 = arith.constant 36 : i32
    %add3A_4 = vector.broadcast %add3A_3 : i32 to vector<16xi32>
    %add3A_5 = arith.addi %and3A_2, %add3A_4 : vector<16xi32>
    %broadcast_in_dim3A = arith.constant 0.000000e+00 : f32
    %broadcast_in_dim3A_6 = vector.broadcast %broadcast_in_dim3A : f32 to vector<16xf32>
    %scan3A = arith.constant 0 : i32
    %scan3A_7 = arith.constant 40 : i32
    %scan3A_8 = arith.addi %scan3A, %scan3A_7 : i32
    %scan3A_9 = arith.constant 1 : i32
    scf.for %scan3A_32 = %scan3A to %scan3A_8 step %scan3A_9  : i32 {
      %mul3A_33 = arith.constant 1 : i32
      %mul3A_34 = arith.muli %scan3A_32, %mul3A_33 : i32
      %add3A_35 = arith.constant 0 : i32
      %add3A_36 = arith.addi %add3A_35, %mul3A_34 : i32
      %swap3A = arith.index_cast %add3A_36 : i32 to index
      %swap3A_37 = arith.constant 0 : index
      %swap3A_38 = tpu.vector_load %arg14[%swap3A, %swap3A_37] {strides = array<i32>} : memref<40x128xf32, #tpu.memory_space<vmem>>, vector<16xf32>,
      tpu.vector_store %arg14[%swap3A, %swap3A_37], %broadcast_in_dim3A_6 {strides = array<i32>} : memref<40x128xf32, #tpu.memory_space<vmem>>, vector<16xf32>,
      %swap3A_39 = arith.index_cast %add3A_36 : i32 to index
      %swap3A_40 = arith.constant 16 : index
      %swap3A_41 = tpu.vector_load %arg14[%swap3A_39, %swap3A_40] {strides = array<i32>} : memref<40x128xf32, #tpu.memory_space<vmem>>, vector<16xf32>,
      tpu.vector_store %arg14[%swap3A_39, %swap3A_40], %broadcast_in_dim3A_6 {strides = array<i32>} : memref<40x128xf32, #tpu.memory_space<vmem>>, vector<16xf32>,
      %swap3A_42 = arith.index_cast %add3A_36 : i32 to index
      %swap3A_43 = arith.constant 32 : index
      %swap3A_44 = tpu.vector_load %arg14[%swap3A_42, %swap3A_43] {strides = array<i32>} : memref<40x128xf32, #tpu.memory_space<vmem>>, vector<16xf32>,
      tpu.vector_store %arg14[%swap3A_42, %swap3A_43], %broadcast_in_dim3A_6 {strides = array<i32>} : memref<40x128xf32, #tpu.memory_space<vmem>>, vector<16xf32>,
      %swap3A_45 = arith.index_cast %add3A_36 : i32 to index
      %swap3A_46 = arith.constant 48 : index
      %swap3A_47 = tpu.vector_load %arg14[%swap3A_45, %swap3A_46] {strides = array<i32>} : memref<40x128xf32, #tpu.memory_space<vmem>>, vector<16xf32>,
      tpu.vector_store %arg14[%swap3A_45, %swap3A_46], %broadcast_in_dim3A_6 {strides = array<i32>} : memref<40x128xf32, #tpu.memory_space<vmem>>, vector<16xf32>,
      %swap3A_48 = arith.index_cast %add3A_36 : i32 to index
      %swap3A_49 = arith.constant 64 : index
      %swap3A_50 = tpu.vector_load %arg14[%swap3A_48, %swap3A_49] {strides = array<i32>} : memref<40x128xf32, #tpu.memory_space<vmem>>, vector<16xf32>,
      tpu.vector_store %arg14[%swap3A_48, %swap3A_49], %broadcast_in_dim3A_6 {strides = array<i32>} : memref<40x128xf32, #tpu.memory_space<vmem>>, vector<16xf32>,
      %swap3A_51 = arith.index_cast %add3A_36 : i32 to index
      %swap3A_52 = arith.constant 80 : index
      %swap3A_53 = tpu.vector_load %arg14[%swap3A_51, %swap3A_52] {strides = array<i32>} : memref<40x128xf32, #tpu.memory_space<vmem>>, vector<16xf32>,
      tpu.vector_store %arg14[%swap3A_51, %swap3A_52], %broadcast_in_dim3A_6 {strides = array<i32>} : memref<40x128xf32, #tpu.memory_space<vmem>>, vector<16xf32>,
      %swap3A_54 = arith.index_cast %add3A_36 : i32 to index
      %swap3A_55 = arith.constant 96 : index
      %swap3A_56 = tpu.vector_load %arg14[%swap3A_54, %swap3A_55] {strides = array<i32>} : memref<40x128xf32, #tpu.memory_space<vmem>>, vector<16xf32>,
      tpu.vector_store %arg14[%swap3A_54, %swap3A_55], %broadcast_in_dim3A_6 {strides = array<i32>} : memref<40x128xf32, #tpu.memory_space<vmem>>, vector<16xf32>,
      %swap3A_57 = arith.index_cast %add3A_36 : i32 to index
      %swap3A_58 = arith.constant 112 : index
      %swap3A_59 = tpu.vector_load %arg14[%swap3A_57, %swap3A_58] {strides = array<i32>} : memref<40x128xf32, #tpu.memory_space<vmem>>, vector<16xf32>,
      tpu.vector_store %arg14[%swap3A_57, %swap3A_58], %broadcast_in_dim3A_6 {strides = array<i32>} : memref<40x128xf32, #tpu.memory_space<vmem>>, vector<16xf32>,
    }
    %scan3A_10 = arith.constant 40 : i32
    %scan3A_11 = arith.constant 0 : i32
    %scan3A_12 = arith.constant 64 : i32
    %scan3A_13 = arith.addi %scan3A_11, %scan3A_12 : i32
    %scan3A_14 = arith.constant 1 : i32
    scf.for %scan3A_32 = %scan3A_11 to %scan3A_13 step %scan3A_14  : i32 {
      %mul3A_33 = arith.constant 1 : i32
      %mul3A_34 = arith.muli %scan3A_32, %mul3A_33 : i32
      %add3A_35 = arith.constant 0 : i32
      %add3A_36 = arith.addi %add3A_35, %mul3A_34 : i32
      %swap3A = arith.index_cast %add3A_36 : i32 to index
      %swap3A_37 = arith.constant 0 : index
      %swap3A_38 = tpu.vector_load %arg13[%swap3A, %swap3A_37] {strides = array<i32>} : memref<64x128xf32, #tpu.memory_space<vmem>>, vector<16xf32>,
      tpu.vector_store %arg13[%swap3A, %swap3A_37], %broadcast_in_dim3A_6 {strides = array<i32>} : memref<64x128xf32, #tpu.memory_space<vmem>>, vector<16xf32>,
      %swap3A_39 = arith.index_cast %add3A_36 : i32 to index
      %swap3A_40 = arith.constant 16 : index
      %swap3A_41 = tpu.vector_load %arg13[%swap3A_39, %swap3A_40] {strides = array<i32>} : memref<64x128xf32, #tpu.memory_space<vmem>>, vector<16xf32>,
      tpu.vector_store %arg13[%swap3A_39, %swap3A_40], %broadcast_in_dim3A_6 {strides = array<i32>} : memref<64x128xf32, #tpu.memory_space<vmem>>, vector<16xf32>,
      %swap3A_42 = arith.index_cast %add3A_36 : i32 to index
      %swap3A_43 = arith.constant 32 : index
      %swap3A_44 = tpu.vector_load %arg13[%swap3A_42, %swap3A_43] {strides = array<i32>} : memref<64x128xf32, #tpu.memory_space<vmem>>, vector<16xf32>,
      tpu.vector_store %arg13[%swap3A_42, %swap3A_43], %broadcast_in_dim3A_6 {strides = array<i32>} : memref<64x128xf32, #tpu.memory_space<vmem>>, vector<16xf32>,
      %swap3A_45 = arith.index_cast %add3A_36 : i32 to index
      %swap3A_46 = arith.constant 48 : index
      %swap3A_47 = tpu.vector_load %arg13[%swap3A_45, %swap3A_46] {strides = array<i32>} : memref<64x128xf32, #tpu.memory_space<vmem>>, vector<16xf32>,
      tpu.vector_store %arg13[%swap3A_45, %swap3A_46], %broadcast_in_dim3A_6 {strides = array<i32>} : memref<64x128xf32, #tpu.memory_space<vmem>>, vector<16xf32>,
      %swap3A_48 = arith.index_cast %add3A_36 : i32 to index
      %swap3A_49 = arith.constant 64 : index
      %swap3A_50 = tpu.vector_load %arg13[%swap3A_48, %swap3A_49] {strides = array<i32>} : memref<64x128xf32, #tpu.memory_space<vmem>>, vector<16xf32>,
      tpu.vector_store %arg13[%swap3A_48, %swap3A_49], %broadcast_in_dim3A_6 {strides = array<i32>} : memref<64x128xf32, #tpu.memory_space<vmem>>, vector<16xf32>,
      %swap3A_51 = arith.index_cast %add3A_36 : i32 to index
      %swap3A_52 = arith.constant 80 : index
      %swap3A_53 = tpu.vector_load %arg13[%swap3A_51, %swap3A_52] {strides = array<i32>} : memref<64x128xf32, #tpu.memory_space<vmem>>, vector<16xf32>,
      tpu.vector_store %arg13[%swap3A_51, %swap3A_52], %broadcast_in_dim3A_6 {strides = array<i32>} : memref<64x128xf32, #tpu.memory_space<vmem>>, vector<16xf32>,
      %swap3A_54 = arith.index_cast %add3A_36 : i32 to index
      %swap3A_55 = arith.constant 96 : index
      %swap3A_56 = tpu.vector_load %arg13[%swap3A_54, %swap3A_55] {strides = array<i32>} : memref<64x128xf32, #tpu.memory_space<vmem>>, vector<16xf32>,
      tpu.vector_store %arg13[%swap3A_54, %swap3A_55], %broadcast_in_dim3A_6 {strides = array<i32>} : memref<64x128xf32, #tpu.memory_space<vmem>>, vector<16xf32>,
      %swap3A_57 = arith.index_cast %add3A_36 : i32 to index
      %swap3A_58 = arith.constant 112 : index
      %swap3A_59 = tpu.vector_load %arg13[%swap3A_57, %swap3A_58] {strides = array<i32>} : memref<64x128xf32, #tpu.memory_space<vmem>>, vector<16xf32>,
      tpu.vector_store %arg13[%swap3A_57, %swap3A_58], %broadcast_in_dim3A_6 {strides = array<i32>} : memref<64x128xf32, #tpu.memory_space<vmem>>, vector<16xf32>,
    }
    %scan3A_15 = arith.constant 64 : i32
    %scan3A_16 = arith.constant 0 : i32
    %scan3A_17 = arith.constant 16 : i32
    %scan3A_18 = arith.addi %scan3A_16, %scan3A_17 : i32
    %scan3A_19 = arith.constant 1 : i32
    scf.for %scan3A_32 = %scan3A_16 to %scan3A_18 step %scan3A_19  : i32 {
      %mul3A_33 = arith.constant 1 : i32
      %mul3A_34 = arith.muli %scan3A_32, %mul3A_33 : i32
      %add3A_35 = arith.constant 0 : i32
      %add3A_36 = arith.addi %add3A_35, %mul3A_34 : i32
      %mul3A_37 = arith.constant 16 : i32
      %mul3A_38 = arith.muli %add3A_36, %mul3A_37 : i32
      %add3A_39 = arith.addi %mul3A_38, %arg1 : i32
      %lt3A = arith.constant 250 : i32
      %lt3A_40 = arith.cmpi slt, %add3A_39, %lt3A : i32
      %convert_element_type3A = arith.extui %lt3A_40 : i1 to i32
      %cond3A = arith.constant 0 : i32
      %cond3A_41 = arith.cmpi ne, %convert_element_type3A, %cond3A : i32
      scf.if %cond3A_41 {
        %mul3A_42 = arith.constant 40 : i32
        %mul3A_43 = arith.muli %add3A_39, %mul3A_42 : i32
        "tpu.region"() ({
          %run_scoped3A = tpu.sem_alloc : memref<!tpu.dma_semaphore, #tpu.memory_space<semaphore_mem>>
          %dma_start3A = arith.constant 0 : i32
          %dma_start3A_44 = tpu.memref_slice %arg15[%mul3A_43, %dma_start3A] : memref<10000x128xf32, #tpu.memory_space<vmem_shared>> -> memref<40x128xf32, #tpu.memory_space<vmem_shared>>
          %dma_start3A_45 = arith.constant 0 : i32
          %dma_start3A_46 = tpu.memref_slice %arg15[%mul3A_43, %dma_start3A_45] : memref<10000x128xf32, #tpu.memory_space<vmem_shared>> -> memref<40x128xf32, #tpu.memory_space<vmem_shared>>
          tpu.enqueue_dma source(%arg14 : memref<40x128xf32, #tpu.memory_space<vmem>>) target(%dma_start3A_46 : memref<40x128xf32, #tpu.memory_space<vmem_shared>>) target_semaphore(%run_scoped3A : memref<!tpu.dma_semaphore, #tpu.memory_space<semaphore_mem>>)
          %dma_wait3A = arith.constant 0 : i32
          %dma_wait3A_47 = tpu.memref_slice %arg15[%mul3A_43, %dma_wait3A] : memref<10000x128xf32, #tpu.memory_space<vmem_shared>> -> memref<40x128xf32, #tpu.memory_space<vmem_shared>>
          %dma_wait3A_48 = arith.constant 0 : i32
          %dma_wait3A_49 = tpu.memref_slice %arg15[%mul3A_43, %dma_wait3A_48] : memref<10000x128xf32, #tpu.memory_space<vmem_shared>> -> memref<40x128xf32, #tpu.memory_space<vmem_shared>>
          tpu.wait_dma2 semaphore(%run_scoped3A : memref<!tpu.dma_semaphore, #tpu.memory_space<semaphore_mem>>) src(%arg14 : memref<40x128xf32, #tpu.memory_space<vmem>>) dst(%dma_wait3A_49 : memref<40x128xf32, #tpu.memory_space<vmem_shared>>)
          tpu.yield
        }) : () -> ()
      } else {
      }
    }
    %scan3A_20 = arith.constant 16 : i32
    %barrier3A = arith.constant 0 : index
    tpu.barrier barrier_id(%barrier3A)
    %scan3A_21 = arith.constant 0 : i32
    %scan3A_22 = arith.constant 157 : i32
    %scan3A_23 = arith.addi %scan3A_21, %scan3A_22 : i32
    %scan3A_24 = arith.constant 1 : i32
    scf.for %scan3A_32 = %scan3A_21 to %scan3A_23 step %scan3A_24  : i32 {
      %mul3A_33 = arith.constant 1 : i32
      %mul3A_34 = arith.muli %scan3A_32, %mul3A_33 : i32
      %add3A_35 = arith.constant 0 : i32
      %add3A_36 = arith.addi %add3A_35, %mul3A_34 : i32
      %mul3A_37 = arith.constant 32 : i32
      %mul3A_38 = arith.muli %add3A_36, %mul3A_37 : i32
      %add3A_39 = arith.addi %mul3A_38, %add3A : i32
      %lt3A = arith.constant 5000 : i32
      %lt3A_40 = arith.cmpi slt, %add3A_39, %lt3A : i32
      %convert_element_type3A = arith.extui %lt3A_40 : i1 to i32
      %cond3A = arith.constant 0 : i32
      %cond3A_41 = arith.cmpi ne, %convert_element_type3A, %cond3A : i32
      scf.if %cond3A_41 {
        %mul3A_42 = arith.constant 64 : i32
        %mul3A_43 = arith.muli %add3A_39, %mul3A_42 : i32
        "tpu.region"() ({
          %run_scoped3A = tpu.sem_alloc : memref<!tpu.dma_semaphore, #tpu.memory_space<semaphore_mem>>
          %dma_start3A = tpu.memref_slice %arg2[%mul3A_43] : memref<320000xi32, #tpu.memory_space<hbm>> -> memref<64xi32, #tpu.memory_space<hbm>>
          %dma_start3A_49 = tpu.memref_slice %arg2[%mul3A_43] : memref<320000xi32, #tpu.memory_space<hbm>> -> memref<64xi32, #tpu.memory_space<hbm>>
          tpu.enqueue_dma source(%dma_start3A_49 : memref<64xi32, #tpu.memory_space<hbm>>) target(%arg8 : memref<64xi32, #tpu.memory_space<vmem>>) target_semaphore(%run_scoped3A : memref<!tpu.dma_semaphore, #tpu.memory_space<semaphore_mem>>)
          %dma_wait3A = tpu.memref_slice %arg2[%mul3A_43] : memref<320000xi32, #tpu.memory_space<hbm>> -> memref<64xi32, #tpu.memory_space<hbm>>
          %dma_wait3A_50 = tpu.memref_slice %arg2[%mul3A_43] : memref<320000xi32, #tpu.memory_space<hbm>> -> memref<64xi32, #tpu.memory_space<hbm>>
          tpu.wait_dma2 semaphore(%run_scoped3A : memref<!tpu.dma_semaphore, #tpu.memory_space<semaphore_mem>>) src(%dma_wait3A_50 : memref<64xi32, #tpu.memory_space<hbm>>) dst(%arg8 : memref<64xi32, #tpu.memory_space<vmem>>)
          tpu.yield
        }) : () -> ()
        "tpu.region"() ({
          %run_scoped3A = tpu.sem_alloc : memref<!tpu.dma_semaphore, #tpu.memory_space<semaphore_mem>>
          %dma_start3A = tpu.memref_slice %arg3[%mul3A_43] : memref<320000xi32, #tpu.memory_space<hbm>> -> memref<64xi32, #tpu.memory_space<hbm>>
          %dma_start3A_49 = tpu.memref_slice %arg3[%mul3A_43] : memref<320000xi32, #tpu.memory_space<hbm>> -> memref<64xi32, #tpu.memory_space<hbm>>
          tpu.enqueue_dma source(%dma_start3A_49 : memref<64xi32, #tpu.memory_space<hbm>>) target(%arg9 : memref<64xi32, #tpu.memory_space<vmem>>) target_semaphore(%run_scoped3A : memref<!tpu.dma_semaphore, #tpu.memory_space<semaphore_mem>>)
          %dma_wait3A = tpu.memref_slice %arg3[%mul3A_43] : memref<320000xi32, #tpu.memory_space<hbm>> -> memref<64xi32, #tpu.memory_space<hbm>>
          %dma_wait3A_50 = tpu.memref_slice %arg3[%mul3A_43] : memref<320000xi32, #tpu.memory_space<hbm>> -> memref<64xi32, #tpu.memory_space<hbm>>
          tpu.wait_dma2 semaphore(%run_scoped3A : memref<!tpu.dma_semaphore, #tpu.memory_space<semaphore_mem>>) src(%dma_wait3A_50 : memref<64xi32, #tpu.memory_space<hbm>>) dst(%arg9 : memref<64xi32, #tpu.memory_space<vmem>>)
          tpu.yield
        }) : () -> ()
        "tpu.region"() ({
          %run_scoped3A = tpu.sem_alloc : memref<!tpu.dma_semaphore, #tpu.memory_space<semaphore_mem>>
          %dma_start3A = arith.constant 0 : i32
          %dma_start3A_49 = arith.constant 0 : i32
          %dma_start3A_50 = tpu.memref_slice %arg4[%dma_start3A, %dma_start3A_49] : memref<10000x128xf32, #tpu.memory_space<hbm>> -> memref<10000x128xf32, #tpu.memory_space<hbm>>
          tpu.enqueue_indirect_dma source(%dma_start3A_50 : memref<10000x128xf32, #tpu.memory_space<hbm>>) target(%arg10 : memref<64x128xf32, #tpu.memory_space<vmem>>) offsets(%arg8 : memref<64xi32, #tpu.memory_space<vmem>>) semaphore(%run_scoped3A : memref<!tpu.dma_semaphore, #tpu.memory_space<semaphore_mem>>)
          %dma_wait3A = arith.constant 0 : i32
          %dma_wait3A_51 = arith.constant 0 : i32
          %dma_wait3A_52 = tpu.memref_slice %arg4[%dma_wait3A, %dma_wait3A_51] : memref<10000x128xf32, #tpu.memory_space<hbm>> -> memref<10000x128xf32, #tpu.memory_space<hbm>>
          tpu.wait_indirect_dma semaphore(%run_scoped3A : memref<!tpu.dma_semaphore, #tpu.memory_space<semaphore_mem>>) src(%dma_wait3A_52 : memref<10000x128xf32, #tpu.memory_space<hbm>>) dst(%arg10 : memref<64x128xf32, #tpu.memory_space<vmem>>)
          tpu.yield
        }) : () -> ()
        "tpu.region"() ({
          %run_scoped3A = tpu.sem_alloc : memref<!tpu.dma_semaphore, #tpu.memory_space<semaphore_mem>>
          %dma_start3A = arith.constant 0 : i32
          %dma_start3A_49 = arith.constant 0 : i32
          %dma_start3A_50 = tpu.memref_slice %arg5[%dma_start3A, %dma_start3A_49] : memref<10000x128xf32, #tpu.memory_space<hbm>> -> memref<10000x128xf32, #tpu.memory_space<hbm>>
          tpu.enqueue_indirect_dma source(%dma_start3A_50 : memref<10000x128xf32, #tpu.memory_space<hbm>>) target(%arg11 : memref<64x128xf32, #tpu.memory_space<vmem>>) offsets(%arg9 : memref<64xi32, #tpu.memory_space<vmem>>) semaphore(%run_scoped3A : memref<!tpu.dma_semaphore, #tpu.memory_space<semaphore_mem>>)
          %dma_wait3A = arith.constant 0 : i32
          %dma_wait3A_51 = arith.constant 0 : i32
          %dma_wait3A_52 = tpu.memref_slice %arg5[%dma_wait3A, %dma_wait3A_51] : memref<10000x128xf32, #tpu.memory_space<hbm>> -> memref<10000x128xf32, #tpu.memory_space<hbm>>
          tpu.wait_indirect_dma semaphore(%run_scoped3A : memref<!tpu.dma_semaphore, #tpu.memory_space<semaphore_mem>>) src(%dma_wait3A_52 : memref<10000x128xf32, #tpu.memory_space<hbm>>) dst(%arg11 : memref<64x128xf32, #tpu.memory_space<vmem>>)
          tpu.yield
        }) : () -> ()
        "tpu.region"() ({
          %run_scoped3A = tpu.sem_alloc : memref<!tpu.dma_semaphore, #tpu.memory_space<semaphore_mem>>
          %dma_start3A = arith.constant 0 : i32
          %dma_start3A_49 = tpu.memref_slice %arg6[%mul3A_43, %dma_start3A] : memref<320000x16xf32, #tpu.memory_space<hbm>> -> memref<64x16xf32, #tpu.memory_space<hbm>>
          %dma_start3A_50 = arith.constant 0 : i32
          %dma_start3A_51 = tpu.memref_slice %arg6[%mul3A_43, %dma_start3A_50] : memref<320000x16xf32, #tpu.memory_space<hbm>> -> memref<64x16xf32, #tpu.memory_space<hbm>>
          tpu.enqueue_dma source(%dma_start3A_51 : memref<64x16xf32, #tpu.memory_space<hbm>>) target(%arg12 : memref<64x16xf32, #tpu.memory_space<vmem>>) target_semaphore(%run_scoped3A : memref<!tpu.dma_semaphore, #tpu.memory_space<semaphore_mem>>)
          %dma_wait3A = arith.constant 0 : i32
          %dma_wait3A_52 = tpu.memref_slice %arg6[%mul3A_43, %dma_wait3A] : memref<320000x16xf32, #tpu.memory_space<hbm>> -> memref<64x16xf32, #tpu.memory_space<hbm>>
          %dma_wait3A_53 = arith.constant 0 : i32
          %dma_wait3A_54 = tpu.memref_slice %arg6[%mul3A_43, %dma_wait3A_53] : memref<320000x16xf32, #tpu.memory_space<hbm>> -> memref<64x16xf32, #tpu.memory_space<hbm>>
          tpu.wait_dma2 semaphore(%run_scoped3A : memref<!tpu.dma_semaphore, #tpu.memory_space<semaphore_mem>>) src(%dma_wait3A_54 : memref<64x16xf32, #tpu.memory_space<hbm>>) dst(%arg12 : memref<64x16xf32, #tpu.memory_space<vmem>>)
          tpu.yield
        }) : () -> ()
        %scan3A_44 = arith.constant 0 : i32
        %scan3A_45 = arith.constant 64 : i32
        %scan3A_46 = arith.addi %scan3A_44, %scan3A_45 : i32
        %scan3A_47 = arith.constant 1 : i32
        scf.for %scan3A_49 = %scan3A_44 to %scan3A_46 step %scan3A_47  : i32 {
          %mul3A_50 = arith.constant 1 : i32
          %mul3A_51 = arith.muli %scan3A_49, %mul3A_50 : i32
          %add3A_52 = arith.constant 0 : i32
          %add3A_53 = arith.addi %add3A_52, %mul3A_51 : i32
          %get3A = arith.index_cast %add3A_53 : i32 to index
          %get3A_54 = arith.constant 32 : index
          %get3A_55 = tpu.vector_load %arg10[%get3A, %get3A_54] {strides = array<i32>} : memref<64x128xf32, #tpu.memory_space<vmem>>, vector<16xf32>,
          %get3A_56 = arith.index_cast %add3A_53 : i32 to index
          %get3A_57 = arith.constant 0 : index
          %get3A_58 = tpu.vector_load %arg11[%get3A_56, %get3A_57] {strides = array<i32>} : memref<64x128xf32, #tpu.memory_space<vmem>>, vector<16xf32>,
          %add3A_59 = arith.addf %get3A_55, %get3A_58 : vector<16xf32>
          %get3A_60 = arith.index_cast %add3A_53 : i32 to index
          %get3A_61 = arith.constant 0 : index
          %get3A_62 = tpu.vector_load %arg12[%get3A_60, %get3A_61] {strides = array<i32>} : memref<64x16xf32, #tpu.memory_space<vmem>>, vector<16xf32>,
          %add3A_63 = arith.addf %add3A_59, %get3A_62 : vector<16xf32>
          %mul3A_64 = arith.constant 2.000000e-01 : f32
          %mul3A_65 = vector.broadcast %mul3A_64 : f32 to vector<16xf32>
          %mul3A_66 = arith.mulf %mul3A_65, %add3A_63 : vector<16xf32>
          %max3A = arith.maximumf %add3A_63, %mul3A_66 : vector<16xf32>
          %exp3A = math.exp %max3A : vector<16xf32>
          %swap3A = arith.index_cast %add3A_53 : i32 to index
          %swap3A_67 = arith.constant 32 : index
          %swap3A_68 = tpu.vector_load %arg13[%swap3A, %swap3A_67] {strides = array<i32>} : memref<64x128xf32, #tpu.memory_space<vmem>>, vector<16xf32>,
          tpu.vector_store %arg13[%swap3A, %swap3A_67], %exp3A {strides = array<i32>} : memref<64x128xf32, #tpu.memory_space<vmem>>, vector<16xf32>,
          %broadcast_in_dim3A_69 = vector.broadcast %add3A_53 : i32 to vector<16xi32>
          %gather3A = tpu.vector_load_idx %arg13[%broadcast_in_dim3A_69, %add3A_5] : memref<64x128xf32, #tpu.memory_space<vmem>>[vector<16xi32>, vector<16xi32>], vector<16xf32>,
          %get3A_70 = arith.index_cast %add3A_53 : i32 to index
          %get3A_71 = arith.constant 0 : index
          %get3A_72 = tpu.vector_load %arg10[%get3A_70, %get3A_71] {strides = array<i32>} : memref<64x128xf32, #tpu.memory_space<vmem>>, vector<16xf32>,
          %mul3A_73 = arith.mulf %get3A_72, %gather3A : vector<16xf32>
          %swap3A_74 = arith.index_cast %add3A_53 : i32 to index
          %swap3A_75 = arith.constant 0 : index
          %swap3A_76 = tpu.vector_load %arg13[%swap3A_74, %swap3A_75] {strides = array<i32>} : memref<64x128xf32, #tpu.memory_space<vmem>>, vector<16xf32>,
          tpu.vector_store %arg13[%swap3A_74, %swap3A_75], %mul3A_73 {strides = array<i32>} : memref<64x128xf32, #tpu.memory_space<vmem>>, vector<16xf32>,
          %get3A_77 = arith.index_cast %add3A_53 : i32 to index
          %get3A_78 = arith.constant 16 : index
          %get3A_79 = tpu.vector_load %arg10[%get3A_77, %get3A_78] {strides = array<i32>} : memref<64x128xf32, #tpu.memory_space<vmem>>, vector<16xf32>,
          %mul3A_80 = arith.mulf %get3A_79, %gather3A : vector<16xf32>
          %swap3A_81 = arith.index_cast %add3A_53 : i32 to index
          %swap3A_82 = arith.constant 16 : index
          %swap3A_83 = tpu.vector_load %arg13[%swap3A_81, %swap3A_82] {strides = array<i32>} : memref<64x128xf32, #tpu.memory_space<vmem>>, vector<16xf32>,
          tpu.vector_store %arg13[%swap3A_81, %swap3A_82], %mul3A_80 {strides = array<i32>} : memref<64x128xf32, #tpu.memory_space<vmem>>, vector<16xf32>,
        }
        %scan3A_48 = arith.constant 64 : i32
        "tpu.region"() ({
          %run_scoped3A = tpu.sem_alloc : memref<!tpu.dma_semaphore, #tpu.memory_space<semaphore_mem>>
          %dma_start3A = arith.constant 0 : i32
          %dma_start3A_49 = arith.constant 0 : i32
          %dma_start3A_50 = tpu.memref_slice %arg15[%dma_start3A, %dma_start3A_49] : memref<10000x128xf32, #tpu.memory_space<vmem_shared>> -> memref<10000x128xf32, #tpu.memory_space<vmem_shared>>
          tpu.enqueue_indirect_dma source(%arg13 : memref<64x128xf32, #tpu.memory_space<vmem>>) target(%dma_start3A_50 : memref<10000x128xf32, #tpu.memory_space<vmem_shared>>) offsets(%arg9 : memref<64xi32, #tpu.memory_space<vmem>>) semaphore(%run_scoped3A : memref<!tpu.dma_semaphore, #tpu.memory_space<semaphore_mem>>) {add = true}
          %dma_wait3A = arith.constant 0 : i32
          %dma_wait3A_51 = arith.constant 0 : i32
          %dma_wait3A_52 = tpu.memref_slice %arg15[%dma_wait3A, %dma_wait3A_51] : memref<10000x128xf32, #tpu.memory_space<vmem_shared>> -> memref<10000x128xf32, #tpu.memory_space<vmem_shared>>
          tpu.wait_indirect_dma semaphore(%run_scoped3A : memref<!tpu.dma_semaphore, #tpu.memory_space<semaphore_mem>>) src(%arg13 : memref<64x128xf32, #tpu.memory_space<vmem>>) dst(%dma_wait3A_52 : memref<10000x128xf32, #tpu.memory_space<vmem_shared>>)
          tpu.yield
        }) : () -> ()
      } else {
      }
    }
    %scan3A_25 = arith.constant 157 : i32
    %barrier3A_26 = arith.constant 0 : index
    tpu.barrier barrier_id(%barrier3A_26)
    %scan3A_27 = arith.constant 0 : i32
    %scan3A_28 = arith.constant 16 : i32
    %scan3A_29 = arith.addi %scan3A_27, %scan3A_28 : i32
    %scan3A_30 = arith.constant 1 : i32
    scf.for %scan3A_32 = %scan3A_27 to %scan3A_29 step %scan3A_30  : i32 {
      %mul3A_33 = arith.constant 1 : i32
      %mul3A_34 = arith.muli %scan3A_32, %mul3A_33 : i32
      %add3A_35 = arith.constant 0 : i32
      %add3A_36 = arith.addi %add3A_35, %mul3A_34 : i32
      %mul3A_37 = arith.constant 16 : i32
      %mul3A_38 = arith.muli %add3A_36, %mul3A_37 : i32
      %add3A_39 = arith.addi %mul3A_38, %arg1 : i32
      %lt3A = arith.constant 250 : i32
      %lt3A_40 = arith.cmpi slt, %add3A_39, %lt3A : i32
      %convert_element_type3A = arith.extui %lt3A_40 : i1 to i32
      %cond3A = arith.constant 0 : i32
      %cond3A_41 = arith.cmpi ne, %convert_element_type3A, %cond3A : i32
      scf.if %cond3A_41 {
        %mul3A_42 = arith.constant 40 : i32
        %mul3A_43 = arith.muli %add3A_39, %mul3A_42 : i32
        "tpu.region"() ({
          %run_scoped3A = tpu.sem_alloc : memref<!tpu.dma_semaphore, #tpu.memory_space<semaphore_mem>>
          %dma_start3A = arith.constant 0 : i32
          %dma_start3A_44 = tpu.memref_slice %arg7[%arg0, %mul3A_43, %dma_start3A] : memref<2x10000x128xf32, #tpu.memory_space<hbm>> -> memref<1x40x128xf32, #tpu.memory_space<hbm>>
          %dma_start3A_45 = tpu.memref_squeeze %dma_start3A_44 : memref<1x40x128xf32, #tpu.memory_space<hbm>> -> memref<40x128xf32, #tpu.memory_space<hbm>>
          %dma_start3A_46 = arith.constant 0 : i32
          %dma_start3A_47 = tpu.memref_slice %arg15[%mul3A_43, %dma_start3A_46] : memref<10000x128xf32, #tpu.memory_space<vmem_shared>> -> memref<40x128xf32, #tpu.memory_space<vmem_shared>>
          tpu.enqueue_dma source(%dma_start3A_47 : memref<40x128xf32, #tpu.memory_space<vmem_shared>>) target(%dma_start3A_45 : memref<40x128xf32, #tpu.memory_space<hbm>>) target_semaphore(%run_scoped3A : memref<!tpu.dma_semaphore, #tpu.memory_space<semaphore_mem>>)
          %dma_wait3A = arith.constant 0 : i32
          %dma_wait3A_48 = tpu.memref_slice %arg7[%arg0, %mul3A_43, %dma_wait3A] : memref<2x10000x128xf32, #tpu.memory_space<hbm>> -> memref<1x40x128xf32, #tpu.memory_space<hbm>>
          %dma_wait3A_49 = tpu.memref_squeeze %dma_wait3A_48 : memref<1x40x128xf32, #tpu.memory_space<hbm>> -> memref<40x128xf32, #tpu.memory_space<hbm>>
          %dma_wait3A_50 = arith.constant 0 : i32
          %dma_wait3A_51 = tpu.memref_slice %arg15[%mul3A_43, %dma_wait3A_50] : memref<10000x128xf32, #tpu.memory_space<vmem_shared>> -> memref<40x128xf32, #tpu.memory_space<vmem_shared>>
          tpu.wait_dma2 semaphore(%run_scoped3A : memref<!tpu.dma_semaphore, #tpu.memory_space<semaphore_mem>>) src(%dma_wait3A_51 : memref<40x128xf32, #tpu.memory_space<vmem_shared>>) dst(%dma_wait3A_49 : memref<40x128xf32, #tpu.memory_space<hbm>>)
          tpu.yield
        }) : () -> ()
      } else {
      }
    }
    %scan3A_31 = arith.constant 16 : i32
    return
  }
}

#map = affine_map<(d0, d1) -> (0)>
#map1 = affine_map<(d0, d1) -> (0, 0)>
#map2 = affine_map<(d0, d1) -> (0, 0, 0)>
module attributes {stable_mosaic.version = 14 : i64} {
  func.func @sc_conv(%arg0: i32, %arg1: i32, %arg2: memref<320000xi32, #tpu.memory_space<hbm>>, %arg3: memref<320000xi32, #tpu.memory_space<hbm>>, %arg4: memref<10000x128xf32, #tpu.memory_space<hbm>>, %arg5: memref<10000x128xf32, #tpu.memory_space<hbm>>, %arg6: memref<320000x16xf32, #tpu.memory_space<hbm>>, %arg7: memref<2x10000x128xf32, #tpu.memory_space<hbm>>, %arg8: memref<64xi32, #tpu.memory_space<vmem>>, %arg9: memref<64xi32, #tpu.memory_space<vmem>>, %arg10: memref<64x128xf32, #tpu.memory_space<vmem>>, %arg11: memref<64x128xf32, #tpu.memory_space<vmem>>, %arg12: memref<64x16xf32, #tpu.memory_space<vmem>>, %arg13: memref<64x128xf32, #tpu.memory_space<vmem>>, %arg14: memref<40x128xf32, #tpu.memory_space<vmem>>, %arg15: memref<10000x128xf32, #tpu.memory_space<vmem_shared>>) attributes {dimension_semantics = [#tpu.dimension_semantics<core_parallel>, #tpu.dimension_semantics<subcore_parallel>], iteration_bounds = array<i64: 2, 16>, scalar_prefetch = 0 : i64, scratch_operands = 8 : i64, tpu.core_type = #tpu.core_type<sc_vector_subcore>, window_params = [{transform_indices = #map}, {transform_indices = #map}, {transform_indices = #map1}, {transform_indices = #map1}, {transform_indices = #map1}, {transform_indices = #map2}]} {
    %mul3A = arith.constant 2 : i32
    %mul3A_0 = arith.muli %arg1, %mul3A : i32
    %add3A = arith.addi %mul3A_0, %arg0 : i32
    %iota3A = tpu.iota {dimensions = array<i32: 0>} : vector<16xi32>
    %and3A = arith.constant 3 : i32
    %and3A_1 = vector.broadcast %and3A : i32 to vector<16xi32>
    %and3A_2 = arith.andi %iota3A, %and3A_1 : vector<16xi32>
    %add3A_3 = arith.constant 32 : i32
    %add3A_4 = vector.broadcast %add3A_3 : i32 to vector<16xi32>
    %add3A_5 = arith.addi %and3A_2, %add3A_4 : vector<16xi32>
    %broadcast_in_dim3A = arith.constant 0.000000e+00 : f32
    %broadcast_in_dim3A_6 = vector.broadcast %broadcast_in_dim3A : f32 to vector<16xf32>
    %scan3A = arith.constant 0 : i32
    %scan3A_7 = arith.constant 40 : i32
    %scan3A_8 = arith.addi %scan3A, %scan3A_7 : i32
    %scan3A_9 = arith.constant 1 : i32
    scf.for %scan3A_32 = %scan3A to %scan3A_8 step %scan3A_9  : i32 {
      %mul3A_33 = arith.constant 1 : i32
      %mul3A_34 = arith.muli %scan3A_32, %mul3A_33 : i32
      %add3A_35 = arith.constant 0 : i32
      %add3A_36 = arith.addi %add3A_35, %mul3A_34 : i32
      %swap3A = arith.index_cast %add3A_36 : i32 to index
      %swap3A_37 = arith.constant 0 : index
      %swap3A_38 = tpu.vector_load %arg14[%swap3A, %swap3A_37] {strides = array<i32>} : memref<40x128xf32, #tpu.memory_space<vmem>>, vector<16xf32>,
      tpu.vector_store %arg14[%swap3A, %swap3A_37], %broadcast_in_dim3A_6 {strides = array<i32>} : memref<40x128xf32, #tpu.memory_space<vmem>>, vector<16xf32>,
      %swap3A_39 = arith.index_cast %add3A_36 : i32 to index
      %swap3A_40 = arith.constant 16 : index
      %swap3A_41 = tpu.vector_load %arg14[%swap3A_39, %swap3A_40] {strides = array<i32>} : memref<40x128xf32, #tpu.memory_space<vmem>>, vector<16xf32>,
      tpu.vector_store %arg14[%swap3A_39, %swap3A_40], %broadcast_in_dim3A_6 {strides = array<i32>} : memref<40x128xf32, #tpu.memory_space<vmem>>, vector<16xf32>,
      %swap3A_42 = arith.index_cast %add3A_36 : i32 to index
      %swap3A_43 = arith.constant 32 : index
      %swap3A_44 = tpu.vector_load %arg14[%swap3A_42, %swap3A_43] {strides = array<i32>} : memref<40x128xf32, #tpu.memory_space<vmem>>, vector<16xf32>,
      tpu.vector_store %arg14[%swap3A_42, %swap3A_43], %broadcast_in_dim3A_6 {strides = array<i32>} : memref<40x128xf32, #tpu.memory_space<vmem>>, vector<16xf32>,
      %swap3A_45 = arith.index_cast %add3A_36 : i32 to index
      %swap3A_46 = arith.constant 48 : index
      %swap3A_47 = tpu.vector_load %arg14[%swap3A_45, %swap3A_46] {strides = array<i32>} : memref<40x128xf32, #tpu.memory_space<vmem>>, vector<16xf32>,
      tpu.vector_store %arg14[%swap3A_45, %swap3A_46], %broadcast_in_dim3A_6 {strides = array<i32>} : memref<40x128xf32, #tpu.memory_space<vmem>>, vector<16xf32>,
      %swap3A_48 = arith.index_cast %add3A_36 : i32 to index
      %swap3A_49 = arith.constant 64 : index
      %swap3A_50 = tpu.vector_load %arg14[%swap3A_48, %swap3A_49] {strides = array<i32>} : memref<40x128xf32, #tpu.memory_space<vmem>>, vector<16xf32>,
      tpu.vector_store %arg14[%swap3A_48, %swap3A_49], %broadcast_in_dim3A_6 {strides = array<i32>} : memref<40x128xf32, #tpu.memory_space<vmem>>, vector<16xf32>,
      %swap3A_51 = arith.index_cast %add3A_36 : i32 to index
      %swap3A_52 = arith.constant 80 : index
      %swap3A_53 = tpu.vector_load %arg14[%swap3A_51, %swap3A_52] {strides = array<i32>} : memref<40x128xf32, #tpu.memory_space<vmem>>, vector<16xf32>,
      tpu.vector_store %arg14[%swap3A_51, %swap3A_52], %broadcast_in_dim3A_6 {strides = array<i32>} : memref<40x128xf32, #tpu.memory_space<vmem>>, vector<16xf32>,
      %swap3A_54 = arith.index_cast %add3A_36 : i32 to index
      %swap3A_55 = arith.constant 96 : index
      %swap3A_56 = tpu.vector_load %arg14[%swap3A_54, %swap3A_55] {strides = array<i32>} : memref<40x128xf32, #tpu.memory_space<vmem>>, vector<16xf32>,
      tpu.vector_store %arg14[%swap3A_54, %swap3A_55], %broadcast_in_dim3A_6 {strides = array<i32>} : memref<40x128xf32, #tpu.memory_space<vmem>>, vector<16xf32>,
      %swap3A_57 = arith.index_cast %add3A_36 : i32 to index
      %swap3A_58 = arith.constant 112 : index
      %swap3A_59 = tpu.vector_load %arg14[%swap3A_57, %swap3A_58] {strides = array<i32>} : memref<40x128xf32, #tpu.memory_space<vmem>>, vector<16xf32>,
      tpu.vector_store %arg14[%swap3A_57, %swap3A_58], %broadcast_in_dim3A_6 {strides = array<i32>} : memref<40x128xf32, #tpu.memory_space<vmem>>, vector<16xf32>,
    }
    %scan3A_10 = arith.constant 40 : i32
    %scan3A_11 = arith.constant 0 : i32
    %scan3A_12 = arith.constant 64 : i32
    %scan3A_13 = arith.addi %scan3A_11, %scan3A_12 : i32
    %scan3A_14 = arith.constant 1 : i32
    scf.for %scan3A_32 = %scan3A_11 to %scan3A_13 step %scan3A_14  : i32 {
      %mul3A_33 = arith.constant 1 : i32
      %mul3A_34 = arith.muli %scan3A_32, %mul3A_33 : i32
      %add3A_35 = arith.constant 0 : i32
      %add3A_36 = arith.addi %add3A_35, %mul3A_34 : i32
      %swap3A = arith.index_cast %add3A_36 : i32 to index
      %swap3A_37 = arith.constant 0 : index
      %swap3A_38 = tpu.vector_load %arg13[%swap3A, %swap3A_37] {strides = array<i32>} : memref<64x128xf32, #tpu.memory_space<vmem>>, vector<16xf32>,
      tpu.vector_store %arg13[%swap3A, %swap3A_37], %broadcast_in_dim3A_6 {strides = array<i32>} : memref<64x128xf32, #tpu.memory_space<vmem>>, vector<16xf32>,
      %swap3A_39 = arith.index_cast %add3A_36 : i32 to index
      %swap3A_40 = arith.constant 16 : index
      %swap3A_41 = tpu.vector_load %arg13[%swap3A_39, %swap3A_40] {strides = array<i32>} : memref<64x128xf32, #tpu.memory_space<vmem>>, vector<16xf32>,
      tpu.vector_store %arg13[%swap3A_39, %swap3A_40], %broadcast_in_dim3A_6 {strides = array<i32>} : memref<64x128xf32, #tpu.memory_space<vmem>>, vector<16xf32>,
      %swap3A_42 = arith.index_cast %add3A_36 : i32 to index
      %swap3A_43 = arith.constant 32 : index
      %swap3A_44 = tpu.vector_load %arg13[%swap3A_42, %swap3A_43] {strides = array<i32>} : memref<64x128xf32, #tpu.memory_space<vmem>>, vector<16xf32>,
      tpu.vector_store %arg13[%swap3A_42, %swap3A_43], %broadcast_in_dim3A_6 {strides = array<i32>} : memref<64x128xf32, #tpu.memory_space<vmem>>, vector<16xf32>,
      %swap3A_45 = arith.index_cast %add3A_36 : i32 to index
      %swap3A_46 = arith.constant 48 : index
      %swap3A_47 = tpu.vector_load %arg13[%swap3A_45, %swap3A_46] {strides = array<i32>} : memref<64x128xf32, #tpu.memory_space<vmem>>, vector<16xf32>,
      tpu.vector_store %arg13[%swap3A_45, %swap3A_46], %broadcast_in_dim3A_6 {strides = array<i32>} : memref<64x128xf32, #tpu.memory_space<vmem>>, vector<16xf32>,
      %swap3A_48 = arith.index_cast %add3A_36 : i32 to index
      %swap3A_49 = arith.constant 64 : index
      %swap3A_50 = tpu.vector_load %arg13[%swap3A_48, %swap3A_49] {strides = array<i32>} : memref<64x128xf32, #tpu.memory_space<vmem>>, vector<16xf32>,
      tpu.vector_store %arg13[%swap3A_48, %swap3A_49], %broadcast_in_dim3A_6 {strides = array<i32>} : memref<64x128xf32, #tpu.memory_space<vmem>>, vector<16xf32>,
      %swap3A_51 = arith.index_cast %add3A_36 : i32 to index
      %swap3A_52 = arith.constant 80 : index
      %swap3A_53 = tpu.vector_load %arg13[%swap3A_51, %swap3A_52] {strides = array<i32>} : memref<64x128xf32, #tpu.memory_space<vmem>>, vector<16xf32>,
      tpu.vector_store %arg13[%swap3A_51, %swap3A_52], %broadcast_in_dim3A_6 {strides = array<i32>} : memref<64x128xf32, #tpu.memory_space<vmem>>, vector<16xf32>,
      %swap3A_54 = arith.index_cast %add3A_36 : i32 to index
      %swap3A_55 = arith.constant 96 : index
      %swap3A_56 = tpu.vector_load %arg13[%swap3A_54, %swap3A_55] {strides = array<i32>} : memref<64x128xf32, #tpu.memory_space<vmem>>, vector<16xf32>,
      tpu.vector_store %arg13[%swap3A_54, %swap3A_55], %broadcast_in_dim3A_6 {strides = array<i32>} : memref<64x128xf32, #tpu.memory_space<vmem>>, vector<16xf32>,
      %swap3A_57 = arith.index_cast %add3A_36 : i32 to index
      %swap3A_58 = arith.constant 112 : index
      %swap3A_59 = tpu.vector_load %arg13[%swap3A_57, %swap3A_58] {strides = array<i32>} : memref<64x128xf32, #tpu.memory_space<vmem>>, vector<16xf32>,
      tpu.vector_store %arg13[%swap3A_57, %swap3A_58], %broadcast_in_dim3A_6 {strides = array<i32>} : memref<64x128xf32, #tpu.memory_space<vmem>>, vector<16xf32>,
    }
    %scan3A_15 = arith.constant 64 : i32
    %scan3A_16 = arith.constant 0 : i32
    %scan3A_17 = arith.constant 16 : i32
    %scan3A_18 = arith.addi %scan3A_16, %scan3A_17 : i32
    %scan3A_19 = arith.constant 1 : i32
    scf.for %scan3A_32 = %scan3A_16 to %scan3A_18 step %scan3A_19  : i32 {
      %mul3A_33 = arith.constant 1 : i32
      %mul3A_34 = arith.muli %scan3A_32, %mul3A_33 : i32
      %add3A_35 = arith.constant 0 : i32
      %add3A_36 = arith.addi %add3A_35, %mul3A_34 : i32
      %mul3A_37 = arith.constant 16 : i32
      %mul3A_38 = arith.muli %add3A_36, %mul3A_37 : i32
      %add3A_39 = arith.addi %mul3A_38, %arg1 : i32
      %lt3A = arith.constant 250 : i32
      %lt3A_40 = arith.cmpi slt, %add3A_39, %lt3A : i32
      %convert_element_type3A = arith.extui %lt3A_40 : i1 to i32
      %cond3A = arith.constant 0 : i32
      %cond3A_41 = arith.cmpi ne, %convert_element_type3A, %cond3A : i32
      scf.if %cond3A_41 {
        %mul3A_42 = arith.constant 40 : i32
        %mul3A_43 = arith.muli %add3A_39, %mul3A_42 : i32
        "tpu.region"() ({
          %run_scoped3A = tpu.sem_alloc : memref<!tpu.dma_semaphore, #tpu.memory_space<semaphore_mem>>
          %dma_start3A = arith.constant 0 : i32
          %dma_start3A_44 = tpu.memref_slice %arg15[%mul3A_43, %dma_start3A] : memref<10000x128xf32, #tpu.memory_space<vmem_shared>> -> memref<40x128xf32, #tpu.memory_space<vmem_shared>>
          %dma_start3A_45 = arith.constant 0 : i32
          %dma_start3A_46 = tpu.memref_slice %arg15[%mul3A_43, %dma_start3A_45] : memref<10000x128xf32, #tpu.memory_space<vmem_shared>> -> memref<40x128xf32, #tpu.memory_space<vmem_shared>>
          tpu.enqueue_dma source(%arg14 : memref<40x128xf32, #tpu.memory_space<vmem>>) target(%dma_start3A_46 : memref<40x128xf32, #tpu.memory_space<vmem_shared>>) target_semaphore(%run_scoped3A : memref<!tpu.dma_semaphore, #tpu.memory_space<semaphore_mem>>)
          %dma_wait3A = arith.constant 0 : i32
          %dma_wait3A_47 = tpu.memref_slice %arg15[%mul3A_43, %dma_wait3A] : memref<10000x128xf32, #tpu.memory_space<vmem_shared>> -> memref<40x128xf32, #tpu.memory_space<vmem_shared>>
          %dma_wait3A_48 = arith.constant 0 : i32
          %dma_wait3A_49 = tpu.memref_slice %arg15[%mul3A_43, %dma_wait3A_48] : memref<10000x128xf32, #tpu.memory_space<vmem_shared>> -> memref<40x128xf32, #tpu.memory_space<vmem_shared>>
          tpu.wait_dma2 semaphore(%run_scoped3A : memref<!tpu.dma_semaphore, #tpu.memory_space<semaphore_mem>>) src(%arg14 : memref<40x128xf32, #tpu.memory_space<vmem>>) dst(%dma_wait3A_49 : memref<40x128xf32, #tpu.memory_space<vmem_shared>>)
          tpu.yield
        }) : () -> ()
      } else {
      }
    }
    %scan3A_20 = arith.constant 16 : i32
    %barrier3A = arith.constant 0 : index
    tpu.barrier barrier_id(%barrier3A)
    %scan3A_21 = arith.constant 0 : i32
    %scan3A_22 = arith.constant 157 : i32
    %scan3A_23 = arith.addi %scan3A_21, %scan3A_22 : i32
    %scan3A_24 = arith.constant 1 : i32
    scf.for %scan3A_32 = %scan3A_21 to %scan3A_23 step %scan3A_24  : i32 {
      %mul3A_33 = arith.constant 1 : i32
      %mul3A_34 = arith.muli %scan3A_32, %mul3A_33 : i32
      %add3A_35 = arith.constant 0 : i32
      %add3A_36 = arith.addi %add3A_35, %mul3A_34 : i32
      %mul3A_37 = arith.constant 32 : i32
      %mul3A_38 = arith.muli %add3A_36, %mul3A_37 : i32
      %add3A_39 = arith.addi %mul3A_38, %add3A : i32
      %lt3A = arith.constant 5000 : i32
      %lt3A_40 = arith.cmpi slt, %add3A_39, %lt3A : i32
      %convert_element_type3A = arith.extui %lt3A_40 : i1 to i32
      %cond3A = arith.constant 0 : i32
      %cond3A_41 = arith.cmpi ne, %convert_element_type3A, %cond3A : i32
      scf.if %cond3A_41 {
        %mul3A_42 = arith.constant 64 : i32
        %mul3A_43 = arith.muli %add3A_39, %mul3A_42 : i32
        "tpu.region"() ({
          %run_scoped3A = tpu.sem_alloc : memref<!tpu.dma_semaphore, #tpu.memory_space<semaphore_mem>>
          %dma_start3A = tpu.memref_slice %arg2[%mul3A_43] : memref<320000xi32, #tpu.memory_space<hbm>> -> memref<64xi32, #tpu.memory_space<hbm>>
          %dma_start3A_49 = tpu.memref_slice %arg2[%mul3A_43] : memref<320000xi32, #tpu.memory_space<hbm>> -> memref<64xi32, #tpu.memory_space<hbm>>
          tpu.enqueue_dma source(%dma_start3A_49 : memref<64xi32, #tpu.memory_space<hbm>>) target(%arg8 : memref<64xi32, #tpu.memory_space<vmem>>) target_semaphore(%run_scoped3A : memref<!tpu.dma_semaphore, #tpu.memory_space<semaphore_mem>>)
          %dma_wait3A = tpu.memref_slice %arg2[%mul3A_43] : memref<320000xi32, #tpu.memory_space<hbm>> -> memref<64xi32, #tpu.memory_space<hbm>>
          %dma_wait3A_50 = tpu.memref_slice %arg2[%mul3A_43] : memref<320000xi32, #tpu.memory_space<hbm>> -> memref<64xi32, #tpu.memory_space<hbm>>
          tpu.wait_dma2 semaphore(%run_scoped3A : memref<!tpu.dma_semaphore, #tpu.memory_space<semaphore_mem>>) src(%dma_wait3A_50 : memref<64xi32, #tpu.memory_space<hbm>>) dst(%arg8 : memref<64xi32, #tpu.memory_space<vmem>>)
          tpu.yield
        }) : () -> ()
        "tpu.region"() ({
          %run_scoped3A = tpu.sem_alloc : memref<!tpu.dma_semaphore, #tpu.memory_space<semaphore_mem>>
          %dma_start3A = tpu.memref_slice %arg3[%mul3A_43] : memref<320000xi32, #tpu.memory_space<hbm>> -> memref<64xi32, #tpu.memory_space<hbm>>
          %dma_start3A_49 = tpu.memref_slice %arg3[%mul3A_43] : memref<320000xi32, #tpu.memory_space<hbm>> -> memref<64xi32, #tpu.memory_space<hbm>>
          tpu.enqueue_dma source(%dma_start3A_49 : memref<64xi32, #tpu.memory_space<hbm>>) target(%arg9 : memref<64xi32, #tpu.memory_space<vmem>>) target_semaphore(%run_scoped3A : memref<!tpu.dma_semaphore, #tpu.memory_space<semaphore_mem>>)
          %dma_wait3A = tpu.memref_slice %arg3[%mul3A_43] : memref<320000xi32, #tpu.memory_space<hbm>> -> memref<64xi32, #tpu.memory_space<hbm>>
          %dma_wait3A_50 = tpu.memref_slice %arg3[%mul3A_43] : memref<320000xi32, #tpu.memory_space<hbm>> -> memref<64xi32, #tpu.memory_space<hbm>>
          tpu.wait_dma2 semaphore(%run_scoped3A : memref<!tpu.dma_semaphore, #tpu.memory_space<semaphore_mem>>) src(%dma_wait3A_50 : memref<64xi32, #tpu.memory_space<hbm>>) dst(%arg9 : memref<64xi32, #tpu.memory_space<vmem>>)
          tpu.yield
        }) : () -> ()
        "tpu.region"() ({
          %run_scoped3A = tpu.sem_alloc : memref<!tpu.dma_semaphore, #tpu.memory_space<semaphore_mem>>
          %dma_start3A = arith.constant 0 : i32
          %dma_start3A_49 = arith.constant 0 : i32
          %dma_start3A_50 = tpu.memref_slice %arg4[%dma_start3A, %dma_start3A_49] : memref<10000x128xf32, #tpu.memory_space<hbm>> -> memref<10000x128xf32, #tpu.memory_space<hbm>>
          tpu.enqueue_indirect_dma source(%dma_start3A_50 : memref<10000x128xf32, #tpu.memory_space<hbm>>) target(%arg10 : memref<64x128xf32, #tpu.memory_space<vmem>>) offsets(%arg8 : memref<64xi32, #tpu.memory_space<vmem>>) semaphore(%run_scoped3A : memref<!tpu.dma_semaphore, #tpu.memory_space<semaphore_mem>>)
          %dma_wait3A = arith.constant 0 : i32
          %dma_wait3A_51 = arith.constant 0 : i32
          %dma_wait3A_52 = tpu.memref_slice %arg4[%dma_wait3A, %dma_wait3A_51] : memref<10000x128xf32, #tpu.memory_space<hbm>> -> memref<10000x128xf32, #tpu.memory_space<hbm>>
          tpu.wait_indirect_dma semaphore(%run_scoped3A : memref<!tpu.dma_semaphore, #tpu.memory_space<semaphore_mem>>) src(%dma_wait3A_52 : memref<10000x128xf32, #tpu.memory_space<hbm>>) dst(%arg10 : memref<64x128xf32, #tpu.memory_space<vmem>>)
          tpu.yield
        }) : () -> ()
        "tpu.region"() ({
          %run_scoped3A = tpu.sem_alloc : memref<!tpu.dma_semaphore, #tpu.memory_space<semaphore_mem>>
          %dma_start3A = arith.constant 0 : i32
          %dma_start3A_49 = arith.constant 0 : i32
          %dma_start3A_50 = tpu.memref_slice %arg5[%dma_start3A, %dma_start3A_49] : memref<10000x128xf32, #tpu.memory_space<hbm>> -> memref<10000x128xf32, #tpu.memory_space<hbm>>
          tpu.enqueue_indirect_dma source(%dma_start3A_50 : memref<10000x128xf32, #tpu.memory_space<hbm>>) target(%arg11 : memref<64x128xf32, #tpu.memory_space<vmem>>) offsets(%arg9 : memref<64xi32, #tpu.memory_space<vmem>>) semaphore(%run_scoped3A : memref<!tpu.dma_semaphore, #tpu.memory_space<semaphore_mem>>)
          %dma_wait3A = arith.constant 0 : i32
          %dma_wait3A_51 = arith.constant 0 : i32
          %dma_wait3A_52 = tpu.memref_slice %arg5[%dma_wait3A, %dma_wait3A_51] : memref<10000x128xf32, #tpu.memory_space<hbm>> -> memref<10000x128xf32, #tpu.memory_space<hbm>>
          tpu.wait_indirect_dma semaphore(%run_scoped3A : memref<!tpu.dma_semaphore, #tpu.memory_space<semaphore_mem>>) src(%dma_wait3A_52 : memref<10000x128xf32, #tpu.memory_space<hbm>>) dst(%arg11 : memref<64x128xf32, #tpu.memory_space<vmem>>)
          tpu.yield
        }) : () -> ()
        "tpu.region"() ({
          %run_scoped3A = tpu.sem_alloc : memref<!tpu.dma_semaphore, #tpu.memory_space<semaphore_mem>>
          %dma_start3A = arith.constant 0 : i32
          %dma_start3A_49 = tpu.memref_slice %arg6[%mul3A_43, %dma_start3A] : memref<320000x16xf32, #tpu.memory_space<hbm>> -> memref<64x16xf32, #tpu.memory_space<hbm>>
          %dma_start3A_50 = arith.constant 0 : i32
          %dma_start3A_51 = tpu.memref_slice %arg6[%mul3A_43, %dma_start3A_50] : memref<320000x16xf32, #tpu.memory_space<hbm>> -> memref<64x16xf32, #tpu.memory_space<hbm>>
          tpu.enqueue_dma source(%dma_start3A_51 : memref<64x16xf32, #tpu.memory_space<hbm>>) target(%arg12 : memref<64x16xf32, #tpu.memory_space<vmem>>) target_semaphore(%run_scoped3A : memref<!tpu.dma_semaphore, #tpu.memory_space<semaphore_mem>>)
          %dma_wait3A = arith.constant 0 : i32
          %dma_wait3A_52 = tpu.memref_slice %arg6[%mul3A_43, %dma_wait3A] : memref<320000x16xf32, #tpu.memory_space<hbm>> -> memref<64x16xf32, #tpu.memory_space<hbm>>
          %dma_wait3A_53 = arith.constant 0 : i32
          %dma_wait3A_54 = tpu.memref_slice %arg6[%mul3A_43, %dma_wait3A_53] : memref<320000x16xf32, #tpu.memory_space<hbm>> -> memref<64x16xf32, #tpu.memory_space<hbm>>
          tpu.wait_dma2 semaphore(%run_scoped3A : memref<!tpu.dma_semaphore, #tpu.memory_space<semaphore_mem>>) src(%dma_wait3A_54 : memref<64x16xf32, #tpu.memory_space<hbm>>) dst(%arg12 : memref<64x16xf32, #tpu.memory_space<vmem>>)
          tpu.yield
        }) : () -> ()
        %scan3A_44 = arith.constant 0 : i32
        %scan3A_45 = arith.constant 64 : i32
        %scan3A_46 = arith.addi %scan3A_44, %scan3A_45 : i32
        %scan3A_47 = arith.constant 1 : i32
        scf.for %scan3A_49 = %scan3A_44 to %scan3A_46 step %scan3A_47  : i32 {
          %mul3A_50 = arith.constant 1 : i32
          %mul3A_51 = arith.muli %scan3A_49, %mul3A_50 : i32
          %add3A_52 = arith.constant 0 : i32
          %add3A_53 = arith.addi %add3A_52, %mul3A_51 : i32
          %get3A = arith.index_cast %add3A_53 : i32 to index
          %get3A_54 = arith.constant 32 : index
          %get3A_55 = tpu.vector_load %arg10[%get3A, %get3A_54] {strides = array<i32>} : memref<64x128xf32, #tpu.memory_space<vmem>>, vector<16xf32>,
          %get3A_56 = arith.index_cast %add3A_53 : i32 to index
          %get3A_57 = arith.constant 0 : index
          %get3A_58 = tpu.vector_load %arg11[%get3A_56, %get3A_57] {strides = array<i32>} : memref<64x128xf32, #tpu.memory_space<vmem>>, vector<16xf32>,
          %add3A_59 = arith.addf %get3A_55, %get3A_58 : vector<16xf32>
          %get3A_60 = arith.index_cast %add3A_53 : i32 to index
          %get3A_61 = arith.constant 0 : index
          %get3A_62 = tpu.vector_load %arg12[%get3A_60, %get3A_61] {strides = array<i32>} : memref<64x16xf32, #tpu.memory_space<vmem>>, vector<16xf32>,
          %add3A_63 = arith.addf %add3A_59, %get3A_62 : vector<16xf32>
          %mul3A_64 = arith.constant 2.000000e-01 : f32
          %mul3A_65 = vector.broadcast %mul3A_64 : f32 to vector<16xf32>
          %mul3A_66 = arith.mulf %mul3A_65, %add3A_63 : vector<16xf32>
          %max3A = arith.maximumf %add3A_63, %mul3A_66 : vector<16xf32>
          %exp3A = math.exp %max3A : vector<16xf32>
          %swap3A = arith.index_cast %add3A_53 : i32 to index
          %swap3A_67 = arith.constant 32 : index
          %swap3A_68 = tpu.vector_load %arg13[%swap3A, %swap3A_67] {strides = array<i32>} : memref<64x128xf32, #tpu.memory_space<vmem>>, vector<16xf32>,
          tpu.vector_store %arg13[%swap3A, %swap3A_67], %exp3A {strides = array<i32>} : memref<64x128xf32, #tpu.memory_space<vmem>>, vector<16xf32>,
          %broadcast_in_dim3A_69 = vector.broadcast %add3A_53 : i32 to vector<16xi32>
          %gather3A = tpu.vector_load_idx %arg13[%broadcast_in_dim3A_69, %add3A_5] : memref<64x128xf32, #tpu.memory_space<vmem>>[vector<16xi32>, vector<16xi32>], vector<16xf32>,
          %get3A_70 = arith.index_cast %add3A_53 : i32 to index
          %get3A_71 = arith.constant 0 : index
          %get3A_72 = tpu.vector_load %arg10[%get3A_70, %get3A_71] {strides = array<i32>} : memref<64x128xf32, #tpu.memory_space<vmem>>, vector<16xf32>,
          %mul3A_73 = arith.mulf %get3A_72, %gather3A : vector<16xf32>
          %swap3A_74 = arith.index_cast %add3A_53 : i32 to index
          %swap3A_75 = arith.constant 0 : index
          %swap3A_76 = tpu.vector_load %arg13[%swap3A_74, %swap3A_75] {strides = array<i32>} : memref<64x128xf32, #tpu.memory_space<vmem>>, vector<16xf32>,
          tpu.vector_store %arg13[%swap3A_74, %swap3A_75], %mul3A_73 {strides = array<i32>} : memref<64x128xf32, #tpu.memory_space<vmem>>, vector<16xf32>,
          %get3A_77 = arith.index_cast %add3A_53 : i32 to index
          %get3A_78 = arith.constant 16 : index
          %get3A_79 = tpu.vector_load %arg10[%get3A_77, %get3A_78] {strides = array<i32>} : memref<64x128xf32, #tpu.memory_space<vmem>>, vector<16xf32>,
          %mul3A_80 = arith.mulf %get3A_79, %gather3A : vector<16xf32>
          %swap3A_81 = arith.index_cast %add3A_53 : i32 to index
          %swap3A_82 = arith.constant 16 : index
          %swap3A_83 = tpu.vector_load %arg13[%swap3A_81, %swap3A_82] {strides = array<i32>} : memref<64x128xf32, #tpu.memory_space<vmem>>, vector<16xf32>,
          tpu.vector_store %arg13[%swap3A_81, %swap3A_82], %mul3A_80 {strides = array<i32>} : memref<64x128xf32, #tpu.memory_space<vmem>>, vector<16xf32>,
        }
        %scan3A_48 = arith.constant 64 : i32
        "tpu.region"() ({
          %run_scoped3A = tpu.sem_alloc : memref<!tpu.dma_semaphore, #tpu.memory_space<semaphore_mem>>
          %dma_start3A = arith.constant 0 : i32
          %dma_start3A_49 = arith.constant 0 : i32
          %dma_start3A_50 = tpu.memref_slice %arg15[%dma_start3A, %dma_start3A_49] : memref<10000x128xf32, #tpu.memory_space<vmem_shared>> -> memref<10000x128xf32, #tpu.memory_space<vmem_shared>>
          tpu.enqueue_indirect_dma source(%arg13 : memref<64x128xf32, #tpu.memory_space<vmem>>) target(%dma_start3A_50 : memref<10000x128xf32, #tpu.memory_space<vmem_shared>>) offsets(%arg9 : memref<64xi32, #tpu.memory_space<vmem>>) semaphore(%run_scoped3A : memref<!tpu.dma_semaphore, #tpu.memory_space<semaphore_mem>>) {add = true}
          %dma_wait3A = arith.constant 0 : i32
          %dma_wait3A_51 = arith.constant 0 : i32
          %dma_wait3A_52 = tpu.memref_slice %arg15[%dma_wait3A, %dma_wait3A_51] : memref<10000x128xf32, #tpu.memory_space<vmem_shared>> -> memref<10000x128xf32, #tpu.memory_space<vmem_shared>>
          tpu.wait_indirect_dma semaphore(%run_scoped3A : memref<!tpu.dma_semaphore, #tpu.memory_space<semaphore_mem>>) src(%arg13 : memref<64x128xf32, #tpu.memory_space<vmem>>) dst(%dma_wait3A_52 : memref<10000x128xf32, #tpu.memory_space<vmem_shared>>)
          tpu.yield
        }) : () -> ()
      } else {
      }
    }
    %scan3A_25 = arith.constant 157 : i32
    %barrier3A_26 = arith.constant 0 : index
    tpu.barrier barrier_id(%barrier3A_26)
    %scan3A_27 = arith.constant 0 : i32
    %scan3A_28 = arith.constant 16 : i32
    %scan3A_29 = arith.addi %scan3A_27, %scan3A_28 : i32
    %scan3A_30 = arith.constant 1 : i32
    scf.for %scan3A_32 = %scan3A_27 to %scan3A_29 step %scan3A_30  : i32 {
      %mul3A_33 = arith.constant 1 : i32
      %mul3A_34 = arith.muli %scan3A_32, %mul3A_33 : i32
      %add3A_35 = arith.constant 0 : i32
      %add3A_36 = arith.addi %add3A_35, %mul3A_34 : i32
      %mul3A_37 = arith.constant 16 : i32
      %mul3A_38 = arith.muli %add3A_36, %mul3A_37 : i32
      %add3A_39 = arith.addi %mul3A_38, %arg1 : i32
      %lt3A = arith.constant 250 : i32
      %lt3A_40 = arith.cmpi slt, %add3A_39, %lt3A : i32
      %convert_element_type3A = arith.extui %lt3A_40 : i1 to i32
      %cond3A = arith.constant 0 : i32
      %cond3A_41 = arith.cmpi ne, %convert_element_type3A, %cond3A : i32
      scf.if %cond3A_41 {
        %mul3A_42 = arith.constant 40 : i32
        %mul3A_43 = arith.muli %add3A_39, %mul3A_42 : i32
        "tpu.region"() ({
          %run_scoped3A = tpu.sem_alloc : memref<!tpu.dma_semaphore, #tpu.memory_space<semaphore_mem>>
          %dma_start3A = arith.constant 0 : i32
          %dma_start3A_44 = tpu.memref_slice %arg7[%arg0, %mul3A_43, %dma_start3A] : memref<2x10000x128xf32, #tpu.memory_space<hbm>> -> memref<1x40x128xf32, #tpu.memory_space<hbm>>
          %dma_start3A_45 = tpu.memref_squeeze %dma_start3A_44 : memref<1x40x128xf32, #tpu.memory_space<hbm>> -> memref<40x128xf32, #tpu.memory_space<hbm>>
          %dma_start3A_46 = arith.constant 0 : i32
          %dma_start3A_47 = tpu.memref_slice %arg15[%mul3A_43, %dma_start3A_46] : memref<10000x128xf32, #tpu.memory_space<vmem_shared>> -> memref<40x128xf32, #tpu.memory_space<vmem_shared>>
          tpu.enqueue_dma source(%dma_start3A_47 : memref<40x128xf32, #tpu.memory_space<vmem_shared>>) target(%dma_start3A_45 : memref<40x128xf32, #tpu.memory_space<hbm>>) target_semaphore(%run_scoped3A : memref<!tpu.dma_semaphore, #tpu.memory_space<semaphore_mem>>)
          %dma_wait3A = arith.constant 0 : i32
          %dma_wait3A_48 = tpu.memref_slice %arg7[%arg0, %mul3A_43, %dma_wait3A] : memref<2x10000x128xf32, #tpu.memory_space<hbm>> -> memref<1x40x128xf32, #tpu.memory_space<hbm>>
          %dma_wait3A_49 = tpu.memref_squeeze %dma_wait3A_48 : memref<1x40x128xf32, #tpu.memory_space<hbm>> -> memref<40x128xf32, #tpu.memory_space<hbm>>
          %dma_wait3A_50 = arith.constant 0 : i32
          %dma_wait3A_51 = tpu.memref_slice %arg15[%mul3A_43, %dma_wait3A_50] : memref<10000x128xf32, #tpu.memory_space<vmem_shared>> -> memref<40x128xf32, #tpu.memory_space<vmem_shared>>
          tpu.wait_dma2 semaphore(%run_scoped3A : memref<!tpu.dma_semaphore, #tpu.memory_space<semaphore_mem>>) src(%dma_wait3A_51 : memref<40x128xf32, #tpu.memory_space<vmem_shared>>) dst(%dma_wait3A_49 : memref<40x128xf32, #tpu.memory_space<hbm>>)
          tpu.yield
        }) : () -> ()
      } else {
      }
    }
    %scan3A_31 = arith.constant 16 : i32
    return
  }
}

#map = affine_map<(d0, d1) -> (0)>
#map1 = affine_map<(d0, d1) -> (0, 0)>
#map2 = affine_map<(d0, d1) -> (0, 0, 0)>
module attributes {stable_mosaic.version = 14 : i64} {
  func.func @sc_conv(%arg0: i32, %arg1: i32, %arg2: memref<320000xi32, #tpu.memory_space<hbm>>, %arg3: memref<320000xi32, #tpu.memory_space<hbm>>, %arg4: memref<10000x128xf32, #tpu.memory_space<hbm>>, %arg5: memref<10000x128xf32, #tpu.memory_space<hbm>>, %arg6: memref<320000x16xf32, #tpu.memory_space<hbm>>, %arg7: memref<2x10000x128xf32, #tpu.memory_space<hbm>>, %arg8: memref<64xi32, #tpu.memory_space<vmem>>, %arg9: memref<64xi32, #tpu.memory_space<vmem>>, %arg10: memref<64x128xf32, #tpu.memory_space<vmem>>, %arg11: memref<64x128xf32, #tpu.memory_space<vmem>>, %arg12: memref<64x16xf32, #tpu.memory_space<vmem>>, %arg13: memref<64x128xf32, #tpu.memory_space<vmem>>, %arg14: memref<40x128xf32, #tpu.memory_space<vmem>>, %arg15: memref<10000x128xf32, #tpu.memory_space<vmem_shared>>) attributes {dimension_semantics = [#tpu.dimension_semantics<core_parallel>, #tpu.dimension_semantics<subcore_parallel>], iteration_bounds = array<i64: 2, 16>, scalar_prefetch = 0 : i64, scratch_operands = 8 : i64, tpu.core_type = #tpu.core_type<sc_vector_subcore>, window_params = [{transform_indices = #map}, {transform_indices = #map}, {transform_indices = #map1}, {transform_indices = #map1}, {transform_indices = #map1}, {transform_indices = #map2}]} {
    %mul3A = arith.constant 2 : i32
    %mul3A_0 = arith.muli %arg1, %mul3A : i32
    %add3A = arith.addi %mul3A_0, %arg0 : i32
    %iota3A = tpu.iota {dimensions = array<i32: 0>} : vector<16xi32>
    %and3A = arith.constant 3 : i32
    %and3A_1 = vector.broadcast %and3A : i32 to vector<16xi32>
    %and3A_2 = arith.andi %iota3A, %and3A_1 : vector<16xi32>
    %add3A_3 = arith.constant 76 : i32
    %add3A_4 = vector.broadcast %add3A_3 : i32 to vector<16xi32>
    %add3A_5 = arith.addi %and3A_2, %add3A_4 : vector<16xi32>
    %broadcast_in_dim3A = arith.constant 0.000000e+00 : f32
    %broadcast_in_dim3A_6 = vector.broadcast %broadcast_in_dim3A : f32 to vector<16xf32>
    %scan3A = arith.constant 0 : i32
    %scan3A_7 = arith.constant 40 : i32
    %scan3A_8 = arith.addi %scan3A, %scan3A_7 : i32
    %scan3A_9 = arith.constant 1 : i32
    scf.for %scan3A_32 = %scan3A to %scan3A_8 step %scan3A_9  : i32 {
      %mul3A_33 = arith.constant 1 : i32
      %mul3A_34 = arith.muli %scan3A_32, %mul3A_33 : i32
      %add3A_35 = arith.constant 0 : i32
      %add3A_36 = arith.addi %add3A_35, %mul3A_34 : i32
      %swap3A = arith.index_cast %add3A_36 : i32 to index
      %swap3A_37 = arith.constant 0 : index
      %swap3A_38 = tpu.vector_load %arg14[%swap3A, %swap3A_37] {strides = array<i32>} : memref<40x128xf32, #tpu.memory_space<vmem>>, vector<16xf32>,
      tpu.vector_store %arg14[%swap3A, %swap3A_37], %broadcast_in_dim3A_6 {strides = array<i32>} : memref<40x128xf32, #tpu.memory_space<vmem>>, vector<16xf32>,
      %swap3A_39 = arith.index_cast %add3A_36 : i32 to index
      %swap3A_40 = arith.constant 16 : index
      %swap3A_41 = tpu.vector_load %arg14[%swap3A_39, %swap3A_40] {strides = array<i32>} : memref<40x128xf32, #tpu.memory_space<vmem>>, vector<16xf32>,
      tpu.vector_store %arg14[%swap3A_39, %swap3A_40], %broadcast_in_dim3A_6 {strides = array<i32>} : memref<40x128xf32, #tpu.memory_space<vmem>>, vector<16xf32>,
      %swap3A_42 = arith.index_cast %add3A_36 : i32 to index
      %swap3A_43 = arith.constant 32 : index
      %swap3A_44 = tpu.vector_load %arg14[%swap3A_42, %swap3A_43] {strides = array<i32>} : memref<40x128xf32, #tpu.memory_space<vmem>>, vector<16xf32>,
      tpu.vector_store %arg14[%swap3A_42, %swap3A_43], %broadcast_in_dim3A_6 {strides = array<i32>} : memref<40x128xf32, #tpu.memory_space<vmem>>, vector<16xf32>,
      %swap3A_45 = arith.index_cast %add3A_36 : i32 to index
      %swap3A_46 = arith.constant 48 : index
      %swap3A_47 = tpu.vector_load %arg14[%swap3A_45, %swap3A_46] {strides = array<i32>} : memref<40x128xf32, #tpu.memory_space<vmem>>, vector<16xf32>,
      tpu.vector_store %arg14[%swap3A_45, %swap3A_46], %broadcast_in_dim3A_6 {strides = array<i32>} : memref<40x128xf32, #tpu.memory_space<vmem>>, vector<16xf32>,
      %swap3A_48 = arith.index_cast %add3A_36 : i32 to index
      %swap3A_49 = arith.constant 64 : index
      %swap3A_50 = tpu.vector_load %arg14[%swap3A_48, %swap3A_49] {strides = array<i32>} : memref<40x128xf32, #tpu.memory_space<vmem>>, vector<16xf32>,
      tpu.vector_store %arg14[%swap3A_48, %swap3A_49], %broadcast_in_dim3A_6 {strides = array<i32>} : memref<40x128xf32, #tpu.memory_space<vmem>>, vector<16xf32>,
      %swap3A_51 = arith.index_cast %add3A_36 : i32 to index
      %swap3A_52 = arith.constant 80 : index
      %swap3A_53 = tpu.vector_load %arg14[%swap3A_51, %swap3A_52] {strides = array<i32>} : memref<40x128xf32, #tpu.memory_space<vmem>>, vector<16xf32>,
      tpu.vector_store %arg14[%swap3A_51, %swap3A_52], %broadcast_in_dim3A_6 {strides = array<i32>} : memref<40x128xf32, #tpu.memory_space<vmem>>, vector<16xf32>,
      %swap3A_54 = arith.index_cast %add3A_36 : i32 to index
      %swap3A_55 = arith.constant 96 : index
      %swap3A_56 = tpu.vector_load %arg14[%swap3A_54, %swap3A_55] {strides = array<i32>} : memref<40x128xf32, #tpu.memory_space<vmem>>, vector<16xf32>,
      tpu.vector_store %arg14[%swap3A_54, %swap3A_55], %broadcast_in_dim3A_6 {strides = array<i32>} : memref<40x128xf32, #tpu.memory_space<vmem>>, vector<16xf32>,
      %swap3A_57 = arith.index_cast %add3A_36 : i32 to index
      %swap3A_58 = arith.constant 112 : index
      %swap3A_59 = tpu.vector_load %arg14[%swap3A_57, %swap3A_58] {strides = array<i32>} : memref<40x128xf32, #tpu.memory_space<vmem>>, vector<16xf32>,
      tpu.vector_store %arg14[%swap3A_57, %swap3A_58], %broadcast_in_dim3A_6 {strides = array<i32>} : memref<40x128xf32, #tpu.memory_space<vmem>>, vector<16xf32>,
    }
    %scan3A_10 = arith.constant 40 : i32
    %scan3A_11 = arith.constant 0 : i32
    %scan3A_12 = arith.constant 64 : i32
    %scan3A_13 = arith.addi %scan3A_11, %scan3A_12 : i32
    %scan3A_14 = arith.constant 1 : i32
    scf.for %scan3A_32 = %scan3A_11 to %scan3A_13 step %scan3A_14  : i32 {
      %mul3A_33 = arith.constant 1 : i32
      %mul3A_34 = arith.muli %scan3A_32, %mul3A_33 : i32
      %add3A_35 = arith.constant 0 : i32
      %add3A_36 = arith.addi %add3A_35, %mul3A_34 : i32
      %swap3A = arith.index_cast %add3A_36 : i32 to index
      %swap3A_37 = arith.constant 0 : index
      %swap3A_38 = tpu.vector_load %arg13[%swap3A, %swap3A_37] {strides = array<i32>} : memref<64x128xf32, #tpu.memory_space<vmem>>, vector<16xf32>,
      tpu.vector_store %arg13[%swap3A, %swap3A_37], %broadcast_in_dim3A_6 {strides = array<i32>} : memref<64x128xf32, #tpu.memory_space<vmem>>, vector<16xf32>,
      %swap3A_39 = arith.index_cast %add3A_36 : i32 to index
      %swap3A_40 = arith.constant 16 : index
      %swap3A_41 = tpu.vector_load %arg13[%swap3A_39, %swap3A_40] {strides = array<i32>} : memref<64x128xf32, #tpu.memory_space<vmem>>, vector<16xf32>,
      tpu.vector_store %arg13[%swap3A_39, %swap3A_40], %broadcast_in_dim3A_6 {strides = array<i32>} : memref<64x128xf32, #tpu.memory_space<vmem>>, vector<16xf32>,
      %swap3A_42 = arith.index_cast %add3A_36 : i32 to index
      %swap3A_43 = arith.constant 32 : index
      %swap3A_44 = tpu.vector_load %arg13[%swap3A_42, %swap3A_43] {strides = array<i32>} : memref<64x128xf32, #tpu.memory_space<vmem>>, vector<16xf32>,
      tpu.vector_store %arg13[%swap3A_42, %swap3A_43], %broadcast_in_dim3A_6 {strides = array<i32>} : memref<64x128xf32, #tpu.memory_space<vmem>>, vector<16xf32>,
      %swap3A_45 = arith.index_cast %add3A_36 : i32 to index
      %swap3A_46 = arith.constant 48 : index
      %swap3A_47 = tpu.vector_load %arg13[%swap3A_45, %swap3A_46] {strides = array<i32>} : memref<64x128xf32, #tpu.memory_space<vmem>>, vector<16xf32>,
      tpu.vector_store %arg13[%swap3A_45, %swap3A_46], %broadcast_in_dim3A_6 {strides = array<i32>} : memref<64x128xf32, #tpu.memory_space<vmem>>, vector<16xf32>,
      %swap3A_48 = arith.index_cast %add3A_36 : i32 to index
      %swap3A_49 = arith.constant 64 : index
      %swap3A_50 = tpu.vector_load %arg13[%swap3A_48, %swap3A_49] {strides = array<i32>} : memref<64x128xf32, #tpu.memory_space<vmem>>, vector<16xf32>,
      tpu.vector_store %arg13[%swap3A_48, %swap3A_49], %broadcast_in_dim3A_6 {strides = array<i32>} : memref<64x128xf32, #tpu.memory_space<vmem>>, vector<16xf32>,
      %swap3A_51 = arith.index_cast %add3A_36 : i32 to index
      %swap3A_52 = arith.constant 80 : index
      %swap3A_53 = tpu.vector_load %arg13[%swap3A_51, %swap3A_52] {strides = array<i32>} : memref<64x128xf32, #tpu.memory_space<vmem>>, vector<16xf32>,
      tpu.vector_store %arg13[%swap3A_51, %swap3A_52], %broadcast_in_dim3A_6 {strides = array<i32>} : memref<64x128xf32, #tpu.memory_space<vmem>>, vector<16xf32>,
      %swap3A_54 = arith.index_cast %add3A_36 : i32 to index
      %swap3A_55 = arith.constant 96 : index
      %swap3A_56 = tpu.vector_load %arg13[%swap3A_54, %swap3A_55] {strides = array<i32>} : memref<64x128xf32, #tpu.memory_space<vmem>>, vector<16xf32>,
      tpu.vector_store %arg13[%swap3A_54, %swap3A_55], %broadcast_in_dim3A_6 {strides = array<i32>} : memref<64x128xf32, #tpu.memory_space<vmem>>, vector<16xf32>,
      %swap3A_57 = arith.index_cast %add3A_36 : i32 to index
      %swap3A_58 = arith.constant 112 : index
      %swap3A_59 = tpu.vector_load %arg13[%swap3A_57, %swap3A_58] {strides = array<i32>} : memref<64x128xf32, #tpu.memory_space<vmem>>, vector<16xf32>,
      tpu.vector_store %arg13[%swap3A_57, %swap3A_58], %broadcast_in_dim3A_6 {strides = array<i32>} : memref<64x128xf32, #tpu.memory_space<vmem>>, vector<16xf32>,
    }
    %scan3A_15 = arith.constant 64 : i32
    %scan3A_16 = arith.constant 0 : i32
    %scan3A_17 = arith.constant 16 : i32
    %scan3A_18 = arith.addi %scan3A_16, %scan3A_17 : i32
    %scan3A_19 = arith.constant 1 : i32
    scf.for %scan3A_32 = %scan3A_16 to %scan3A_18 step %scan3A_19  : i32 {
      %mul3A_33 = arith.constant 1 : i32
      %mul3A_34 = arith.muli %scan3A_32, %mul3A_33 : i32
      %add3A_35 = arith.constant 0 : i32
      %add3A_36 = arith.addi %add3A_35, %mul3A_34 : i32
      %mul3A_37 = arith.constant 16 : i32
      %mul3A_38 = arith.muli %add3A_36, %mul3A_37 : i32
      %add3A_39 = arith.addi %mul3A_38, %arg1 : i32
      %lt3A = arith.constant 250 : i32
      %lt3A_40 = arith.cmpi slt, %add3A_39, %lt3A : i32
      %convert_element_type3A = arith.extui %lt3A_40 : i1 to i32
      %cond3A = arith.constant 0 : i32
      %cond3A_41 = arith.cmpi ne, %convert_element_type3A, %cond3A : i32
      scf.if %cond3A_41 {
        %mul3A_42 = arith.constant 40 : i32
        %mul3A_43 = arith.muli %add3A_39, %mul3A_42 : i32
        "tpu.region"() ({
          %run_scoped3A = tpu.sem_alloc : memref<!tpu.dma_semaphore, #tpu.memory_space<semaphore_mem>>
          %dma_start3A = arith.constant 0 : i32
          %dma_start3A_44 = tpu.memref_slice %arg15[%mul3A_43, %dma_start3A] : memref<10000x128xf32, #tpu.memory_space<vmem_shared>> -> memref<40x128xf32, #tpu.memory_space<vmem_shared>>
          %dma_start3A_45 = arith.constant 0 : i32
          %dma_start3A_46 = tpu.memref_slice %arg15[%mul3A_43, %dma_start3A_45] : memref<10000x128xf32, #tpu.memory_space<vmem_shared>> -> memref<40x128xf32, #tpu.memory_space<vmem_shared>>
          tpu.enqueue_dma source(%arg14 : memref<40x128xf32, #tpu.memory_space<vmem>>) target(%dma_start3A_46 : memref<40x128xf32, #tpu.memory_space<vmem_shared>>) target_semaphore(%run_scoped3A : memref<!tpu.dma_semaphore, #tpu.memory_space<semaphore_mem>>)
          %dma_wait3A = arith.constant 0 : i32
          %dma_wait3A_47 = tpu.memref_slice %arg15[%mul3A_43, %dma_wait3A] : memref<10000x128xf32, #tpu.memory_space<vmem_shared>> -> memref<40x128xf32, #tpu.memory_space<vmem_shared>>
          %dma_wait3A_48 = arith.constant 0 : i32
          %dma_wait3A_49 = tpu.memref_slice %arg15[%mul3A_43, %dma_wait3A_48] : memref<10000x128xf32, #tpu.memory_space<vmem_shared>> -> memref<40x128xf32, #tpu.memory_space<vmem_shared>>
          tpu.wait_dma2 semaphore(%run_scoped3A : memref<!tpu.dma_semaphore, #tpu.memory_space<semaphore_mem>>) src(%arg14 : memref<40x128xf32, #tpu.memory_space<vmem>>) dst(%dma_wait3A_49 : memref<40x128xf32, #tpu.memory_space<vmem_shared>>)
          tpu.yield
        }) : () -> ()
      } else {
      }
    }
    %scan3A_20 = arith.constant 16 : i32
    %barrier3A = arith.constant 0 : index
    tpu.barrier barrier_id(%barrier3A)
    %scan3A_21 = arith.constant 0 : i32
    %scan3A_22 = arith.constant 157 : i32
    %scan3A_23 = arith.addi %scan3A_21, %scan3A_22 : i32
    %scan3A_24 = arith.constant 1 : i32
    scf.for %scan3A_32 = %scan3A_21 to %scan3A_23 step %scan3A_24  : i32 {
      %mul3A_33 = arith.constant 1 : i32
      %mul3A_34 = arith.muli %scan3A_32, %mul3A_33 : i32
      %add3A_35 = arith.constant 0 : i32
      %add3A_36 = arith.addi %add3A_35, %mul3A_34 : i32
      %mul3A_37 = arith.constant 32 : i32
      %mul3A_38 = arith.muli %add3A_36, %mul3A_37 : i32
      %add3A_39 = arith.addi %mul3A_38, %add3A : i32
      %lt3A = arith.constant 5000 : i32
      %lt3A_40 = arith.cmpi slt, %add3A_39, %lt3A : i32
      %convert_element_type3A = arith.extui %lt3A_40 : i1 to i32
      %cond3A = arith.constant 0 : i32
      %cond3A_41 = arith.cmpi ne, %convert_element_type3A, %cond3A : i32
      scf.if %cond3A_41 {
        %mul3A_42 = arith.constant 64 : i32
        %mul3A_43 = arith.muli %add3A_39, %mul3A_42 : i32
        "tpu.region"() ({
          %run_scoped3A = tpu.sem_alloc : memref<!tpu.dma_semaphore, #tpu.memory_space<semaphore_mem>>
          %dma_start3A = tpu.memref_slice %arg2[%mul3A_43] : memref<320000xi32, #tpu.memory_space<hbm>> -> memref<64xi32, #tpu.memory_space<hbm>>
          %dma_start3A_49 = tpu.memref_slice %arg2[%mul3A_43] : memref<320000xi32, #tpu.memory_space<hbm>> -> memref<64xi32, #tpu.memory_space<hbm>>
          tpu.enqueue_dma source(%dma_start3A_49 : memref<64xi32, #tpu.memory_space<hbm>>) target(%arg8 : memref<64xi32, #tpu.memory_space<vmem>>) target_semaphore(%run_scoped3A : memref<!tpu.dma_semaphore, #tpu.memory_space<semaphore_mem>>)
          %dma_wait3A = tpu.memref_slice %arg2[%mul3A_43] : memref<320000xi32, #tpu.memory_space<hbm>> -> memref<64xi32, #tpu.memory_space<hbm>>
          %dma_wait3A_50 = tpu.memref_slice %arg2[%mul3A_43] : memref<320000xi32, #tpu.memory_space<hbm>> -> memref<64xi32, #tpu.memory_space<hbm>>
          tpu.wait_dma2 semaphore(%run_scoped3A : memref<!tpu.dma_semaphore, #tpu.memory_space<semaphore_mem>>) src(%dma_wait3A_50 : memref<64xi32, #tpu.memory_space<hbm>>) dst(%arg8 : memref<64xi32, #tpu.memory_space<vmem>>)
          tpu.yield
        }) : () -> ()
        "tpu.region"() ({
          %run_scoped3A = tpu.sem_alloc : memref<!tpu.dma_semaphore, #tpu.memory_space<semaphore_mem>>
          %dma_start3A = tpu.memref_slice %arg3[%mul3A_43] : memref<320000xi32, #tpu.memory_space<hbm>> -> memref<64xi32, #tpu.memory_space<hbm>>
          %dma_start3A_49 = tpu.memref_slice %arg3[%mul3A_43] : memref<320000xi32, #tpu.memory_space<hbm>> -> memref<64xi32, #tpu.memory_space<hbm>>
          tpu.enqueue_dma source(%dma_start3A_49 : memref<64xi32, #tpu.memory_space<hbm>>) target(%arg9 : memref<64xi32, #tpu.memory_space<vmem>>) target_semaphore(%run_scoped3A : memref<!tpu.dma_semaphore, #tpu.memory_space<semaphore_mem>>)
          %dma_wait3A = tpu.memref_slice %arg3[%mul3A_43] : memref<320000xi32, #tpu.memory_space<hbm>> -> memref<64xi32, #tpu.memory_space<hbm>>
          %dma_wait3A_50 = tpu.memref_slice %arg3[%mul3A_43] : memref<320000xi32, #tpu.memory_space<hbm>> -> memref<64xi32, #tpu.memory_space<hbm>>
          tpu.wait_dma2 semaphore(%run_scoped3A : memref<!tpu.dma_semaphore, #tpu.memory_space<semaphore_mem>>) src(%dma_wait3A_50 : memref<64xi32, #tpu.memory_space<hbm>>) dst(%arg9 : memref<64xi32, #tpu.memory_space<vmem>>)
          tpu.yield
        }) : () -> ()
        "tpu.region"() ({
          %run_scoped3A = tpu.sem_alloc : memref<!tpu.dma_semaphore, #tpu.memory_space<semaphore_mem>>
          %dma_start3A = arith.constant 0 : i32
          %dma_start3A_49 = arith.constant 0 : i32
          %dma_start3A_50 = tpu.memref_slice %arg4[%dma_start3A, %dma_start3A_49] : memref<10000x128xf32, #tpu.memory_space<hbm>> -> memref<10000x128xf32, #tpu.memory_space<hbm>>
          tpu.enqueue_indirect_dma source(%dma_start3A_50 : memref<10000x128xf32, #tpu.memory_space<hbm>>) target(%arg10 : memref<64x128xf32, #tpu.memory_space<vmem>>) offsets(%arg8 : memref<64xi32, #tpu.memory_space<vmem>>) semaphore(%run_scoped3A : memref<!tpu.dma_semaphore, #tpu.memory_space<semaphore_mem>>)
          %dma_wait3A = arith.constant 0 : i32
          %dma_wait3A_51 = arith.constant 0 : i32
          %dma_wait3A_52 = tpu.memref_slice %arg4[%dma_wait3A, %dma_wait3A_51] : memref<10000x128xf32, #tpu.memory_space<hbm>> -> memref<10000x128xf32, #tpu.memory_space<hbm>>
          tpu.wait_indirect_dma semaphore(%run_scoped3A : memref<!tpu.dma_semaphore, #tpu.memory_space<semaphore_mem>>) src(%dma_wait3A_52 : memref<10000x128xf32, #tpu.memory_space<hbm>>) dst(%arg10 : memref<64x128xf32, #tpu.memory_space<vmem>>)
          tpu.yield
        }) : () -> ()
        "tpu.region"() ({
          %run_scoped3A = tpu.sem_alloc : memref<!tpu.dma_semaphore, #tpu.memory_space<semaphore_mem>>
          %dma_start3A = arith.constant 0 : i32
          %dma_start3A_49 = arith.constant 0 : i32
          %dma_start3A_50 = tpu.memref_slice %arg5[%dma_start3A, %dma_start3A_49] : memref<10000x128xf32, #tpu.memory_space<hbm>> -> memref<10000x128xf32, #tpu.memory_space<hbm>>
          tpu.enqueue_indirect_dma source(%dma_start3A_50 : memref<10000x128xf32, #tpu.memory_space<hbm>>) target(%arg11 : memref<64x128xf32, #tpu.memory_space<vmem>>) offsets(%arg9 : memref<64xi32, #tpu.memory_space<vmem>>) semaphore(%run_scoped3A : memref<!tpu.dma_semaphore, #tpu.memory_space<semaphore_mem>>)
          %dma_wait3A = arith.constant 0 : i32
          %dma_wait3A_51 = arith.constant 0 : i32
          %dma_wait3A_52 = tpu.memref_slice %arg5[%dma_wait3A, %dma_wait3A_51] : memref<10000x128xf32, #tpu.memory_space<hbm>> -> memref<10000x128xf32, #tpu.memory_space<hbm>>
          tpu.wait_indirect_dma semaphore(%run_scoped3A : memref<!tpu.dma_semaphore, #tpu.memory_space<semaphore_mem>>) src(%dma_wait3A_52 : memref<10000x128xf32, #tpu.memory_space<hbm>>) dst(%arg11 : memref<64x128xf32, #tpu.memory_space<vmem>>)
          tpu.yield
        }) : () -> ()
        "tpu.region"() ({
          %run_scoped3A = tpu.sem_alloc : memref<!tpu.dma_semaphore, #tpu.memory_space<semaphore_mem>>
          %dma_start3A = arith.constant 0 : i32
          %dma_start3A_49 = tpu.memref_slice %arg6[%mul3A_43, %dma_start3A] : memref<320000x16xf32, #tpu.memory_space<hbm>> -> memref<64x16xf32, #tpu.memory_space<hbm>>
          %dma_start3A_50 = arith.constant 0 : i32
          %dma_start3A_51 = tpu.memref_slice %arg6[%mul3A_43, %dma_start3A_50] : memref<320000x16xf32, #tpu.memory_space<hbm>> -> memref<64x16xf32, #tpu.memory_space<hbm>>
          tpu.enqueue_dma source(%dma_start3A_51 : memref<64x16xf32, #tpu.memory_space<hbm>>) target(%arg12 : memref<64x16xf32, #tpu.memory_space<vmem>>) target_semaphore(%run_scoped3A : memref<!tpu.dma_semaphore, #tpu.memory_space<semaphore_mem>>)
          %dma_wait3A = arith.constant 0 : i32
          %dma_wait3A_52 = tpu.memref_slice %arg6[%mul3A_43, %dma_wait3A] : memref<320000x16xf32, #tpu.memory_space<hbm>> -> memref<64x16xf32, #tpu.memory_space<hbm>>
          %dma_wait3A_53 = arith.constant 0 : i32
          %dma_wait3A_54 = tpu.memref_slice %arg6[%mul3A_43, %dma_wait3A_53] : memref<320000x16xf32, #tpu.memory_space<hbm>> -> memref<64x16xf32, #tpu.memory_space<hbm>>
          tpu.wait_dma2 semaphore(%run_scoped3A : memref<!tpu.dma_semaphore, #tpu.memory_space<semaphore_mem>>) src(%dma_wait3A_54 : memref<64x16xf32, #tpu.memory_space<hbm>>) dst(%arg12 : memref<64x16xf32, #tpu.memory_space<vmem>>)
          tpu.yield
        }) : () -> ()
        %scan3A_44 = arith.constant 0 : i32
        %scan3A_45 = arith.constant 64 : i32
        %scan3A_46 = arith.addi %scan3A_44, %scan3A_45 : i32
        %scan3A_47 = arith.constant 1 : i32
        scf.for %scan3A_49 = %scan3A_44 to %scan3A_46 step %scan3A_47  : i32 {
          %mul3A_50 = arith.constant 1 : i32
          %mul3A_51 = arith.muli %scan3A_49, %mul3A_50 : i32
          %add3A_52 = arith.constant 0 : i32
          %add3A_53 = arith.addi %add3A_52, %mul3A_51 : i32
          %get3A = arith.index_cast %add3A_53 : i32 to index
          %get3A_54 = arith.constant 64 : index
          %get3A_55 = tpu.vector_load %arg10[%get3A, %get3A_54] {strides = array<i32>} : memref<64x128xf32, #tpu.memory_space<vmem>>, vector<16xf32>,
          %get3A_56 = arith.index_cast %add3A_53 : i32 to index
          %get3A_57 = arith.constant 0 : index
          %get3A_58 = tpu.vector_load %arg11[%get3A_56, %get3A_57] {strides = array<i32>} : memref<64x128xf32, #tpu.memory_space<vmem>>, vector<16xf32>,
          %add3A_59 = arith.addf %get3A_55, %get3A_58 : vector<16xf32>
          %get3A_60 = arith.index_cast %add3A_53 : i32 to index
          %get3A_61 = arith.constant 0 : index
          %get3A_62 = tpu.vector_load %arg12[%get3A_60, %get3A_61] {strides = array<i32>} : memref<64x16xf32, #tpu.memory_space<vmem>>, vector<16xf32>,
          %add3A_63 = arith.addf %add3A_59, %get3A_62 : vector<16xf32>
          %mul3A_64 = arith.constant 2.000000e-01 : f32
          %mul3A_65 = vector.broadcast %mul3A_64 : f32 to vector<16xf32>
          %mul3A_66 = arith.mulf %mul3A_65, %add3A_63 : vector<16xf32>
          %max3A = arith.maximumf %add3A_63, %mul3A_66 : vector<16xf32>
          %exp3A = math.exp %max3A : vector<16xf32>
          %swap3A = arith.index_cast %add3A_53 : i32 to index
          %swap3A_67 = arith.constant 64 : index
          %swap3A_68 = tpu.vector_load %arg13[%swap3A, %swap3A_67] {strides = array<i32>} : memref<64x128xf32, #tpu.memory_space<vmem>>, vector<16xf32>,
          tpu.vector_store %arg13[%swap3A, %swap3A_67], %exp3A {strides = array<i32>} : memref<64x128xf32, #tpu.memory_space<vmem>>, vector<16xf32>,
          %broadcast_in_dim3A_69 = vector.broadcast %add3A_53 : i32 to vector<16xi32>
          %gather3A = tpu.vector_load_idx %arg13[%broadcast_in_dim3A_69, %add3A_5] : memref<64x128xf32, #tpu.memory_space<vmem>>[vector<16xi32>, vector<16xi32>], vector<16xf32>,
          %get3A_70 = arith.index_cast %add3A_53 : i32 to index
          %get3A_71 = arith.constant 0 : index
          %get3A_72 = tpu.vector_load %arg10[%get3A_70, %get3A_71] {strides = array<i32>} : memref<64x128xf32, #tpu.memory_space<vmem>>, vector<16xf32>,
          %mul3A_73 = arith.mulf %get3A_72, %gather3A : vector<16xf32>
          %swap3A_74 = arith.index_cast %add3A_53 : i32 to index
          %swap3A_75 = arith.constant 0 : index
          %swap3A_76 = tpu.vector_load %arg13[%swap3A_74, %swap3A_75] {strides = array<i32>} : memref<64x128xf32, #tpu.memory_space<vmem>>, vector<16xf32>,
          tpu.vector_store %arg13[%swap3A_74, %swap3A_75], %mul3A_73 {strides = array<i32>} : memref<64x128xf32, #tpu.memory_space<vmem>>, vector<16xf32>,
          %get3A_77 = arith.index_cast %add3A_53 : i32 to index
          %get3A_78 = arith.constant 16 : index
          %get3A_79 = tpu.vector_load %arg10[%get3A_77, %get3A_78] {strides = array<i32>} : memref<64x128xf32, #tpu.memory_space<vmem>>, vector<16xf32>,
          %mul3A_80 = arith.mulf %get3A_79, %gather3A : vector<16xf32>
          %swap3A_81 = arith.index_cast %add3A_53 : i32 to index
          %swap3A_82 = arith.constant 16 : index
          %swap3A_83 = tpu.vector_load %arg13[%swap3A_81, %swap3A_82] {strides = array<i32>} : memref<64x128xf32, #tpu.memory_space<vmem>>, vector<16xf32>,
          tpu.vector_store %arg13[%swap3A_81, %swap3A_82], %mul3A_80 {strides = array<i32>} : memref<64x128xf32, #tpu.memory_space<vmem>>, vector<16xf32>,
          %get3A_84 = arith.index_cast %add3A_53 : i32 to index
          %get3A_85 = arith.constant 32 : index
          %get3A_86 = tpu.vector_load %arg10[%get3A_84, %get3A_85] {strides = array<i32>} : memref<64x128xf32, #tpu.memory_space<vmem>>, vector<16xf32>,
          %mul3A_87 = arith.mulf %get3A_86, %gather3A : vector<16xf32>
          %swap3A_88 = arith.index_cast %add3A_53 : i32 to index
          %swap3A_89 = arith.constant 32 : index
          %swap3A_90 = tpu.vector_load %arg13[%swap3A_88, %swap3A_89] {strides = array<i32>} : memref<64x128xf32, #tpu.memory_space<vmem>>, vector<16xf32>,
          tpu.vector_store %arg13[%swap3A_88, %swap3A_89], %mul3A_87 {strides = array<i32>} : memref<64x128xf32, #tpu.memory_space<vmem>>, vector<16xf32>,
          %get3A_91 = arith.index_cast %add3A_53 : i32 to index
          %get3A_92 = arith.constant 48 : index
          %get3A_93 = tpu.vector_load %arg10[%get3A_91, %get3A_92] {strides = array<i32>} : memref<64x128xf32, #tpu.memory_space<vmem>>, vector<16xf32>,
          %mul3A_94 = arith.mulf %get3A_93, %gather3A : vector<16xf32>
          %swap3A_95 = arith.index_cast %add3A_53 : i32 to index
          %swap3A_96 = arith.constant 48 : index
          %swap3A_97 = tpu.vector_load %arg13[%swap3A_95, %swap3A_96] {strides = array<i32>} : memref<64x128xf32, #tpu.memory_space<vmem>>, vector<16xf32>,
          tpu.vector_store %arg13[%swap3A_95, %swap3A_96], %mul3A_94 {strides = array<i32>} : memref<64x128xf32, #tpu.memory_space<vmem>>, vector<16xf32>,
        }
        %scan3A_48 = arith.constant 64 : i32
        "tpu.region"() ({
          %run_scoped3A = tpu.sem_alloc : memref<!tpu.dma_semaphore, #tpu.memory_space<semaphore_mem>>
          %dma_start3A = arith.constant 0 : i32
          %dma_start3A_49 = arith.constant 0 : i32
          %dma_start3A_50 = tpu.memref_slice %arg15[%dma_start3A, %dma_start3A_49] : memref<10000x128xf32, #tpu.memory_space<vmem_shared>> -> memref<10000x128xf32, #tpu.memory_space<vmem_shared>>
          tpu.enqueue_indirect_dma source(%arg13 : memref<64x128xf32, #tpu.memory_space<vmem>>) target(%dma_start3A_50 : memref<10000x128xf32, #tpu.memory_space<vmem_shared>>) offsets(%arg9 : memref<64xi32, #tpu.memory_space<vmem>>) semaphore(%run_scoped3A : memref<!tpu.dma_semaphore, #tpu.memory_space<semaphore_mem>>) {add = true}
          %dma_wait3A = arith.constant 0 : i32
          %dma_wait3A_51 = arith.constant 0 : i32
          %dma_wait3A_52 = tpu.memref_slice %arg15[%dma_wait3A, %dma_wait3A_51] : memref<10000x128xf32, #tpu.memory_space<vmem_shared>> -> memref<10000x128xf32, #tpu.memory_space<vmem_shared>>
          tpu.wait_indirect_dma semaphore(%run_scoped3A : memref<!tpu.dma_semaphore, #tpu.memory_space<semaphore_mem>>) src(%arg13 : memref<64x128xf32, #tpu.memory_space<vmem>>) dst(%dma_wait3A_52 : memref<10000x128xf32, #tpu.memory_space<vmem_shared>>)
          tpu.yield
        }) : () -> ()
      } else {
      }
    }
    %scan3A_25 = arith.constant 157 : i32
    %barrier3A_26 = arith.constant 0 : index
    tpu.barrier barrier_id(%barrier3A_26)
    %scan3A_27 = arith.constant 0 : i32
    %scan3A_28 = arith.constant 16 : i32
    %scan3A_29 = arith.addi %scan3A_27, %scan3A_28 : i32
    %scan3A_30 = arith.constant 1 : i32
    scf.for %scan3A_32 = %scan3A_27 to %scan3A_29 step %scan3A_30  : i32 {
      %mul3A_33 = arith.constant 1 : i32
      %mul3A_34 = arith.muli %scan3A_32, %mul3A_33 : i32
      %add3A_35 = arith.constant 0 : i32
      %add3A_36 = arith.addi %add3A_35, %mul3A_34 : i32
      %mul3A_37 = arith.constant 16 : i32
      %mul3A_38 = arith.muli %add3A_36, %mul3A_37 : i32
      %add3A_39 = arith.addi %mul3A_38, %arg1 : i32
      %lt3A = arith.constant 250 : i32
      %lt3A_40 = arith.cmpi slt, %add3A_39, %lt3A : i32
      %convert_element_type3A = arith.extui %lt3A_40 : i1 to i32
      %cond3A = arith.constant 0 : i32
      %cond3A_41 = arith.cmpi ne, %convert_element_type3A, %cond3A : i32
      scf.if %cond3A_41 {
        %mul3A_42 = arith.constant 40 : i32
        %mul3A_43 = arith.muli %add3A_39, %mul3A_42 : i32
        "tpu.region"() ({
          %run_scoped3A = tpu.sem_alloc : memref<!tpu.dma_semaphore, #tpu.memory_space<semaphore_mem>>
          %dma_start3A = arith.constant 0 : i32
          %dma_start3A_44 = tpu.memref_slice %arg7[%arg0, %mul3A_43, %dma_start3A] : memref<2x10000x128xf32, #tpu.memory_space<hbm>> -> memref<1x40x128xf32, #tpu.memory_space<hbm>>
          %dma_start3A_45 = tpu.memref_squeeze %dma_start3A_44 : memref<1x40x128xf32, #tpu.memory_space<hbm>> -> memref<40x128xf32, #tpu.memory_space<hbm>>
          %dma_start3A_46 = arith.constant 0 : i32
          %dma_start3A_47 = tpu.memref_slice %arg15[%mul3A_43, %dma_start3A_46] : memref<10000x128xf32, #tpu.memory_space<vmem_shared>> -> memref<40x128xf32, #tpu.memory_space<vmem_shared>>
          tpu.enqueue_dma source(%dma_start3A_47 : memref<40x128xf32, #tpu.memory_space<vmem_shared>>) target(%dma_start3A_45 : memref<40x128xf32, #tpu.memory_space<hbm>>) target_semaphore(%run_scoped3A : memref<!tpu.dma_semaphore, #tpu.memory_space<semaphore_mem>>)
          %dma_wait3A = arith.constant 0 : i32
          %dma_wait3A_48 = tpu.memref_slice %arg7[%arg0, %mul3A_43, %dma_wait3A] : memref<2x10000x128xf32, #tpu.memory_space<hbm>> -> memref<1x40x128xf32, #tpu.memory_space<hbm>>
          %dma_wait3A_49 = tpu.memref_squeeze %dma_wait3A_48 : memref<1x40x128xf32, #tpu.memory_space<hbm>> -> memref<40x128xf32, #tpu.memory_space<hbm>>
          %dma_wait3A_50 = arith.constant 0 : i32
          %dma_wait3A_51 = tpu.memref_slice %arg15[%mul3A_43, %dma_wait3A_50] : memref<10000x128xf32, #tpu.memory_space<vmem_shared>> -> memref<40x128xf32, #tpu.memory_space<vmem_shared>>
          tpu.wait_dma2 semaphore(%run_scoped3A : memref<!tpu.dma_semaphore, #tpu.memory_space<semaphore_mem>>) src(%dma_wait3A_51 : memref<40x128xf32, #tpu.memory_space<vmem_shared>>) dst(%dma_wait3A_49 : memref<40x128xf32, #tpu.memory_space<hbm>>)
          tpu.yield
        }) : () -> ()
      } else {
      }
    }
    %scan3A_31 = arith.constant 16 : i32
    return
  }
}

#map = affine_map<(d0, d1) -> (0)>
#map1 = affine_map<(d0, d1) -> (0, 0)>
#map2 = affine_map<(d0, d1) -> (0, 0, 0)>
module attributes {stable_mosaic.version = 14 : i64} {
  func.func @sc_conv(%arg0: i32, %arg1: i32, %arg2: memref<320000xi32, #tpu.memory_space<hbm>>, %arg3: memref<320000xi32, #tpu.memory_space<hbm>>, %arg4: memref<10000x128xf32, #tpu.memory_space<hbm>>, %arg5: memref<10000x128xf32, #tpu.memory_space<hbm>>, %arg6: memref<320000x16xf32, #tpu.memory_space<hbm>>, %arg7: memref<2x10000x128xf32, #tpu.memory_space<hbm>>, %arg8: memref<64xi32, #tpu.memory_space<vmem>>, %arg9: memref<64xi32, #tpu.memory_space<vmem>>, %arg10: memref<64x128xf32, #tpu.memory_space<vmem>>, %arg11: memref<64x128xf32, #tpu.memory_space<vmem>>, %arg12: memref<64x16xf32, #tpu.memory_space<vmem>>, %arg13: memref<64x128xf32, #tpu.memory_space<vmem>>, %arg14: memref<40x128xf32, #tpu.memory_space<vmem>>, %arg15: memref<10000x128xf32, #tpu.memory_space<vmem_shared>>) attributes {dimension_semantics = [#tpu.dimension_semantics<core_parallel>, #tpu.dimension_semantics<subcore_parallel>], iteration_bounds = array<i64: 2, 16>, scalar_prefetch = 0 : i64, scratch_operands = 8 : i64, tpu.core_type = #tpu.core_type<sc_vector_subcore>, window_params = [{transform_indices = #map}, {transform_indices = #map}, {transform_indices = #map1}, {transform_indices = #map1}, {transform_indices = #map1}, {transform_indices = #map2}]} {
    %mul3A = arith.constant 2 : i32
    %mul3A_0 = arith.muli %arg1, %mul3A : i32
    %add3A = arith.addi %mul3A_0, %arg0 : i32
    %iota3A = tpu.iota {dimensions = array<i32: 0>} : vector<16xi32>
    %and3A = arith.constant 3 : i32
    %and3A_1 = vector.broadcast %and3A : i32 to vector<16xi32>
    %and3A_2 = arith.andi %iota3A, %and3A_1 : vector<16xi32>
    %add3A_3 = arith.constant 76 : i32
    %add3A_4 = vector.broadcast %add3A_3 : i32 to vector<16xi32>
    %add3A_5 = arith.addi %and3A_2, %add3A_4 : vector<16xi32>
    %broadcast_in_dim3A = arith.constant 0.000000e+00 : f32
    %broadcast_in_dim3A_6 = vector.broadcast %broadcast_in_dim3A : f32 to vector<16xf32>
    %scan3A = arith.constant 0 : i32
    %scan3A_7 = arith.constant 40 : i32
    %scan3A_8 = arith.addi %scan3A, %scan3A_7 : i32
    %scan3A_9 = arith.constant 1 : i32
    scf.for %scan3A_32 = %scan3A to %scan3A_8 step %scan3A_9  : i32 {
      %mul3A_33 = arith.constant 1 : i32
      %mul3A_34 = arith.muli %scan3A_32, %mul3A_33 : i32
      %add3A_35 = arith.constant 0 : i32
      %add3A_36 = arith.addi %add3A_35, %mul3A_34 : i32
      %swap3A = arith.index_cast %add3A_36 : i32 to index
      %swap3A_37 = arith.constant 0 : index
      %swap3A_38 = tpu.vector_load %arg14[%swap3A, %swap3A_37] {strides = array<i32>} : memref<40x128xf32, #tpu.memory_space<vmem>>, vector<16xf32>,
      tpu.vector_store %arg14[%swap3A, %swap3A_37], %broadcast_in_dim3A_6 {strides = array<i32>} : memref<40x128xf32, #tpu.memory_space<vmem>>, vector<16xf32>,
      %swap3A_39 = arith.index_cast %add3A_36 : i32 to index
      %swap3A_40 = arith.constant 16 : index
      %swap3A_41 = tpu.vector_load %arg14[%swap3A_39, %swap3A_40] {strides = array<i32>} : memref<40x128xf32, #tpu.memory_space<vmem>>, vector<16xf32>,
      tpu.vector_store %arg14[%swap3A_39, %swap3A_40], %broadcast_in_dim3A_6 {strides = array<i32>} : memref<40x128xf32, #tpu.memory_space<vmem>>, vector<16xf32>,
      %swap3A_42 = arith.index_cast %add3A_36 : i32 to index
      %swap3A_43 = arith.constant 32 : index
      %swap3A_44 = tpu.vector_load %arg14[%swap3A_42, %swap3A_43] {strides = array<i32>} : memref<40x128xf32, #tpu.memory_space<vmem>>, vector<16xf32>,
      tpu.vector_store %arg14[%swap3A_42, %swap3A_43], %broadcast_in_dim3A_6 {strides = array<i32>} : memref<40x128xf32, #tpu.memory_space<vmem>>, vector<16xf32>,
      %swap3A_45 = arith.index_cast %add3A_36 : i32 to index
      %swap3A_46 = arith.constant 48 : index
      %swap3A_47 = tpu.vector_load %arg14[%swap3A_45, %swap3A_46] {strides = array<i32>} : memref<40x128xf32, #tpu.memory_space<vmem>>, vector<16xf32>,
      tpu.vector_store %arg14[%swap3A_45, %swap3A_46], %broadcast_in_dim3A_6 {strides = array<i32>} : memref<40x128xf32, #tpu.memory_space<vmem>>, vector<16xf32>,
      %swap3A_48 = arith.index_cast %add3A_36 : i32 to index
      %swap3A_49 = arith.constant 64 : index
      %swap3A_50 = tpu.vector_load %arg14[%swap3A_48, %swap3A_49] {strides = array<i32>} : memref<40x128xf32, #tpu.memory_space<vmem>>, vector<16xf32>,
      tpu.vector_store %arg14[%swap3A_48, %swap3A_49], %broadcast_in_dim3A_6 {strides = array<i32>} : memref<40x128xf32, #tpu.memory_space<vmem>>, vector<16xf32>,
      %swap3A_51 = arith.index_cast %add3A_36 : i32 to index
      %swap3A_52 = arith.constant 80 : index
      %swap3A_53 = tpu.vector_load %arg14[%swap3A_51, %swap3A_52] {strides = array<i32>} : memref<40x128xf32, #tpu.memory_space<vmem>>, vector<16xf32>,
      tpu.vector_store %arg14[%swap3A_51, %swap3A_52], %broadcast_in_dim3A_6 {strides = array<i32>} : memref<40x128xf32, #tpu.memory_space<vmem>>, vector<16xf32>,
      %swap3A_54 = arith.index_cast %add3A_36 : i32 to index
      %swap3A_55 = arith.constant 96 : index
      %swap3A_56 = tpu.vector_load %arg14[%swap3A_54, %swap3A_55] {strides = array<i32>} : memref<40x128xf32, #tpu.memory_space<vmem>>, vector<16xf32>,
      tpu.vector_store %arg14[%swap3A_54, %swap3A_55], %broadcast_in_dim3A_6 {strides = array<i32>} : memref<40x128xf32, #tpu.memory_space<vmem>>, vector<16xf32>,
      %swap3A_57 = arith.index_cast %add3A_36 : i32 to index
      %swap3A_58 = arith.constant 112 : index
      %swap3A_59 = tpu.vector_load %arg14[%swap3A_57, %swap3A_58] {strides = array<i32>} : memref<40x128xf32, #tpu.memory_space<vmem>>, vector<16xf32>,
      tpu.vector_store %arg14[%swap3A_57, %swap3A_58], %broadcast_in_dim3A_6 {strides = array<i32>} : memref<40x128xf32, #tpu.memory_space<vmem>>, vector<16xf32>,
    }
    %scan3A_10 = arith.constant 40 : i32
    %scan3A_11 = arith.constant 0 : i32
    %scan3A_12 = arith.constant 64 : i32
    %scan3A_13 = arith.addi %scan3A_11, %scan3A_12 : i32
    %scan3A_14 = arith.constant 1 : i32
    scf.for %scan3A_32 = %scan3A_11 to %scan3A_13 step %scan3A_14  : i32 {
      %mul3A_33 = arith.constant 1 : i32
      %mul3A_34 = arith.muli %scan3A_32, %mul3A_33 : i32
      %add3A_35 = arith.constant 0 : i32
      %add3A_36 = arith.addi %add3A_35, %mul3A_34 : i32
      %swap3A = arith.index_cast %add3A_36 : i32 to index
      %swap3A_37 = arith.constant 0 : index
      %swap3A_38 = tpu.vector_load %arg13[%swap3A, %swap3A_37] {strides = array<i32>} : memref<64x128xf32, #tpu.memory_space<vmem>>, vector<16xf32>,
      tpu.vector_store %arg13[%swap3A, %swap3A_37], %broadcast_in_dim3A_6 {strides = array<i32>} : memref<64x128xf32, #tpu.memory_space<vmem>>, vector<16xf32>,
      %swap3A_39 = arith.index_cast %add3A_36 : i32 to index
      %swap3A_40 = arith.constant 16 : index
      %swap3A_41 = tpu.vector_load %arg13[%swap3A_39, %swap3A_40] {strides = array<i32>} : memref<64x128xf32, #tpu.memory_space<vmem>>, vector<16xf32>,
      tpu.vector_store %arg13[%swap3A_39, %swap3A_40], %broadcast_in_dim3A_6 {strides = array<i32>} : memref<64x128xf32, #tpu.memory_space<vmem>>, vector<16xf32>,
      %swap3A_42 = arith.index_cast %add3A_36 : i32 to index
      %swap3A_43 = arith.constant 32 : index
      %swap3A_44 = tpu.vector_load %arg13[%swap3A_42, %swap3A_43] {strides = array<i32>} : memref<64x128xf32, #tpu.memory_space<vmem>>, vector<16xf32>,
      tpu.vector_store %arg13[%swap3A_42, %swap3A_43], %broadcast_in_dim3A_6 {strides = array<i32>} : memref<64x128xf32, #tpu.memory_space<vmem>>, vector<16xf32>,
      %swap3A_45 = arith.index_cast %add3A_36 : i32 to index
      %swap3A_46 = arith.constant 48 : index
      %swap3A_47 = tpu.vector_load %arg13[%swap3A_45, %swap3A_46] {strides = array<i32>} : memref<64x128xf32, #tpu.memory_space<vmem>>, vector<16xf32>,
      tpu.vector_store %arg13[%swap3A_45, %swap3A_46], %broadcast_in_dim3A_6 {strides = array<i32>} : memref<64x128xf32, #tpu.memory_space<vmem>>, vector<16xf32>,
      %swap3A_48 = arith.index_cast %add3A_36 : i32 to index
      %swap3A_49 = arith.constant 64 : index
      %swap3A_50 = tpu.vector_load %arg13[%swap3A_48, %swap3A_49] {strides = array<i32>} : memref<64x128xf32, #tpu.memory_space<vmem>>, vector<16xf32>,
      tpu.vector_store %arg13[%swap3A_48, %swap3A_49], %broadcast_in_dim3A_6 {strides = array<i32>} : memref<64x128xf32, #tpu.memory_space<vmem>>, vector<16xf32>,
      %swap3A_51 = arith.index_cast %add3A_36 : i32 to index
      %swap3A_52 = arith.constant 80 : index
      %swap3A_53 = tpu.vector_load %arg13[%swap3A_51, %swap3A_52] {strides = array<i32>} : memref<64x128xf32, #tpu.memory_space<vmem>>, vector<16xf32>,
      tpu.vector_store %arg13[%swap3A_51, %swap3A_52], %broadcast_in_dim3A_6 {strides = array<i32>} : memref<64x128xf32, #tpu.memory_space<vmem>>, vector<16xf32>,
      %swap3A_54 = arith.index_cast %add3A_36 : i32 to index
      %swap3A_55 = arith.constant 96 : index
      %swap3A_56 = tpu.vector_load %arg13[%swap3A_54, %swap3A_55] {strides = array<i32>} : memref<64x128xf32, #tpu.memory_space<vmem>>, vector<16xf32>,
      tpu.vector_store %arg13[%swap3A_54, %swap3A_55], %broadcast_in_dim3A_6 {strides = array<i32>} : memref<64x128xf32, #tpu.memory_space<vmem>>, vector<16xf32>,
      %swap3A_57 = arith.index_cast %add3A_36 : i32 to index
      %swap3A_58 = arith.constant 112 : index
      %swap3A_59 = tpu.vector_load %arg13[%swap3A_57, %swap3A_58] {strides = array<i32>} : memref<64x128xf32, #tpu.memory_space<vmem>>, vector<16xf32>,
      tpu.vector_store %arg13[%swap3A_57, %swap3A_58], %broadcast_in_dim3A_6 {strides = array<i32>} : memref<64x128xf32, #tpu.memory_space<vmem>>, vector<16xf32>,
    }
    %scan3A_15 = arith.constant 64 : i32
    %scan3A_16 = arith.constant 0 : i32
    %scan3A_17 = arith.constant 16 : i32
    %scan3A_18 = arith.addi %scan3A_16, %scan3A_17 : i32
    %scan3A_19 = arith.constant 1 : i32
    scf.for %scan3A_32 = %scan3A_16 to %scan3A_18 step %scan3A_19  : i32 {
      %mul3A_33 = arith.constant 1 : i32
      %mul3A_34 = arith.muli %scan3A_32, %mul3A_33 : i32
      %add3A_35 = arith.constant 0 : i32
      %add3A_36 = arith.addi %add3A_35, %mul3A_34 : i32
      %mul3A_37 = arith.constant 16 : i32
      %mul3A_38 = arith.muli %add3A_36, %mul3A_37 : i32
      %add3A_39 = arith.addi %mul3A_38, %arg1 : i32
      %lt3A = arith.constant 250 : i32
      %lt3A_40 = arith.cmpi slt, %add3A_39, %lt3A : i32
      %convert_element_type3A = arith.extui %lt3A_40 : i1 to i32
      %cond3A = arith.constant 0 : i32
      %cond3A_41 = arith.cmpi ne, %convert_element_type3A, %cond3A : i32
      scf.if %cond3A_41 {
        %mul3A_42 = arith.constant 40 : i32
        %mul3A_43 = arith.muli %add3A_39, %mul3A_42 : i32
        "tpu.region"() ({
          %run_scoped3A = tpu.sem_alloc : memref<!tpu.dma_semaphore, #tpu.memory_space<semaphore_mem>>
          %dma_start3A = arith.constant 0 : i32
          %dma_start3A_44 = tpu.memref_slice %arg15[%mul3A_43, %dma_start3A] : memref<10000x128xf32, #tpu.memory_space<vmem_shared>> -> memref<40x128xf32, #tpu.memory_space<vmem_shared>>
          %dma_start3A_45 = arith.constant 0 : i32
          %dma_start3A_46 = tpu.memref_slice %arg15[%mul3A_43, %dma_start3A_45] : memref<10000x128xf32, #tpu.memory_space<vmem_shared>> -> memref<40x128xf32, #tpu.memory_space<vmem_shared>>
          tpu.enqueue_dma source(%arg14 : memref<40x128xf32, #tpu.memory_space<vmem>>) target(%dma_start3A_46 : memref<40x128xf32, #tpu.memory_space<vmem_shared>>) target_semaphore(%run_scoped3A : memref<!tpu.dma_semaphore, #tpu.memory_space<semaphore_mem>>)
          %dma_wait3A = arith.constant 0 : i32
          %dma_wait3A_47 = tpu.memref_slice %arg15[%mul3A_43, %dma_wait3A] : memref<10000x128xf32, #tpu.memory_space<vmem_shared>> -> memref<40x128xf32, #tpu.memory_space<vmem_shared>>
          %dma_wait3A_48 = arith.constant 0 : i32
          %dma_wait3A_49 = tpu.memref_slice %arg15[%mul3A_43, %dma_wait3A_48] : memref<10000x128xf32, #tpu.memory_space<vmem_shared>> -> memref<40x128xf32, #tpu.memory_space<vmem_shared>>
          tpu.wait_dma2 semaphore(%run_scoped3A : memref<!tpu.dma_semaphore, #tpu.memory_space<semaphore_mem>>) src(%arg14 : memref<40x128xf32, #tpu.memory_space<vmem>>) dst(%dma_wait3A_49 : memref<40x128xf32, #tpu.memory_space<vmem_shared>>)
          tpu.yield
        }) : () -> ()
      } else {
      }
    }
    %scan3A_20 = arith.constant 16 : i32
    %barrier3A = arith.constant 0 : index
    tpu.barrier barrier_id(%barrier3A)
    %scan3A_21 = arith.constant 0 : i32
    %scan3A_22 = arith.constant 157 : i32
    %scan3A_23 = arith.addi %scan3A_21, %scan3A_22 : i32
    %scan3A_24 = arith.constant 1 : i32
    scf.for %scan3A_32 = %scan3A_21 to %scan3A_23 step %scan3A_24  : i32 {
      %mul3A_33 = arith.constant 1 : i32
      %mul3A_34 = arith.muli %scan3A_32, %mul3A_33 : i32
      %add3A_35 = arith.constant 0 : i32
      %add3A_36 = arith.addi %add3A_35, %mul3A_34 : i32
      %mul3A_37 = arith.constant 32 : i32
      %mul3A_38 = arith.muli %add3A_36, %mul3A_37 : i32
      %add3A_39 = arith.addi %mul3A_38, %add3A : i32
      %lt3A = arith.constant 5000 : i32
      %lt3A_40 = arith.cmpi slt, %add3A_39, %lt3A : i32
      %convert_element_type3A = arith.extui %lt3A_40 : i1 to i32
      %cond3A = arith.constant 0 : i32
      %cond3A_41 = arith.cmpi ne, %convert_element_type3A, %cond3A : i32
      scf.if %cond3A_41 {
        %mul3A_42 = arith.constant 64 : i32
        %mul3A_43 = arith.muli %add3A_39, %mul3A_42 : i32
        "tpu.region"() ({
          %run_scoped3A = tpu.sem_alloc : memref<!tpu.dma_semaphore, #tpu.memory_space<semaphore_mem>>
          %dma_start3A = tpu.memref_slice %arg2[%mul3A_43] : memref<320000xi32, #tpu.memory_space<hbm>> -> memref<64xi32, #tpu.memory_space<hbm>>
          %dma_start3A_49 = tpu.memref_slice %arg2[%mul3A_43] : memref<320000xi32, #tpu.memory_space<hbm>> -> memref<64xi32, #tpu.memory_space<hbm>>
          tpu.enqueue_dma source(%dma_start3A_49 : memref<64xi32, #tpu.memory_space<hbm>>) target(%arg8 : memref<64xi32, #tpu.memory_space<vmem>>) target_semaphore(%run_scoped3A : memref<!tpu.dma_semaphore, #tpu.memory_space<semaphore_mem>>)
          %dma_wait3A = tpu.memref_slice %arg2[%mul3A_43] : memref<320000xi32, #tpu.memory_space<hbm>> -> memref<64xi32, #tpu.memory_space<hbm>>
          %dma_wait3A_50 = tpu.memref_slice %arg2[%mul3A_43] : memref<320000xi32, #tpu.memory_space<hbm>> -> memref<64xi32, #tpu.memory_space<hbm>>
          tpu.wait_dma2 semaphore(%run_scoped3A : memref<!tpu.dma_semaphore, #tpu.memory_space<semaphore_mem>>) src(%dma_wait3A_50 : memref<64xi32, #tpu.memory_space<hbm>>) dst(%arg8 : memref<64xi32, #tpu.memory_space<vmem>>)
          tpu.yield
        }) : () -> ()
        "tpu.region"() ({
          %run_scoped3A = tpu.sem_alloc : memref<!tpu.dma_semaphore, #tpu.memory_space<semaphore_mem>>
          %dma_start3A = tpu.memref_slice %arg3[%mul3A_43] : memref<320000xi32, #tpu.memory_space<hbm>> -> memref<64xi32, #tpu.memory_space<hbm>>
          %dma_start3A_49 = tpu.memref_slice %arg3[%mul3A_43] : memref<320000xi32, #tpu.memory_space<hbm>> -> memref<64xi32, #tpu.memory_space<hbm>>
          tpu.enqueue_dma source(%dma_start3A_49 : memref<64xi32, #tpu.memory_space<hbm>>) target(%arg9 : memref<64xi32, #tpu.memory_space<vmem>>) target_semaphore(%run_scoped3A : memref<!tpu.dma_semaphore, #tpu.memory_space<semaphore_mem>>)
          %dma_wait3A = tpu.memref_slice %arg3[%mul3A_43] : memref<320000xi32, #tpu.memory_space<hbm>> -> memref<64xi32, #tpu.memory_space<hbm>>
          %dma_wait3A_50 = tpu.memref_slice %arg3[%mul3A_43] : memref<320000xi32, #tpu.memory_space<hbm>> -> memref<64xi32, #tpu.memory_space<hbm>>
          tpu.wait_dma2 semaphore(%run_scoped3A : memref<!tpu.dma_semaphore, #tpu.memory_space<semaphore_mem>>) src(%dma_wait3A_50 : memref<64xi32, #tpu.memory_space<hbm>>) dst(%arg9 : memref<64xi32, #tpu.memory_space<vmem>>)
          tpu.yield
        }) : () -> ()
        "tpu.region"() ({
          %run_scoped3A = tpu.sem_alloc : memref<!tpu.dma_semaphore, #tpu.memory_space<semaphore_mem>>
          %dma_start3A = arith.constant 0 : i32
          %dma_start3A_49 = arith.constant 0 : i32
          %dma_start3A_50 = tpu.memref_slice %arg4[%dma_start3A, %dma_start3A_49] : memref<10000x128xf32, #tpu.memory_space<hbm>> -> memref<10000x128xf32, #tpu.memory_space<hbm>>
          tpu.enqueue_indirect_dma source(%dma_start3A_50 : memref<10000x128xf32, #tpu.memory_space<hbm>>) target(%arg10 : memref<64x128xf32, #tpu.memory_space<vmem>>) offsets(%arg8 : memref<64xi32, #tpu.memory_space<vmem>>) semaphore(%run_scoped3A : memref<!tpu.dma_semaphore, #tpu.memory_space<semaphore_mem>>)
          %dma_wait3A = arith.constant 0 : i32
          %dma_wait3A_51 = arith.constant 0 : i32
          %dma_wait3A_52 = tpu.memref_slice %arg4[%dma_wait3A, %dma_wait3A_51] : memref<10000x128xf32, #tpu.memory_space<hbm>> -> memref<10000x128xf32, #tpu.memory_space<hbm>>
          tpu.wait_indirect_dma semaphore(%run_scoped3A : memref<!tpu.dma_semaphore, #tpu.memory_space<semaphore_mem>>) src(%dma_wait3A_52 : memref<10000x128xf32, #tpu.memory_space<hbm>>) dst(%arg10 : memref<64x128xf32, #tpu.memory_space<vmem>>)
          tpu.yield
        }) : () -> ()
        "tpu.region"() ({
          %run_scoped3A = tpu.sem_alloc : memref<!tpu.dma_semaphore, #tpu.memory_space<semaphore_mem>>
          %dma_start3A = arith.constant 0 : i32
          %dma_start3A_49 = arith.constant 0 : i32
          %dma_start3A_50 = tpu.memref_slice %arg5[%dma_start3A, %dma_start3A_49] : memref<10000x128xf32, #tpu.memory_space<hbm>> -> memref<10000x128xf32, #tpu.memory_space<hbm>>
          tpu.enqueue_indirect_dma source(%dma_start3A_50 : memref<10000x128xf32, #tpu.memory_space<hbm>>) target(%arg11 : memref<64x128xf32, #tpu.memory_space<vmem>>) offsets(%arg9 : memref<64xi32, #tpu.memory_space<vmem>>) semaphore(%run_scoped3A : memref<!tpu.dma_semaphore, #tpu.memory_space<semaphore_mem>>)
          %dma_wait3A = arith.constant 0 : i32
          %dma_wait3A_51 = arith.constant 0 : i32
          %dma_wait3A_52 = tpu.memref_slice %arg5[%dma_wait3A, %dma_wait3A_51] : memref<10000x128xf32, #tpu.memory_space<hbm>> -> memref<10000x128xf32, #tpu.memory_space<hbm>>
          tpu.wait_indirect_dma semaphore(%run_scoped3A : memref<!tpu.dma_semaphore, #tpu.memory_space<semaphore_mem>>) src(%dma_wait3A_52 : memref<10000x128xf32, #tpu.memory_space<hbm>>) dst(%arg11 : memref<64x128xf32, #tpu.memory_space<vmem>>)
          tpu.yield
        }) : () -> ()
        "tpu.region"() ({
          %run_scoped3A = tpu.sem_alloc : memref<!tpu.dma_semaphore, #tpu.memory_space<semaphore_mem>>
          %dma_start3A = arith.constant 0 : i32
          %dma_start3A_49 = tpu.memref_slice %arg6[%mul3A_43, %dma_start3A] : memref<320000x16xf32, #tpu.memory_space<hbm>> -> memref<64x16xf32, #tpu.memory_space<hbm>>
          %dma_start3A_50 = arith.constant 0 : i32
          %dma_start3A_51 = tpu.memref_slice %arg6[%mul3A_43, %dma_start3A_50] : memref<320000x16xf32, #tpu.memory_space<hbm>> -> memref<64x16xf32, #tpu.memory_space<hbm>>
          tpu.enqueue_dma source(%dma_start3A_51 : memref<64x16xf32, #tpu.memory_space<hbm>>) target(%arg12 : memref<64x16xf32, #tpu.memory_space<vmem>>) target_semaphore(%run_scoped3A : memref<!tpu.dma_semaphore, #tpu.memory_space<semaphore_mem>>)
          %dma_wait3A = arith.constant 0 : i32
          %dma_wait3A_52 = tpu.memref_slice %arg6[%mul3A_43, %dma_wait3A] : memref<320000x16xf32, #tpu.memory_space<hbm>> -> memref<64x16xf32, #tpu.memory_space<hbm>>
          %dma_wait3A_53 = arith.constant 0 : i32
          %dma_wait3A_54 = tpu.memref_slice %arg6[%mul3A_43, %dma_wait3A_53] : memref<320000x16xf32, #tpu.memory_space<hbm>> -> memref<64x16xf32, #tpu.memory_space<hbm>>
          tpu.wait_dma2 semaphore(%run_scoped3A : memref<!tpu.dma_semaphore, #tpu.memory_space<semaphore_mem>>) src(%dma_wait3A_54 : memref<64x16xf32, #tpu.memory_space<hbm>>) dst(%arg12 : memref<64x16xf32, #tpu.memory_space<vmem>>)
          tpu.yield
        }) : () -> ()
        %scan3A_44 = arith.constant 0 : i32
        %scan3A_45 = arith.constant 64 : i32
        %scan3A_46 = arith.addi %scan3A_44, %scan3A_45 : i32
        %scan3A_47 = arith.constant 1 : i32
        scf.for %scan3A_49 = %scan3A_44 to %scan3A_46 step %scan3A_47  : i32 {
          %mul3A_50 = arith.constant 1 : i32
          %mul3A_51 = arith.muli %scan3A_49, %mul3A_50 : i32
          %add3A_52 = arith.constant 0 : i32
          %add3A_53 = arith.addi %add3A_52, %mul3A_51 : i32
          %get3A = arith.index_cast %add3A_53 : i32 to index
          %get3A_54 = arith.constant 64 : index
          %get3A_55 = tpu.vector_load %arg10[%get3A, %get3A_54] {strides = array<i32>} : memref<64x128xf32, #tpu.memory_space<vmem>>, vector<16xf32>,
          %get3A_56 = arith.index_cast %add3A_53 : i32 to index
          %get3A_57 = arith.constant 0 : index
          %get3A_58 = tpu.vector_load %arg11[%get3A_56, %get3A_57] {strides = array<i32>} : memref<64x128xf32, #tpu.memory_space<vmem>>, vector<16xf32>,
          %add3A_59 = arith.addf %get3A_55, %get3A_58 : vector<16xf32>
          %get3A_60 = arith.index_cast %add3A_53 : i32 to index
          %get3A_61 = arith.constant 0 : index
          %get3A_62 = tpu.vector_load %arg12[%get3A_60, %get3A_61] {strides = array<i32>} : memref<64x16xf32, #tpu.memory_space<vmem>>, vector<16xf32>,
          %add3A_63 = arith.addf %add3A_59, %get3A_62 : vector<16xf32>
          %mul3A_64 = arith.constant 2.000000e-01 : f32
          %mul3A_65 = vector.broadcast %mul3A_64 : f32 to vector<16xf32>
          %mul3A_66 = arith.mulf %mul3A_65, %add3A_63 : vector<16xf32>
          %max3A = arith.maximumf %add3A_63, %mul3A_66 : vector<16xf32>
          %exp3A = math.exp %max3A : vector<16xf32>
          %swap3A = arith.index_cast %add3A_53 : i32 to index
          %swap3A_67 = arith.constant 64 : index
          %swap3A_68 = tpu.vector_load %arg13[%swap3A, %swap3A_67] {strides = array<i32>} : memref<64x128xf32, #tpu.memory_space<vmem>>, vector<16xf32>,
          tpu.vector_store %arg13[%swap3A, %swap3A_67], %exp3A {strides = array<i32>} : memref<64x128xf32, #tpu.memory_space<vmem>>, vector<16xf32>,
          %broadcast_in_dim3A_69 = vector.broadcast %add3A_53 : i32 to vector<16xi32>
          %gather3A = tpu.vector_load_idx %arg13[%broadcast_in_dim3A_69, %add3A_5] : memref<64x128xf32, #tpu.memory_space<vmem>>[vector<16xi32>, vector<16xi32>], vector<16xf32>,
          %get3A_70 = arith.index_cast %add3A_53 : i32 to index
          %get3A_71 = arith.constant 0 : index
          %get3A_72 = tpu.vector_load %arg10[%get3A_70, %get3A_71] {strides = array<i32>} : memref<64x128xf32, #tpu.memory_space<vmem>>, vector<16xf32>,
          %mul3A_73 = arith.mulf %get3A_72, %gather3A : vector<16xf32>
          %swap3A_74 = arith.index_cast %add3A_53 : i32 to index
          %swap3A_75 = arith.constant 0 : index
          %swap3A_76 = tpu.vector_load %arg13[%swap3A_74, %swap3A_75] {strides = array<i32>} : memref<64x128xf32, #tpu.memory_space<vmem>>, vector<16xf32>,
          tpu.vector_store %arg13[%swap3A_74, %swap3A_75], %mul3A_73 {strides = array<i32>} : memref<64x128xf32, #tpu.memory_space<vmem>>, vector<16xf32>,
          %get3A_77 = arith.index_cast %add3A_53 : i32 to index
          %get3A_78 = arith.constant 16 : index
          %get3A_79 = tpu.vector_load %arg10[%get3A_77, %get3A_78] {strides = array<i32>} : memref<64x128xf32, #tpu.memory_space<vmem>>, vector<16xf32>,
          %mul3A_80 = arith.mulf %get3A_79, %gather3A : vector<16xf32>
          %swap3A_81 = arith.index_cast %add3A_53 : i32 to index
          %swap3A_82 = arith.constant 16 : index
          %swap3A_83 = tpu.vector_load %arg13[%swap3A_81, %swap3A_82] {strides = array<i32>} : memref<64x128xf32, #tpu.memory_space<vmem>>, vector<16xf32>,
          tpu.vector_store %arg13[%swap3A_81, %swap3A_82], %mul3A_80 {strides = array<i32>} : memref<64x128xf32, #tpu.memory_space<vmem>>, vector<16xf32>,
          %get3A_84 = arith.index_cast %add3A_53 : i32 to index
          %get3A_85 = arith.constant 32 : index
          %get3A_86 = tpu.vector_load %arg10[%get3A_84, %get3A_85] {strides = array<i32>} : memref<64x128xf32, #tpu.memory_space<vmem>>, vector<16xf32>,
          %mul3A_87 = arith.mulf %get3A_86, %gather3A : vector<16xf32>
          %swap3A_88 = arith.index_cast %add3A_53 : i32 to index
          %swap3A_89 = arith.constant 32 : index
          %swap3A_90 = tpu.vector_load %arg13[%swap3A_88, %swap3A_89] {strides = array<i32>} : memref<64x128xf32, #tpu.memory_space<vmem>>, vector<16xf32>,
          tpu.vector_store %arg13[%swap3A_88, %swap3A_89], %mul3A_87 {strides = array<i32>} : memref<64x128xf32, #tpu.memory_space<vmem>>, vector<16xf32>,
          %get3A_91 = arith.index_cast %add3A_53 : i32 to index
          %get3A_92 = arith.constant 48 : index
          %get3A_93 = tpu.vector_load %arg10[%get3A_91, %get3A_92] {strides = array<i32>} : memref<64x128xf32, #tpu.memory_space<vmem>>, vector<16xf32>,
          %mul3A_94 = arith.mulf %get3A_93, %gather3A : vector<16xf32>
          %swap3A_95 = arith.index_cast %add3A_53 : i32 to index
          %swap3A_96 = arith.constant 48 : index
          %swap3A_97 = tpu.vector_load %arg13[%swap3A_95, %swap3A_96] {strides = array<i32>} : memref<64x128xf32, #tpu.memory_space<vmem>>, vector<16xf32>,
          tpu.vector_store %arg13[%swap3A_95, %swap3A_96], %mul3A_94 {strides = array<i32>} : memref<64x128xf32, #tpu.memory_space<vmem>>, vector<16xf32>,
        }
        %scan3A_48 = arith.constant 64 : i32
        "tpu.region"() ({
          %run_scoped3A = tpu.sem_alloc : memref<!tpu.dma_semaphore, #tpu.memory_space<semaphore_mem>>
          %dma_start3A = arith.constant 0 : i32
          %dma_start3A_49 = arith.constant 0 : i32
          %dma_start3A_50 = tpu.memref_slice %arg15[%dma_start3A, %dma_start3A_49] : memref<10000x128xf32, #tpu.memory_space<vmem_shared>> -> memref<10000x128xf32, #tpu.memory_space<vmem_shared>>
          tpu.enqueue_indirect_dma source(%arg13 : memref<64x128xf32, #tpu.memory_space<vmem>>) target(%dma_start3A_50 : memref<10000x128xf32, #tpu.memory_space<vmem_shared>>) offsets(%arg9 : memref<64xi32, #tpu.memory_space<vmem>>) semaphore(%run_scoped3A : memref<!tpu.dma_semaphore, #tpu.memory_space<semaphore_mem>>) {add = true}
          %dma_wait3A = arith.constant 0 : i32
          %dma_wait3A_51 = arith.constant 0 : i32
          %dma_wait3A_52 = tpu.memref_slice %arg15[%dma_wait3A, %dma_wait3A_51] : memref<10000x128xf32, #tpu.memory_space<vmem_shared>> -> memref<10000x128xf32, #tpu.memory_space<vmem_shared>>
          tpu.wait_indirect_dma semaphore(%run_scoped3A : memref<!tpu.dma_semaphore, #tpu.memory_space<semaphore_mem>>) src(%arg13 : memref<64x128xf32, #tpu.memory_space<vmem>>) dst(%dma_wait3A_52 : memref<10000x128xf32, #tpu.memory_space<vmem_shared>>)
          tpu.yield
        }) : () -> ()
      } else {
      }
    }
    %scan3A_25 = arith.constant 157 : i32
    %barrier3A_26 = arith.constant 0 : index
    tpu.barrier barrier_id(%barrier3A_26)
    %scan3A_27 = arith.constant 0 : i32
    %scan3A_28 = arith.constant 16 : i32
    %scan3A_29 = arith.addi %scan3A_27, %scan3A_28 : i32
    %scan3A_30 = arith.constant 1 : i32
    scf.for %scan3A_32 = %scan3A_27 to %scan3A_29 step %scan3A_30  : i32 {
      %mul3A_33 = arith.constant 1 : i32
      %mul3A_34 = arith.muli %scan3A_32, %mul3A_33 : i32
      %add3A_35 = arith.constant 0 : i32
      %add3A_36 = arith.addi %add3A_35, %mul3A_34 : i32
      %mul3A_37 = arith.constant 16 : i32
      %mul3A_38 = arith.muli %add3A_36, %mul3A_37 : i32
      %add3A_39 = arith.addi %mul3A_38, %arg1 : i32
      %lt3A = arith.constant 250 : i32
      %lt3A_40 = arith.cmpi slt, %add3A_39, %lt3A : i32
      %convert_element_type3A = arith.extui %lt3A_40 : i1 to i32
      %cond3A = arith.constant 0 : i32
      %cond3A_41 = arith.cmpi ne, %convert_element_type3A, %cond3A : i32
      scf.if %cond3A_41 {
        %mul3A_42 = arith.constant 40 : i32
        %mul3A_43 = arith.muli %add3A_39, %mul3A_42 : i32
        "tpu.region"() ({
          %run_scoped3A = tpu.sem_alloc : memref<!tpu.dma_semaphore, #tpu.memory_space<semaphore_mem>>
          %dma_start3A = arith.constant 0 : i32
          %dma_start3A_44 = tpu.memref_slice %arg7[%arg0, %mul3A_43, %dma_start3A] : memref<2x10000x128xf32, #tpu.memory_space<hbm>> -> memref<1x40x128xf32, #tpu.memory_space<hbm>>
          %dma_start3A_45 = tpu.memref_squeeze %dma_start3A_44 : memref<1x40x128xf32, #tpu.memory_space<hbm>> -> memref<40x128xf32, #tpu.memory_space<hbm>>
          %dma_start3A_46 = arith.constant 0 : i32
          %dma_start3A_47 = tpu.memref_slice %arg15[%mul3A_43, %dma_start3A_46] : memref<10000x128xf32, #tpu.memory_space<vmem_shared>> -> memref<40x128xf32, #tpu.memory_space<vmem_shared>>
          tpu.enqueue_dma source(%dma_start3A_47 : memref<40x128xf32, #tpu.memory_space<vmem_shared>>) target(%dma_start3A_45 : memref<40x128xf32, #tpu.memory_space<hbm>>) target_semaphore(%run_scoped3A : memref<!tpu.dma_semaphore, #tpu.memory_space<semaphore_mem>>)
          %dma_wait3A = arith.constant 0 : i32
          %dma_wait3A_48 = tpu.memref_slice %arg7[%arg0, %mul3A_43, %dma_wait3A] : memref<2x10000x128xf32, #tpu.memory_space<hbm>> -> memref<1x40x128xf32, #tpu.memory_space<hbm>>
          %dma_wait3A_49 = tpu.memref_squeeze %dma_wait3A_48 : memref<1x40x128xf32, #tpu.memory_space<hbm>> -> memref<40x128xf32, #tpu.memory_space<hbm>>
          %dma_wait3A_50 = arith.constant 0 : i32
          %dma_wait3A_51 = tpu.memref_slice %arg15[%mul3A_43, %dma_wait3A_50] : memref<10000x128xf32, #tpu.memory_space<vmem_shared>> -> memref<40x128xf32, #tpu.memory_space<vmem_shared>>
          tpu.wait_dma2 semaphore(%run_scoped3A : memref<!tpu.dma_semaphore, #tpu.memory_space<semaphore_mem>>) src(%dma_wait3A_51 : memref<40x128xf32, #tpu.memory_space<vmem_shared>>) dst(%dma_wait3A_49 : memref<40x128xf32, #tpu.memory_space<hbm>>)
          tpu.yield
        }) : () -> ()
      } else {
      }
    }
    %scan3A_31 = arith.constant 16 : i32
    return
  }
}

module attributes {stable_mosaic.version = 14 : i64} {
  func.func @_prep1_kernel(%arg0: i32, %arg1: memref<1000x128xf32, #tpu.memory_space<vmem>>, %arg2: memref<128x128xf32, #tpu.memory_space<vmem>>, %arg3: memref<128x128xf32, #tpu.memory_space<vmem>>, %arg4: memref<1000x128xf32, #tpu.memory_space<vmem>>, %arg5: memref<1000x128xf32, #tpu.memory_space<vmem>>) attributes {dimension_semantics = [#tpu.dimension_semantics<arbitrary>], iteration_bounds = array<i64: 10>, scalar_prefetch = 0 : i64, scratch_operands = 0 : i64, tpu.core_type = #tpu.core_type<tc>, window_params = [{transform_indices = @transform_0, window_bounds = array<i64: 1000, 128>}, {pipeline_mode = #tpu.pipeline_mode<synchronous>, transform_indices = @transform_1, window_bounds = array<i64: 128, 128>}, {pipeline_mode = #tpu.pipeline_mode<synchronous>, transform_indices = @transform_2, window_bounds = array<i64: 128, 128>}, {transform_indices = @transform_3, window_bounds = array<i64: 1000, 128>}, {transform_indices = @transform_4, window_bounds = array<i64: 1000, 128>}]} {
    %get3A = arith.constant 0 : index
    %get3A_0 = arith.constant 0 : index
    %get3A_1 = vector.load %arg1[%get3A, %get3A_0] : memref<1000x128xf32, #tpu.memory_space<vmem>>, vector<1000x128xf32>
    %get3A_2 = arith.constant 0 : index
    %get3A_3 = arith.constant 0 : index
    %get3A_4 = vector.load %arg2[%get3A_2, %get3A_3] : memref<128x128xf32, #tpu.memory_space<vmem>>, vector<128x128xf32>
    %dot_general3A = arith.constant dense<0.000000e+00> : vector<1000x128xf32>
    %dot_general3A_5 = tpu.matmul %get3A_1, %get3A_4, %dot_general3A {dimension_numbers = #tpu.dot_dimension_numbers<[1], [0], [0], [1], [0, 0, 1, 1], [], []>, transpose_lhs_hint = false} : vector<1000x128xf32>, vector<128x128xf32>, vector<1000x128xf32> -> vector<1000x128xf32>
    %swap3A = arith.constant 0 : index
    %swap3A_6 = arith.constant 0 : index
    %swap3A_7 = vector.load %arg4[%swap3A, %swap3A_6] : memref<1000x128xf32, #tpu.memory_space<vmem>>, vector<1000x128xf32>
    tpu.vector_store %arg4[%swap3A, %swap3A_6], %dot_general3A_5 {strides = array<i32>} : memref<1000x128xf32, #tpu.memory_space<vmem>>, vector<1000x128xf32>,
    %get3A_8 = arith.constant 0 : index
    %get3A_9 = arith.constant 0 : index
    %get3A_10 = vector.load %arg3[%get3A_8, %get3A_9] : memref<128x128xf32, #tpu.memory_space<vmem>>, vector<128x128xf32>
    %dot_general3A_11 = arith.constant dense<0.000000e+00> : vector<1000x128xf32>
    %dot_general3A_12 = tpu.matmul %get3A_1, %get3A_10, %dot_general3A_11 {dimension_numbers = #tpu.dot_dimension_numbers<[1], [0], [0], [1], [0, 0, 1, 1], [], []>, transpose_lhs_hint = false} : vector<1000x128xf32>, vector<128x128xf32>, vector<1000x128xf32> -> vector<1000x128xf32>
    %swap3A_13 = arith.constant 0 : index
    %swap3A_14 = arith.constant 0 : index
    %swap3A_15 = vector.load %arg5[%swap3A_13, %swap3A_14] : memref<1000x128xf32, #tpu.memory_space<vmem>>, vector<1000x128xf32>
    tpu.vector_store %arg5[%swap3A_13, %swap3A_14], %dot_general3A_12 {strides = array<i32>} : memref<1000x128xf32, #tpu.memory_space<vmem>>, vector<1000x128xf32>,
    return
  }
  func.func @transform_0(%arg0: i32) -> (i32, i32) {
    %c0_i32 = arith.constant 0 : i32
    %c0_i32_0 = arith.constant 0 : i32
    return %arg0, %c0_i32 : i32, i32
  }
  func.func @transform_1(%arg0: i32) -> (i32, i32) {
    %c0_i32 = arith.constant 0 : i32
    %c0_i32_0 = arith.constant 0 : i32
    %c0_i32_1 = arith.constant 0 : i32
    return %c0_i32, %c0_i32_0 : i32, i32
  }
  func.func @transform_2(%arg0: i32) -> (i32, i32) {
    %c0_i32 = arith.constant 0 : i32
    %c0_i32_0 = arith.constant 0 : i32
    %c0_i32_1 = arith.constant 0 : i32
    return %c0_i32, %c0_i32_0 : i32, i32
  }
  func.func @transform_3(%arg0: i32) -> (i32, i32) {
    %c0_i32 = arith.constant 0 : i32
    %c0_i32_0 = arith.constant 0 : i32
    return %arg0, %c0_i32 : i32, i32
  }
  func.func @transform_4(%arg0: i32) -> (i32, i32) {
    %c0_i32 = arith.constant 0 : i32
    %c0_i32_0 = arith.constant 0 : i32
    return %arg0, %c0_i32 : i32, i32
  }
}

module attributes {stable_mosaic.version = 14 : i64} {
  func.func @_gru_edge_kernel(%arg0: i32, %arg1: memref<640x8xf32, #tpu.memory_space<vmem>>, %arg2: memref<640x8xf32, #tpu.memory_space<vmem>>, %arg3: memref<640x1xf32, #tpu.memory_space<vmem>>, %arg4: memref<640x16xf32, #tpu.memory_space<vmem>>, %arg5: memref<640x16xf32, #tpu.memory_space<vmem>>, %arg6: memref<640x16xf32, #tpu.memory_space<vmem>>, %arg7: memref<640x16xf32, #tpu.memory_space<vmem>>, %arg8: memref<2x96xf32, #tpu.memory_space<vmem>>, %arg9: memref<32x96xf32, #tpu.memory_space<vmem>>, %arg10: memref<1x96xf32, #tpu.memory_space<vmem>>, %arg11: memref<1x96xf32, #tpu.memory_space<vmem>>, %arg12: memref<32x96xf32, #tpu.memory_space<vmem>>, %arg13: memref<32x96xf32, #tpu.memory_space<vmem>>, %arg14: memref<1x96xf32, #tpu.memory_space<vmem>>, %arg15: memref<1x96xf32, #tpu.memory_space<vmem>>, %arg16: memref<33x16xf32, #tpu.memory_space<vmem>>, %arg17: memref<32x16xf32, #tpu.memory_space<vmem>>, %arg18: memref<1x16xf32, #tpu.memory_space<vmem>>, %arg19: memref<1x16xf32, #tpu.memory_space<vmem>>, %arg20: memref<16x16xf32, #tpu.memory_space<vmem>>, %arg21: memref<640x16xf32, #tpu.memory_space<vmem>>, %arg22: memref<640x16xf32, #tpu.memory_space<vmem>>, %arg23: memref<640x16xf32, #tpu.memory_space<vmem>>, %arg24: memref<640x16xf32, #tpu.memory_space<vmem>>, %arg25: memref<2x640x16xf32, #tpu.memory_space<vmem>>) attributes {dimension_semantics = [#tpu.dimension_semantics<arbitrary>], iteration_bounds = array<i64: 250>, scalar_prefetch = 0 : i64, scratch_operands = 0 : i64, tpu.core_type = #tpu.core_type<tc>, window_params = [{transform_indices = @transform_0, window_bounds = array<i64: 640, 8>}, {transform_indices = @transform_1, window_bounds = array<i64: 640, 8>}, {transform_indices = @transform_2, window_bounds = array<i64: 640, 1>}, {transform_indices = @transform_3, window_bounds = array<i64: 640, 16>}, {transform_indices = @transform_4, window_bounds = array<i64: 640, 16>}, {transform_indices = @transform_5, window_bounds = array<i64: 640, 16>}, {transform_indices = @transform_6, window_bounds = array<i64: 640, 16>}, {pipeline_mode = #tpu.pipeline_mode<synchronous>, transform_indices = @transform_7, window_bounds = array<i64: 2, 96>}, {pipeline_mode = #tpu.pipeline_mode<synchronous>, transform_indices = @transform_8, window_bounds = array<i64: 32, 96>}, {pipeline_mode = #tpu.pipeline_mode<synchronous>, transform_indices = @transform_9, window_bounds = array<i64: 1, 96>}, {pipeline_mode = #tpu.pipeline_mode<synchronous>, transform_indices = @transform_10, window_bounds = array<i64: 1, 96>}, {pipeline_mode = #tpu.pipeline_mode<synchronous>, transform_indices = @transform_11, window_bounds = array<i64: 32, 96>}, {pipeline_mode = #tpu.pipeline_mode<synchronous>, transform_indices = @transform_12, window_bounds = array<i64: 32, 96>}, {pipeline_mode = #tpu.pipeline_mode<synchronous>, transform_indices = @transform_13, window_bounds = array<i64: 1, 96>}, {pipeline_mode = #tpu.pipeline_mode<synchronous>, transform_indices = @transform_14, window_bounds = array<i64: 1, 96>}, {pipeline_mode = #tpu.pipeline_mode<synchronous>, transform_indices = @transform_15, window_bounds = array<i64: 33, 16>}, {pipeline_mode = #tpu.pipeline_mode<synchronous>, transform_indices = @transform_16, window_bounds = array<i64: 32, 16>}, {pipeline_mode = #tpu.pipeline_mode<synchronous>, transform_indices = @transform_17, window_bounds = array<i64: 1, 16>}, {pipeline_mode = #tpu.pipeline_mode<synchronous>, transform_indices = @transform_18, window_bounds = array<i64: 1, 16>}, {pipeline_mode = #tpu.pipeline_mode<synchronous>, transform_indices = @transform_19, window_bounds = array<i64: 16, 16>}, {transform_indices = @transform_20, window_bounds = array<i64: 640, 16>}, {transform_indices = @transform_21, window_bounds = array<i64: 640, 16>}, {transform_indices = @transform_22, window_bounds = array<i64: 640, 16>}, {transform_indices = @transform_23, window_bounds = array<i64: 640, 16>}, {transform_indices = @transform_24, window_bounds = array<i64: 2, 640, 16>}]} {
    %get3A = arith.constant 0 : index
    %get3A_0 = arith.constant 0 : index
    %get3A_1 = vector.load %arg4[%get3A, %get3A_0] : memref<640x16xf32, #tpu.memory_space<vmem>>, vector<640x16xf32>
    %get3A_2 = arith.constant 0 : index
    %get3A_3 = arith.constant 0 : index
    %get3A_4 = vector.load %arg5[%get3A_2, %get3A_3] : memref<640x16xf32, #tpu.memory_space<vmem>>, vector<640x16xf32>
    %concatenate3A = tpu.concatenate %get3A_1, %get3A_4 in 1 : vector<640x16xf32>, vector<640x16xf32> -> vector<640x32xf32>
    %get3A_5 = arith.constant 0 : index
    %get3A_6 = arith.constant 0 : index
    %get3A_7 = vector.load %arg6[%get3A_5, %get3A_6] : memref<640x16xf32, #tpu.memory_space<vmem>>, vector<640x16xf32>
    %get3A_8 = arith.constant 0 : index
    %get3A_9 = arith.constant 0 : index
    %get3A_10 = vector.load %arg7[%get3A_8, %get3A_9] : memref<640x16xf32, #tpu.memory_space<vmem>>, vector<640x16xf32>
    %concatenate3A_11 = tpu.concatenate %get3A_7, %get3A_10 in 1 : vector<640x16xf32>, vector<640x16xf32> -> vector<640x32xf32>
    %get3A_12 = arith.constant 0 : index
    %get3A_13 = arith.constant 0 : index
    %get3A_14 = vector.load %arg8[%get3A_12, %get3A_13] : memref<2x96xf32, #tpu.memory_space<vmem>>, vector<2x96xf32>
    %get3A_15 = arith.constant 0 : index
    %get3A_16 = arith.constant 0 : index
    %get3A_17 = vector.load %arg9[%get3A_15, %get3A_16] : memref<32x96xf32, #tpu.memory_space<vmem>>, vector<32x96xf32>
    %get3A_18 = arith.constant 0 : index
    %get3A_19 = arith.constant 0 : index
    %get3A_20 = vector.load %arg12[%get3A_18, %get3A_19] : memref<32x96xf32, #tpu.memory_space<vmem>>, vector<32x96xf32>
    %get3A_21 = arith.constant 0 : index
    %get3A_22 = arith.constant 0 : index
    %get3A_23 = vector.load %arg13[%get3A_21, %get3A_22] : memref<32x96xf32, #tpu.memory_space<vmem>>, vector<32x96xf32>
    %get3A_24 = arith.constant 0 : index
    %get3A_25 = arith.constant 0 : index
    %get3A_26 = vector.load %arg10[%get3A_24, %get3A_25] : memref<1x96xf32, #tpu.memory_space<vmem>>, vector<1x96xf32>
    %get3A_27 = arith.constant 0 : index
    %get3A_28 = arith.constant 0 : index
    %get3A_29 = vector.load %arg11[%get3A_27, %get3A_28] : memref<1x96xf32, #tpu.memory_space<vmem>>, vector<1x96xf32>
    %get3A_30 = arith.constant 0 : index
    %get3A_31 = arith.constant 0 : index
    %get3A_32 = vector.load %arg14[%get3A_30, %get3A_31] : memref<1x96xf32, #tpu.memory_space<vmem>>, vector<1x96xf32>
    %get3A_33 = arith.constant 0 : index
    %get3A_34 = arith.constant 0 : index
    %get3A_35 = vector.load %arg15[%get3A_33, %get3A_34] : memref<1x96xf32, #tpu.memory_space<vmem>>, vector<1x96xf32>
    %get3A_36 = arith.constant 0 : index
    %get3A_37 = arith.constant 0 : index
    %get3A_38 = vector.load %arg1[%get3A_36, %get3A_37] : memref<640x8xf32, #tpu.memory_space<vmem>>, vector<640x1xf32>
    %slice3A = vector.extract_strided_slice %get3A_14 {offsets = [0, 0], sizes = [1, 96], strides = [1, 1]} : vector<2x96xf32> to vector<1x96xf32>
    %mul3A = vector.broadcast %get3A_38 : vector<640x1xf32> to vector<640x96xf32>
    %mul3A_39 = vector.broadcast %slice3A : vector<1x96xf32> to vector<640x96xf32>
    %mul3A_40 = arith.mulf %mul3A, %mul3A_39 : vector<640x96xf32>
    %get3A_41 = arith.constant 0 : index
    %get3A_42 = arith.constant 0 : index
    %get3A_43 = vector.load %arg2[%get3A_41, %get3A_42] : memref<640x8xf32, #tpu.memory_space<vmem>>, vector<640x1xf32>
    %slice3A_44 = vector.extract_strided_slice %get3A_14 {offsets = [1, 0], sizes = [1, 96], strides = [1, 1]} : vector<2x96xf32> to vector<1x96xf32>
    %mul3A_45 = vector.broadcast %get3A_43 : vector<640x1xf32> to vector<640x96xf32>
    %mul3A_46 = vector.broadcast %slice3A_44 : vector<1x96xf32> to vector<640x96xf32>
    %mul3A_47 = arith.mulf %mul3A_45, %mul3A_46 : vector<640x96xf32>
    %add3A = arith.addf %mul3A_40, %mul3A_47 : vector<640x96xf32>
    %add3A_48 = vector.broadcast %get3A_26 : vector<1x96xf32> to vector<640x96xf32>
    %add3A_49 = arith.addf %add3A, %add3A_48 : vector<640x96xf32>
    %dot_general3A = arith.constant dense<0.000000e+00> : vector<640x96xf32>
    %dot_general3A_50 = tpu.matmul %concatenate3A, %get3A_17, %dot_general3A {dimension_numbers = #tpu.dot_dimension_numbers<[1], [0], [0], [1], [0, 0, 1, 1], [], []>, transpose_lhs_hint = false} : vector<640x32xf32>, vector<32x96xf32>, vector<640x96xf32> -> vector<640x96xf32>
    %add3A_51 = vector.broadcast %get3A_29 : vector<1x96xf32> to vector<640x96xf32>
    %add3A_52 = arith.addf %dot_general3A_50, %add3A_51 : vector<640x96xf32>
    %slice3A_53 = vector.extract_strided_slice %add3A_49 {offsets = [0, 0], sizes = [640, 32], strides = [1, 1]} : vector<640x96xf32> to vector<640x32xf32>
    %slice3A_54 = vector.extract_strided_slice %add3A_52 {offsets = [0, 0], sizes = [640, 32], strides = [1, 1]} : vector<640x96xf32> to vector<640x32xf32>
    %add3A_55 = arith.addf %slice3A_53, %slice3A_54 : vector<640x32xf32>
    %logistic3A = arith.negf %add3A_55 : vector<640x32xf32>
    %logistic3A_56 = math.exp %logistic3A : vector<640x32xf32>
    %logistic3A_57 = arith.constant 1.000000e+00 : f32
    %logistic3A_58 = vector.broadcast %logistic3A_57 : f32 to vector<640x32xf32>
    %logistic3A_59 = arith.addf %logistic3A_58, %logistic3A_56 : vector<640x32xf32>
    %logistic3A_60 = arith.divf %logistic3A_58, %logistic3A_59 : vector<640x32xf32>
    %slice3A_61 = vector.extract_strided_slice %add3A_49 {offsets = [0, 32], sizes = [640, 32], strides = [1, 1]} : vector<640x96xf32> to vector<640x32xf32>
    %slice3A_62 = vector.extract_strided_slice %add3A_52 {offsets = [0, 32], sizes = [640, 32], strides = [1, 1]} : vector<640x96xf32> to vector<640x32xf32>
    %add3A_63 = arith.addf %slice3A_61, %slice3A_62 : vector<640x32xf32>
    %logistic3A_64 = arith.negf %add3A_63 : vector<640x32xf32>
    %logistic3A_65 = math.exp %logistic3A_64 : vector<640x32xf32>
    %logistic3A_66 = arith.constant 1.000000e+00 : f32
    %logistic3A_67 = vector.broadcast %logistic3A_66 : f32 to vector<640x32xf32>
    %logistic3A_68 = arith.addf %logistic3A_67, %logistic3A_65 : vector<640x32xf32>
    %logistic3A_69 = arith.divf %logistic3A_67, %logistic3A_68 : vector<640x32xf32>
    %slice3A_70 = vector.extract_strided_slice %add3A_49 {offsets = [0, 64], sizes = [640, 32], strides = [1, 1]} : vector<640x96xf32> to vector<640x32xf32>
    %slice3A_71 = vector.extract_strided_slice %add3A_52 {offsets = [0, 64], sizes = [640, 32], strides = [1, 1]} : vector<640x96xf32> to vector<640x32xf32>
    %mul3A_72 = arith.mulf %logistic3A_60, %slice3A_71 : vector<640x32xf32>
    %add3A_73 = arith.addf %slice3A_70, %mul3A_72 : vector<640x32xf32>
    %tanh3A = math.tanh %add3A_73 : vector<640x32xf32>
    %sub3A = arith.constant 1.000000e+00 : f32
    %sub3A_74 = vector.broadcast %sub3A : f32 to vector<640x32xf32>
    %sub3A_75 = arith.subf %sub3A_74, %logistic3A_69 : vector<640x32xf32>
    %mul3A_76 = arith.mulf %sub3A_75, %tanh3A : vector<640x32xf32>
    %mul3A_77 = arith.mulf %logistic3A_69, %concatenate3A : vector<640x32xf32>
    %add3A_78 = arith.addf %mul3A_76, %mul3A_77 : vector<640x32xf32>
    %dot_general3A_79 = arith.constant dense<0.000000e+00> : vector<640x96xf32>
    %dot_general3A_80 = tpu.matmul %add3A_78, %get3A_20, %dot_general3A_79 {dimension_numbers = #tpu.dot_dimension_numbers<[1], [0], [0], [1], [0, 0, 1, 1], [], []>, transpose_lhs_hint = false} : vector<640x32xf32>, vector<32x96xf32>, vector<640x96xf32> -> vector<640x96xf32>
    %add3A_81 = vector.broadcast %get3A_32 : vector<1x96xf32> to vector<640x96xf32>
    %add3A_82 = arith.addf %dot_general3A_80, %add3A_81 : vector<640x96xf32>
    %dot_general3A_83 = arith.constant dense<0.000000e+00> : vector<640x96xf32>
    %dot_general3A_84 = tpu.matmul %concatenate3A_11, %get3A_23, %dot_general3A_83 {dimension_numbers = #tpu.dot_dimension_numbers<[1], [0], [0], [1], [0, 0, 1, 1], [], []>, transpose_lhs_hint = false} : vector<640x32xf32>, vector<32x96xf32>, vector<640x96xf32> -> vector<640x96xf32>
    %add3A_85 = vector.broadcast %get3A_35 : vector<1x96xf32> to vector<640x96xf32>
    %add3A_86 = arith.addf %dot_general3A_84, %add3A_85 : vector<640x96xf32>
    %slice3A_87 = vector.extract_strided_slice %add3A_82 {offsets = [0, 0], sizes = [640, 32], strides = [1, 1]} : vector<640x96xf32> to vector<640x32xf32>
    %slice3A_88 = vector.extract_strided_slice %add3A_86 {offsets = [0, 0], sizes = [640, 32], strides = [1, 1]} : vector<640x96xf32> to vector<640x32xf32>
    %add3A_89 = arith.addf %slice3A_87, %slice3A_88 : vector<640x32xf32>
    %logistic3A_90 = arith.negf %add3A_89 : vector<640x32xf32>
    %logistic3A_91 = math.exp %logistic3A_90 : vector<640x32xf32>
    %logistic3A_92 = arith.constant 1.000000e+00 : f32
    %logistic3A_93 = vector.broadcast %logistic3A_92 : f32 to vector<640x32xf32>
    %logistic3A_94 = arith.addf %logistic3A_93, %logistic3A_91 : vector<640x32xf32>
    %logistic3A_95 = arith.divf %logistic3A_93, %logistic3A_94 : vector<640x32xf32>
    %slice3A_96 = vector.extract_strided_slice %add3A_82 {offsets = [0, 32], sizes = [640, 32], strides = [1, 1]} : vector<640x96xf32> to vector<640x32xf32>
    %slice3A_97 = vector.extract_strided_slice %add3A_86 {offsets = [0, 32], sizes = [640, 32], strides = [1, 1]} : vector<640x96xf32> to vector<640x32xf32>
    %add3A_98 = arith.addf %slice3A_96, %slice3A_97 : vector<640x32xf32>
    %logistic3A_99 = arith.negf %add3A_98 : vector<640x32xf32>
    %logistic3A_100 = math.exp %logistic3A_99 : vector<640x32xf32>
    %logistic3A_101 = arith.constant 1.000000e+00 : f32
    %logistic3A_102 = vector.broadcast %logistic3A_101 : f32 to vector<640x32xf32>
    %logistic3A_103 = arith.addf %logistic3A_102, %logistic3A_100 : vector<640x32xf32>
    %logistic3A_104 = arith.divf %logistic3A_102, %logistic3A_103 : vector<640x32xf32>
    %slice3A_105 = vector.extract_strided_slice %add3A_82 {offsets = [0, 64], sizes = [640, 32], strides = [1, 1]} : vector<640x96xf32> to vector<640x32xf32>
    %slice3A_106 = vector.extract_strided_slice %add3A_86 {offsets = [0, 64], sizes = [640, 32], strides = [1, 1]} : vector<640x96xf32> to vector<640x32xf32>
    %mul3A_107 = arith.mulf %logistic3A_95, %slice3A_106 : vector<640x32xf32>
    %add3A_108 = arith.addf %slice3A_105, %mul3A_107 : vector<640x32xf32>
    %tanh3A_109 = math.tanh %add3A_108 : vector<640x32xf32>
    %sub3A_110 = arith.constant 1.000000e+00 : f32
    %sub3A_111 = vector.broadcast %sub3A_110 : f32 to vector<640x32xf32>
    %sub3A_112 = arith.subf %sub3A_111, %logistic3A_104 : vector<640x32xf32>
    %mul3A_113 = arith.mulf %sub3A_112, %tanh3A_109 : vector<640x32xf32>
    %mul3A_114 = arith.mulf %logistic3A_104, %concatenate3A_11 : vector<640x32xf32>
    %add3A_115 = arith.addf %mul3A_113, %mul3A_114 : vector<640x32xf32>
    %get3A_116 = arith.constant 0 : index
    %get3A_117 = arith.constant 1 : index
    %get3A_118 = vector.load %arg1[%get3A_116, %get3A_117] : memref<640x8xf32, #tpu.memory_space<vmem>>, vector<640x1xf32>
    %slice3A_119 = vector.extract_strided_slice %get3A_14 {offsets = [0, 0], sizes = [1, 96], strides = [1, 1]} : vector<2x96xf32> to vector<1x96xf32>
    %mul3A_120 = vector.broadcast %get3A_118 : vector<640x1xf32> to vector<640x96xf32>
    %mul3A_121 = vector.broadcast %slice3A_119 : vector<1x96xf32> to vector<640x96xf32>
    %mul3A_122 = arith.mulf %mul3A_120, %mul3A_121 : vector<640x96xf32>
    %get3A_123 = arith.constant 0 : index
    %get3A_124 = arith.constant 1 : index
    %get3A_125 = vector.load %arg2[%get3A_123, %get3A_124] : memref<640x8xf32, #tpu.memory_space<vmem>>, vector<640x1xf32>
    %slice3A_126 = vector.extract_strided_slice %get3A_14 {offsets = [1, 0], sizes = [1, 96], strides = [1, 1]} : vector<2x96xf32> to vector<1x96xf32>
    %mul3A_127 = vector.broadcast %get3A_125 : vector<640x1xf32> to vector<640x96xf32>
    %mul3A_128 = vector.broadcast %slice3A_126 : vector<1x96xf32> to vector<640x96xf32>
    %mul3A_129 = arith.mulf %mul3A_127, %mul3A_128 : vector<640x96xf32>
    %add3A_130 = arith.addf %mul3A_122, %mul3A_129 : vector<640x96xf32>
    %add3A_131 = vector.broadcast %get3A_26 : vector<1x96xf32> to vector<640x96xf32>
    %add3A_132 = arith.addf %add3A_130, %add3A_131 : vector<640x96xf32>
    %dot_general3A_133 = arith.constant dense<0.000000e+00> : vector<640x96xf32>
    %dot_general3A_134 = tpu.matmul %add3A_78, %get3A_17, %dot_general3A_133 {dimension_numbers = #tpu.dot_dimension_numbers<[1], [0], [0], [1], [0, 0, 1, 1], [], []>, transpose_lhs_hint = false} : vector<640x32xf32>, vector<32x96xf32>, vector<640x96xf32> -> vector<640x96xf32>
    %add3A_135 = vector.broadcast %get3A_29 : vector<1x96xf32> to vector<640x96xf32>
    %add3A_136 = arith.addf %dot_general3A_134, %add3A_135 : vector<640x96xf32>
    %slice3A_137 = vector.extract_strided_slice %add3A_132 {offsets = [0, 0], sizes = [640, 32], strides = [1, 1]} : vector<640x96xf32> to vector<640x32xf32>
    %slice3A_138 = vector.extract_strided_slice %add3A_136 {offsets = [0, 0], sizes = [640, 32], strides = [1, 1]} : vector<640x96xf32> to vector<640x32xf32>
    %add3A_139 = arith.addf %slice3A_137, %slice3A_138 : vector<640x32xf32>
    %logistic3A_140 = arith.negf %add3A_139 : vector<640x32xf32>
    %logistic3A_141 = math.exp %logistic3A_140 : vector<640x32xf32>
    %logistic3A_142 = arith.constant 1.000000e+00 : f32
    %logistic3A_143 = vector.broadcast %logistic3A_142 : f32 to vector<640x32xf32>
    %logistic3A_144 = arith.addf %logistic3A_143, %logistic3A_141 : vector<640x32xf32>
    %logistic3A_145 = arith.divf %logistic3A_143, %logistic3A_144 : vector<640x32xf32>
    %slice3A_146 = vector.extract_strided_slice %add3A_132 {offsets = [0, 32], sizes = [640, 32], strides = [1, 1]} : vector<640x96xf32> to vector<640x32xf32>
    %slice3A_147 = vector.extract_strided_slice %add3A_136 {offsets = [0, 32], sizes = [640, 32], strides = [1, 1]} : vector<640x96xf32> to vector<640x32xf32>
    %add3A_148 = arith.addf %slice3A_146, %slice3A_147 : vector<640x32xf32>
    %logistic3A_149 = arith.negf %add3A_148 : vector<640x32xf32>
    %logistic3A_150 = math.exp %logistic3A_149 : vector<640x32xf32>
    %logistic3A_151 = arith.constant 1.000000e+00 : f32
    %logistic3A_152 = vector.broadcast %logistic3A_151 : f32 to vector<640x32xf32>
    %logistic3A_153 = arith.addf %logistic3A_152, %logistic3A_150 : vector<640x32xf32>
    %logistic3A_154 = arith.divf %logistic3A_152, %logistic3A_153 : vector<640x32xf32>
    %slice3A_155 = vector.extract_strided_slice %add3A_132 {offsets = [0, 64], sizes = [640, 32], strides = [1, 1]} : vector<640x96xf32> to vector<640x32xf32>
    %slice3A_156 = vector.extract_strided_slice %add3A_136 {offsets = [0, 64], sizes = [640, 32], strides = [1, 1]} : vector<640x96xf32> to vector<640x32xf32>
    %mul3A_157 = arith.mulf %logistic3A_145, %slice3A_156 : vector<640x32xf32>
    %add3A_158 = arith.addf %slice3A_155, %mul3A_157 : vector<640x32xf32>
    %tanh3A_159 = math.tanh %add3A_158 : vector<640x32xf32>
    %sub3A_160 = arith.constant 1.000000e+00 : f32
    %sub3A_161 = vector.broadcast %sub3A_160 : f32 to vector<640x32xf32>
    %sub3A_162 = arith.subf %sub3A_161, %logistic3A_154 : vector<640x32xf32>
    %mul3A_163 = arith.mulf %sub3A_162, %tanh3A_159 : vector<640x32xf32>
    %mul3A_164 = arith.mulf %logistic3A_154, %add3A_78 : vector<640x32xf32>
    %add3A_165 = arith.addf %mul3A_163, %mul3A_164 : vector<640x32xf32>
    %dot_general3A_166 = arith.constant dense<0.000000e+00> : vector<640x96xf32>
    %dot_general3A_167 = tpu.matmul %add3A_165, %get3A_20, %dot_general3A_166 {dimension_numbers = #tpu.dot_dimension_numbers<[1], [0], [0], [1], [0, 0, 1, 1], [], []>, transpose_lhs_hint = false} : vector<640x32xf32>, vector<32x96xf32>, vector<640x96xf32> -> vector<640x96xf32>
    %add3A_168 = vector.broadcast %get3A_32 : vector<1x96xf32> to vector<640x96xf32>
    %add3A_169 = arith.addf %dot_general3A_167, %add3A_168 : vector<640x96xf32>
    %dot_general3A_170 = arith.constant dense<0.000000e+00> : vector<640x96xf32>
    %dot_general3A_171 = tpu.matmul %add3A_115, %get3A_23, %dot_general3A_170 {dimension_numbers = #tpu.dot_dimension_numbers<[1], [0], [0], [1], [0, 0, 1, 1], [], []>, transpose_lhs_hint = false} : vector<640x32xf32>, vector<32x96xf32>, vector<640x96xf32> -> vector<640x96xf32>
    %add3A_172 = vector.broadcast %get3A_35 : vector<1x96xf32> to vector<640x96xf32>
    %add3A_173 = arith.addf %dot_general3A_171, %add3A_172 : vector<640x96xf32>
    %slice3A_174 = vector.extract_strided_slice %add3A_169 {offsets = [0, 0], sizes = [640, 32], strides = [1, 1]} : vector<640x96xf32> to vector<640x32xf32>
    %slice3A_175 = vector.extract_strided_slice %add3A_173 {offsets = [0, 0], sizes = [640, 32], strides = [1, 1]} : vector<640x96xf32> to vector<640x32xf32>
    %add3A_176 = arith.addf %slice3A_174, %slice3A_175 : vector<640x32xf32>
    %logistic3A_177 = arith.negf %add3A_176 : vector<640x32xf32>
    %logistic3A_178 = math.exp %logistic3A_177 : vector<640x32xf32>
    %logistic3A_179 = arith.constant 1.000000e+00 : f32
    %logistic3A_180 = vector.broadcast %logistic3A_179 : f32 to vector<640x32xf32>
    %logistic3A_181 = arith.addf %logistic3A_180, %logistic3A_178 : vector<640x32xf32>
    %logistic3A_182 = arith.divf %logistic3A_180, %logistic3A_181 : vector<640x32xf32>
    %slice3A_183 = vector.extract_strided_slice %add3A_169 {offsets = [0, 32], sizes = [640, 32], strides = [1, 1]} : vector<640x96xf32> to vector<640x32xf32>
    %slice3A_184 = vector.extract_strided_slice %add3A_173 {offsets = [0, 32], sizes = [640, 32], strides = [1, 1]} : vector<640x96xf32> to vector<640x32xf32>
    %add3A_185 = arith.addf %slice3A_183, %slice3A_184 : vector<640x32xf32>
    %logistic3A_186 = arith.negf %add3A_185 : vector<640x32xf32>
    %logistic3A_187 = math.exp %logistic3A_186 : vector<640x32xf32>
    %logistic3A_188 = arith.constant 1.000000e+00 : f32
    %logistic3A_189 = vector.broadcast %logistic3A_188 : f32 to vector<640x32xf32>
    %logistic3A_190 = arith.addf %logistic3A_189, %logistic3A_187 : vector<640x32xf32>
    %logistic3A_191 = arith.divf %logistic3A_189, %logistic3A_190 : vector<640x32xf32>
    %slice3A_192 = vector.extract_strided_slice %add3A_169 {offsets = [0, 64], sizes = [640, 32], strides = [1, 1]} : vector<640x96xf32> to vector<640x32xf32>
    %slice3A_193 = vector.extract_strided_slice %add3A_173 {offsets = [0, 64], sizes = [640, 32], strides = [1, 1]} : vector<640x96xf32> to vector<640x32xf32>
    %mul3A_194 = arith.mulf %logistic3A_182, %slice3A_193 : vector<640x32xf32>
    %add3A_195 = arith.addf %slice3A_192, %mul3A_194 : vector<640x32xf32>
    %tanh3A_196 = math.tanh %add3A_195 : vector<640x32xf32>
    %sub3A_197 = arith.constant 1.000000e+00 : f32
    %sub3A_198 = vector.broadcast %sub3A_197 : f32 to vector<640x32xf32>
    %sub3A_199 = arith.subf %sub3A_198, %logistic3A_191 : vector<640x32xf32>
    %mul3A_200 = arith.mulf %sub3A_199, %tanh3A_196 : vector<640x32xf32>
    %mul3A_201 = arith.mulf %logistic3A_191, %add3A_115 : vector<640x32xf32>
    %add3A_202 = arith.addf %mul3A_200, %mul3A_201 : vector<640x32xf32>
    %get3A_203 = arith.constant 0 : index
    %get3A_204 = arith.constant 2 : index
    %get3A_205 = vector.load %arg1[%get3A_203, %get3A_204] : memref<640x8xf32, #tpu.memory_space<vmem>>, vector<640x1xf32>
    %slice3A_206 = vector.extract_strided_slice %get3A_14 {offsets = [0, 0], sizes = [1, 96], strides = [1, 1]} : vector<2x96xf32> to vector<1x96xf32>
    %mul3A_207 = vector.broadcast %get3A_205 : vector<640x1xf32> to vector<640x96xf32>
    %mul3A_208 = vector.broadcast %slice3A_206 : vector<1x96xf32> to vector<640x96xf32>
    %mul3A_209 = arith.mulf %mul3A_207, %mul3A_208 : vector<640x96xf32>
    %get3A_210 = arith.constant 0 : index
    %get3A_211 = arith.constant 2 : index
    %get3A_212 = vector.load %arg2[%get3A_210, %get3A_211] : memref<640x8xf32, #tpu.memory_space<vmem>>, vector<640x1xf32>
    %slice3A_213 = vector.extract_strided_slice %get3A_14 {offsets = [1, 0], sizes = [1, 96], strides = [1, 1]} : vector<2x96xf32> to vector<1x96xf32>
    %mul3A_214 = vector.broadcast %get3A_212 : vector<640x1xf32> to vector<640x96xf32>
    %mul3A_215 = vector.broadcast %slice3A_213 : vector<1x96xf32> to vector<640x96xf32>
    %mul3A_216 = arith.mulf %mul3A_214, %mul3A_215 : vector<640x96xf32>
    %add3A_217 = arith.addf %mul3A_209, %mul3A_216 : vector<640x96xf32>
    %add3A_218 = vector.broadcast %get3A_26 : vector<1x96xf32> to vector<640x96xf32>
    %add3A_219 = arith.addf %add3A_217, %add3A_218 : vector<640x96xf32>
    %dot_general3A_220 = arith.constant dense<0.000000e+00> : vector<640x96xf32>
    %dot_general3A_221 = tpu.matmul %add3A_165, %get3A_17, %dot_general3A_220 {dimension_numbers = #tpu.dot_dimension_numbers<[1], [0], [0], [1], [0, 0, 1, 1], [], []>, transpose_lhs_hint = false} : vector<640x32xf32>, vector<32x96xf32>, vector<640x96xf32> -> vector<640x96xf32>
    %add3A_222 = vector.broadcast %get3A_29 : vector<1x96xf32> to vector<640x96xf32>
    %add3A_223 = arith.addf %dot_general3A_221, %add3A_222 : vector<640x96xf32>
    %slice3A_224 = vector.extract_strided_slice %add3A_219 {offsets = [0, 0], sizes = [640, 32], strides = [1, 1]} : vector<640x96xf32> to vector<640x32xf32>
    %slice3A_225 = vector.extract_strided_slice %add3A_223 {offsets = [0, 0], sizes = [640, 32], strides = [1, 1]} : vector<640x96xf32> to vector<640x32xf32>
    %add3A_226 = arith.addf %slice3A_224, %slice3A_225 : vector<640x32xf32>
    %logistic3A_227 = arith.negf %add3A_226 : vector<640x32xf32>
    %logistic3A_228 = math.exp %logistic3A_227 : vector<640x32xf32>
    %logistic3A_229 = arith.constant 1.000000e+00 : f32
    %logistic3A_230 = vector.broadcast %logistic3A_229 : f32 to vector<640x32xf32>
    %logistic3A_231 = arith.addf %logistic3A_230, %logistic3A_228 : vector<640x32xf32>
    %logistic3A_232 = arith.divf %logistic3A_230, %logistic3A_231 : vector<640x32xf32>
    %slice3A_233 = vector.extract_strided_slice %add3A_219 {offsets = [0, 32], sizes = [640, 32], strides = [1, 1]} : vector<640x96xf32> to vector<640x32xf32>
    %slice3A_234 = vector.extract_strided_slice %add3A_223 {offsets = [0, 32], sizes = [640, 32], strides = [1, 1]} : vector<640x96xf32> to vector<640x32xf32>
    %add3A_235 = arith.addf %slice3A_233, %slice3A_234 : vector<640x32xf32>
    %logistic3A_236 = arith.negf %add3A_235 : vector<640x32xf32>
    %logistic3A_237 = math.exp %logistic3A_236 : vector<640x32xf32>
    %logistic3A_238 = arith.constant 1.000000e+00 : f32
    %logistic3A_239 = vector.broadcast %logistic3A_238 : f32 to vector<640x32xf32>
    %logistic3A_240 = arith.addf %logistic3A_239, %logistic3A_237 : vector<640x32xf32>
    %logistic3A_241 = arith.divf %logistic3A_239, %logistic3A_240 : vector<640x32xf32>
    %slice3A_242 = vector.extract_strided_slice %add3A_219 {offsets = [0, 64], sizes = [640, 32], strides = [1, 1]} : vector<640x96xf32> to vector<640x32xf32>
    %slice3A_243 = vector.extract_strided_slice %add3A_223 {offsets = [0, 64], sizes = [640, 32], strides = [1, 1]} : vector<640x96xf32> to vector<640x32xf32>
    %mul3A_244 = arith.mulf %logistic3A_232, %slice3A_243 : vector<640x32xf32>
    %add3A_245 = arith.addf %slice3A_242, %mul3A_244 : vector<640x32xf32>
    %tanh3A_246 = math.tanh %add3A_245 : vector<640x32xf32>
    %sub3A_247 = arith.constant 1.000000e+00 : f32
    %sub3A_248 = vector.broadcast %sub3A_247 : f32 to vector<640x32xf32>
    %sub3A_249 = arith.subf %sub3A_248, %logistic3A_241 : vector<640x32xf32>
    %mul3A_250 = arith.mulf %sub3A_249, %tanh3A_246 : vector<640x32xf32>
    %mul3A_251 = arith.mulf %logistic3A_241, %add3A_165 : vector<640x32xf32>
    %add3A_252 = arith.addf %mul3A_250, %mul3A_251 : vector<640x32xf32>
    %dot_general3A_253 = arith.constant dense<0.000000e+00> : vector<640x96xf32>
    %dot_general3A_254 = tpu.matmul %add3A_252, %get3A_20, %dot_general3A_253 {dimension_numbers = #tpu.dot_dimension_numbers<[1], [0], [0], [1], [0, 0, 1, 1], [], []>, transpose_lhs_hint = false} : vector<640x32xf32>, vector<32x96xf32>, vector<640x96xf32> -> vector<640x96xf32>
    %add3A_255 = vector.broadcast %get3A_32 : vector<1x96xf32> to vector<640x96xf32>
    %add3A_256 = arith.addf %dot_general3A_254, %add3A_255 : vector<640x96xf32>
    %dot_general3A_257 = arith.constant dense<0.000000e+00> : vector<640x96xf32>
    %dot_general3A_258 = tpu.matmul %add3A_202, %get3A_23, %dot_general3A_257 {dimension_numbers = #tpu.dot_dimension_numbers<[1], [0], [0], [1], [0, 0, 1, 1], [], []>, transpose_lhs_hint = false} : vector<640x32xf32>, vector<32x96xf32>, vector<640x96xf32> -> vector<640x96xf32>
    %add3A_259 = vector.broadcast %get3A_35 : vector<1x96xf32> to vector<640x96xf32>
    %add3A_260 = arith.addf %dot_general3A_258, %add3A_259 : vector<640x96xf32>
    %slice3A_261 = vector.extract_strided_slice %add3A_256 {offsets = [0, 0], sizes = [640, 32], strides = [1, 1]} : vector<640x96xf32> to vector<640x32xf32>
    %slice3A_262 = vector.extract_strided_slice %add3A_260 {offsets = [0, 0], sizes = [640, 32], strides = [1, 1]} : vector<640x96xf32> to vector<640x32xf32>
    %add3A_263 = arith.addf %slice3A_261, %slice3A_262 : vector<640x32xf32>
    %logistic3A_264 = arith.negf %add3A_263 : vector<640x32xf32>
    %logistic3A_265 = math.exp %logistic3A_264 : vector<640x32xf32>
    %logistic3A_266 = arith.constant 1.000000e+00 : f32
    %logistic3A_267 = vector.broadcast %logistic3A_266 : f32 to vector<640x32xf32>
    %logistic3A_268 = arith.addf %logistic3A_267, %logistic3A_265 : vector<640x32xf32>
    %logistic3A_269 = arith.divf %logistic3A_267, %logistic3A_268 : vector<640x32xf32>
    %slice3A_270 = vector.extract_strided_slice %add3A_256 {offsets = [0, 32], sizes = [640, 32], strides = [1, 1]} : vector<640x96xf32> to vector<640x32xf32>
    %slice3A_271 = vector.extract_strided_slice %add3A_260 {offsets = [0, 32], sizes = [640, 32], strides = [1, 1]} : vector<640x96xf32> to vector<640x32xf32>
    %add3A_272 = arith.addf %slice3A_270, %slice3A_271 : vector<640x32xf32>
    %logistic3A_273 = arith.negf %add3A_272 : vector<640x32xf32>
    %logistic3A_274 = math.exp %logistic3A_273 : vector<640x32xf32>
    %logistic3A_275 = arith.constant 1.000000e+00 : f32
    %logistic3A_276 = vector.broadcast %logistic3A_275 : f32 to vector<640x32xf32>
    %logistic3A_277 = arith.addf %logistic3A_276, %logistic3A_274 : vector<640x32xf32>
    %logistic3A_278 = arith.divf %logistic3A_276, %logistic3A_277 : vector<640x32xf32>
    %slice3A_279 = vector.extract_strided_slice %add3A_256 {offsets = [0, 64], sizes = [640, 32], strides = [1, 1]} : vector<640x96xf32> to vector<640x32xf32>
    %slice3A_280 = vector.extract_strided_slice %add3A_260 {offsets = [0, 64], sizes = [640, 32], strides = [1, 1]} : vector<640x96xf32> to vector<640x32xf32>
    %mul3A_281 = arith.mulf %logistic3A_269, %slice3A_280 : vector<640x32xf32>
    %add3A_282 = arith.addf %slice3A_279, %mul3A_281 : vector<640x32xf32>
    %tanh3A_283 = math.tanh %add3A_282 : vector<640x32xf32>
    %sub3A_284 = arith.constant 1.000000e+00 : f32
    %sub3A_285 = vector.broadcast %sub3A_284 : f32 to vector<640x32xf32>
    %sub3A_286 = arith.subf %sub3A_285, %logistic3A_278 : vector<640x32xf32>
    %mul3A_287 = arith.mulf %sub3A_286, %tanh3A_283 : vector<640x32xf32>
    %mul3A_288 = arith.mulf %logistic3A_278, %add3A_202 : vector<640x32xf32>
    %add3A_289 = arith.addf %mul3A_287, %mul3A_288 : vector<640x32xf32>
    %get3A_290 = arith.constant 0 : index
    %get3A_291 = arith.constant 3 : index
    %get3A_292 = vector.load %arg1[%get3A_290, %get3A_291] : memref<640x8xf32, #tpu.memory_space<vmem>>, vector<640x1xf32>
    %slice3A_293 = vector.extract_strided_slice %get3A_14 {offsets = [0, 0], sizes = [1, 96], strides = [1, 1]} : vector<2x96xf32> to vector<1x96xf32>
    %mul3A_294 = vector.broadcast %get3A_292 : vector<640x1xf32> to vector<640x96xf32>
    %mul3A_295 = vector.broadcast %slice3A_293 : vector<1x96xf32> to vector<640x96xf32>
    %mul3A_296 = arith.mulf %mul3A_294, %mul3A_295 : vector<640x96xf32>
    %get3A_297 = arith.constant 0 : index
    %get3A_298 = arith.constant 3 : index
    %get3A_299 = vector.load %arg2[%get3A_297, %get3A_298] : memref<640x8xf32, #tpu.memory_space<vmem>>, vector<640x1xf32>
    %slice3A_300 = vector.extract_strided_slice %get3A_14 {offsets = [1, 0], sizes = [1, 96], strides = [1, 1]} : vector<2x96xf32> to vector<1x96xf32>
    %mul3A_301 = vector.broadcast %get3A_299 : vector<640x1xf32> to vector<640x96xf32>
    %mul3A_302 = vector.broadcast %slice3A_300 : vector<1x96xf32> to vector<640x96xf32>
    %mul3A_303 = arith.mulf %mul3A_301, %mul3A_302 : vector<640x96xf32>
    %add3A_304 = arith.addf %mul3A_296, %mul3A_303 : vector<640x96xf32>
    %add3A_305 = vector.broadcast %get3A_26 : vector<1x96xf32> to vector<640x96xf32>
    %add3A_306 = arith.addf %add3A_304, %add3A_305 : vector<640x96xf32>
    %dot_general3A_307 = arith.constant dense<0.000000e+00> : vector<640x96xf32>
    %dot_general3A_308 = tpu.matmul %add3A_252, %get3A_17, %dot_general3A_307 {dimension_numbers = #tpu.dot_dimension_numbers<[1], [0], [0], [1], [0, 0, 1, 1], [], []>, transpose_lhs_hint = false} : vector<640x32xf32>, vector<32x96xf32>, vector<640x96xf32> -> vector<640x96xf32>
    %add3A_309 = vector.broadcast %get3A_29 : vector<1x96xf32> to vector<640x96xf32>
    %add3A_310 = arith.addf %dot_general3A_308, %add3A_309 : vector<640x96xf32>
    %slice3A_311 = vector.extract_strided_slice %add3A_306 {offsets = [0, 0], sizes = [640, 32], strides = [1, 1]} : vector<640x96xf32> to vector<640x32xf32>
    %slice3A_312 = vector.extract_strided_slice %add3A_310 {offsets = [0, 0], sizes = [640, 32], strides = [1, 1]} : vector<640x96xf32> to vector<640x32xf32>
    %add3A_313 = arith.addf %slice3A_311, %slice3A_312 : vector<640x32xf32>
    %logistic3A_314 = arith.negf %add3A_313 : vector<640x32xf32>
    %logistic3A_315 = math.exp %logistic3A_314 : vector<640x32xf32>
    %logistic3A_316 = arith.constant 1.000000e+00 : f32
    %logistic3A_317 = vector.broadcast %logistic3A_316 : f32 to vector<640x32xf32>
    %logistic3A_318 = arith.addf %logistic3A_317, %logistic3A_315 : vector<640x32xf32>
    %logistic3A_319 = arith.divf %logistic3A_317, %logistic3A_318 : vector<640x32xf32>
    %slice3A_320 = vector.extract_strided_slice %add3A_306 {offsets = [0, 32], sizes = [640, 32], strides = [1, 1]} : vector<640x96xf32> to vector<640x32xf32>
    %slice3A_321 = vector.extract_strided_slice %add3A_310 {offsets = [0, 32], sizes = [640, 32], strides = [1, 1]} : vector<640x96xf32> to vector<640x32xf32>
    %add3A_322 = arith.addf %slice3A_320, %slice3A_321 : vector<640x32xf32>
    %logistic3A_323 = arith.negf %add3A_322 : vector<640x32xf32>
    %logistic3A_324 = math.exp %logistic3A_323 : vector<640x32xf32>
    %logistic3A_325 = arith.constant 1.000000e+00 : f32
    %logistic3A_326 = vector.broadcast %logistic3A_325 : f32 to vector<640x32xf32>
    %logistic3A_327 = arith.addf %logistic3A_326, %logistic3A_324 : vector<640x32xf32>
    %logistic3A_328 = arith.divf %logistic3A_326, %logistic3A_327 : vector<640x32xf32>
    %slice3A_329 = vector.extract_strided_slice %add3A_306 {offsets = [0, 64], sizes = [640, 32], strides = [1, 1]} : vector<640x96xf32> to vector<640x32xf32>
    %slice3A_330 = vector.extract_strided_slice %add3A_310 {offsets = [0, 64], sizes = [640, 32], strides = [1, 1]} : vector<640x96xf32> to vector<640x32xf32>
    %mul3A_331 = arith.mulf %logistic3A_319, %slice3A_330 : vector<640x32xf32>
    %add3A_332 = arith.addf %slice3A_329, %mul3A_331 : vector<640x32xf32>
    %tanh3A_333 = math.tanh %add3A_332 : vector<640x32xf32>
    %sub3A_334 = arith.constant 1.000000e+00 : f32
    %sub3A_335 = vector.broadcast %sub3A_334 : f32 to vector<640x32xf32>
    %sub3A_336 = arith.subf %sub3A_335, %logistic3A_328 : vector<640x32xf32>
    %mul3A_337 = arith.mulf %sub3A_336, %tanh3A_333 : vector<640x32xf32>
    %mul3A_338 = arith.mulf %logistic3A_328, %add3A_252 : vector<640x32xf32>
    %add3A_339 = arith.addf %mul3A_337, %mul3A_338 : vector<640x32xf32>
    %dot_general3A_340 = arith.constant dense<0.000000e+00> : vector<640x96xf32>
    %dot_general3A_341 = tpu.matmul %add3A_339, %get3A_20, %dot_general3A_340 {dimension_numbers = #tpu.dot_dimension_numbers<[1], [0], [0], [1], [0, 0, 1, 1], [], []>, transpose_lhs_hint = false} : vector<640x32xf32>, vector<32x96xf32>, vector<640x96xf32> -> vector<640x96xf32>
    %add3A_342 = vector.broadcast %get3A_32 : vector<1x96xf32> to vector<640x96xf32>
    %add3A_343 = arith.addf %dot_general3A_341, %add3A_342 : vector<640x96xf32>
    %dot_general3A_344 = arith.constant dense<0.000000e+00> : vector<640x96xf32>
    %dot_general3A_345 = tpu.matmul %add3A_289, %get3A_23, %dot_general3A_344 {dimension_numbers = #tpu.dot_dimension_numbers<[1], [0], [0], [1], [0, 0, 1, 1], [], []>, transpose_lhs_hint = false} : vector<640x32xf32>, vector<32x96xf32>, vector<640x96xf32> -> vector<640x96xf32>
    %add3A_346 = vector.broadcast %get3A_35 : vector<1x96xf32> to vector<640x96xf32>
    %add3A_347 = arith.addf %dot_general3A_345, %add3A_346 : vector<640x96xf32>
    %slice3A_348 = vector.extract_strided_slice %add3A_343 {offsets = [0, 0], sizes = [640, 32], strides = [1, 1]} : vector<640x96xf32> to vector<640x32xf32>
    %slice3A_349 = vector.extract_strided_slice %add3A_347 {offsets = [0, 0], sizes = [640, 32], strides = [1, 1]} : vector<640x96xf32> to vector<640x32xf32>
    %add3A_350 = arith.addf %slice3A_348, %slice3A_349 : vector<640x32xf32>
    %logistic3A_351 = arith.negf %add3A_350 : vector<640x32xf32>
    %logistic3A_352 = math.exp %logistic3A_351 : vector<640x32xf32>
    %logistic3A_353 = arith.constant 1.000000e+00 : f32
    %logistic3A_354 = vector.broadcast %logistic3A_353 : f32 to vector<640x32xf32>
    %logistic3A_355 = arith.addf %logistic3A_354, %logistic3A_352 : vector<640x32xf32>
    %logistic3A_356 = arith.divf %logistic3A_354, %logistic3A_355 : vector<640x32xf32>
    %slice3A_357 = vector.extract_strided_slice %add3A_343 {offsets = [0, 32], sizes = [640, 32], strides = [1, 1]} : vector<640x96xf32> to vector<640x32xf32>
    %slice3A_358 = vector.extract_strided_slice %add3A_347 {offsets = [0, 32], sizes = [640, 32], strides = [1, 1]} : vector<640x96xf32> to vector<640x32xf32>
    %add3A_359 = arith.addf %slice3A_357, %slice3A_358 : vector<640x32xf32>
    %logistic3A_360 = arith.negf %add3A_359 : vector<640x32xf32>
    %logistic3A_361 = math.exp %logistic3A_360 : vector<640x32xf32>
    %logistic3A_362 = arith.constant 1.000000e+00 : f32
    %logistic3A_363 = vector.broadcast %logistic3A_362 : f32 to vector<640x32xf32>
    %logistic3A_364 = arith.addf %logistic3A_363, %logistic3A_361 : vector<640x32xf32>
    %logistic3A_365 = arith.divf %logistic3A_363, %logistic3A_364 : vector<640x32xf32>
    %slice3A_366 = vector.extract_strided_slice %add3A_343 {offsets = [0, 64], sizes = [640, 32], strides = [1, 1]} : vector<640x96xf32> to vector<640x32xf32>
    %slice3A_367 = vector.extract_strided_slice %add3A_347 {offsets = [0, 64], sizes = [640, 32], strides = [1, 1]} : vector<640x96xf32> to vector<640x32xf32>
    %mul3A_368 = arith.mulf %logistic3A_356, %slice3A_367 : vector<640x32xf32>
    %add3A_369 = arith.addf %slice3A_366, %mul3A_368 : vector<640x32xf32>
    %tanh3A_370 = math.tanh %add3A_369 : vector<640x32xf32>
    %sub3A_371 = arith.constant 1.000000e+00 : f32
    %sub3A_372 = vector.broadcast %sub3A_371 : f32 to vector<640x32xf32>
    %sub3A_373 = arith.subf %sub3A_372, %logistic3A_365 : vector<640x32xf32>
    %mul3A_374 = arith.mulf %sub3A_373, %tanh3A_370 : vector<640x32xf32>
    %mul3A_375 = arith.mulf %logistic3A_365, %add3A_289 : vector<640x32xf32>
    %add3A_376 = arith.addf %mul3A_374, %mul3A_375 : vector<640x32xf32>
    %get3A_377 = arith.constant 0 : index
    %get3A_378 = arith.constant 4 : index
    %get3A_379 = vector.load %arg1[%get3A_377, %get3A_378] : memref<640x8xf32, #tpu.memory_space<vmem>>, vector<640x1xf32>
    %slice3A_380 = vector.extract_strided_slice %get3A_14 {offsets = [0, 0], sizes = [1, 96], strides = [1, 1]} : vector<2x96xf32> to vector<1x96xf32>
    %mul3A_381 = vector.broadcast %get3A_379 : vector<640x1xf32> to vector<640x96xf32>
    %mul3A_382 = vector.broadcast %slice3A_380 : vector<1x96xf32> to vector<640x96xf32>
    %mul3A_383 = arith.mulf %mul3A_381, %mul3A_382 : vector<640x96xf32>
    %get3A_384 = arith.constant 0 : index
    %get3A_385 = arith.constant 4 : index
    %get3A_386 = vector.load %arg2[%get3A_384, %get3A_385] : memref<640x8xf32, #tpu.memory_space<vmem>>, vector<640x1xf32>
    %slice3A_387 = vector.extract_strided_slice %get3A_14 {offsets = [1, 0], sizes = [1, 96], strides = [1, 1]} : vector<2x96xf32> to vector<1x96xf32>
    %mul3A_388 = vector.broadcast %get3A_386 : vector<640x1xf32> to vector<640x96xf32>
    %mul3A_389 = vector.broadcast %slice3A_387 : vector<1x96xf32> to vector<640x96xf32>
    %mul3A_390 = arith.mulf %mul3A_388, %mul3A_389 : vector<640x96xf32>
    %add3A_391 = arith.addf %mul3A_383, %mul3A_390 : vector<640x96xf32>
    %add3A_392 = vector.broadcast %get3A_26 : vector<1x96xf32> to vector<640x96xf32>
    %add3A_393 = arith.addf %add3A_391, %add3A_392 : vector<640x96xf32>
    %dot_general3A_394 = arith.constant dense<0.000000e+00> : vector<640x96xf32>
    %dot_general3A_395 = tpu.matmul %add3A_339, %get3A_17, %dot_general3A_394 {dimension_numbers = #tpu.dot_dimension_numbers<[1], [0], [0], [1], [0, 0, 1, 1], [], []>, transpose_lhs_hint = false} : vector<640x32xf32>, vector<32x96xf32>, vector<640x96xf32> -> vector<640x96xf32>
    %add3A_396 = vector.broadcast %get3A_29 : vector<1x96xf32> to vector<640x96xf32>
    %add3A_397 = arith.addf %dot_general3A_395, %add3A_396 : vector<640x96xf32>
    %slice3A_398 = vector.extract_strided_slice %add3A_393 {offsets = [0, 0], sizes = [640, 32], strides = [1, 1]} : vector<640x96xf32> to vector<640x32xf32>
    %slice3A_399 = vector.extract_strided_slice %add3A_397 {offsets = [0, 0], sizes = [640, 32], strides = [1, 1]} : vector<640x96xf32> to vector<640x32xf32>
    %add3A_400 = arith.addf %slice3A_398, %slice3A_399 : vector<640x32xf32>
    %logistic3A_401 = arith.negf %add3A_400 : vector<640x32xf32>
    %logistic3A_402 = math.exp %logistic3A_401 : vector<640x32xf32>
    %logistic3A_403 = arith.constant 1.000000e+00 : f32
    %logistic3A_404 = vector.broadcast %logistic3A_403 : f32 to vector<640x32xf32>
    %logistic3A_405 = arith.addf %logistic3A_404, %logistic3A_402 : vector<640x32xf32>
    %logistic3A_406 = arith.divf %logistic3A_404, %logistic3A_405 : vector<640x32xf32>
    %slice3A_407 = vector.extract_strided_slice %add3A_393 {offsets = [0, 32], sizes = [640, 32], strides = [1, 1]} : vector<640x96xf32> to vector<640x32xf32>
    %slice3A_408 = vector.extract_strided_slice %add3A_397 {offsets = [0, 32], sizes = [640, 32], strides = [1, 1]} : vector<640x96xf32> to vector<640x32xf32>
    %add3A_409 = arith.addf %slice3A_407, %slice3A_408 : vector<640x32xf32>
    %logistic3A_410 = arith.negf %add3A_409 : vector<640x32xf32>
    %logistic3A_411 = math.exp %logistic3A_410 : vector<640x32xf32>
    %logistic3A_412 = arith.constant 1.000000e+00 : f32
    %logistic3A_413 = vector.broadcast %logistic3A_412 : f32 to vector<640x32xf32>
    %logistic3A_414 = arith.addf %logistic3A_413, %logistic3A_411 : vector<640x32xf32>
    %logistic3A_415 = arith.divf %logistic3A_413, %logistic3A_414 : vector<640x32xf32>
    %slice3A_416 = vector.extract_strided_slice %add3A_393 {offsets = [0, 64], sizes = [640, 32], strides = [1, 1]} : vector<640x96xf32> to vector<640x32xf32>
    %slice3A_417 = vector.extract_strided_slice %add3A_397 {offsets = [0, 64], sizes = [640, 32], strides = [1, 1]} : vector<640x96xf32> to vector<640x32xf32>
    %mul3A_418 = arith.mulf %logistic3A_406, %slice3A_417 : vector<640x32xf32>
    %add3A_419 = arith.addf %slice3A_416, %mul3A_418 : vector<640x32xf32>
    %tanh3A_420 = math.tanh %add3A_419 : vector<640x32xf32>
    %sub3A_421 = arith.constant 1.000000e+00 : f32
    %sub3A_422 = vector.broadcast %sub3A_421 : f32 to vector<640x32xf32>
    %sub3A_423 = arith.subf %sub3A_422, %logistic3A_415 : vector<640x32xf32>
    %mul3A_424 = arith.mulf %sub3A_423, %tanh3A_420 : vector<640x32xf32>
    %mul3A_425 = arith.mulf %logistic3A_415, %add3A_339 : vector<640x32xf32>
    %add3A_426 = arith.addf %mul3A_424, %mul3A_425 : vector<640x32xf32>
    %dot_general3A_427 = arith.constant dense<0.000000e+00> : vector<640x96xf32>
    %dot_general3A_428 = tpu.matmul %add3A_426, %get3A_20, %dot_general3A_427 {dimension_numbers = #tpu.dot_dimension_numbers<[1], [0], [0], [1], [0, 0, 1, 1], [], []>, transpose_lhs_hint = false} : vector<640x32xf32>, vector<32x96xf32>, vector<640x96xf32> -> vector<640x96xf32>
    %add3A_429 = vector.broadcast %get3A_32 : vector<1x96xf32> to vector<640x96xf32>
    %add3A_430 = arith.addf %dot_general3A_428, %add3A_429 : vector<640x96xf32>
    %dot_general3A_431 = arith.constant dense<0.000000e+00> : vector<640x96xf32>
    %dot_general3A_432 = tpu.matmul %add3A_376, %get3A_23, %dot_general3A_431 {dimension_numbers = #tpu.dot_dimension_numbers<[1], [0], [0], [1], [0, 0, 1, 1], [], []>, transpose_lhs_hint = false} : vector<640x32xf32>, vector<32x96xf32>, vector<640x96xf32> -> vector<640x96xf32>
    %add3A_433 = vector.broadcast %get3A_35 : vector<1x96xf32> to vector<640x96xf32>
    %add3A_434 = arith.addf %dot_general3A_432, %add3A_433 : vector<640x96xf32>
    %slice3A_435 = vector.extract_strided_slice %add3A_430 {offsets = [0, 0], sizes = [640, 32], strides = [1, 1]} : vector<640x96xf32> to vector<640x32xf32>
    %slice3A_436 = vector.extract_strided_slice %add3A_434 {offsets = [0, 0], sizes = [640, 32], strides = [1, 1]} : vector<640x96xf32> to vector<640x32xf32>
    %add3A_437 = arith.addf %slice3A_435, %slice3A_436 : vector<640x32xf32>
    %logistic3A_438 = arith.negf %add3A_437 : vector<640x32xf32>
    %logistic3A_439 = math.exp %logistic3A_438 : vector<640x32xf32>
    %logistic3A_440 = arith.constant 1.000000e+00 : f32
    %logistic3A_441 = vector.broadcast %logistic3A_440 : f32 to vector<640x32xf32>
    %logistic3A_442 = arith.addf %logistic3A_441, %logistic3A_439 : vector<640x32xf32>
    %logistic3A_443 = arith.divf %logistic3A_441, %logistic3A_442 : vector<640x32xf32>
    %slice3A_444 = vector.extract_strided_slice %add3A_430 {offsets = [0, 32], sizes = [640, 32], strides = [1, 1]} : vector<640x96xf32> to vector<640x32xf32>
    %slice3A_445 = vector.extract_strided_slice %add3A_434 {offsets = [0, 32], sizes = [640, 32], strides = [1, 1]} : vector<640x96xf32> to vector<640x32xf32>
    %add3A_446 = arith.addf %slice3A_444, %slice3A_445 : vector<640x32xf32>
    %logistic3A_447 = arith.negf %add3A_446 : vector<640x32xf32>
    %logistic3A_448 = math.exp %logistic3A_447 : vector<640x32xf32>
    %logistic3A_449 = arith.constant 1.000000e+00 : f32
    %logistic3A_450 = vector.broadcast %logistic3A_449 : f32 to vector<640x32xf32>
    %logistic3A_451 = arith.addf %logistic3A_450, %logistic3A_448 : vector<640x32xf32>
    %logistic3A_452 = arith.divf %logistic3A_450, %logistic3A_451 : vector<640x32xf32>
    %slice3A_453 = vector.extract_strided_slice %add3A_430 {offsets = [0, 64], sizes = [640, 32], strides = [1, 1]} : vector<640x96xf32> to vector<640x32xf32>
    %slice3A_454 = vector.extract_strided_slice %add3A_434 {offsets = [0, 64], sizes = [640, 32], strides = [1, 1]} : vector<640x96xf32> to vector<640x32xf32>
    %mul3A_455 = arith.mulf %logistic3A_443, %slice3A_454 : vector<640x32xf32>
    %add3A_456 = arith.addf %slice3A_453, %mul3A_455 : vector<640x32xf32>
    %tanh3A_457 = math.tanh %add3A_456 : vector<640x32xf32>
    %sub3A_458 = arith.constant 1.000000e+00 : f32
    %sub3A_459 = vector.broadcast %sub3A_458 : f32 to vector<640x32xf32>
    %sub3A_460 = arith.subf %sub3A_459, %logistic3A_452 : vector<640x32xf32>
    %mul3A_461 = arith.mulf %sub3A_460, %tanh3A_457 : vector<640x32xf32>
    %mul3A_462 = arith.mulf %logistic3A_452, %add3A_376 : vector<640x32xf32>
    %add3A_463 = arith.addf %mul3A_461, %mul3A_462 : vector<640x32xf32>
    %get3A_464 = arith.constant 0 : index
    %get3A_465 = arith.constant 5 : index
    %get3A_466 = vector.load %arg1[%get3A_464, %get3A_465] : memref<640x8xf32, #tpu.memory_space<vmem>>, vector<640x1xf32>
    %slice3A_467 = vector.extract_strided_slice %get3A_14 {offsets = [0, 0], sizes = [1, 96], strides = [1, 1]} : vector<2x96xf32> to vector<1x96xf32>
    %mul3A_468 = vector.broadcast %get3A_466 : vector<640x1xf32> to vector<640x96xf32>
    %mul3A_469 = vector.broadcast %slice3A_467 : vector<1x96xf32> to vector<640x96xf32>
    %mul3A_470 = arith.mulf %mul3A_468, %mul3A_469 : vector<640x96xf32>
    %get3A_471 = arith.constant 0 : index
    %get3A_472 = arith.constant 5 : index
    %get3A_473 = vector.load %arg2[%get3A_471, %get3A_472] : memref<640x8xf32, #tpu.memory_space<vmem>>, vector<640x1xf32>
    %slice3A_474 = vector.extract_strided_slice %get3A_14 {offsets = [1, 0], sizes = [1, 96], strides = [1, 1]} : vector<2x96xf32> to vector<1x96xf32>
    %mul3A_475 = vector.broadcast %get3A_473 : vector<640x1xf32> to vector<640x96xf32>
    %mul3A_476 = vector.broadcast %slice3A_474 : vector<1x96xf32> to vector<640x96xf32>
    %mul3A_477 = arith.mulf %mul3A_475, %mul3A_476 : vector<640x96xf32>
    %add3A_478 = arith.addf %mul3A_470, %mul3A_477 : vector<640x96xf32>
    %add3A_479 = vector.broadcast %get3A_26 : vector<1x96xf32> to vector<640x96xf32>
    %add3A_480 = arith.addf %add3A_478, %add3A_479 : vector<640x96xf32>
    %dot_general3A_481 = arith.constant dense<0.000000e+00> : vector<640x96xf32>
    %dot_general3A_482 = tpu.matmul %add3A_426, %get3A_17, %dot_general3A_481 {dimension_numbers = #tpu.dot_dimension_numbers<[1], [0], [0], [1], [0, 0, 1, 1], [], []>, transpose_lhs_hint = false} : vector<640x32xf32>, vector<32x96xf32>, vector<640x96xf32> -> vector<640x96xf32>
    %add3A_483 = vector.broadcast %get3A_29 : vector<1x96xf32> to vector<640x96xf32>
    %add3A_484 = arith.addf %dot_general3A_482, %add3A_483 : vector<640x96xf32>
    %slice3A_485 = vector.extract_strided_slice %add3A_480 {offsets = [0, 0], sizes = [640, 32], strides = [1, 1]} : vector<640x96xf32> to vector<640x32xf32>
    %slice3A_486 = vector.extract_strided_slice %add3A_484 {offsets = [0, 0], sizes = [640, 32], strides = [1, 1]} : vector<640x96xf32> to vector<640x32xf32>
    %add3A_487 = arith.addf %slice3A_485, %slice3A_486 : vector<640x32xf32>
    %logistic3A_488 = arith.negf %add3A_487 : vector<640x32xf32>
    %logistic3A_489 = math.exp %logistic3A_488 : vector<640x32xf32>
    %logistic3A_490 = arith.constant 1.000000e+00 : f32
    %logistic3A_491 = vector.broadcast %logistic3A_490 : f32 to vector<640x32xf32>
    %logistic3A_492 = arith.addf %logistic3A_491, %logistic3A_489 : vector<640x32xf32>
    %logistic3A_493 = arith.divf %logistic3A_491, %logistic3A_492 : vector<640x32xf32>
    %slice3A_494 = vector.extract_strided_slice %add3A_480 {offsets = [0, 32], sizes = [640, 32], strides = [1, 1]} : vector<640x96xf32> to vector<640x32xf32>
    %slice3A_495 = vector.extract_strided_slice %add3A_484 {offsets = [0, 32], sizes = [640, 32], strides = [1, 1]} : vector<640x96xf32> to vector<640x32xf32>
    %add3A_496 = arith.addf %slice3A_494, %slice3A_495 : vector<640x32xf32>
    %logistic3A_497 = arith.negf %add3A_496 : vector<640x32xf32>
    %logistic3A_498 = math.exp %logistic3A_497 : vector<640x32xf32>
    %logistic3A_499 = arith.constant 1.000000e+00 : f32
    %logistic3A_500 = vector.broadcast %logistic3A_499 : f32 to vector<640x32xf32>
    %logistic3A_501 = arith.addf %logistic3A_500, %logistic3A_498 : vector<640x32xf32>
    %logistic3A_502 = arith.divf %logistic3A_500, %logistic3A_501 : vector<640x32xf32>
    %slice3A_503 = vector.extract_strided_slice %add3A_480 {offsets = [0, 64], sizes = [640, 32], strides = [1, 1]} : vector<640x96xf32> to vector<640x32xf32>
    %slice3A_504 = vector.extract_strided_slice %add3A_484 {offsets = [0, 64], sizes = [640, 32], strides = [1, 1]} : vector<640x96xf32> to vector<640x32xf32>
    %mul3A_505 = arith.mulf %logistic3A_493, %slice3A_504 : vector<640x32xf32>
    %add3A_506 = arith.addf %slice3A_503, %mul3A_505 : vector<640x32xf32>
    %tanh3A_507 = math.tanh %add3A_506 : vector<640x32xf32>
    %sub3A_508 = arith.constant 1.000000e+00 : f32
    %sub3A_509 = vector.broadcast %sub3A_508 : f32 to vector<640x32xf32>
    %sub3A_510 = arith.subf %sub3A_509, %logistic3A_502 : vector<640x32xf32>
    %mul3A_511 = arith.mulf %sub3A_510, %tanh3A_507 : vector<640x32xf32>
    %mul3A_512 = arith.mulf %logistic3A_502, %add3A_426 : vector<640x32xf32>
    %add3A_513 = arith.addf %mul3A_511, %mul3A_512 : vector<640x32xf32>
    %dot_general3A_514 = arith.constant dense<0.000000e+00> : vector<640x96xf32>
    %dot_general3A_515 = tpu.matmul %add3A_513, %get3A_20, %dot_general3A_514 {dimension_numbers = #tpu.dot_dimension_numbers<[1], [0], [0], [1], [0, 0, 1, 1], [], []>, transpose_lhs_hint = false} : vector<640x32xf32>, vector<32x96xf32>, vector<640x96xf32> -> vector<640x96xf32>
    %add3A_516 = vector.broadcast %get3A_32 : vector<1x96xf32> to vector<640x96xf32>
    %add3A_517 = arith.addf %dot_general3A_515, %add3A_516 : vector<640x96xf32>
    %dot_general3A_518 = arith.constant dense<0.000000e+00> : vector<640x96xf32>
    %dot_general3A_519 = tpu.matmul %add3A_463, %get3A_23, %dot_general3A_518 {dimension_numbers = #tpu.dot_dimension_numbers<[1], [0], [0], [1], [0, 0, 1, 1], [], []>, transpose_lhs_hint = false} : vector<640x32xf32>, vector<32x96xf32>, vector<640x96xf32> -> vector<640x96xf32>
    %add3A_520 = vector.broadcast %get3A_35 : vector<1x96xf32> to vector<640x96xf32>
    %add3A_521 = arith.addf %dot_general3A_519, %add3A_520 : vector<640x96xf32>
    %slice3A_522 = vector.extract_strided_slice %add3A_517 {offsets = [0, 0], sizes = [640, 32], strides = [1, 1]} : vector<640x96xf32> to vector<640x32xf32>
    %slice3A_523 = vector.extract_strided_slice %add3A_521 {offsets = [0, 0], sizes = [640, 32], strides = [1, 1]} : vector<640x96xf32> to vector<640x32xf32>
    %add3A_524 = arith.addf %slice3A_522, %slice3A_523 : vector<640x32xf32>
    %logistic3A_525 = arith.negf %add3A_524 : vector<640x32xf32>
    %logistic3A_526 = math.exp %logistic3A_525 : vector<640x32xf32>
    %logistic3A_527 = arith.constant 1.000000e+00 : f32
    %logistic3A_528 = vector.broadcast %logistic3A_527 : f32 to vector<640x32xf32>
    %logistic3A_529 = arith.addf %logistic3A_528, %logistic3A_526 : vector<640x32xf32>
    %logistic3A_530 = arith.divf %logistic3A_528, %logistic3A_529 : vector<640x32xf32>
    %slice3A_531 = vector.extract_strided_slice %add3A_517 {offsets = [0, 32], sizes = [640, 32], strides = [1, 1]} : vector<640x96xf32> to vector<640x32xf32>
    %slice3A_532 = vector.extract_strided_slice %add3A_521 {offsets = [0, 32], sizes = [640, 32], strides = [1, 1]} : vector<640x96xf32> to vector<640x32xf32>
    %add3A_533 = arith.addf %slice3A_531, %slice3A_532 : vector<640x32xf32>
    %logistic3A_534 = arith.negf %add3A_533 : vector<640x32xf32>
    %logistic3A_535 = math.exp %logistic3A_534 : vector<640x32xf32>
    %logistic3A_536 = arith.constant 1.000000e+00 : f32
    %logistic3A_537 = vector.broadcast %logistic3A_536 : f32 to vector<640x32xf32>
    %logistic3A_538 = arith.addf %logistic3A_537, %logistic3A_535 : vector<640x32xf32>
    %logistic3A_539 = arith.divf %logistic3A_537, %logistic3A_538 : vector<640x32xf32>
    %slice3A_540 = vector.extract_strided_slice %add3A_517 {offsets = [0, 64], sizes = [640, 32], strides = [1, 1]} : vector<640x96xf32> to vector<640x32xf32>
    %slice3A_541 = vector.extract_strided_slice %add3A_521 {offsets = [0, 64], sizes = [640, 32], strides = [1, 1]} : vector<640x96xf32> to vector<640x32xf32>
    %mul3A_542 = arith.mulf %logistic3A_530, %slice3A_541 : vector<640x32xf32>
    %add3A_543 = arith.addf %slice3A_540, %mul3A_542 : vector<640x32xf32>
    %tanh3A_544 = math.tanh %add3A_543 : vector<640x32xf32>
    %sub3A_545 = arith.constant 1.000000e+00 : f32
    %sub3A_546 = vector.broadcast %sub3A_545 : f32 to vector<640x32xf32>
    %sub3A_547 = arith.subf %sub3A_546, %logistic3A_539 : vector<640x32xf32>
    %mul3A_548 = arith.mulf %sub3A_547, %tanh3A_544 : vector<640x32xf32>
    %mul3A_549 = arith.mulf %logistic3A_539, %add3A_463 : vector<640x32xf32>
    %add3A_550 = arith.addf %mul3A_548, %mul3A_549 : vector<640x32xf32>
    %get3A_551 = arith.constant 0 : index
    %get3A_552 = arith.constant 6 : index
    %get3A_553 = vector.load %arg1[%get3A_551, %get3A_552] : memref<640x8xf32, #tpu.memory_space<vmem>>, vector<640x1xf32>
    %slice3A_554 = vector.extract_strided_slice %get3A_14 {offsets = [0, 0], sizes = [1, 96], strides = [1, 1]} : vector<2x96xf32> to vector<1x96xf32>
    %mul3A_555 = vector.broadcast %get3A_553 : vector<640x1xf32> to vector<640x96xf32>
    %mul3A_556 = vector.broadcast %slice3A_554 : vector<1x96xf32> to vector<640x96xf32>
    %mul3A_557 = arith.mulf %mul3A_555, %mul3A_556 : vector<640x96xf32>
    %get3A_558 = arith.constant 0 : index
    %get3A_559 = arith.constant 6 : index
    %get3A_560 = vector.load %arg2[%get3A_558, %get3A_559] : memref<640x8xf32, #tpu.memory_space<vmem>>, vector<640x1xf32>
    %slice3A_561 = vector.extract_strided_slice %get3A_14 {offsets = [1, 0], sizes = [1, 96], strides = [1, 1]} : vector<2x96xf32> to vector<1x96xf32>
    %mul3A_562 = vector.broadcast %get3A_560 : vector<640x1xf32> to vector<640x96xf32>
    %mul3A_563 = vector.broadcast %slice3A_561 : vector<1x96xf32> to vector<640x96xf32>
    %mul3A_564 = arith.mulf %mul3A_562, %mul3A_563 : vector<640x96xf32>
    %add3A_565 = arith.addf %mul3A_557, %mul3A_564 : vector<640x96xf32>
    %add3A_566 = vector.broadcast %get3A_26 : vector<1x96xf32> to vector<640x96xf32>
    %add3A_567 = arith.addf %add3A_565, %add3A_566 : vector<640x96xf32>
    %dot_general3A_568 = arith.constant dense<0.000000e+00> : vector<640x96xf32>
    %dot_general3A_569 = tpu.matmul %add3A_513, %get3A_17, %dot_general3A_568 {dimension_numbers = #tpu.dot_dimension_numbers<[1], [0], [0], [1], [0, 0, 1, 1], [], []>, transpose_lhs_hint = false} : vector<640x32xf32>, vector<32x96xf32>, vector<640x96xf32> -> vector<640x96xf32>
    %add3A_570 = vector.broadcast %get3A_29 : vector<1x96xf32> to vector<640x96xf32>
    %add3A_571 = arith.addf %dot_general3A_569, %add3A_570 : vector<640x96xf32>
    %slice3A_572 = vector.extract_strided_slice %add3A_567 {offsets = [0, 0], sizes = [640, 32], strides = [1, 1]} : vector<640x96xf32> to vector<640x32xf32>
    %slice3A_573 = vector.extract_strided_slice %add3A_571 {offsets = [0, 0], sizes = [640, 32], strides = [1, 1]} : vector<640x96xf32> to vector<640x32xf32>
    %add3A_574 = arith.addf %slice3A_572, %slice3A_573 : vector<640x32xf32>
    %logistic3A_575 = arith.negf %add3A_574 : vector<640x32xf32>
    %logistic3A_576 = math.exp %logistic3A_575 : vector<640x32xf32>
    %logistic3A_577 = arith.constant 1.000000e+00 : f32
    %logistic3A_578 = vector.broadcast %logistic3A_577 : f32 to vector<640x32xf32>
    %logistic3A_579 = arith.addf %logistic3A_578, %logistic3A_576 : vector<640x32xf32>
    %logistic3A_580 = arith.divf %logistic3A_578, %logistic3A_579 : vector<640x32xf32>
    %slice3A_581 = vector.extract_strided_slice %add3A_567 {offsets = [0, 32], sizes = [640, 32], strides = [1, 1]} : vector<640x96xf32> to vector<640x32xf32>
    %slice3A_582 = vector.extract_strided_slice %add3A_571 {offsets = [0, 32], sizes = [640, 32], strides = [1, 1]} : vector<640x96xf32> to vector<640x32xf32>
    %add3A_583 = arith.addf %slice3A_581, %slice3A_582 : vector<640x32xf32>
    %logistic3A_584 = arith.negf %add3A_583 : vector<640x32xf32>
    %logistic3A_585 = math.exp %logistic3A_584 : vector<640x32xf32>
    %logistic3A_586 = arith.constant 1.000000e+00 : f32
    %logistic3A_587 = vector.broadcast %logistic3A_586 : f32 to vector<640x32xf32>
    %logistic3A_588 = arith.addf %logistic3A_587, %logistic3A_585 : vector<640x32xf32>
    %logistic3A_589 = arith.divf %logistic3A_587, %logistic3A_588 : vector<640x32xf32>
    %slice3A_590 = vector.extract_strided_slice %add3A_567 {offsets = [0, 64], sizes = [640, 32], strides = [1, 1]} : vector<640x96xf32> to vector<640x32xf32>
    %slice3A_591 = vector.extract_strided_slice %add3A_571 {offsets = [0, 64], sizes = [640, 32], strides = [1, 1]} : vector<640x96xf32> to vector<640x32xf32>
    %mul3A_592 = arith.mulf %logistic3A_580, %slice3A_591 : vector<640x32xf32>
    %add3A_593 = arith.addf %slice3A_590, %mul3A_592 : vector<640x32xf32>
    %tanh3A_594 = math.tanh %add3A_593 : vector<640x32xf32>
    %sub3A_595 = arith.constant 1.000000e+00 : f32
    %sub3A_596 = vector.broadcast %sub3A_595 : f32 to vector<640x32xf32>
    %sub3A_597 = arith.subf %sub3A_596, %logistic3A_589 : vector<640x32xf32>
    %mul3A_598 = arith.mulf %sub3A_597, %tanh3A_594 : vector<640x32xf32>
    %mul3A_599 = arith.mulf %logistic3A_589, %add3A_513 : vector<640x32xf32>
    %add3A_600 = arith.addf %mul3A_598, %mul3A_599 : vector<640x32xf32>
    %dot_general3A_601 = arith.constant dense<0.000000e+00> : vector<640x96xf32>
    %dot_general3A_602 = tpu.matmul %add3A_600, %get3A_20, %dot_general3A_601 {dimension_numbers = #tpu.dot_dimension_numbers<[1], [0], [0], [1], [0, 0, 1, 1], [], []>, transpose_lhs_hint = false} : vector<640x32xf32>, vector<32x96xf32>, vector<640x96xf32> -> vector<640x96xf32>
    %add3A_603 = vector.broadcast %get3A_32 : vector<1x96xf32> to vector<640x96xf32>
    %add3A_604 = arith.addf %dot_general3A_602, %add3A_603 : vector<640x96xf32>
    %dot_general3A_605 = arith.constant dense<0.000000e+00> : vector<640x96xf32>
    %dot_general3A_606 = tpu.matmul %add3A_550, %get3A_23, %dot_general3A_605 {dimension_numbers = #tpu.dot_dimension_numbers<[1], [0], [0], [1], [0, 0, 1, 1], [], []>, transpose_lhs_hint = false} : vector<640x32xf32>, vector<32x96xf32>, vector<640x96xf32> -> vector<640x96xf32>
    %add3A_607 = vector.broadcast %get3A_35 : vector<1x96xf32> to vector<640x96xf32>
    %add3A_608 = arith.addf %dot_general3A_606, %add3A_607 : vector<640x96xf32>
    %slice3A_609 = vector.extract_strided_slice %add3A_604 {offsets = [0, 0], sizes = [640, 32], strides = [1, 1]} : vector<640x96xf32> to vector<640x32xf32>
    %slice3A_610 = vector.extract_strided_slice %add3A_608 {offsets = [0, 0], sizes = [640, 32], strides = [1, 1]} : vector<640x96xf32> to vector<640x32xf32>
    %add3A_611 = arith.addf %slice3A_609, %slice3A_610 : vector<640x32xf32>
    %logistic3A_612 = arith.negf %add3A_611 : vector<640x32xf32>
    %logistic3A_613 = math.exp %logistic3A_612 : vector<640x32xf32>
    %logistic3A_614 = arith.constant 1.000000e+00 : f32
    %logistic3A_615 = vector.broadcast %logistic3A_614 : f32 to vector<640x32xf32>
    %logistic3A_616 = arith.addf %logistic3A_615, %logistic3A_613 : vector<640x32xf32>
    %logistic3A_617 = arith.divf %logistic3A_615, %logistic3A_616 : vector<640x32xf32>
    %slice3A_618 = vector.extract_strided_slice %add3A_604 {offsets = [0, 32], sizes = [640, 32], strides = [1, 1]} : vector<640x96xf32> to vector<640x32xf32>
    %slice3A_619 = vector.extract_strided_slice %add3A_608 {offsets = [0, 32], sizes = [640, 32], strides = [1, 1]} : vector<640x96xf32> to vector<640x32xf32>
    %add3A_620 = arith.addf %slice3A_618, %slice3A_619 : vector<640x32xf32>
    %logistic3A_621 = arith.negf %add3A_620 : vector<640x32xf32>
    %logistic3A_622 = math.exp %logistic3A_621 : vector<640x32xf32>
    %logistic3A_623 = arith.constant 1.000000e+00 : f32
    %logistic3A_624 = vector.broadcast %logistic3A_623 : f32 to vector<640x32xf32>
    %logistic3A_625 = arith.addf %logistic3A_624, %logistic3A_622 : vector<640x32xf32>
    %logistic3A_626 = arith.divf %logistic3A_624, %logistic3A_625 : vector<640x32xf32>
    %slice3A_627 = vector.extract_strided_slice %add3A_604 {offsets = [0, 64], sizes = [640, 32], strides = [1, 1]} : vector<640x96xf32> to vector<640x32xf32>
    %slice3A_628 = vector.extract_strided_slice %add3A_608 {offsets = [0, 64], sizes = [640, 32], strides = [1, 1]} : vector<640x96xf32> to vector<640x32xf32>
    %mul3A_629 = arith.mulf %logistic3A_617, %slice3A_628 : vector<640x32xf32>
    %add3A_630 = arith.addf %slice3A_627, %mul3A_629 : vector<640x32xf32>
    %tanh3A_631 = math.tanh %add3A_630 : vector<640x32xf32>
    %sub3A_632 = arith.constant 1.000000e+00 : f32
    %sub3A_633 = vector.broadcast %sub3A_632 : f32 to vector<640x32xf32>
    %sub3A_634 = arith.subf %sub3A_633, %logistic3A_626 : vector<640x32xf32>
    %mul3A_635 = arith.mulf %sub3A_634, %tanh3A_631 : vector<640x32xf32>
    %mul3A_636 = arith.mulf %logistic3A_626, %add3A_550 : vector<640x32xf32>
    %add3A_637 = arith.addf %mul3A_635, %mul3A_636 : vector<640x32xf32>
    %get3A_638 = arith.constant 0 : index
    %get3A_639 = arith.constant 7 : index
    %get3A_640 = vector.load %arg1[%get3A_638, %get3A_639] : memref<640x8xf32, #tpu.memory_space<vmem>>, vector<640x1xf32>
    %slice3A_641 = vector.extract_strided_slice %get3A_14 {offsets = [0, 0], sizes = [1, 96], strides = [1, 1]} : vector<2x96xf32> to vector<1x96xf32>
    %mul3A_642 = vector.broadcast %get3A_640 : vector<640x1xf32> to vector<640x96xf32>
    %mul3A_643 = vector.broadcast %slice3A_641 : vector<1x96xf32> to vector<640x96xf32>
    %mul3A_644 = arith.mulf %mul3A_642, %mul3A_643 : vector<640x96xf32>
    %get3A_645 = arith.constant 0 : index
    %get3A_646 = arith.constant 7 : index
    %get3A_647 = vector.load %arg2[%get3A_645, %get3A_646] : memref<640x8xf32, #tpu.memory_space<vmem>>, vector<640x1xf32>
    %slice3A_648 = vector.extract_strided_slice %get3A_14 {offsets = [1, 0], sizes = [1, 96], strides = [1, 1]} : vector<2x96xf32> to vector<1x96xf32>
    %mul3A_649 = vector.broadcast %get3A_647 : vector<640x1xf32> to vector<640x96xf32>
    %mul3A_650 = vector.broadcast %slice3A_648 : vector<1x96xf32> to vector<640x96xf32>
    %mul3A_651 = arith.mulf %mul3A_649, %mul3A_650 : vector<640x96xf32>
    %add3A_652 = arith.addf %mul3A_644, %mul3A_651 : vector<640x96xf32>
    %add3A_653 = vector.broadcast %get3A_26 : vector<1x96xf32> to vector<640x96xf32>
    %add3A_654 = arith.addf %add3A_652, %add3A_653 : vector<640x96xf32>
    %dot_general3A_655 = arith.constant dense<0.000000e+00> : vector<640x96xf32>
    %dot_general3A_656 = tpu.matmul %add3A_600, %get3A_17, %dot_general3A_655 {dimension_numbers = #tpu.dot_dimension_numbers<[1], [0], [0], [1], [0, 0, 1, 1], [], []>, transpose_lhs_hint = false} : vector<640x32xf32>, vector<32x96xf32>, vector<640x96xf32> -> vector<640x96xf32>
    %add3A_657 = vector.broadcast %get3A_29 : vector<1x96xf32> to vector<640x96xf32>
    %add3A_658 = arith.addf %dot_general3A_656, %add3A_657 : vector<640x96xf32>
    %slice3A_659 = vector.extract_strided_slice %add3A_654 {offsets = [0, 0], sizes = [640, 32], strides = [1, 1]} : vector<640x96xf32> to vector<640x32xf32>
    %slice3A_660 = vector.extract_strided_slice %add3A_658 {offsets = [0, 0], sizes = [640, 32], strides = [1, 1]} : vector<640x96xf32> to vector<640x32xf32>
    %add3A_661 = arith.addf %slice3A_659, %slice3A_660 : vector<640x32xf32>
    %logistic3A_662 = arith.negf %add3A_661 : vector<640x32xf32>
    %logistic3A_663 = math.exp %logistic3A_662 : vector<640x32xf32>
    %logistic3A_664 = arith.constant 1.000000e+00 : f32
    %logistic3A_665 = vector.broadcast %logistic3A_664 : f32 to vector<640x32xf32>
    %logistic3A_666 = arith.addf %logistic3A_665, %logistic3A_663 : vector<640x32xf32>
    %logistic3A_667 = arith.divf %logistic3A_665, %logistic3A_666 : vector<640x32xf32>
    %slice3A_668 = vector.extract_strided_slice %add3A_654 {offsets = [0, 32], sizes = [640, 32], strides = [1, 1]} : vector<640x96xf32> to vector<640x32xf32>
    %slice3A_669 = vector.extract_strided_slice %add3A_658 {offsets = [0, 32], sizes = [640, 32], strides = [1, 1]} : vector<640x96xf32> to vector<640x32xf32>
    %add3A_670 = arith.addf %slice3A_668, %slice3A_669 : vector<640x32xf32>
    %logistic3A_671 = arith.negf %add3A_670 : vector<640x32xf32>
    %logistic3A_672 = math.exp %logistic3A_671 : vector<640x32xf32>
    %logistic3A_673 = arith.constant 1.000000e+00 : f32
    %logistic3A_674 = vector.broadcast %logistic3A_673 : f32 to vector<640x32xf32>
    %logistic3A_675 = arith.addf %logistic3A_674, %logistic3A_672 : vector<640x32xf32>
    %logistic3A_676 = arith.divf %logistic3A_674, %logistic3A_675 : vector<640x32xf32>
    %slice3A_677 = vector.extract_strided_slice %add3A_654 {offsets = [0, 64], sizes = [640, 32], strides = [1, 1]} : vector<640x96xf32> to vector<640x32xf32>
    %slice3A_678 = vector.extract_strided_slice %add3A_658 {offsets = [0, 64], sizes = [640, 32], strides = [1, 1]} : vector<640x96xf32> to vector<640x32xf32>
    %mul3A_679 = arith.mulf %logistic3A_667, %slice3A_678 : vector<640x32xf32>
    %add3A_680 = arith.addf %slice3A_677, %mul3A_679 : vector<640x32xf32>
    %tanh3A_681 = math.tanh %add3A_680 : vector<640x32xf32>
    %sub3A_682 = arith.constant 1.000000e+00 : f32
    %sub3A_683 = vector.broadcast %sub3A_682 : f32 to vector<640x32xf32>
    %sub3A_684 = arith.subf %sub3A_683, %logistic3A_676 : vector<640x32xf32>
    %mul3A_685 = arith.mulf %sub3A_684, %tanh3A_681 : vector<640x32xf32>
    %mul3A_686 = arith.mulf %logistic3A_676, %add3A_600 : vector<640x32xf32>
    %add3A_687 = arith.addf %mul3A_685, %mul3A_686 : vector<640x32xf32>
    %dot_general3A_688 = arith.constant dense<0.000000e+00> : vector<640x96xf32>
    %dot_general3A_689 = tpu.matmul %add3A_687, %get3A_20, %dot_general3A_688 {dimension_numbers = #tpu.dot_dimension_numbers<[1], [0], [0], [1], [0, 0, 1, 1], [], []>, transpose_lhs_hint = false} : vector<640x32xf32>, vector<32x96xf32>, vector<640x96xf32> -> vector<640x96xf32>
    %add3A_690 = vector.broadcast %get3A_32 : vector<1x96xf32> to vector<640x96xf32>
    %add3A_691 = arith.addf %dot_general3A_689, %add3A_690 : vector<640x96xf32>
    %dot_general3A_692 = arith.constant dense<0.000000e+00> : vector<640x96xf32>
    %dot_general3A_693 = tpu.matmul %add3A_637, %get3A_23, %dot_general3A_692 {dimension_numbers = #tpu.dot_dimension_numbers<[1], [0], [0], [1], [0, 0, 1, 1], [], []>, transpose_lhs_hint = false} : vector<640x32xf32>, vector<32x96xf32>, vector<640x96xf32> -> vector<640x96xf32>
    %add3A_694 = vector.broadcast %get3A_35 : vector<1x96xf32> to vector<640x96xf32>
    %add3A_695 = arith.addf %dot_general3A_693, %add3A_694 : vector<640x96xf32>
    %slice3A_696 = vector.extract_strided_slice %add3A_691 {offsets = [0, 0], sizes = [640, 32], strides = [1, 1]} : vector<640x96xf32> to vector<640x32xf32>
    %slice3A_697 = vector.extract_strided_slice %add3A_695 {offsets = [0, 0], sizes = [640, 32], strides = [1, 1]} : vector<640x96xf32> to vector<640x32xf32>
    %add3A_698 = arith.addf %slice3A_696, %slice3A_697 : vector<640x32xf32>
    %logistic3A_699 = arith.negf %add3A_698 : vector<640x32xf32>
    %logistic3A_700 = math.exp %logistic3A_699 : vector<640x32xf32>
    %logistic3A_701 = arith.constant 1.000000e+00 : f32
    %logistic3A_702 = vector.broadcast %logistic3A_701 : f32 to vector<640x32xf32>
    %logistic3A_703 = arith.addf %logistic3A_702, %logistic3A_700 : vector<640x32xf32>
    %logistic3A_704 = arith.divf %logistic3A_702, %logistic3A_703 : vector<640x32xf32>
    %slice3A_705 = vector.extract_strided_slice %add3A_691 {offsets = [0, 32], sizes = [640, 32], strides = [1, 1]} : vector<640x96xf32> to vector<640x32xf32>
    %slice3A_706 = vector.extract_strided_slice %add3A_695 {offsets = [0, 32], sizes = [640, 32], strides = [1, 1]} : vector<640x96xf32> to vector<640x32xf32>
    %add3A_707 = arith.addf %slice3A_705, %slice3A_706 : vector<640x32xf32>
    %logistic3A_708 = arith.negf %add3A_707 : vector<640x32xf32>
    %logistic3A_709 = math.exp %logistic3A_708 : vector<640x32xf32>
    %logistic3A_710 = arith.constant 1.000000e+00 : f32
    %logistic3A_711 = vector.broadcast %logistic3A_710 : f32 to vector<640x32xf32>
    %logistic3A_712 = arith.addf %logistic3A_711, %logistic3A_709 : vector<640x32xf32>
    %logistic3A_713 = arith.divf %logistic3A_711, %logistic3A_712 : vector<640x32xf32>
    %slice3A_714 = vector.extract_strided_slice %add3A_691 {offsets = [0, 64], sizes = [640, 32], strides = [1, 1]} : vector<640x96xf32> to vector<640x32xf32>
    %slice3A_715 = vector.extract_strided_slice %add3A_695 {offsets = [0, 64], sizes = [640, 32], strides = [1, 1]} : vector<640x96xf32> to vector<640x32xf32>
    %mul3A_716 = arith.mulf %logistic3A_704, %slice3A_715 : vector<640x32xf32>
    %add3A_717 = arith.addf %slice3A_714, %mul3A_716 : vector<640x32xf32>
    %tanh3A_718 = math.tanh %add3A_717 : vector<640x32xf32>
    %sub3A_719 = arith.constant 1.000000e+00 : f32
    %sub3A_720 = vector.broadcast %sub3A_719 : f32 to vector<640x32xf32>
    %sub3A_721 = arith.subf %sub3A_720, %logistic3A_713 : vector<640x32xf32>
    %mul3A_722 = arith.mulf %sub3A_721, %tanh3A_718 : vector<640x32xf32>
    %mul3A_723 = arith.mulf %logistic3A_713, %add3A_637 : vector<640x32xf32>
    %add3A_724 = arith.addf %mul3A_722, %mul3A_723 : vector<640x32xf32>
    %slice3A_725 = vector.extract_strided_slice %add3A_687 {offsets = [0, 0], sizes = [640, 16], strides = [1, 1]} : vector<640x32xf32> to vector<640x16xf32>
    %swap3A = arith.constant 0 : index
    %swap3A_726 = arith.constant 0 : index
    %swap3A_727 = vector.load %arg21[%swap3A, %swap3A_726] : memref<640x16xf32, #tpu.memory_space<vmem>>, vector<640x16xf32>
    tpu.vector_store %arg21[%swap3A, %swap3A_726], %slice3A_725 {strides = array<i32>} : memref<640x16xf32, #tpu.memory_space<vmem>>, vector<640x16xf32>,
    %slice3A_728 = vector.extract_strided_slice %add3A_724 {offsets = [0, 0], sizes = [640, 16], strides = [1, 1]} : vector<640x32xf32> to vector<640x16xf32>
    %swap3A_729 = arith.constant 0 : index
    %swap3A_730 = arith.constant 0 : index
    %swap3A_731 = vector.load %arg22[%swap3A_729, %swap3A_730] : memref<640x16xf32, #tpu.memory_space<vmem>>, vector<640x16xf32>
    tpu.vector_store %arg22[%swap3A_729, %swap3A_730], %slice3A_728 {strides = array<i32>} : memref<640x16xf32, #tpu.memory_space<vmem>>, vector<640x16xf32>,
    %slice3A_732 = vector.extract_strided_slice %add3A_687 {offsets = [0, 16], sizes = [640, 16], strides = [1, 1]} : vector<640x32xf32> to vector<640x16xf32>
    %swap3A_733 = arith.constant 0 : index
    %swap3A_734 = arith.constant 0 : index
    %swap3A_735 = vector.load %arg23[%swap3A_733, %swap3A_734] : memref<640x16xf32, #tpu.memory_space<vmem>>, vector<640x16xf32>
    tpu.vector_store %arg23[%swap3A_733, %swap3A_734], %slice3A_732 {strides = array<i32>} : memref<640x16xf32, #tpu.memory_space<vmem>>, vector<640x16xf32>,
    %slice3A_736 = vector.extract_strided_slice %add3A_724 {offsets = [0, 16], sizes = [640, 16], strides = [1, 1]} : vector<640x32xf32> to vector<640x16xf32>
    %swap3A_737 = arith.constant 0 : index
    %swap3A_738 = arith.constant 0 : index
    %swap3A_739 = vector.load %arg24[%swap3A_737, %swap3A_738] : memref<640x16xf32, #tpu.memory_space<vmem>>, vector<640x16xf32>
    tpu.vector_store %arg24[%swap3A_737, %swap3A_738], %slice3A_736 {strides = array<i32>} : memref<640x16xf32, #tpu.memory_space<vmem>>, vector<640x16xf32>,
    %slice3A_740 = vector.extract_strided_slice %add3A_687 {offsets = [0, 0], sizes = [640, 16], strides = [1, 1]} : vector<640x32xf32> to vector<640x16xf32>
    %slice3A_741 = vector.extract_strided_slice %add3A_724 {offsets = [0, 0], sizes = [640, 16], strides = [1, 1]} : vector<640x32xf32> to vector<640x16xf32>
    %concatenate3A_742 = tpu.concatenate %slice3A_740, %slice3A_741 in 1 : vector<640x16xf32>, vector<640x16xf32> -> vector<640x32xf32>
    %slice3A_743 = vector.extract_strided_slice %add3A_687 {offsets = [0, 16], sizes = [640, 16], strides = [1, 1]} : vector<640x32xf32> to vector<640x16xf32>
    %slice3A_744 = vector.extract_strided_slice %add3A_724 {offsets = [0, 16], sizes = [640, 16], strides = [1, 1]} : vector<640x32xf32> to vector<640x16xf32>
    %concatenate3A_745 = tpu.concatenate %slice3A_743, %slice3A_744 in 1 : vector<640x16xf32>, vector<640x16xf32> -> vector<640x32xf32>
    %get3A_746 = arith.constant 0 : index
    %get3A_747 = arith.constant 0 : index
    %get3A_748 = vector.load %arg3[%get3A_746, %get3A_747] : memref<640x1xf32, #tpu.memory_space<vmem>>, vector<640x1xf32>
    %get3A_749 = arith.constant 0 : index
    %get3A_750 = arith.constant 0 : index
    %get3A_751 = vector.load %arg16[%get3A_749, %get3A_750] : memref<33x16xf32, #tpu.memory_space<vmem>>, vector<1x16xf32>
    %mul3A_752 = vector.broadcast %get3A_748 : vector<640x1xf32> to vector<640x16xf32>
    %mul3A_753 = vector.broadcast %get3A_751 : vector<1x16xf32> to vector<640x16xf32>
    %mul3A_754 = arith.mulf %mul3A_752, %mul3A_753 : vector<640x16xf32>
    %get3A_755 = arith.constant 1 : index
    %get3A_756 = arith.constant 0 : index
    %get3A_757 = vector.load %arg16[%get3A_755, %get3A_756] : memref<33x16xf32, #tpu.memory_space<vmem>>, vector<32x16xf32>
    %dot_general3A_758 = arith.constant dense<0.000000e+00> : vector<640x16xf32>
    %dot_general3A_759 = tpu.matmul %concatenate3A_742, %get3A_757, %dot_general3A_758 {dimension_numbers = #tpu.dot_dimension_numbers<[1], [0], [0], [1], [0, 0, 1, 1], [], []>, transpose_lhs_hint = false} : vector<640x32xf32>, vector<32x16xf32>, vector<640x16xf32> -> vector<640x16xf32>
    %add3A_760 = arith.addf %mul3A_754, %dot_general3A_759 : vector<640x16xf32>
    %get3A_761 = arith.constant 0 : index
    %get3A_762 = arith.constant 0 : index
    %get3A_763 = vector.load %arg18[%get3A_761, %get3A_762] : memref<1x16xf32, #tpu.memory_space<vmem>>, vector<1x16xf32>
    %add3A_764 = vector.broadcast %get3A_763 : vector<1x16xf32> to vector<640x16xf32>
    %add3A_765 = arith.addf %add3A_760, %add3A_764 : vector<640x16xf32>
    %get3A_766 = arith.constant 0 : index
    %get3A_767 = arith.constant 0 : index
    %get3A_768 = vector.load %arg17[%get3A_766, %get3A_767] : memref<32x16xf32, #tpu.memory_space<vmem>>, vector<32x16xf32>
    %dot_general3A_769 = arith.constant dense<0.000000e+00> : vector<640x16xf32>
    %dot_general3A_770 = tpu.matmul %concatenate3A_745, %get3A_768, %dot_general3A_769 {dimension_numbers = #tpu.dot_dimension_numbers<[1], [0], [0], [1], [0, 0, 1, 1], [], []>, transpose_lhs_hint = false} : vector<640x32xf32>, vector<32x16xf32>, vector<640x16xf32> -> vector<640x16xf32>
    %get3A_771 = arith.constant 0 : index
    %get3A_772 = arith.constant 0 : index
    %get3A_773 = vector.load %arg19[%get3A_771, %get3A_772] : memref<1x16xf32, #tpu.memory_space<vmem>>, vector<1x16xf32>
    %add3A_774 = vector.broadcast %get3A_773 : vector<1x16xf32> to vector<640x16xf32>
    %add3A_775 = arith.addf %dot_general3A_770, %add3A_774 : vector<640x16xf32>
    %get3A_776 = arith.constant 0 : index
    %get3A_777 = arith.constant 0 : index
    %get3A_778 = vector.load %arg20[%get3A_776, %get3A_777] : memref<16x16xf32, #tpu.memory_space<vmem>>, vector<16x16xf32>
    %dot_general3A_779 = arith.constant dense<0.000000e+00> : vector<640x16xf32>
    %dot_general3A_780 = tpu.matmul %add3A_765, %get3A_778, %dot_general3A_779 {dimension_numbers = #tpu.dot_dimension_numbers<[1], [0], [0], [1], [0, 0, 1, 1], [], []>, transpose_lhs_hint = false} : vector<640x16xf32>, vector<16x16xf32>, vector<640x16xf32> -> vector<640x16xf32>
    %swap3A_781 = arith.constant 0 : index
    %swap3A_782 = arith.constant 0 : index
    %swap3A_783 = arith.constant 0 : index
    %swap3A_784 = vector.load %arg25[%swap3A_781, %swap3A_782, %swap3A_783] : memref<2x640x16xf32, #tpu.memory_space<vmem>>, vector<1x640x16xf32>
    %swap3A_785 = vector.shape_cast %swap3A_784 : vector<1x640x16xf32> to vector<640x16xf32>
    %swap3A_786 = vector.shape_cast %dot_general3A_780 : vector<640x16xf32> to vector<1x640x16xf32>
    tpu.vector_store %arg25[%swap3A_781, %swap3A_782, %swap3A_783], %swap3A_786 {strides = array<i32>} : memref<2x640x16xf32, #tpu.memory_space<vmem>>, vector<1x640x16xf32>,
    %dot_general3A_787 = arith.constant dense<0.000000e+00> : vector<640x16xf32>
    %dot_general3A_788 = tpu.matmul %add3A_775, %get3A_778, %dot_general3A_787 {dimension_numbers = #tpu.dot_dimension_numbers<[1], [0], [0], [1], [0, 0, 1, 1], [], []>, transpose_lhs_hint = false} : vector<640x16xf32>, vector<16x16xf32>, vector<640x16xf32> -> vector<640x16xf32>
    %swap3A_789 = arith.constant 1 : index
    %swap3A_790 = arith.constant 0 : index
    %swap3A_791 = arith.constant 0 : index
    %swap3A_792 = vector.load %arg25[%swap3A_789, %swap3A_790, %swap3A_791] : memref<2x640x16xf32, #tpu.memory_space<vmem>>, vector<1x640x16xf32>
    %swap3A_793 = vector.shape_cast %swap3A_792 : vector<1x640x16xf32> to vector<640x16xf32>
    %swap3A_794 = vector.shape_cast %dot_general3A_788 : vector<640x16xf32> to vector<1x640x16xf32>
    tpu.vector_store %arg25[%swap3A_789, %swap3A_790, %swap3A_791], %swap3A_794 {strides = array<i32>} : memref<2x640x16xf32, #tpu.memory_space<vmem>>, vector<1x640x16xf32>,
    return
  }
  func.func @transform_0(%arg0: i32) -> (i32, i32) {
    %c0_i32 = arith.constant 0 : i32
    %c0_i32_0 = arith.constant 0 : i32
    return %arg0, %c0_i32 : i32, i32
  }
  func.func @transform_1(%arg0: i32) -> (i32, i32) {
    %c0_i32 = arith.constant 0 : i32
    %c0_i32_0 = arith.constant 0 : i32
    return %arg0, %c0_i32 : i32, i32
  }
  func.func @transform_2(%arg0: i32) -> (i32, i32) {
    %c0_i32 = arith.constant 0 : i32
    %c0_i32_0 = arith.constant 0 : i32
    return %arg0, %c0_i32 : i32, i32
  }
  func.func @transform_3(%arg0: i32) -> (i32, i32) {
    %c0_i32 = arith.constant 0 : i32
    %c0_i32_0 = arith.constant 0 : i32
    return %arg0, %c0_i32 : i32, i32
  }
  func.func @transform_4(%arg0: i32) -> (i32, i32) {
    %c0_i32 = arith.constant 0 : i32
    %c0_i32_0 = arith.constant 0 : i32
    return %arg0, %c0_i32 : i32, i32
  }
  func.func @transform_5(%arg0: i32) -> (i32, i32) {
    %add3A = arith.constant 250 : i32
    %add3A_0 = arith.addi %arg0, %add3A : i32
    %c0_i32 = arith.constant 0 : i32
    %c0_i32_1 = arith.constant 0 : i32
    return %add3A_0, %c0_i32 : i32, i32
  }
  func.func @transform_6(%arg0: i32) -> (i32, i32) {
    %add3A = arith.constant 250 : i32
    %add3A_0 = arith.addi %arg0, %add3A : i32
    %c0_i32 = arith.constant 0 : i32
    %c0_i32_1 = arith.constant 0 : i32
    return %add3A_0, %c0_i32 : i32, i32
  }
  func.func @transform_7(%arg0: i32) -> (i32, i32) {
    %c0_i32 = arith.constant 0 : i32
    %c0_i32_0 = arith.constant 0 : i32
    %c0_i32_1 = arith.constant 0 : i32
    return %c0_i32, %c0_i32_0 : i32, i32
  }
  func.func @transform_8(%arg0: i32) -> (i32, i32) {
    %c0_i32 = arith.constant 0 : i32
    %c0_i32_0 = arith.constant 0 : i32
    %c0_i32_1 = arith.constant 0 : i32
    return %c0_i32, %c0_i32_0 : i32, i32
  }
  func.func @transform_9(%arg0: i32) -> (i32, i32) {
    %c0_i32 = arith.constant 0 : i32
    %c0_i32_0 = arith.constant 0 : i32
    %c0_i32_1 = arith.constant 0 : i32
    return %c0_i32, %c0_i32_0 : i32, i32
  }
  func.func @transform_10(%arg0: i32) -> (i32, i32) {
    %c0_i32 = arith.constant 0 : i32
    %c0_i32_0 = arith.constant 0 : i32
    %c0_i32_1 = arith.constant 0 : i32
    return %c0_i32, %c0_i32_0 : i32, i32
  }
  func.func @transform_11(%arg0: i32) -> (i32, i32) {
    %c0_i32 = arith.constant 0 : i32
    %c0_i32_0 = arith.constant 0 : i32
    %c0_i32_1 = arith.constant 0 : i32
    return %c0_i32, %c0_i32_0 : i32, i32
  }
  func.func @transform_12(%arg0: i32) -> (i32, i32) {
    %c0_i32 = arith.constant 0 : i32
    %c0_i32_0 = arith.constant 0 : i32
    %c0_i32_1 = arith.constant 0 : i32
    return %c0_i32, %c0_i32_0 : i32, i32
  }
  func.func @transform_13(%arg0: i32) -> (i32, i32) {
    %c0_i32 = arith.constant 0 : i32
    %c0_i32_0 = arith.constant 0 : i32
    %c0_i32_1 = arith.constant 0 : i32
    return %c0_i32, %c0_i32_0 : i32, i32
  }
  func.func @transform_14(%arg0: i32) -> (i32, i32) {
    %c0_i32 = arith.constant 0 : i32
    %c0_i32_0 = arith.constant 0 : i32
    %c0_i32_1 = arith.constant 0 : i32
    return %c0_i32, %c0_i32_0 : i32, i32
  }
  func.func @transform_15(%arg0: i32) -> (i32, i32) {
    %c0_i32 = arith.constant 0 : i32
    %c0_i32_0 = arith.constant 0 : i32
    %c0_i32_1 = arith.constant 0 : i32
    return %c0_i32, %c0_i32_0 : i32, i32
  }
  func.func @transform_16(%arg0: i32) -> (i32, i32) {
    %c0_i32 = arith.constant 0 : i32
    %c0_i32_0 = arith.constant 0 : i32
    %c0_i32_1 = arith.constant 0 : i32
    return %c0_i32, %c0_i32_0 : i32, i32
  }
  func.func @transform_17(%arg0: i32) -> (i32, i32) {
    %c0_i32 = arith.constant 0 : i32
    %c0_i32_0 = arith.constant 0 : i32
    %c0_i32_1 = arith.constant 0 : i32
    return %c0_i32, %c0_i32_0 : i32, i32
  }
  func.func @transform_18(%arg0: i32) -> (i32, i32) {
    %c0_i32 = arith.constant 0 : i32
    %c0_i32_0 = arith.constant 0 : i32
    %c0_i32_1 = arith.constant 0 : i32
    return %c0_i32, %c0_i32_0 : i32, i32
  }
  func.func @transform_19(%arg0: i32) -> (i32, i32) {
    %c0_i32 = arith.constant 0 : i32
    %c0_i32_0 = arith.constant 0 : i32
    %c0_i32_1 = arith.constant 0 : i32
    return %c0_i32, %c0_i32_0 : i32, i32
  }
  func.func @transform_20(%arg0: i32) -> (i32, i32) {
    %c0_i32 = arith.constant 0 : i32
    %c0_i32_0 = arith.constant 0 : i32
    return %arg0, %c0_i32 : i32, i32
  }
  func.func @transform_21(%arg0: i32) -> (i32, i32) {
    %c0_i32 = arith.constant 0 : i32
    %c0_i32_0 = arith.constant 0 : i32
    return %arg0, %c0_i32 : i32, i32
  }
  func.func @transform_22(%arg0: i32) -> (i32, i32) {
    %c0_i32 = arith.constant 0 : i32
    %c0_i32_0 = arith.constant 0 : i32
    return %arg0, %c0_i32 : i32, i32
  }
  func.func @transform_23(%arg0: i32) -> (i32, i32) {
    %c0_i32 = arith.constant 0 : i32
    %c0_i32_0 = arith.constant 0 : i32
    return %arg0, %c0_i32 : i32, i32
  }
  func.func @transform_24(%arg0: i32) -> (i32, i32, i32) {
    %c0_i32 = arith.constant 0 : i32
    %c0_i32_0 = arith.constant 0 : i32
    %c0_i32_1 = arith.constant 0 : i32
    return %c0_i32, %arg0, %c0_i32_0 : i32, i32, i32
  }
}

module attributes {stable_mosaic.version = 14 : i64} {
  func.func @body(%arg0: i32, %arg1: memref<1000x128xf32, #tpu.memory_space<vmem>>, %arg2: memref<1000x128xf32, #tpu.memory_space<vmem>>, %arg3: memref<1x32xf32, #tpu.memory_space<vmem>>, %arg4: memref<32x128xf32, #tpu.memory_space<vmem>>, %arg5: memref<32x128xf32, #tpu.memory_space<vmem>>, %arg6: memref<1000x128xf32, #tpu.memory_space<vmem>>, %arg7: memref<1000x128xf32, #tpu.memory_space<vmem>>) attributes {dimension_semantics = [#tpu.dimension_semantics<arbitrary>], iteration_bounds = array<i64: 10>, scalar_prefetch = 0 : i64, scratch_operands = 0 : i64, tpu.core_type = #tpu.core_type<tc>, window_params = [{transform_indices = @transform_0, window_bounds = array<i64: 1000, 128>}, {transform_indices = @transform_1, window_bounds = array<i64: 1000, 128>}, {pipeline_mode = #tpu.pipeline_mode<synchronous>, transform_indices = @transform_2, window_bounds = array<i64: 1, 32>}, {pipeline_mode = #tpu.pipeline_mode<synchronous>, transform_indices = @transform_3, window_bounds = array<i64: 32, 128>}, {pipeline_mode = #tpu.pipeline_mode<synchronous>, transform_indices = @transform_4, window_bounds = array<i64: 32, 128>}, {transform_indices = @transform_5, window_bounds = array<i64: 1000, 128>}, {transform_indices = @transform_6, window_bounds = array<i64: 1000, 128>}]} {
    %get3A = arith.constant 0 : index
    %get3A_0 = arith.constant 0 : index
    %get3A_1 = vector.load %arg1[%get3A, %get3A_0] : memref<1000x128xf32, #tpu.memory_space<vmem>>, vector<1000x32xf32>
    %get3A_2 = arith.constant 0 : index
    %get3A_3 = arith.constant 0 : index
    %get3A_4 = vector.load %arg2[%get3A_2, %get3A_3] : memref<1000x128xf32, #tpu.memory_space<vmem>>, vector<1000x32xf32>
    %add3A = arith.addf %get3A_1, %get3A_4 : vector<1000x32xf32>
    %get3A_5 = arith.constant 0 : index
    %get3A_6 = arith.constant 32 : index
    %get3A_7 = vector.load %arg1[%get3A_5, %get3A_6] : memref<1000x128xf32, #tpu.memory_space<vmem>>, vector<1000x4xf32>
    %get3A_8 = arith.constant 0 : index
    %get3A_9 = arith.constant 32 : index
    %get3A_10 = vector.load %arg2[%get3A_8, %get3A_9] : memref<1000x128xf32, #tpu.memory_space<vmem>>, vector<1000x4xf32>
    %add3A_11 = arith.addf %get3A_7, %get3A_10 : vector<1000x4xf32>
    %tile3A = tpu.concatenate %add3A_11, %add3A_11, %add3A_11, %add3A_11, %add3A_11, %add3A_11, %add3A_11, %add3A_11 in 1 : vector<1000x4xf32>, vector<1000x4xf32>, vector<1000x4xf32>, vector<1000x4xf32>, vector<1000x4xf32>, vector<1000x4xf32>, vector<1000x4xf32>, vector<1000x4xf32> -> vector<1000x32xf32>
    %add3A_12 = arith.constant 1.000000e-16 : f32
    %add3A_13 = vector.broadcast %add3A_12 : f32 to vector<1000x32xf32>
    %add3A_14 = arith.addf %tile3A, %add3A_13 : vector<1000x32xf32>
    %div3A = arith.divf %add3A, %add3A_14 : vector<1000x32xf32>
    %get3A_15 = arith.constant 0 : index
    %get3A_16 = arith.constant 0 : index
    %get3A_17 = vector.load %arg3[%get3A_15, %get3A_16] : memref<1x32xf32, #tpu.memory_space<vmem>>, vector<1x32xf32>
    %add3A_18 = vector.broadcast %get3A_17 : vector<1x32xf32> to vector<1000x32xf32>
    %add3A_19 = arith.addf %div3A, %add3A_18 : vector<1000x32xf32>
    %ge3A = arith.constant 0.000000e+00 : f32
    %ge3A_20 = vector.broadcast %ge3A : f32 to vector<1000x32xf32>
    %ge3A_21 = arith.cmpf oge, %add3A_19, %ge3A_20 : vector<1000x32xf32>
    %mul3A = arith.constant 0.00999999977 : f32
    %mul3A_22 = vector.broadcast %mul3A : f32 to vector<1000x32xf32>
    %mul3A_23 = arith.mulf %mul3A_22, %add3A_19 : vector<1000x32xf32>
    %select_n3A = arith.select %ge3A_21, %add3A_19, %mul3A_23 : vector<1000x32xi1>, vector<1000x32xf32>
    %get3A_24 = arith.constant 0 : index
    %get3A_25 = arith.constant 0 : index
    %get3A_26 = vector.load %arg4[%get3A_24, %get3A_25] : memref<32x128xf32, #tpu.memory_space<vmem>>, vector<32x128xf32>
    %dot_general3A = arith.constant dense<0.000000e+00> : vector<1000x128xf32>
    %dot_general3A_27 = tpu.matmul %select_n3A, %get3A_26, %dot_general3A {dimension_numbers = #tpu.dot_dimension_numbers<[1], [0], [0], [1], [0, 0, 1, 1], [], []>, transpose_lhs_hint = false} : vector<1000x32xf32>, vector<32x128xf32>, vector<1000x128xf32> -> vector<1000x128xf32>
    %swap3A = arith.constant 0 : index
    %swap3A_28 = arith.constant 0 : index
    %swap3A_29 = vector.load %arg6[%swap3A, %swap3A_28] : memref<1000x128xf32, #tpu.memory_space<vmem>>, vector<1000x128xf32>
    tpu.vector_store %arg6[%swap3A, %swap3A_28], %dot_general3A_27 {strides = array<i32>} : memref<1000x128xf32, #tpu.memory_space<vmem>>, vector<1000x128xf32>,
    %get3A_30 = arith.constant 0 : index
    %get3A_31 = arith.constant 0 : index
    %get3A_32 = vector.load %arg5[%get3A_30, %get3A_31] : memref<32x128xf32, #tpu.memory_space<vmem>>, vector<32x128xf32>
    %dot_general3A_33 = arith.constant dense<0.000000e+00> : vector<1000x128xf32>
    %dot_general3A_34 = tpu.matmul %select_n3A, %get3A_32, %dot_general3A_33 {dimension_numbers = #tpu.dot_dimension_numbers<[1], [0], [0], [1], [0, 0, 1, 1], [], []>, transpose_lhs_hint = false} : vector<1000x32xf32>, vector<32x128xf32>, vector<1000x128xf32> -> vector<1000x128xf32>
    %swap3A_35 = arith.constant 0 : index
    %swap3A_36 = arith.constant 0 : index
    %swap3A_37 = vector.load %arg7[%swap3A_35, %swap3A_36] : memref<1000x128xf32, #tpu.memory_space<vmem>>, vector<1000x128xf32>
    tpu.vector_store %arg7[%swap3A_35, %swap3A_36], %dot_general3A_34 {strides = array<i32>} : memref<1000x128xf32, #tpu.memory_space<vmem>>, vector<1000x128xf32>,
    return
  }
  func.func @transform_0(%arg0: i32) -> (i32, i32) {
    %c0_i32 = arith.constant 0 : i32
    %c0_i32_0 = arith.constant 0 : i32
    return %arg0, %c0_i32 : i32, i32
  }
  func.func @transform_1(%arg0: i32) -> (i32, i32) {
    %add3A = arith.constant 10 : i32
    %add3A_0 = arith.addi %arg0, %add3A : i32
    %c0_i32 = arith.constant 0 : i32
    %c0_i32_1 = arith.constant 0 : i32
    return %add3A_0, %c0_i32 : i32, i32
  }
  func.func @transform_2(%arg0: i32) -> (i32, i32) {
    %c0_i32 = arith.constant 0 : i32
    %c0_i32_0 = arith.constant 0 : i32
    %c0_i32_1 = arith.constant 0 : i32
    return %c0_i32, %c0_i32_0 : i32, i32
  }
  func.func @transform_3(%arg0: i32) -> (i32, i32) {
    %c0_i32 = arith.constant 0 : i32
    %c0_i32_0 = arith.constant 0 : i32
    %c0_i32_1 = arith.constant 0 : i32
    return %c0_i32, %c0_i32_0 : i32, i32
  }
  func.func @transform_4(%arg0: i32) -> (i32, i32) {
    %c0_i32 = arith.constant 0 : i32
    %c0_i32_0 = arith.constant 0 : i32
    %c0_i32_1 = arith.constant 0 : i32
    return %c0_i32, %c0_i32_0 : i32, i32
  }
  func.func @transform_5(%arg0: i32) -> (i32, i32) {
    %c0_i32 = arith.constant 0 : i32
    %c0_i32_0 = arith.constant 0 : i32
    return %arg0, %c0_i32 : i32, i32
  }
  func.func @transform_6(%arg0: i32) -> (i32, i32) {
    %c0_i32 = arith.constant 0 : i32
    %c0_i32_0 = arith.constant 0 : i32
    return %arg0, %c0_i32 : i32, i32
  }
}

module attributes {stable_mosaic.version = 14 : i64} {
  func.func @body(%arg0: i32, %arg1: memref<1000x128xf32, #tpu.memory_space<vmem>>, %arg2: memref<1000x128xf32, #tpu.memory_space<vmem>>, %arg3: memref<1x32xf32, #tpu.memory_space<vmem>>, %arg4: memref<32x128xf32, #tpu.memory_space<vmem>>, %arg5: memref<32x128xf32, #tpu.memory_space<vmem>>, %arg6: memref<1000x128xf32, #tpu.memory_space<vmem>>, %arg7: memref<1000x128xf32, #tpu.memory_space<vmem>>) attributes {dimension_semantics = [#tpu.dimension_semantics<arbitrary>], iteration_bounds = array<i64: 10>, scalar_prefetch = 0 : i64, scratch_operands = 0 : i64, tpu.core_type = #tpu.core_type<tc>, window_params = [{transform_indices = @transform_0, window_bounds = array<i64: 1000, 128>}, {transform_indices = @transform_1, window_bounds = array<i64: 1000, 128>}, {pipeline_mode = #tpu.pipeline_mode<synchronous>, transform_indices = @transform_2, window_bounds = array<i64: 1, 32>}, {pipeline_mode = #tpu.pipeline_mode<synchronous>, transform_indices = @transform_3, window_bounds = array<i64: 32, 128>}, {pipeline_mode = #tpu.pipeline_mode<synchronous>, transform_indices = @transform_4, window_bounds = array<i64: 32, 128>}, {transform_indices = @transform_5, window_bounds = array<i64: 1000, 128>}, {transform_indices = @transform_6, window_bounds = array<i64: 1000, 128>}]} {
    %get3A = arith.constant 0 : index
    %get3A_0 = arith.constant 0 : index
    %get3A_1 = vector.load %arg1[%get3A, %get3A_0] : memref<1000x128xf32, #tpu.memory_space<vmem>>, vector<1000x32xf32>
    %get3A_2 = arith.constant 0 : index
    %get3A_3 = arith.constant 0 : index
    %get3A_4 = vector.load %arg2[%get3A_2, %get3A_3] : memref<1000x128xf32, #tpu.memory_space<vmem>>, vector<1000x32xf32>
    %add3A = arith.addf %get3A_1, %get3A_4 : vector<1000x32xf32>
    %get3A_5 = arith.constant 0 : index
    %get3A_6 = arith.constant 36 : index
    %get3A_7 = vector.load %arg1[%get3A_5, %get3A_6] : memref<1000x128xf32, #tpu.memory_space<vmem>>, vector<1000x4xf32>
    %get3A_8 = arith.constant 0 : index
    %get3A_9 = arith.constant 36 : index
    %get3A_10 = vector.load %arg2[%get3A_8, %get3A_9] : memref<1000x128xf32, #tpu.memory_space<vmem>>, vector<1000x4xf32>
    %add3A_11 = arith.addf %get3A_7, %get3A_10 : vector<1000x4xf32>
    %tile3A = tpu.concatenate %add3A_11, %add3A_11, %add3A_11, %add3A_11, %add3A_11, %add3A_11, %add3A_11, %add3A_11 in 1 : vector<1000x4xf32>, vector<1000x4xf32>, vector<1000x4xf32>, vector<1000x4xf32>, vector<1000x4xf32>, vector<1000x4xf32>, vector<1000x4xf32>, vector<1000x4xf32> -> vector<1000x32xf32>
    %add3A_12 = arith.constant 1.000000e-16 : f32
    %add3A_13 = vector.broadcast %add3A_12 : f32 to vector<1000x32xf32>
    %add3A_14 = arith.addf %tile3A, %add3A_13 : vector<1000x32xf32>
    %div3A = arith.divf %add3A, %add3A_14 : vector<1000x32xf32>
    %get3A_15 = arith.constant 0 : index
    %get3A_16 = arith.constant 0 : index
    %get3A_17 = vector.load %arg3[%get3A_15, %get3A_16] : memref<1x32xf32, #tpu.memory_space<vmem>>, vector<1x32xf32>
    %add3A_18 = vector.broadcast %get3A_17 : vector<1x32xf32> to vector<1000x32xf32>
    %add3A_19 = arith.addf %div3A, %add3A_18 : vector<1000x32xf32>
    %ge3A = arith.constant 0.000000e+00 : f32
    %ge3A_20 = vector.broadcast %ge3A : f32 to vector<1000x32xf32>
    %ge3A_21 = arith.cmpf oge, %add3A_19, %ge3A_20 : vector<1000x32xf32>
    %mul3A = arith.constant 0.00999999977 : f32
    %mul3A_22 = vector.broadcast %mul3A : f32 to vector<1000x32xf32>
    %mul3A_23 = arith.mulf %mul3A_22, %add3A_19 : vector<1000x32xf32>
    %select_n3A = arith.select %ge3A_21, %add3A_19, %mul3A_23 : vector<1000x32xi1>, vector<1000x32xf32>
    %get3A_24 = arith.constant 0 : index
    %get3A_25 = arith.constant 0 : index
    %get3A_26 = vector.load %arg4[%get3A_24, %get3A_25] : memref<32x128xf32, #tpu.memory_space<vmem>>, vector<32x128xf32>
    %dot_general3A = arith.constant dense<0.000000e+00> : vector<1000x128xf32>
    %dot_general3A_27 = tpu.matmul %select_n3A, %get3A_26, %dot_general3A {dimension_numbers = #tpu.dot_dimension_numbers<[1], [0], [0], [1], [0, 0, 1, 1], [], []>, transpose_lhs_hint = false} : vector<1000x32xf32>, vector<32x128xf32>, vector<1000x128xf32> -> vector<1000x128xf32>
    %swap3A = arith.constant 0 : index
    %swap3A_28 = arith.constant 0 : index
    %swap3A_29 = vector.load %arg6[%swap3A, %swap3A_28] : memref<1000x128xf32, #tpu.memory_space<vmem>>, vector<1000x128xf32>
    tpu.vector_store %arg6[%swap3A, %swap3A_28], %dot_general3A_27 {strides = array<i32>} : memref<1000x128xf32, #tpu.memory_space<vmem>>, vector<1000x128xf32>,
    %get3A_30 = arith.constant 0 : index
    %get3A_31 = arith.constant 0 : index
    %get3A_32 = vector.load %arg5[%get3A_30, %get3A_31] : memref<32x128xf32, #tpu.memory_space<vmem>>, vector<32x128xf32>
    %dot_general3A_33 = arith.constant dense<0.000000e+00> : vector<1000x128xf32>
    %dot_general3A_34 = tpu.matmul %select_n3A, %get3A_32, %dot_general3A_33 {dimension_numbers = #tpu.dot_dimension_numbers<[1], [0], [0], [1], [0, 0, 1, 1], [], []>, transpose_lhs_hint = false} : vector<1000x32xf32>, vector<32x128xf32>, vector<1000x128xf32> -> vector<1000x128xf32>
    %swap3A_35 = arith.constant 0 : index
    %swap3A_36 = arith.constant 0 : index
    %swap3A_37 = vector.load %arg7[%swap3A_35, %swap3A_36] : memref<1000x128xf32, #tpu.memory_space<vmem>>, vector<1000x128xf32>
    tpu.vector_store %arg7[%swap3A_35, %swap3A_36], %dot_general3A_34 {strides = array<i32>} : memref<1000x128xf32, #tpu.memory_space<vmem>>, vector<1000x128xf32>,
    return
  }
  func.func @transform_0(%arg0: i32) -> (i32, i32) {
    %c0_i32 = arith.constant 0 : i32
    %c0_i32_0 = arith.constant 0 : i32
    return %arg0, %c0_i32 : i32, i32
  }
  func.func @transform_1(%arg0: i32) -> (i32, i32) {
    %add3A = arith.constant 10 : i32
    %add3A_0 = arith.addi %arg0, %add3A : i32
    %c0_i32 = arith.constant 0 : i32
    %c0_i32_1 = arith.constant 0 : i32
    return %add3A_0, %c0_i32 : i32, i32
  }
  func.func @transform_2(%arg0: i32) -> (i32, i32) {
    %c0_i32 = arith.constant 0 : i32
    %c0_i32_0 = arith.constant 0 : i32
    %c0_i32_1 = arith.constant 0 : i32
    return %c0_i32, %c0_i32_0 : i32, i32
  }
  func.func @transform_3(%arg0: i32) -> (i32, i32) {
    %c0_i32 = arith.constant 0 : i32
    %c0_i32_0 = arith.constant 0 : i32
    %c0_i32_1 = arith.constant 0 : i32
    return %c0_i32, %c0_i32_0 : i32, i32
  }
  func.func @transform_4(%arg0: i32) -> (i32, i32) {
    %c0_i32 = arith.constant 0 : i32
    %c0_i32_0 = arith.constant 0 : i32
    %c0_i32_1 = arith.constant 0 : i32
    return %c0_i32, %c0_i32_0 : i32, i32
  }
  func.func @transform_5(%arg0: i32) -> (i32, i32) {
    %c0_i32 = arith.constant 0 : i32
    %c0_i32_0 = arith.constant 0 : i32
    return %arg0, %c0_i32 : i32, i32
  }
  func.func @transform_6(%arg0: i32) -> (i32, i32) {
    %c0_i32 = arith.constant 0 : i32
    %c0_i32_0 = arith.constant 0 : i32
    return %arg0, %c0_i32 : i32, i32
  }
}

module attributes {stable_mosaic.version = 14 : i64} {
  func.func @_prep4_kernel(%arg0: i32, %arg1: memref<1000x128xf32, #tpu.memory_space<vmem>>, %arg2: memref<1000x128xf32, #tpu.memory_space<vmem>>, %arg3: memref<1x32xf32, #tpu.memory_space<vmem>>, %arg4: memref<32x128xf32, #tpu.memory_space<vmem>>, %arg5: memref<32x128xf32, #tpu.memory_space<vmem>>, %arg6: memref<32x128xf32, #tpu.memory_space<vmem>>, %arg7: memref<1000x128xf32, #tpu.memory_space<vmem>>, %arg8: memref<1000x128xf32, #tpu.memory_space<vmem>>, %arg9: memref<1000x128xf32, #tpu.memory_space<vmem>>) attributes {dimension_semantics = [#tpu.dimension_semantics<arbitrary>], iteration_bounds = array<i64: 10>, scalar_prefetch = 0 : i64, scratch_operands = 0 : i64, tpu.core_type = #tpu.core_type<tc>, window_params = [{transform_indices = @transform_0, window_bounds = array<i64: 1000, 128>}, {transform_indices = @transform_1, window_bounds = array<i64: 1000, 128>}, {pipeline_mode = #tpu.pipeline_mode<synchronous>, transform_indices = @transform_2, window_bounds = array<i64: 1, 32>}, {pipeline_mode = #tpu.pipeline_mode<synchronous>, transform_indices = @transform_3, window_bounds = array<i64: 32, 128>}, {pipeline_mode = #tpu.pipeline_mode<synchronous>, transform_indices = @transform_4, window_bounds = array<i64: 32, 128>}, {pipeline_mode = #tpu.pipeline_mode<synchronous>, transform_indices = @transform_5, window_bounds = array<i64: 32, 128>}, {transform_indices = @transform_6, window_bounds = array<i64: 1000, 128>}, {transform_indices = @transform_7, window_bounds = array<i64: 1000, 128>}, {transform_indices = @transform_8, window_bounds = array<i64: 1000, 128>}]} {
    %get3A = arith.constant 0 : index
    %get3A_0 = arith.constant 0 : index
    %get3A_1 = vector.load %arg1[%get3A, %get3A_0] : memref<1000x128xf32, #tpu.memory_space<vmem>>, vector<1000x32xf32>
    %get3A_2 = arith.constant 0 : index
    %get3A_3 = arith.constant 0 : index
    %get3A_4 = vector.load %arg2[%get3A_2, %get3A_3] : memref<1000x128xf32, #tpu.memory_space<vmem>>, vector<1000x32xf32>
    %add3A = arith.addf %get3A_1, %get3A_4 : vector<1000x32xf32>
    %get3A_5 = arith.constant 0 : index
    %get3A_6 = arith.constant 40 : index
    %get3A_7 = vector.load %arg1[%get3A_5, %get3A_6] : memref<1000x128xf32, #tpu.memory_space<vmem>>, vector<1000x4xf32>
    %get3A_8 = arith.constant 0 : index
    %get3A_9 = arith.constant 40 : index
    %get3A_10 = vector.load %arg2[%get3A_8, %get3A_9] : memref<1000x128xf32, #tpu.memory_space<vmem>>, vector<1000x4xf32>
    %add3A_11 = arith.addf %get3A_7, %get3A_10 : vector<1000x4xf32>
    %tile3A = tpu.concatenate %add3A_11, %add3A_11, %add3A_11, %add3A_11, %add3A_11, %add3A_11, %add3A_11, %add3A_11 in 1 : vector<1000x4xf32>, vector<1000x4xf32>, vector<1000x4xf32>, vector<1000x4xf32>, vector<1000x4xf32>, vector<1000x4xf32>, vector<1000x4xf32>, vector<1000x4xf32> -> vector<1000x32xf32>
    %add3A_12 = arith.constant 1.000000e-16 : f32
    %add3A_13 = vector.broadcast %add3A_12 : f32 to vector<1000x32xf32>
    %add3A_14 = arith.addf %tile3A, %add3A_13 : vector<1000x32xf32>
    %div3A = arith.divf %add3A, %add3A_14 : vector<1000x32xf32>
    %get3A_15 = arith.constant 0 : index
    %get3A_16 = arith.constant 0 : index
    %get3A_17 = vector.load %arg3[%get3A_15, %get3A_16] : memref<1x32xf32, #tpu.memory_space<vmem>>, vector<1x32xf32>
    %add3A_18 = vector.broadcast %get3A_17 : vector<1x32xf32> to vector<1000x32xf32>
    %add3A_19 = arith.addf %div3A, %add3A_18 : vector<1000x32xf32>
    %ge3A = arith.constant 0.000000e+00 : f32
    %ge3A_20 = vector.broadcast %ge3A : f32 to vector<1000x32xf32>
    %ge3A_21 = arith.cmpf oge, %add3A_19, %ge3A_20 : vector<1000x32xf32>
    %mul3A = arith.constant 0.00999999977 : f32
    %mul3A_22 = vector.broadcast %mul3A : f32 to vector<1000x32xf32>
    %mul3A_23 = arith.mulf %mul3A_22, %add3A_19 : vector<1000x32xf32>
    %select_n3A = arith.select %ge3A_21, %add3A_19, %mul3A_23 : vector<1000x32xi1>, vector<1000x32xf32>
    %get3A_24 = arith.constant 0 : index
    %get3A_25 = arith.constant 0 : index
    %get3A_26 = vector.load %arg4[%get3A_24, %get3A_25] : memref<32x128xf32, #tpu.memory_space<vmem>>, vector<32x128xf32>
    %dot_general3A = arith.constant dense<0.000000e+00> : vector<1000x128xf32>
    %dot_general3A_27 = tpu.matmul %select_n3A, %get3A_26, %dot_general3A {dimension_numbers = #tpu.dot_dimension_numbers<[1], [0], [0], [1], [0, 0, 1, 1], [], []>, transpose_lhs_hint = false} : vector<1000x32xf32>, vector<32x128xf32>, vector<1000x128xf32> -> vector<1000x128xf32>
    %swap3A = arith.constant 0 : index
    %swap3A_28 = arith.constant 0 : index
    %swap3A_29 = vector.load %arg7[%swap3A, %swap3A_28] : memref<1000x128xf32, #tpu.memory_space<vmem>>, vector<1000x128xf32>
    tpu.vector_store %arg7[%swap3A, %swap3A_28], %dot_general3A_27 {strides = array<i32>} : memref<1000x128xf32, #tpu.memory_space<vmem>>, vector<1000x128xf32>,
    %get3A_30 = arith.constant 0 : index
    %get3A_31 = arith.constant 0 : index
    %get3A_32 = vector.load %arg5[%get3A_30, %get3A_31] : memref<32x128xf32, #tpu.memory_space<vmem>>, vector<32x128xf32>
    %dot_general3A_33 = arith.constant dense<0.000000e+00> : vector<1000x128xf32>
    %dot_general3A_34 = tpu.matmul %select_n3A, %get3A_32, %dot_general3A_33 {dimension_numbers = #tpu.dot_dimension_numbers<[1], [0], [0], [1], [0, 0, 1, 1], [], []>, transpose_lhs_hint = false} : vector<1000x32xf32>, vector<32x128xf32>, vector<1000x128xf32> -> vector<1000x128xf32>
    %swap3A_35 = arith.constant 0 : index
    %swap3A_36 = arith.constant 0 : index
    %swap3A_37 = vector.load %arg8[%swap3A_35, %swap3A_36] : memref<1000x128xf32, #tpu.memory_space<vmem>>, vector<1000x128xf32>
    tpu.vector_store %arg8[%swap3A_35, %swap3A_36], %dot_general3A_34 {strides = array<i32>} : memref<1000x128xf32, #tpu.memory_space<vmem>>, vector<1000x128xf32>,
    %get3A_38 = arith.constant 0 : index
    %get3A_39 = arith.constant 0 : index
    %get3A_40 = vector.load %arg6[%get3A_38, %get3A_39] : memref<32x128xf32, #tpu.memory_space<vmem>>, vector<32x128xf32>
    %dot_general3A_41 = arith.constant dense<0.000000e+00> : vector<1000x128xf32>
    %dot_general3A_42 = tpu.matmul %select_n3A, %get3A_40, %dot_general3A_41 {dimension_numbers = #tpu.dot_dimension_numbers<[1], [0], [0], [1], [0, 0, 1, 1], [], []>, transpose_lhs_hint = false} : vector<1000x32xf32>, vector<32x128xf32>, vector<1000x128xf32> -> vector<1000x128xf32>
    %swap3A_43 = arith.constant 0 : index
    %swap3A_44 = arith.constant 0 : index
    %swap3A_45 = vector.load %arg9[%swap3A_43, %swap3A_44] : memref<1000x128xf32, #tpu.memory_space<vmem>>, vector<1000x128xf32>
    tpu.vector_store %arg9[%swap3A_43, %swap3A_44], %dot_general3A_42 {strides = array<i32>} : memref<1000x128xf32, #tpu.memory_space<vmem>>, vector<1000x128xf32>,
    return
  }
  func.func @transform_0(%arg0: i32) -> (i32, i32) {
    %c0_i32 = arith.constant 0 : i32
    %c0_i32_0 = arith.constant 0 : i32
    return %arg0, %c0_i32 : i32, i32
  }
  func.func @transform_1(%arg0: i32) -> (i32, i32) {
    %add3A = arith.constant 10 : i32
    %add3A_0 = arith.addi %arg0, %add3A : i32
    %c0_i32 = arith.constant 0 : i32
    %c0_i32_1 = arith.constant 0 : i32
    return %add3A_0, %c0_i32 : i32, i32
  }
  func.func @transform_2(%arg0: i32) -> (i32, i32) {
    %c0_i32 = arith.constant 0 : i32
    %c0_i32_0 = arith.constant 0 : i32
    %c0_i32_1 = arith.constant 0 : i32
    return %c0_i32, %c0_i32_0 : i32, i32
  }
  func.func @transform_3(%arg0: i32) -> (i32, i32) {
    %c0_i32 = arith.constant 0 : i32
    %c0_i32_0 = arith.constant 0 : i32
    %c0_i32_1 = arith.constant 0 : i32
    return %c0_i32, %c0_i32_0 : i32, i32
  }
  func.func @transform_4(%arg0: i32) -> (i32, i32) {
    %c0_i32 = arith.constant 0 : i32
    %c0_i32_0 = arith.constant 0 : i32
    %c0_i32_1 = arith.constant 0 : i32
    return %c0_i32, %c0_i32_0 : i32, i32
  }
  func.func @transform_5(%arg0: i32) -> (i32, i32) {
    %c0_i32 = arith.constant 0 : i32
    %c0_i32_0 = arith.constant 0 : i32
    %c0_i32_1 = arith.constant 0 : i32
    return %c0_i32, %c0_i32_0 : i32, i32
  }
  func.func @transform_6(%arg0: i32) -> (i32, i32) {
    %c0_i32 = arith.constant 0 : i32
    %c0_i32_0 = arith.constant 0 : i32
    return %arg0, %c0_i32 : i32, i32
  }
  func.func @transform_7(%arg0: i32) -> (i32, i32) {
    %c0_i32 = arith.constant 0 : i32
    %c0_i32_0 = arith.constant 0 : i32
    return %arg0, %c0_i32 : i32, i32
  }
  func.func @transform_8(%arg0: i32) -> (i32, i32) {
    %c0_i32 = arith.constant 0 : i32
    %c0_i32_0 = arith.constant 0 : i32
    return %arg0, %c0_i32 : i32, i32
  }
}

module attributes {stable_mosaic.version = 14 : i64} {
  func.func @_final_kernel(%arg0: i32, %arg1: memref<1000x128xf32, #tpu.memory_space<vmem>>, %arg2: memref<1000x128xf32, #tpu.memory_space<vmem>>, %arg3: memref<1000x128xf32, #tpu.memory_space<vmem>>, %arg4: memref<1000x128xf32, #tpu.memory_space<vmem>>, %arg5: memref<1x32xf32, #tpu.memory_space<vmem>>, %arg6: memref<64x32xf32, #tpu.memory_space<vmem>>, %arg7: memref<64x32xf32, #tpu.memory_space<vmem>>, %arg8: memref<1x1x1000xi32, #tpu.memory_space<vmem>>, %arg9: memref<64x1xf32, #tpu.memory_space<vmem>>, %arg10: memref<32x1xf32, #tpu.memory_space<vmem>>, %arg11: memref<32x1xf32, #tpu.memory_space<vmem>>, %arg12: memref<1x1xf32, #tpu.memory_space<vmem>>, %arg13: memref<8x4xi32, #tpu.memory_space<vmem>>, %arg14: memref<8x3xf32, #tpu.memory_space<vmem>>, %arg15: memref<64x32xf32, #tpu.memory_space<vmem>>) attributes {dimension_semantics = [#tpu.dimension_semantics<arbitrary>], iteration_bounds = array<i64: 10>, scalar_prefetch = 0 : i64, scratch_operands = 1 : i64, tpu.core_type = #tpu.core_type<tc>, window_params = [{transform_indices = @transform_0, window_bounds = array<i64: 1000, 128>}, {transform_indices = @transform_1, window_bounds = array<i64: 1000, 128>}, {transform_indices = @transform_2, window_bounds = array<i64: 1000, 128>}, {transform_indices = @transform_3, window_bounds = array<i64: 1000, 128>}, {pipeline_mode = #tpu.pipeline_mode<synchronous>, transform_indices = @transform_4, window_bounds = array<i64: 1, 32>}, {pipeline_mode = #tpu.pipeline_mode<synchronous>, transform_indices = @transform_5, window_bounds = array<i64: 64, 32>}, {pipeline_mode = #tpu.pipeline_mode<synchronous>, transform_indices = @transform_6, window_bounds = array<i64: 64, 32>}, {transform_indices = @transform_7, window_bounds = array<i64: 1, 1, 1000>}, {pipeline_mode = #tpu.pipeline_mode<synchronous>, transform_indices = @transform_8, window_bounds = array<i64: 64, 1>}, {pipeline_mode = #tpu.pipeline_mode<synchronous>, transform_indices = @transform_9, window_bounds = array<i64: 32, 1>}, {pipeline_mode = #tpu.pipeline_mode<synchronous>, transform_indices = @transform_10, window_bounds = array<i64: 32, 1>}, {pipeline_mode = #tpu.pipeline_mode<synchronous>, transform_indices = @transform_11, window_bounds = array<i64: 1, 1>}, {pipeline_mode = #tpu.pipeline_mode<synchronous>, transform_indices = @transform_12, window_bounds = array<i64: 8, 4>}, {pipeline_mode = #tpu.pipeline_mode<synchronous>, transform_indices = @transform_13, window_bounds = array<i64: 8, 3>}]} {
    %get3A = arith.constant 0 : index
    %get3A_0 = arith.constant 0 : index
    %get3A_1 = vector.load %arg1[%get3A, %get3A_0] : memref<1000x128xf32, #tpu.memory_space<vmem>>, vector<1000x64xf32>
    %get3A_2 = arith.constant 0 : index
    %get3A_3 = arith.constant 0 : index
    %get3A_4 = vector.load %arg2[%get3A_2, %get3A_3] : memref<1000x128xf32, #tpu.memory_space<vmem>>, vector<1000x64xf32>
    %add3A = arith.addf %get3A_1, %get3A_4 : vector<1000x64xf32>
    %get3A_5 = arith.constant 0 : index
    %get3A_6 = arith.constant 0 : index
    %get3A_7 = vector.load %arg3[%get3A_5, %get3A_6] : memref<1000x128xf32, #tpu.memory_space<vmem>>, vector<1000x64xf32>
    %get3A_8 = arith.constant 0 : index
    %get3A_9 = arith.constant 0 : index
    %get3A_10 = vector.load %arg4[%get3A_8, %get3A_9] : memref<1000x128xf32, #tpu.memory_space<vmem>>, vector<1000x64xf32>
    %add3A_11 = arith.addf %get3A_7, %get3A_10 : vector<1000x64xf32>
    %get3A_12 = arith.constant 0 : index
    %get3A_13 = arith.constant 76 : index
    %get3A_14 = vector.load %arg1[%get3A_12, %get3A_13] : memref<1000x128xf32, #tpu.memory_space<vmem>>, vector<1000x4xf32>
    %get3A_15 = arith.constant 0 : index
    %get3A_16 = arith.constant 76 : index
    %get3A_17 = vector.load %arg2[%get3A_15, %get3A_16] : memref<1000x128xf32, #tpu.memory_space<vmem>>, vector<1000x4xf32>
    %add3A_18 = arith.addf %get3A_14, %get3A_17 : vector<1000x4xf32>
    %tile3A = tpu.concatenate %add3A_18, %add3A_18, %add3A_18, %add3A_18, %add3A_18, %add3A_18, %add3A_18, %add3A_18, %add3A_18, %add3A_18, %add3A_18, %add3A_18, %add3A_18, %add3A_18, %add3A_18, %add3A_18 in 1 : vector<1000x4xf32>, vector<1000x4xf32>, vector<1000x4xf32>, vector<1000x4xf32>, vector<1000x4xf32>, vector<1000x4xf32>, vector<1000x4xf32>, vector<1000x4xf32>, vector<1000x4xf32>, vector<1000x4xf32>, vector<1000x4xf32>, vector<1000x4xf32>, vector<1000x4xf32>, vector<1000x4xf32>, vector<1000x4xf32>, vector<1000x4xf32> -> vector<1000x64xf32>
    %add3A_19 = arith.constant 1.000000e-16 : f32
    %add3A_20 = vector.broadcast %add3A_19 : f32 to vector<1000x64xf32>
    %add3A_21 = arith.addf %tile3A, %add3A_20 : vector<1000x64xf32>
    %div3A = arith.divf %add3A, %add3A_21 : vector<1000x64xf32>
    %add3A_22 = arith.constant 1.000000e-16 : f32
    %add3A_23 = vector.broadcast %add3A_22 : f32 to vector<1000x64xf32>
    %add3A_24 = arith.addf %tile3A, %add3A_23 : vector<1000x64xf32>
    %div3A_25 = arith.divf %add3A_11, %add3A_24 : vector<1000x64xf32>
    %get3A_26 = arith.constant 0 : index
    %get3A_27 = arith.constant 0 : index
    %get3A_28 = vector.load %arg6[%get3A_26, %get3A_27] : memref<64x32xf32, #tpu.memory_space<vmem>>, vector<64x32xf32>
    %dot_general3A = arith.constant dense<0.000000e+00> : vector<1000x32xf32>
    %dot_general3A_29 = tpu.matmul %div3A, %get3A_28, %dot_general3A {dimension_numbers = #tpu.dot_dimension_numbers<[1], [0], [0], [1], [0, 0, 1, 1], [], []>, transpose_lhs_hint = false} : vector<1000x64xf32>, vector<64x32xf32>, vector<1000x32xf32> -> vector<1000x32xf32>
    %get3A_30 = arith.constant 0 : index
    %get3A_31 = arith.constant 0 : index
    %get3A_32 = vector.load %arg7[%get3A_30, %get3A_31] : memref<64x32xf32, #tpu.memory_space<vmem>>, vector<64x32xf32>
    %dot_general3A_33 = arith.constant dense<0.000000e+00> : vector<1000x32xf32>
    %dot_general3A_34 = tpu.matmul %div3A_25, %get3A_32, %dot_general3A_33 {dimension_numbers = #tpu.dot_dimension_numbers<[1], [0], [0], [1], [0, 0, 1, 1], [], []>, transpose_lhs_hint = false} : vector<1000x64xf32>, vector<64x32xf32>, vector<1000x32xf32> -> vector<1000x32xf32>
    %add3A_35 = arith.addf %dot_general3A_29, %dot_general3A_34 : vector<1000x32xf32>
    %get3A_36 = arith.constant 0 : index
    %get3A_37 = arith.constant 0 : index
    %get3A_38 = vector.load %arg5[%get3A_36, %get3A_37] : memref<1x32xf32, #tpu.memory_space<vmem>>, vector<1x32xf32>
    %add3A_39 = vector.broadcast %get3A_38 : vector<1x32xf32> to vector<1000x32xf32>
    %add3A_40 = arith.addf %add3A_35, %add3A_39 : vector<1000x32xf32>
    %ge3A = arith.constant 0.000000e+00 : f32
    %ge3A_41 = vector.broadcast %ge3A : f32 to vector<1000x32xf32>
    %ge3A_42 = arith.cmpf oge, %add3A_40, %ge3A_41 : vector<1000x32xf32>
    %mul3A = arith.constant 0.00999999977 : f32
    %mul3A_43 = vector.broadcast %mul3A : f32 to vector<1000x32xf32>
    %mul3A_44 = arith.mulf %mul3A_43, %add3A_40 : vector<1000x32xf32>
    %select_n3A = arith.select %ge3A_42, %add3A_40, %mul3A_44 : vector<1000x32xi1>, vector<1000x32xf32>
    %get3A_45 = arith.constant 0 : index
    %get3A_46 = arith.constant 0 : index
    %get3A_47 = arith.constant 0 : index
    %get3A_48 = vector.load %arg8[%get3A_45, %get3A_46, %get3A_47] : memref<1x1x1000xi32, #tpu.memory_space<vmem>>, vector<1x1x1000xi32>
    %get3A_49 = vector.shape_cast %get3A_48 : vector<1x1x1000xi32> to vector<1x1000xi32>
    %iota3A = tpu.iota {dimensions = array<i32: 0>} : vector<64x1000xi32>
    %add3A_50 = arith.constant 1 : i32
    %add3A_51 = vector.broadcast %add3A_50 : i32 to vector<64x1000xi32>
    %add3A_52 = arith.addi %iota3A, %add3A_51 : vector<64x1000xi32>
    %eq3A = vector.broadcast %get3A_49 : vector<1x1000xi32> to vector<64x1000xi32>
    %eq3A_53 = arith.cmpi eq, %add3A_52, %eq3A : vector<64x1000xi32>
    %convert_element_type3A = arith.extui %eq3A_53 : vector<64x1000xi1> to vector<64x1000xi32>
    %convert_element_type3A_54 = arith.sitofp %convert_element_type3A : vector<64x1000xi32> to vector<64x1000xf32>
    %dot_general3A_55 = arith.constant dense<0.000000e+00> : vector<64x32xf32>
    %dot_general3A_56 = tpu.matmul %convert_element_type3A_54, %select_n3A, %dot_general3A_55 {dimension_numbers = #tpu.dot_dimension_numbers<[1], [0], [0], [1], [0, 0, 1, 1], [], []>, transpose_lhs_hint = false} : vector<64x1000xf32>, vector<1000x32xf32>, vector<64x32xf32> -> vector<64x32xf32>
    %eq3A_57 = arith.constant 0 : i32
    %eq3A_58 = arith.cmpi eq, %arg0, %eq3A_57 : i32
    %convert_element_type3A_59 = arith.extui %eq3A_58 : i1 to i32
    %cond3A = arith.constant 0 : i32
    %cond3A_60 = arith.cmpi ne, %convert_element_type3A_59, %cond3A : i32
    scf.if %cond3A_60 {
      %broadcast_in_dim3A = arith.constant 0.000000e+00 : f32
      %broadcast_in_dim3A_72 = vector.broadcast %broadcast_in_dim3A : f32 to vector<64x32xf32>
      %swap3A_73 = arith.constant 0 : index
      %swap3A_74 = arith.constant 0 : index
      %swap3A_75 = vector.load %arg15[%swap3A_73, %swap3A_74] : memref<64x32xf32, #tpu.memory_space<vmem>>, vector<64x32xf32>
      tpu.vector_store %arg15[%swap3A_73, %swap3A_74], %broadcast_in_dim3A_72 {strides = array<i32>} : memref<64x32xf32, #tpu.memory_space<vmem>>, vector<64x32xf32>,
    } else {
    }
    %get3A_61 = arith.constant 0 : index
    %get3A_62 = arith.constant 0 : index
    %get3A_63 = vector.load %arg15[%get3A_61, %get3A_62] : memref<64x32xf32, #tpu.memory_space<vmem>>, vector<64x32xf32>
    %add3A_64 = arith.addf %get3A_63, %dot_general3A_56 : vector<64x32xf32>
    %swap3A = arith.constant 0 : index
    %swap3A_65 = arith.constant 0 : index
    %swap3A_66 = vector.load %arg15[%swap3A, %swap3A_65] : memref<64x32xf32, #tpu.memory_space<vmem>>, vector<64x32xf32>
    tpu.vector_store %arg15[%swap3A, %swap3A_65], %add3A_64 {strides = array<i32>} : memref<64x32xf32, #tpu.memory_space<vmem>>, vector<64x32xf32>,
    %eq3A_67 = arith.constant 9 : i32
    %eq3A_68 = arith.cmpi eq, %arg0, %eq3A_67 : i32
    %convert_element_type3A_69 = arith.extui %eq3A_68 : i1 to i32
    %cond3A_70 = arith.constant 0 : i32
    %cond3A_71 = arith.cmpi ne, %convert_element_type3A_69, %cond3A_70 : i32
    scf.if %cond3A_71 {
      %get3A_72 = arith.constant 0 : index
      %get3A_73 = arith.constant 0 : index
      %get3A_74 = vector.load %arg15[%get3A_72, %get3A_73] : memref<64x32xf32, #tpu.memory_space<vmem>>, vector<64x32xf32>
      %get3A_75 = arith.constant 0 : index
      %get3A_76 = arith.constant 0 : index
      %get3A_77 = vector.load %arg9[%get3A_75, %get3A_76] : memref<64x1xf32, #tpu.memory_space<vmem>>, vector<64x1xf32>
      %div3A_78 = vector.broadcast %get3A_77 : vector<64x1xf32> to vector<64x32xf32>
      %div3A_79 = arith.divf %get3A_74, %div3A_78 : vector<64x32xf32>
      %get3A_80 = arith.constant 0 : index
      %get3A_81 = arith.constant 0 : index
      %get3A_82 = vector.load %arg10[%get3A_80, %get3A_81] : memref<32x1xf32, #tpu.memory_space<vmem>>, vector<32x1xf32>
      %dot_general3A_83 = arith.constant dense<0.000000e+00> : vector<64x1xf32>
      %dot_general3A_84 = tpu.matmul %div3A_79, %get3A_82, %dot_general3A_83 {dimension_numbers = #tpu.dot_dimension_numbers<[1], [0], [0], [1], [0, 0, 1, 1], [], []>, transpose_lhs_hint = false} : vector<64x32xf32>, vector<32x1xf32>, vector<64x1xf32> -> vector<64x1xf32>
      %get3A_85 = arith.constant 0 : index
      %get3A_86 = arith.constant 0 : index
      %get3A_87 = vector.load %arg11[%get3A_85, %get3A_86] : memref<32x1xf32, #tpu.memory_space<vmem>>, vector<32x1xf32>
      %dot_general3A_88 = arith.constant dense<0.000000e+00> : vector<64x1xf32>
      %dot_general3A_89 = tpu.matmul %div3A_79, %get3A_87, %dot_general3A_88 {dimension_numbers = #tpu.dot_dimension_numbers<[1], [0], [0], [1], [0, 0, 1, 1], [], []>, transpose_lhs_hint = false} : vector<64x32xf32>, vector<32x1xf32>, vector<64x1xf32> -> vector<64x1xf32>
      %squeeze3A = vector.shape_cast %dot_general3A_89 : vector<64x1xf32> to vector<64xf32>
      %broadcast_in_dim3A = vector.shape_cast %squeeze3A : vector<64xf32> to vector<1x64xf32>
      %add3A_90 = vector.broadcast %dot_general3A_84 : vector<64x1xf32> to vector<64x64xf32>
      %add3A_91 = vector.broadcast %broadcast_in_dim3A : vector<1x64xf32> to vector<64x64xf32>
      %add3A_92 = arith.addf %add3A_90, %add3A_91 : vector<64x64xf32>
      %get3A_93 = arith.constant 0 : index
      %get3A_94 = arith.constant 0 : index
      %get3A_95 = vector.load %arg12[%get3A_93, %get3A_94] : memref<1x1xf32, #tpu.memory_space<vmem>>, vector<1x1xf32>
      %get3A_96 = vector.extract %get3A_95[0, 0] : f32 from vector<1x1xf32>
      %add3A_97 = vector.broadcast %get3A_96 : f32 to vector<64x64xf32>
      %add3A_98 = arith.addf %add3A_92, %add3A_97 : vector<64x64xf32>
      %logistic3A = arith.negf %add3A_98 : vector<64x64xf32>
      %logistic3A_99 = math.exp %logistic3A : vector<64x64xf32>
      %logistic3A_100 = arith.constant 1.000000e+00 : f32
      %logistic3A_101 = vector.broadcast %logistic3A_100 : f32 to vector<64x64xf32>
      %logistic3A_102 = arith.addf %logistic3A_101, %logistic3A_99 : vector<64x64xf32>
      %logistic3A_103 = arith.divf %logistic3A_101, %logistic3A_102 : vector<64x64xf32>
      %get3A_104 = arith.constant 0 : index
      %get3A_105 = arith.constant 0 : index
      %get3A_106 = vector.load %arg13[%get3A_104, %get3A_105] : memref<8x4xi32, #tpu.memory_space<vmem>>, vector<8x1xi32>
      %get3A_107 = vector.shape_cast %get3A_106 : vector<8x1xi32> to vector<8xi32>
      %iota3A_108 = tpu.iota {dimensions = array<i32: 1>} : vector<8x64xi32>
      %broadcast_in_dim3A_109 = vector.shape_cast %get3A_107 : vector<8xi32> to vector<8x1xi32>
      %eq3A_110 = vector.broadcast %broadcast_in_dim3A_109 : vector<8x1xi32> to vector<8x64xi32>
      %eq3A_111 = arith.cmpi eq, %eq3A_110, %iota3A_108 : vector<8x64xi32>
      %convert_element_type3A_112 = arith.extui %eq3A_111 : vector<8x64xi1> to vector<8x64xi32>
      %convert_element_type3A_113 = arith.sitofp %convert_element_type3A_112 : vector<8x64xi32> to vector<8x64xf32>
      %dot_general3A_114 = arith.constant dense<0.000000e+00> : vector<8x64xf32>
      %dot_general3A_115 = tpu.matmul %convert_element_type3A_113, %logistic3A_103, %dot_general3A_114 {dimension_numbers = #tpu.dot_dimension_numbers<[1], [0], [0], [1], [0, 0, 1, 1], [], []>, transpose_lhs_hint = false} : vector<8x64xf32>, vector<64x64xf32>, vector<8x64xf32> -> vector<8x64xf32>
      %get3A_116 = arith.constant 0 : index
      %get3A_117 = arith.constant 1 : index
      %get3A_118 = vector.load %arg13[%get3A_116, %get3A_117] : memref<8x4xi32, #tpu.memory_space<vmem>>, vector<8x1xi32>
      %get3A_119 = vector.shape_cast %get3A_118 : vector<8x1xi32> to vector<8xi32>
      %broadcast_in_dim3A_120 = vector.shape_cast %get3A_119 : vector<8xi32> to vector<8x1xi32>
      %eq3A_121 = vector.broadcast %broadcast_in_dim3A_120 : vector<8x1xi32> to vector<8x64xi32>
      %eq3A_122 = arith.cmpi eq, %eq3A_121, %iota3A_108 : vector<8x64xi32>
      %convert_element_type3A_123 = arith.extui %eq3A_122 : vector<8x64xi1> to vector<8x64xi32>
      %convert_element_type3A_124 = arith.sitofp %convert_element_type3A_123 : vector<8x64xi32> to vector<8x64xf32>
      %mul3A_125 = arith.mulf %dot_general3A_115, %convert_element_type3A_124 : vector<8x64xf32>
      %reduce_sum3A = arith.constant dense<0.000000e+00> : vector<8xf32>
      %reduce_sum3A_126 = vector.multi_reduction <add>, %mul3A_125, %reduce_sum3A [1] : vector<8x64xf32> to vector<8xf32>
      %broadcast_in_dim3A_127 = vector.shape_cast %reduce_sum3A_126 : vector<8xf32> to vector<8x1xf32>
      %get3A_128 = arith.constant 0 : index
      %get3A_129 = arith.constant 2 : index
      %get3A_130 = vector.load %arg13[%get3A_128, %get3A_129] : memref<8x4xi32, #tpu.memory_space<vmem>>, vector<8x1xi32>
      %get3A_131 = vector.shape_cast %get3A_130 : vector<8x1xi32> to vector<8xi32>
      %broadcast_in_dim3A_132 = vector.shape_cast %get3A_131 : vector<8xi32> to vector<8x1xi32>
      %eq3A_133 = vector.broadcast %broadcast_in_dim3A_132 : vector<8x1xi32> to vector<8x64xi32>
      %eq3A_134 = arith.cmpi eq, %eq3A_133, %iota3A_108 : vector<8x64xi32>
      %convert_element_type3A_135 = arith.extui %eq3A_134 : vector<8x64xi1> to vector<8x64xi32>
      %convert_element_type3A_136 = arith.sitofp %convert_element_type3A_135 : vector<8x64xi32> to vector<8x64xf32>
      %mul3A_137 = arith.mulf %dot_general3A_115, %convert_element_type3A_136 : vector<8x64xf32>
      %reduce_sum3A_138 = arith.constant dense<0.000000e+00> : vector<8xf32>
      %reduce_sum3A_139 = vector.multi_reduction <add>, %mul3A_137, %reduce_sum3A_138 [1] : vector<8x64xf32> to vector<8xf32>
      %broadcast_in_dim3A_140 = vector.shape_cast %reduce_sum3A_139 : vector<8xf32> to vector<8x1xf32>
      %get3A_141 = arith.constant 0 : index
      %get3A_142 = arith.constant 3 : index
      %get3A_143 = vector.load %arg13[%get3A_141, %get3A_142] : memref<8x4xi32, #tpu.memory_space<vmem>>, vector<8x1xi32>
      %get3A_144 = vector.shape_cast %get3A_143 : vector<8x1xi32> to vector<8xi32>
      %broadcast_in_dim3A_145 = vector.shape_cast %get3A_144 : vector<8xi32> to vector<8x1xi32>
      %eq3A_146 = vector.broadcast %broadcast_in_dim3A_145 : vector<8x1xi32> to vector<8x64xi32>
      %eq3A_147 = arith.cmpi eq, %eq3A_146, %iota3A_108 : vector<8x64xi32>
      %convert_element_type3A_148 = arith.extui %eq3A_147 : vector<8x64xi1> to vector<8x64xi32>
      %convert_element_type3A_149 = arith.sitofp %convert_element_type3A_148 : vector<8x64xi32> to vector<8x64xf32>
      %mul3A_150 = arith.mulf %dot_general3A_115, %convert_element_type3A_149 : vector<8x64xf32>
      %reduce_sum3A_151 = arith.constant dense<0.000000e+00> : vector<8xf32>
      %reduce_sum3A_152 = vector.multi_reduction <add>, %mul3A_150, %reduce_sum3A_151 [1] : vector<8x64xf32> to vector<8xf32>
      %broadcast_in_dim3A_153 = vector.shape_cast %reduce_sum3A_152 : vector<8xf32> to vector<8x1xf32>
      %concatenate3A = tpu.concatenate %broadcast_in_dim3A_127, %broadcast_in_dim3A_140, %broadcast_in_dim3A_153 in 1 : vector<8x1xf32>, vector<8x1xf32>, vector<8x1xf32> -> vector<8x3xf32>
      %reduce_max3A = arith.constant dense<0xFF800000> : vector<8xf32>
      %reduce_max3A_154 = vector.multi_reduction <maximumf>, %concatenate3A, %reduce_max3A [1] : vector<8x3xf32> to vector<8xf32>
      %broadcast_in_dim3A_155 = vector.shape_cast %reduce_max3A_154 : vector<8xf32> to vector<8x1xf32>
      %sub3A = vector.broadcast %broadcast_in_dim3A_155 : vector<8x1xf32> to vector<8x3xf32>
      %sub3A_156 = arith.subf %concatenate3A, %sub3A : vector<8x3xf32>
      %exp3A = math.exp %sub3A_156 : vector<8x3xf32>
      %reduce_sum3A_157 = arith.constant dense<0.000000e+00> : vector<8xf32>
      %reduce_sum3A_158 = vector.multi_reduction <add>, %exp3A, %reduce_sum3A_157 [1] : vector<8x3xf32> to vector<8xf32>
      %broadcast_in_dim3A_159 = vector.shape_cast %reduce_sum3A_158 : vector<8xf32> to vector<8x1xf32>
      %div3A_160 = vector.broadcast %broadcast_in_dim3A_159 : vector<8x1xf32> to vector<8x3xf32>
      %div3A_161 = arith.divf %exp3A, %div3A_160 : vector<8x3xf32>
      %swap3A_162 = arith.constant 0 : index
      %swap3A_163 = arith.constant 0 : index
      %swap3A_164 = vector.load %arg14[%swap3A_162, %swap3A_163] : memref<8x3xf32, #tpu.memory_space<vmem>>, vector<8x3xf32>
      tpu.vector_store %arg14[%swap3A_162, %swap3A_163], %div3A_161 {strides = array<i32>} : memref<8x3xf32, #tpu.memory_space<vmem>>, vector<8x3xf32>,
    } else {
    }
    return
  }
  func.func @transform_0(%arg0: i32) -> (i32, i32) {
    %c0_i32 = arith.constant 0 : i32
    %c0_i32_0 = arith.constant 0 : i32
    return %arg0, %c0_i32 : i32, i32
  }
  func.func @transform_1(%arg0: i32) -> (i32, i32) {
    %add3A = arith.constant 10 : i32
    %add3A_0 = arith.addi %arg0, %add3A : i32
    %c0_i32 = arith.constant 0 : i32
    %c0_i32_1 = arith.constant 0 : i32
    return %add3A_0, %c0_i32 : i32, i32
  }
  func.func @transform_2(%arg0: i32) -> (i32, i32) {
    %c0_i32 = arith.constant 0 : i32
    %c0_i32_0 = arith.constant 0 : i32
    return %arg0, %c0_i32 : i32, i32
  }
  func.func @transform_3(%arg0: i32) -> (i32, i32) {
    %add3A = arith.constant 10 : i32
    %add3A_0 = arith.addi %arg0, %add3A : i32
    %c0_i32 = arith.constant 0 : i32
    %c0_i32_1 = arith.constant 0 : i32
    return %add3A_0, %c0_i32 : i32, i32
  }
  func.func @transform_4(%arg0: i32) -> (i32, i32) {
    %c0_i32 = arith.constant 0 : i32
    %c0_i32_0 = arith.constant 0 : i32
    %c0_i32_1 = arith.constant 0 : i32
    return %c0_i32, %c0_i32_0 : i32, i32
  }
  func.func @transform_5(%arg0: i32) -> (i32, i32) {
    %c0_i32 = arith.constant 0 : i32
    %c0_i32_0 = arith.constant 0 : i32
    %c0_i32_1 = arith.constant 0 : i32
    return %c0_i32, %c0_i32_0 : i32, i32
  }
  func.func @transform_6(%arg0: i32) -> (i32, i32) {
    %c0_i32 = arith.constant 0 : i32
    %c0_i32_0 = arith.constant 0 : i32
    %c0_i32_1 = arith.constant 0 : i32
    return %c0_i32, %c0_i32_0 : i32, i32
  }
  func.func @transform_7(%arg0: i32) -> (i32, i32, i32) {
    %c0_i32 = arith.constant 0 : i32
    %c0_i32_0 = arith.constant 0 : i32
    %c0_i32_1 = arith.constant 0 : i32
    return %arg0, %c0_i32, %c0_i32_0 : i32, i32, i32
  }
  func.func @transform_8(%arg0: i32) -> (i32, i32) {
    %c0_i32 = arith.constant 0 : i32
    %c0_i32_0 = arith.constant 0 : i32
    %c0_i32_1 = arith.constant 0 : i32
    return %c0_i32, %c0_i32_0 : i32, i32
  }
  func.func @transform_9(%arg0: i32) -> (i32, i32) {
    %c0_i32 = arith.constant 0 : i32
    %c0_i32_0 = arith.constant 0 : i32
    %c0_i32_1 = arith.constant 0 : i32
    return %c0_i32, %c0_i32_0 : i32, i32
  }
  func.func @transform_10(%arg0: i32) -> (i32, i32) {
    %c0_i32 = arith.constant 0 : i32
    %c0_i32_0 = arith.constant 0 : i32
    %c0_i32_1 = arith.constant 0 : i32
    return %c0_i32, %c0_i32_0 : i32, i32
  }
  func.func @transform_11(%arg0: i32) -> (i32, i32) {
    %c0_i32 = arith.constant 0 : i32
    %c0_i32_0 = arith.constant 0 : i32
    %c0_i32_1 = arith.constant 0 : i32
    return %c0_i32, %c0_i32_0 : i32, i32
  }
  func.func @transform_12(%arg0: i32) -> (i32, i32) {
    %c0_i32 = arith.constant 0 : i32
    %c0_i32_0 = arith.constant 0 : i32
    %c0_i32_1 = arith.constant 0 : i32
    return %c0_i32, %c0_i32_0 : i32, i32
  }
  func.func @transform_13(%arg0: i32) -> (i32, i32) {
    %c0_i32 = arith.constant 0 : i32
    %c0_i32_0 = arith.constant 0 : i32
    %c0_i32_1 = arith.constant 0 : i32
    return %c0_i32, %c0_i32_0 : i32, i32
  }
}

</mosaic_0001>

<sc_bundles>
// kernel: kernel.13.cloned.1.call-start
scs
__scs_entry_jumppad:
0x0: {  	(pc) =	sbr.rel $0x88, $3  }
0x1: {  	(tag) =	ssettag $0x0;
	lr =	simm.s32 $0x1  }
0x2: {  	[smem:$0x3F67] =	sst lr;
	_ =	strace $0xD0000000  }
0x3: {  	_ = 	snop  }
0x4: {  	_ = 	snop  }
0x5: {  	_ = 	snop  }
0x6: {  	_ = 	snop  }
0x7: {  	_ = 	snop  }
__scs_overlays_trampoline_lowered:
0x8: {  	[smem:$0x3F76] =	sst s0  }
0x9: {  	[smem:$0x3F77] =	sst s1  }
0xa: {  	[smem:$0x3F78] =	sst s2  }
0xb: {  	[smem:$0x3F79] =	sst s3  }
0xc: {  	[smem:$0x3F7A] =	sst s4  }
0xd: {  	[smem:$0x3F7B] =	sst s5  }
0xe: {  	[smem:$0x3F7C] =	sst s6  }
0xf: {  	[smem:$0x3F7D] =	sst s7  }
0x10: {  	[smem:$0x3F7E] =	sst s8  }
0x11: {  	[smem:$0x3F7F] =	sst s9;
	s0 =	simm.s32 @!p0 $0x0  }
0x12: {  	s1 =	sld [smem:$0x3F65];
	s0 =	simm.s32 @p0 $0x1  }
0x13: {  	[smem:$0x3F80] =	sst s0;
	s0 =	simm.s32 @!p1 $0x0  }
0x14: {  	s2 =	sld [smem:$0x3F64];
	s0 =	simm.s32 @p1 $0x1  }
0x15: {  	[smem:$0x3F81] =	sst s0;
	s0 =	simm.s32 @!p2 $0x0  }
0x16: {  	s3 =	sld [smem:$0x3FDB];
	s0 =	simm.s32 @p2 $0x1  }
0x17: {  	s4 =	simm.s32 $0x1BF5;
	[smem:$0x3F83] =	sst s0  }
0x18: {  	s0 =	sld [smem:$0x3F66];
	_ =	swait.ge [sflag:s4], $0x0  }
0x19: {  	s7 =	sld [smem:$0x3F67]  }
0x1a: {  	s8 =	sadd.s32 $0xFFFFE003, lr  }
0x1b: {  	s9 =	sadd.s32 $0xFFFFFEF7, lr;
	s5 =	simm.s32 $0xFFFFFFFF;
	p2 =	slt.u32 s8, $0xFFFFF086  }
0x1c: {  	p1 =	slt.u32 s9, $0xF7A;
	s5 =	simm.s32 @!p2 $0x0  }
0x1d: {  	s5 =	simm.s32 @p1 $0x1;
	p0 =	seq.s32 s7, s2  }
0x1e: {  	s7 =	smul.u32 @!p0 $0xF7A, s2;
	p2 =	seq.s32 @!p0 s5, $0x0  }
0x1f: {  	s9 =	smul.u32 $0xF7A, s1;
	s8 =	simm.s32 @!p0 $0x1BF5;
	p2 =	por !p2, p0  }
0x20: {  	[sflag:s8] =	ssyncset.s32 @!p0 $0xFFFFF086;
	s6 =	sadd.s32 @!p0 s3, s7;
	s7 =	simm.s32 @!p0 $0x108  }
0x21: {  	s3 =	sadd.s32 s3, s9;
	s6 =	sadd.s32 @!p0 $0x88, s6;
	s7 =	simm.s32 @p2 $0x1082  }
0x22: {  	[simem:s7], [sflag:s8] =	dma.local @!p0 [hbm:s6], $0xF7A  }
0x23: {  	s9 =	sor.u32 $0xD0000000, s2;
	s6 =	simm.s32 $0x108;
	_ =	swait.ge @!p0 [sflag:s8], $0x0  }
0x24: {  	s3 =	sadd.s32 $0x88, s3;
	s6 =	simm.s32 @!p1 $0x1082;
	[sflag:s4] =	ssyncset.s32 $0xFFFFF086  }
0x25: {  	[simem:s6], [sflag:s4] =	dma.local [hbm:s3], $0xF7A  }
0x26: {  	[smem:$0x3F67] =	sst s1;
	(tag) =	ssettag s2;
	_ =	strace s9  }
0x27: {  	s1 =	sld [smem:$0x3F77]  }
0x28: {  	s2 =	sld [smem:$0x3F78]  }
0x29: {  	s4 =	sld [smem:$0x3F7A]  }
0x2a: {  	p0 =	seq.s32 s5, $0x0;
	s5 =	sld [smem:$0x3F7B]  }
0x2b: {  	s6 =	sld [smem:$0x3F7C]  }
0x2c: {  	s7 =	sld [smem:$0x3F7D]  }
0x2d: {  	s3 =	simm.s32 $0x108;
	s8 =	sld [smem:$0x3F7E]  }
0x2e: {  	s3 =	simm.s32 @!p0 $0x1082;
	s9 =	sld [smem:$0x3F7F]  }
0x2f: {  	lr =	sadd.s32 s0, s3;
	s0 =	sld [smem:$0x3F76]  }
0x30: {  	s3 =	sld [smem:$0x3F79]  }
0x31: {  	[smem:$0x3F82] =	sst s10  }
0x32: {  	s10 =	sld [smem:$0x3F80];
	_ =	sdelay $0x3  }
0x33: {  	p0 =	seq.s32 s10, $0x1;
	s10 =	sld [smem:$0x3F82];
	_ =	sdelay $0x3  }
0x34: {  	[smem:$0x3F82] =	sst s10  }
0x35: {  	s10 =	sld [smem:$0x3F81];
	_ =	sdelay $0x3  }
0x36: {  	p1 =	seq.s32 s10, $0x1;
	s10 =	sld [smem:$0x3F82];
	_ =	sdelay $0x3  }
0x37: {  	[smem:$0x3F82] =	sst s10  }
0x38: {  	s10 =	sld [smem:$0x3F83]  }
0x39: {  	_ = 	snop;
	(pc) =	sbr.ind lr, $3  }
0x3a: {  	_ = 	snop  }
0x3b: {  	_ = 	snop  }
0x3c: {  	p2 =	seq.s32 s10, $0x1;
	s10 =	sld [smem:$0x3F82]  }
0x3d: {  	_ =	shalt  }
0x3e: {  	_ =	shalt  }
0x3f: {  	_ =	shalt  }
0x40: {  	_ =	shalt  }
0x41: {  	_ =	shalt  }
0x42: {  	_ =	shalt  }
0x43: {  	_ =	shalt  }
0x44: {  	_ =	shalt  }
0x45: {  	_ =	shalt  }
0x46: {  	_ =	shalt  }
0x47: {  	_ =	shalt  }
0x48: {  	_ =	shalt  }
0x49: {  	_ =	shalt  }
0x4a: {  	_ =	shalt  }
0x4b: {  	_ =	shalt  }
0x4c: {  	_ =	shalt  }
0x4d: {  	_ =	shalt  }
0x4e: {  	_ =	shalt  }
0x4f: {  	_ =	shalt  }
0x50: {  	_ =	shalt  }
0x51: {  	_ =	shalt  }
0x52: {  	_ =	shalt  }
0x53: {  	_ =	shalt  }
0x54: {  	_ =	shalt  }
0x55: {  	_ =	shalt  }
0x56: {  	_ =	shalt  }
0x57: {  	_ =	shalt  }
0x58: {  	_ =	shalt  }
0x59: {  	_ =	shalt  }
0x5a: {  	_ =	shalt  }
0x5b: {  	_ =	shalt  }
0x5c: {  	_ =	shalt  }
0x5d: {  	_ =	shalt  }
0x5e: {  	_ =	shalt  }
0x5f: {  	_ =	shalt  }
0x60: {  	_ =	shalt  }
0x61: {  	_ =	shalt  }
0x62: {  	_ =	shalt  }
0x63: {  	_ =	shalt  }
0x64: {  	_ =	shalt  }
0x65: {  	_ =	shalt  }
0x66: {  	_ =	shalt  }
0x67: {  	_ =	shalt  }
0x68: {  	_ =	shalt  }
0x69: {  	_ =	shalt  }
0x6a: {  	_ =	shalt  }
0x6b: {  	_ =	shalt  }
0x6c: {  	_ =	shalt  }
0x6d: {  	_ =	shalt  }
0x6e: {  	_ =	shalt  }
0x6f: {  	_ =	shalt  }
0x70: {  	_ =	shalt  }
0x71: {  	_ =	shalt  }
0x72: {  	_ =	shalt  }
0x73: {  	_ =	shalt  }
0x74: {  	_ =	shalt  }
0x75: {  	_ =	shalt  }
0x76: {  	_ =	shalt  }
0x77: {  	_ =	shalt  }
0x78: {  	_ =	shalt  }
0x79: {  	_ =	shalt  }
0x7a: {  	_ =	shalt  }
0x7b: {  	_ =	shalt  }
0x7c: {  	_ =	shalt  }
0x7d: {  	_ =	shalt  }
0x7e: {  	_ =	shalt  }
0x7f: {  	_ =	shalt  }
0x80: {  	_ =	shalt  }
0x81: {  	_ =	shalt  }
0x82: {  	_ =	shalt  }
0x83: {  	_ =	shalt  }
0x84: {  	_ =	shalt  }
0x85: {  	_ =	shalt  }
0x86: {  	_ =	shalt  }
0x87: {  	_ =	shalt  }
.Lfunc_end0:
.L_simem_size_0:
called_computation_lowered:
.L_overlay_start_0:
0x88: {  	s2 =	sld [smem:$0x3FD9]  }
0x89: {  	s3 =	sld [smem:$0x3FFE];
	_ =	sdelay $0x1  }
0x8a: {  	s1 =	srdreg.scid  }
0x8b: {  	s0 =	sand.u32 $0x1, s1  }
0x8c: {  	s14 =	sshll.u32 s0, $0xA;
	s2 =	sadd.s32 s3, s2  }
0x8d: {  	s2 =	sadd.s32 s2, s14  }
0x8e: {  	[smem:$0x3F8E] =	sst s2  }
0x8f: {  	_ = 	snop  }
0x90: {  	s2 =	sld [smem:$0x3FD0];
	_ =	sdelay $0x2  }
0x91: {  	s15 =	simm.s32 $0xB;
	s4 =	simm.s32 $0x10  }
0x92: {  	[smem:s4], [sflag:s15] =	dma.local [hbm:s2], $0x1  }
0x93: {  	_ =	swait.eq [sflag:s15], $0x1  }
0x94: {  	[sflag:s15] =	ssyncset.done $0x0  }
0x95: {  	s16 =	sld [smem:$0x11];
	[sflag:s15] =	ssyncadd.s32 $0xFFFFFFFF  }
0x96: {  	s17 =	sld [smem:$0x12];
	(tm) =	ssettm $0x1  }
0x97: {  	s18 =	sld [smem:$0x3FFB];
	_ =	sdelay $0x3  }
0x98: {  	_ =	strace s18  }
0x99: {  	s4 =	sld [smem:$0x3FFC];
	_ =	sdelay $0x3  }
0x9a: {  	_ =	strace s4  }
0x9b: {  	s4 =	sld [smem:$0x3FFD];
	_ =	sdelay $0x3  }
0x9c: {  	_ =	strace s4  }
0x9d: {  	_ =	strace $0x8FFFFFFF  }
0x9e: {  	s19 =	sld [smem:$0x3FDB];
	_ =	sdelay $0x1  }
0x9f: {  	s5 =	simm.s32 $_scs_section_size  }
0xa0: {  	s6 =	simm.s32 $_size__tile_overlayer_lowered;
	s7 =	simm.s32 $_tile_overlayer_lowered  }
0xa1: {  	s22 =	simm.s32 $0x1BFF;
	s21 =	sshll.u32 s7, $0x1;
	s4 =	sadd.s32 s5, s19  }
0xa2: {  	s8 =	simm.s32 $0x0;
	s20 =	sshll.u32 s6, $0x1;
	s6 =	sadd.s32 s21, s4  }
0xa3: {  	[timem:s8], [sflag:s22] =	dma.local [hbm:s6], s20  }
0xa4: {  	_ =	swait.ge [sflag:s22], s20  }
0xa5: {  	s5 =	ssub.s32 $0x0, s20;
	[sflag:s22] =	ssyncset.done $0x0  }
0xa6: {  	[sflag:s22] =	ssyncadd.s32 s5;
	_ =	sdelay $0x1  }
0xa7: {  	s23 =	simm.s32 $0x1B8B  }
0xa8: {  	_ =	swait.ge [sflag:s23], $0x1  }
0xa9: {  	[sflag:s23] =	ssyncset.done $0x0  }
0xaa: {  	s25 =	simm.s32 $0x1B8E;
	s24 =	sld [smem:$0x3FFE];
	[sflag:s23] =	ssyncadd.s32 $0xFFFFFFFF  }
0xab: {  	s26 =	simm.s32 $execute0_lowered;
	[smem:$0x3FD2] =	sst s25  }
0xac: {  	s6 =	sshll.u32 s26, $0x1;
	_ =	strace $0x80000046;
	[dreg:$0x1] =	wrdreg $0xFFFFFFFF  }
0xad: {  	s28 =	simm.s32 $_size_execute0_lowered;
	s4 =	sadd.s32 s4, s6;
	[dreg:$0x0] =	wrdreg $0x0  }
0xae: {  	s6 =	sshll.u32 s28, $0x1;
	[dreg:$0x2] =	wrdreg s4  }
0xaf: {  	[dreg:$0x3] =	wrdreg s6  }
0xb0: {  	[dreg:$0x4] =	wrdreg $0xC0  }
0xb1: {  	_ =	task [dreg:s8], $0x5FFFF  }
0xb2: {  	[dreg:$0x1] =	wrdreg $0xFFFFFFFF  }
0xb3: {  	[dreg:$0x0] =	wrdreg $0x60  }
0xb4: {  	[dreg:$0x2] =	wrdreg s24  }
0xb5: {  	[dreg:$0x3] =	wrdreg s16  }
0xb6: {  	[dreg:$0x4] =	wrdreg s17  }
0xb7: {  	[dreg:$0x5] =	wrdreg $0x95000  }
0xb8: {  	[dreg:$0x6] =	wrdreg $0x9  }
0xb9: {  	_ =	task.clear_ibuf [dreg:s8], $0x7FFFF;
	_ =	strace $0x90000046  }
0xba: {  	s29 =	simm.s32 $0x9;
	_ =	strace $0x80000048  }
0xbb: {  	_ =	swait.ge [sflag:s29], $0x1  }
0xbc: {  	[sflag:s29] =	ssyncadd.s32 $0xFFFFFFFF  }
0xbd: {  	_ =	strace $0x90000048  }
0xbe: {  	_ =	sfence  }
0xbf: {  	s30 =	sld [smem:$0x0];
	_ =	sdelay $0x2  }
0xc0: {  	s31 =	sshll.u32 s1, $0xD;
	s1 =	sshrl.u32 s1, $0x2  }
0xc1: {  	s3 =	sand.u32 $0x4000, s31;
	s1 =	sadd.s32 s1, s30  }
0xc2: {  	s0 =	sor.u32 s3, s0;
	s1 =	sshll.u32 s1, $0x11  }
0xc3: {  	s0 =	sor.u32 s1, s0  }
0xc4: {  	s0 =	sadd.s32 $0x8F2B, s0  }
0xc5: {  	[sflag:s0] =	ssyncadd.remote.s32 $0x1  }
0xc6: {  	_ =	sfence.sel $0xFFFF  }
0xc7: {  	[dreg:$0x0] =	wrdreg $0xFFFFFFFF;
	(pc) =	sbr.abs _section_cstart, $3  }
0xc8: {  	[dreg:$0x1] =	wrdreg $0xFFFFFFFF  }
0xc9: {  	_ =	task.clear_ibuf [dreg:s8], $0x2FFFF;
	_ =	strace $0x9FFFFFFF  }
0xca: {  	(tm) =	ssettm $0x7FFFFFFF  }
0xcb: {  	_ =	shalt  }
tec
execute0_lowered:
.L_overlay_start_1:
0x0: {  	(tag) =	ssettag $0x1  }
0x1: {  	s9 =	rddreg [dreg:$0x0]  }
0x2: {  	s1 =	rddreg [dreg:$0x1]  }
0x3: {  	s13 =	rddreg [dreg:$0x2]  }
0x4: {  	s2 =	rddreg [dreg:$0x3]  }
0x5: {  	s0 =	rddreg [dreg:$0x4];
	s3 =	simm.s32 $0x0;
	s4 =	srdreg.scid  }
0x6: {  	s16 =	simm.s32 $0x40;
	s17 =	simm.s32 $0x100;
	s18 =	simm.s32 $0x6100  }
0x7: {  	s19 =	simm.s32 $0x1;
	[smem:$0x7FF] =	sst s3;
	s5 =	sand.u32 $0x1, s4  }
0x8: {  	s6 =	sadd.s32 $0x1132A00, s9;
	s4 =	stileid.u32;
	s10 =	smul.u32 $0x138800, s5  }
0x9: {  	s7 =	sadd.s32 $0x1128C00, s9;
	s11 =	ssub.s32 $0x2, s5;
	s12 =	smul.u32 $0x1400, s4  }
0xa: {  	s8 =	sadd.s32 $0x113CA00, s9;
	s15 =	smul.u32 $0x5000, s4;
	s14 =	sshrl.u32 s11, $0x1  }
0xb: {  	s9 =	sadd.s32 $0x1B27C00, s9;
	_ =	strace $0x80000047;
	s11 =	ssub.s32 s11, s14  }
0xc: {  	v0 =	vlaneseq.u32;
	s12 =	sadd.s32 s12, s10;
	s10 =	sshll.u32 s4, $0x1;
	s30 =	sshrl.u32 s15, $0x2  }
0xd: {  	v1 =	vand.u32 $0x3, v0;
	s14 =	simm.s32 $0x2;
	s15 =	simm.s32 $0x80;
	s31 =	sshrl.u32 s12, $0x3  }
0xe: {  	v0 =	vimm.f32 $0.0e+00;
	v1 =	vor.u32 $0x20, v1;
	s11 =	smax.u32 s11, $0x1;
	s12 =	sadd.s32 s30, s2;
	s13 =	sadd.s32 s31, s13  }
.LBB2_1:
0xf: {  	s20 =	simm.s32 $0x0;
	s21 =	simm.s32 $0x200  }
.LBB2_2:
0x10: {  	p0 =	sne.s32 s21, $0x4E00;
	[tilespmem:s20+$0x8170] =	vst v0  }
0x11: {  	[tilespmem:s20+$0x8100] =	vst v0  }
0x12: {  	[tilespmem:s20+$0x8110] =	vst v0  }
.Ltmp0:
0x13: {  	[tilespmem:s20+$0x8120] =	vst v0;
	(pc) =	sbr.rel @p0 .LBB2_2-.Ltmp0, $4  }
0x14: {  	[tilespmem:s20+$0x8130] =	vst v0  }
0x15: {  	[tilespmem:s20+$0x8140] =	vst v0  }
0x16: {  	[tilespmem:s20+$0x8150] =	vst v0  }
0x17: {  	[tilespmem:s20+$0x8160] =	vst v0;
	s20 =	sshra.s32 s21, $0x2;
	s21 =	sadd.s32 $0x200, s21  }
0x18: {  	[tilespmem:s20+$0x8170] =	vst v0  }
0x19: {  	[tilespmem:s20+$0x8100] =	vst v0  }
0x1a: {  	[tilespmem:s20+$0x8110] =	vst v0  }
0x1b: {  	[tilespmem:s20+$0x8120] =	vst v0  }
0x1c: {  	[tilespmem:s20+$0x8130] =	vst v0  }
0x1d: {  	[tilespmem:s20+$0x8140] =	vst v0  }
0x1e: {  	[tilespmem:s20+$0x8150] =	vst v0  }
0x1f: {  	[tilespmem:s20+$0x8160] =	vst v0;
	s20 =	simm.s32 $0x0;
	s21 =	simm.s32 $0x200  }
.LBB2_4:
0x20: {  	p0 =	sne.s32 s21, $0x7E00;
	[tilespmem:s20+$0x6170] =	vst v0  }
0x21: {  	[tilespmem:s20+$0x6100] =	vst v0  }
0x22: {  	[tilespmem:s20+$0x6110] =	vst v0  }
.Ltmp1:
0x23: {  	[tilespmem:s20+$0x6120] =	vst v0;
	(pc) =	sbr.rel @p0 .LBB2_4-.Ltmp1, $4  }
0x24: {  	[tilespmem:s20+$0x6130] =	vst v0  }
0x25: {  	[tilespmem:s20+$0x6140] =	vst v0  }
0x26: {  	[tilespmem:s20+$0x6150] =	vst v0  }
0x27: {  	[tilespmem:s20+$0x6160] =	vst v0;
	s20 =	sshra.s32 s21, $0x2;
	s21 =	sadd.s32 $0x200, s21  }
0x28: {  	[tilespmem:s20+$0x6170] =	vst v0  }
0x29: {  	[tilespmem:s20+$0x6100] =	vst v0  }
0x2a: {  	[tilespmem:s20+$0x6110] =	vst v0  }
0x2b: {  	[tilespmem:s20+$0x6120] =	vst v0  }
0x2c: {  	[tilespmem:s20+$0x6130] =	vst v0  }
0x2d: {  	[tilespmem:s20+$0x6140] =	vst v0;
	s21 =	sadd.s32 $0x0, s4  }
0x2e: {  	[tilespmem:s20+$0x6150] =	vst v0;
	p0 =	sgt.u32 s21, $0xF9  }
0x2f: {  	[tilespmem:s20+$0x6160] =	vst v0;
	s20 =	simm.s32 @!p0 $0x8100;
	s23 =	simm.s32 @!p0 $0x1  }
0x30: {  	[spmem:s12] =	stream.linear.scatter @!p0 [tilespmem:s20], [sflag:$0x1], $0x1400, $0x38;
	[tilespmem:$0x1CD80] =	vst v63  }
0x31: {  	s22 =	simm.s32 $0x20;
	_ =	swait.ge @!p0 [sflag:s23], $0x1400  }
0x32: {  	s21 =	simm.s32 $0x10;
	s20 =	sadd.s32 $0x14000, s12;
	[sflag:s23] =	ssyncset.done @!p0 $0x0  }
.LBB2_6:
0x33: {  	s24 =	sadd.s32 s21, s4;
	s21 =	smov.u32 s22;
	s22 =	sadd.s32 $0x10, s22  }
0x34: {  	[sflag:s23] =	ssyncadd.s32 @!p0 $0xFFFFEC00;
	p1 =	sne.s32 s22, $0x100  }
.Ltmp2:
0x35: {  	p0 =	sgt.u32 s24, $0xF9;
	(pc) =	sbr.rel @p1 .LBB2_6-.Ltmp2, $4  }
0x36: {  	s24 =	simm.s32 @!p0 $0x8100;
	s23 =	simm.s32 @!p0 $0x1  }
0x37: {  	[spmem:s20] =	stream.linear.scatter @!p0 [tilespmem:s24], [sflag:$0x1], $0x1400, $0x38;
	[tilespmem:$0x1CD80] =	vst v63  }
0x38: {  	_ =	swait.ge @!p0 [sflag:s23], $0x1400  }
0x39: {  	s20 =	sadd.s32 $0x14000, s20;
	[sflag:s23] =	ssyncset.done @!p0 $0x0  }
0x3a: {  	s21 =	sadd.s32 s21, s4  }
0x3b: {  	p1 =	sgt.u32 s21, $0xF9  }
0x3c: {  	[sflag:s23] =	ssyncadd.s32 @!p0 $0xFFFFEC00;
	s21 =	simm.s32 @!p1 $0x8100;
	s22 =	simm.s32 @!p1 $0x1  }
0x3d: {  	[spmem:s20] =	stream.linear.scatter @!p1 [tilespmem:s21], [sflag:$0x1], $0x1400, $0x38;
	[tilespmem:$0x1CD80] =	vst v63  }
.Ltmp3:
0x3e: {  	_ =	swait.ge @!p1 [sflag:s22], $0x1400;
	(pc) =	sbr.rel .LBB2_8-.Ltmp3, $4  }
0x3f: {  	[sflag:s22] =	ssyncset.done @!p1 $0x0  }
0x40: {  	[sflag:s22] =	ssyncadd.s32 @!p1 $0xFFFFEC00  }
0x41: {  	[bflag:$0x0] =	sbarrier.arrive $0xFFFF  }
0x42: {  	s20 =	simm.s32 $0x0  }
.LBB2_12:
0x43: {  	s20 =	sadd.s32 $0x1, s20  }
0x44: {  	p0 =	sne.s32 s20, $0x9D  }
.Ltmp4:
0x45: {  	_ = 	snop;
	(pc) =	sbr.rel @!p0 .LBB2_13-.Ltmp4, $1  }
0x46: {  	_ =	sdelay $0x3  }
.LBB2_8:
0x47: {  	s21 =	sshll.u32 s20, $0x5  }
0x48: {  	s21 =	sor.u32 s10, s21  }
0x49: {  	p0 =	sgt.u32 s21, $0x1387  }
.Ltmp5:
0x4a: {  	_ = 	snop;
	(pc) =	sbr.rel @p0 .LBB2_12-.Ltmp5, $1  }
0x4b: {  	_ =	sdelay $0x3  }
0x4c: {  	s21 =	sor.u32 s5, s21  }
0x4d: {  	s22 =	sshll.u32 s21, $0x3  }
0x4e: {  	s24 =	simm.s32 $0x0;
	s23 =	sadd.s32 s6, s22  }
0x4f: {  	[tilespmem:s24], [sflag:$0x2] =	stream.linear.gather [hbm4b:s23+s24], $0x40, $0x38;
	[tilespmem:$0x1CD80] =	vst v63  }
0x50: {  	_ =	swait.ge [sflag:s14], $0x40  }
0x51: {  	[sflag:s14] =	ssyncset.done $0x0  }
0x52: {  	s22 =	sadd.s32 s7, s22;
	[sflag:s14] =	ssyncadd.s32 $0xFFFFFFC0  }
0x53: {  	[tilespmem:s15], [sflag:$0x2] =	stream.linear.gather [hbm4b:s22+s24], $0x40, $0x38;
	[tilespmem:$0x1CD80] =	vst v63  }
0x54: {  	_ =	swait.ge [sflag:s14], $0x40  }
0x55: {  	[sflag:s14] =	ssyncset.done $0x0  }
0x56: {  	[sflag:s14] =	ssyncadd.s32 $0xFFFFFFC0  }
0x57: {  	[tilespmem:s17], [sflag:$0x2] =	stream.indirect.gather [hbm4b:s1+s16], $0x80, s24, s16, $0xb8;
	[tilespmem:$0x1CD80] =	vst v63  }
0x58: {  	_ =	swait.ge [sflag:s14], $0x2000  }
0x59: {  	[sflag:s14] =	ssyncset.done $0x0  }
0x5a: {  	s28 =	simm.s32 $0x2100;
	[sflag:s14] =	ssyncadd.s32 $0xFFFFE000  }
0x5b: {  	[tilespmem:s28], [sflag:$0x2] =	stream.indirect.gather [hbm4b:s8+s16], $0x80, s15, s16, $0xb8;
	[tilespmem:$0x1CD80] =	vst v63  }
0x5c: {  	_ =	swait.ge [sflag:s14], $0x2000  }
0x5d: {  	s21 =	sshll.u32 s21, $0xA;
	[sflag:s14] =	ssyncset.done $0x0  }
0x5e: {  	s29 =	simm.s32 $0x4100;
	s21 =	sadd.s32 s9, s21;
	[sflag:s14] =	ssyncadd.s32 $0xFFFFE000  }
0x5f: {  	[tilespmem:s29], [sflag:$0x2] =	stream.linear.gather [hbm4b:s21+s24], $0x2000, $0x38;
	[tilespmem:$0x1CD80] =	vst v63  }
0x60: {  	_ =	swait.ge [sflag:s14], $0x2000  }
0x61: {  	[sflag:s14] =	ssyncset.done $0x0  }
0x62: {  	s30 =	simm.s32 $0x120;
	[sflag:s14] =	ssyncadd.s32 $0xFFFFE000  }
0x63: {  	v2 =	vld [tilespmem:s30+$0x0]  }
0x64: {  	v3 =	vld [tilespmem:s28+$0x0];
	_ =	sdelay $0x1  }
0x65: {  	v4 =	vld [tilespmem:s29+$0x0];
	_ =	sdelay $0x2  }
0x66: {  	v2 =	vadd.f32 v3, v2;
	_ =	sdelay $0x1  }
0x67: {  	v2 =	vadd.f32 v4, v2;
	_ =	sdelay $0x1  }
0x68: {  	v3 =	vmul.f32 $2.000000030e-01, v2;
	_ =	sdelay $0x1  }
0x69: {  	v2 =	vmax.f32 v2, v3  }
0x6a: {  	v2 =	vmul.f32 $1.442695020e+00, v2;
	_ =	sdelay $0x1  }
0x6b: {  	(erf) = vpow2.f32 v2;
	_ =	sdelay $0x4  }
0x6c: {  	s31 =	simm.s32 $0x0  }
0x6d: {  	v2 =	vor.u32 s31, v1;
	_ =	sdelay $0x2  }
0x6e: {  	s21 =	simm.s32 $0x6120;
	v3 =	vpop (erf)  }
0x6f: {  	[tilespmem:s21+$0x0] =	vst v3  }
0x70: {  	v2 =	vld.idx.msk [tilespmem:v2+s18+$0x0], $0xffff  }
0x71: {  	v3 =	vld [tilespmem:s30+$0xFFFFFFE0];
	_ =	sdelay $0x4  }
0x72: {  	v3 =	vmul.f32 v3, v2;
	_ =	sdelay $0x1  }
0x73: {  	[tilespmem:s21+$0xFFFFFFE0] =	vst v3  }
0x74: {  	v3 =	vld [tilespmem:s30+$0xFFFFFFF0];
	_ =	sdelay $0x4  }
0x75: {  	v2 =	vmul.f32 v3, v2;
	_ =	sdelay $0x1  }
0x76: {  	s22 =	simm.s32 $0x1A0;
	[tilespmem:s21+$0xFFFFFFF0] =	vst v2  }
0x77: {  	s24 =	simm.s32 $0x2180;
	v2 =	vld [tilespmem:s22+$0x0]  }
0x78: {  	s26 =	simm.s32 $0x2;
	s25 =	simm.s32 $0x4180;
	s23 =	simm.s32 $0x1;
	v3 =	vld [tilespmem:s24+$0x0]  }
.LBB2_10:
0x79: {  	p0 =	sne.s32 s26, $0x3F;
	v4 =	vld [tilespmem:s25+$0x0];
	_ =	sdelay $0x3  }
0x7a: {  	v2 =	vadd.f32 v3, v2;
	_ =	sdelay $0x1  }
0x7b: {  	v2 =	vadd.f32 v4, v2;
	_ =	sdelay $0x1  }
0x7c: {  	v3 =	vmul.f32 $2.000000030e-01, v2;
	_ =	sdelay $0x1  }
0x7d: {  	v2 =	vmax.f32 v2, v3  }
0x7e: {  	v2 =	vmul.f32 $1.442695020e+00, v2;
	_ =	sdelay $0x1  }
0x7f: {  	(erf) = vpow2.f32 v2;
	_ =	sdelay $0x4  }
0x80: {  	s28 =	sshll.u32 s23, $0x7;
	s23 =	smov.u32 s26  }
0x81: {  	v2 =	vor.u32 s28, v1;
	_ =	sdelay $0x2  }
0x82: {  	s21 =	sadd.s32 $0x80, s21;
	v3 =	vpop (erf)  }
0x83: {  	[tilespmem:s21+$0x0] =	vst v3  }
0x84: {  	v2 =	vld.idx.msk [tilespmem:v2+s18+$0x0], $0xffff  }
0x85: {  	v3 =	vld [tilespmem:s22+$0xFFFFFFE0];
	_ =	sdelay $0x4  }
0x86: {  	v3 =	vmul.f32 v3, v2;
	_ =	sdelay $0x1  }
0x87: {  	[tilespmem:s21+$0xFFFFFFE0] =	vst v3  }
0x88: {  	v3 =	vld [tilespmem:s22+$0xFFFFFFF0];
	_ =	sdelay $0x4  }
.Ltmp6:
0x89: {  	v2 =	vmul.f32 v3, v2;
	(pc) =	sbr.rel @p0 .LBB2_10-.Ltmp6, $4  }
0x8a: {  	_ = 	snop  }
0x8b: {  	s22 =	sadd.s32 $0x80, s22;
	[tilespmem:s21+$0xFFFFFFF0] =	vst v2  }
0x8c: {  	s24 =	sadd.s32 $0x80, s24;
	v2 =	vld [tilespmem:s22+$0x0]  }
0x8d: {  	s26 =	sadd.s32 $0x1, s26;
	s25 =	sadd.s32 $0x80, s25;
	v3 =	vld [tilespmem:s24+$0x0]  }
0x8e: {  	_ = 	snop  }
0x8f: {  	v4 =	vld [tilespmem:s25+$0x0];
	_ =	sdelay $0x2  }
0x90: {  	v2 =	vadd.f32 v3, v2;
	_ =	sdelay $0x1  }
0x91: {  	v2 =	vadd.f32 v4, v2;
	_ =	sdelay $0x1  }
0x92: {  	v3 =	vmul.f32 $2.000000030e-01, v2;
	_ =	sdelay $0x1  }
0x93: {  	v2 =	vmax.f32 v2, v3  }
0x94: {  	v2 =	vmul.f32 $1.442695020e+00, v2;
	_ =	sdelay $0x1  }
0x95: {  	(erf) = vpow2.f32 v2;
	_ =	sdelay $0x4  }
0x96: {  	s23 =	sshll.u32 s23, $0x7  }
0x97: {  	v2 =	vor.u32 s23, v1;
	_ =	sdelay $0x2  }
0x98: {  	s21 =	sadd.s32 $0x80, s21;
	v3 =	vpop (erf)  }
0x99: {  	[tilespmem:s21+$0x0] =	vst v3  }
0x9a: {  	v2 =	vld.idx.msk [tilespmem:v2+s18+$0x0], $0xffff  }
0x9b: {  	v3 =	vld [tilespmem:s22+$0xFFFFFFE0];
	_ =	sdelay $0x4  }
0x9c: {  	v3 =	vmul.f32 v3, v2;
	_ =	sdelay $0x1  }
0x9d: {  	[tilespmem:s21+$0xFFFFFFE0] =	vst v3  }
0x9e: {  	v3 =	vld [tilespmem:s22+$0xFFFFFFF0];
	_ =	sdelay $0x4  }
0x9f: {  	v2 =	vmul.f32 v3, v2;
	_ =	sdelay $0x1  }
.Ltmp7:
0xa0: {  	[tilespmem:s21+$0xFFFFFFF0] =	vst v2;
	(pc) =	sbr.rel .LBB2_12-.Ltmp7, $4  }
0xa1: {  	[spmem:s2] =	stream.indirect.scatter.add.f32 [tilespmem:s18], [sflag:$0x1], $0x80, s15, s16, $0xb8;
	[tilespmem:$0x1CD80] =	vst v63  }
0xa2: {  	_ =	swait.ge [sflag:s19], $0x2000  }
0xa3: {  	[sflag:s19] =	ssyncset.done $0x0  }
0xa4: {  	[sflag:s19] =	ssyncadd.s32 $0xFFFFE000  }
.LBB2_13:
0xa5: {  	s20 =	sadd.s32 $0x0, s4  }
0xa6: {  	p0 =	sgt.u32 s20, $0xF9  }
0xa7: {  	[bflag:$0x0] =	sbarrier.arrive $0xFFFF;
	s20 =	sshll.u32 @!p0 s4, $0x6  }
0xa8: {  	s21 =	sshrl.u32 @!p0 s12, $0x3;
	s23 =	simm.s32 @!p0 $0x1;
	s20 =	sor.u32 @!p0 $0x1C01, s20  }
0xa9: {  	[hbm:s13], [sflag:s20] =	dma.local @!p0 [spmem:s21], $0x280  }
0xaa: {  	s22 =	simm.s32 $0x20;
	s24 =	sadd.s32 $0x10, s4;
	_ =	swait.ge @!p0 [sflag:s23], $0x280  }
0xab: {  	s20 =	sadd.s32 $0x14000, s12;
	s21 =	sadd.s32 $0x2800, s13;
	[sflag:s23] =	ssyncset.done @!p0 $0x0  }
.LBB2_14:
0xac: {  	[sflag:s23] =	ssyncadd.s32 @!p0 $0xFFFFFD80  }
0xad: {  	p0 =	sgt.u32 s24, $0xF9;
	s24 =	smov.u32 s22;
	s22 =	sadd.s32 $0x10, s22  }
0xae: {  	p1 =	sne.s32 s22, $0x100  }
.Ltmp8:
0xaf: {  	s23 =	sshll.u32 @!p0 s4, $0x6;
	s25 =	sshrl.u32 @!p0 s20, $0x3;
	(pc) =	sbr.rel @p1 .LBB2_14-.Ltmp8, $4  }
0xb0: {  	s26 =	sor.u32 @!p0 $0x1C01, s23;
	s23 =	simm.s32 @!p0 $0x1  }
0xb1: {  	[hbm:s21], [sflag:s26] =	dma.local @!p0 [spmem:s25], $0x280  }
0xb2: {  	s20 =	sadd.s32 $0x14000, s20;
	_ =	swait.ge @!p0 [sflag:s23], $0x280  }
0xb3: {  	s24 =	sadd.s32 s24, s4;
	s21 =	sadd.s32 $0x2800, s21;
	[sflag:s23] =	ssyncset.done @!p0 $0x0  }
0xb4: {  	p1 =	sgt.u32 s24, $0xF9;
	[sflag:s23] =	ssyncadd.s32 @!p0 $0xFFFFFD80;
	s3 =	sadd.s32 $0x1, s3  }
0xb5: {  	s22 =	sshll.u32 @!p1 s4, $0x6;
	s20 =	sshrl.u32 @!p1 s20, $0x3;
	p0 =	sne.s32 s3, s11  }
.Ltmp9:
0xb6: {  	s23 =	simm.s32 @!p1 $0x1;
	s22 =	sor.u32 @!p1 $0x1C01, s22;
	(pc) =	sbr.rel @p0 .LBB2_1-.Ltmp9, $4  }
0xb7: {  	[hbm:s21], [sflag:s22] =	dma.local @!p1 [spmem:s20], $0x280  }
0xb8: {  	_ =	swait.ge @!p1 [sflag:s23], $0x280  }
0xb9: {  	[sflag:s23] =	ssyncset.done @!p1 $0x0  }
0xba: {  	[sflag:s23] =	ssyncadd.s32 @!p1 $0xFFFFFD80  }
0xbb: {  	_ =	sfence.sel $0x180000  }
0xbc: {  	[bflag:$0x0] =	sbarrier.arrive $0xFFFF  }
0xbd: {  	p0 =	sne.s32 s4, $0x0;
	_ =	strace $0x90000047  }
0xbe: {  	s0 =	sadd.s32 @!p0 $0x100000, s0;
	[bflag:$0x2] =	sbarrier.arrive $0xFFFF  }
0xbf: {  	[sflag:s0] =	ssyncadd.tile.s32 @!p0 $0x1;
	_ =	shalt  }
.Lfunc_end2:
_tile_overlayer_lowered:
.L_overlay_start_2:
0xc0: {  	(tag) =	ssettag $0x2  }
0xc1: {  	s0 =	rddreg [dreg:$0x0];
	s2 =	stileid.u32  }
0xc2: {  	s1 =	rddreg [dreg:$0x1];
	p0 =	sne.s32 s2, $0x0  }
0xc3: {  	s3 =	rddreg [dreg:$0x2];
	[bflag:$0x3] =	sbarrier.arrive $0xFFFF;
	s2 =	simm.s32 @!p0 $0x1C01  }
0xc4: {  	[timem:s3], [sflag:s2] =	dma.local @!p0 [hbm:s0], s1  }
0xc5: {  	s0 =	simm.s32 @!p0 $0x1  }
0xc6: {  	_ =	swait.ge @!p0 [sflag:s0], s1  }
0xc7: {  	s1 =	ssub.s32 @!p0 $0x0, s1;
	[sflag:s0] =	ssyncset.done @!p0 $0x0  }
0xc8: {  	[sflag:s0] =	ssyncadd.s32 @!p0 s1  }
0xc9: {  	[bflag:$0x3] =	sbarrier.arrive $0xFFFF  }
0xca: {  	_ =	shalt  }

// kernel: kernel.16.cloned.1.call-start
scs
__scs_entry_jumppad:
0x0: {  	(pc) =	sbr.rel $0x88, $3  }
0x1: {  	(tag) =	ssettag $0x0;
	lr =	simm.s32 $0x1  }
0x2: {  	[smem:$0x3F67] =	sst lr;
	_ =	strace $0xD0000000  }
0x3: {  	_ = 	snop  }
0x4: {  	_ = 	snop  }
0x5: {  	_ = 	snop  }
0x6: {  	_ = 	snop  }
0x7: {  	_ = 	snop  }
__scs_overlays_trampoline_lowered:
0x8: {  	[smem:$0x3F76] =	sst s0  }
0x9: {  	[smem:$0x3F77] =	sst s1  }
0xa: {  	[smem:$0x3F78] =	sst s2  }
0xb: {  	[smem:$0x3F79] =	sst s3  }
0xc: {  	[smem:$0x3F7A] =	sst s4  }
0xd: {  	[smem:$0x3F7B] =	sst s5  }
0xe: {  	[smem:$0x3F7C] =	sst s6  }
0xf: {  	[smem:$0x3F7D] =	sst s7  }
0x10: {  	[smem:$0x3F7E] =	sst s8  }
0x11: {  	[smem:$0x3F7F] =	sst s9;
	s0 =	simm.s32 @!p0 $0x0  }
0x12: {  	s1 =	sld [smem:$0x3F65];
	s0 =	simm.s32 @p0 $0x1  }
0x13: {  	[smem:$0x3F80] =	sst s0;
	s0 =	simm.s32 @!p1 $0x0  }
0x14: {  	s2 =	sld [smem:$0x3F64];
	s0 =	simm.s32 @p1 $0x1  }
0x15: {  	[smem:$0x3F81] =	sst s0;
	s0 =	simm.s32 @!p2 $0x0  }
0x16: {  	s3 =	sld [smem:$0x3FDB];
	s0 =	simm.s32 @p2 $0x1  }
0x17: {  	s4 =	simm.s32 $0x1BF5;
	[smem:$0x3F83] =	sst s0  }
0x18: {  	s0 =	sld [smem:$0x3F66];
	_ =	swait.ge [sflag:s4], $0x0  }
0x19: {  	s7 =	sld [smem:$0x3F67]  }
0x1a: {  	s8 =	sadd.s32 $0xFFFFE003, lr  }
0x1b: {  	s9 =	sadd.s32 $0xFFFFFEF7, lr;
	s5 =	simm.s32 $0xFFFFFFFF;
	p2 =	slt.u32 s8, $0xFFFFF086  }
0x1c: {  	p1 =	slt.u32 s9, $0xF7A;
	s5 =	simm.s32 @!p2 $0x0  }
0x1d: {  	s5 =	simm.s32 @p1 $0x1;
	p0 =	seq.s32 s7, s2  }
0x1e: {  	s7 =	smul.u32 @!p0 $0xF7A, s2;
	p2 =	seq.s32 @!p0 s5, $0x0  }
0x1f: {  	s9 =	smul.u32 $0xF7A, s1;
	s8 =	simm.s32 @!p0 $0x1BF5;
	p2 =	por !p2, p0  }
0x20: {  	[sflag:s8] =	ssyncset.s32 @!p0 $0xFFFFF086;
	s6 =	sadd.s32 @!p0 s3, s7;
	s7 =	simm.s32 @!p0 $0x108  }
0x21: {  	s3 =	sadd.s32 s3, s9;
	s6 =	sadd.s32 @!p0 $0x88, s6;
	s7 =	simm.s32 @p2 $0x1082  }
0x22: {  	[simem:s7], [sflag:s8] =	dma.local @!p0 [hbm:s6], $0xF7A  }
0x23: {  	s9 =	sor.u32 $0xD0000000, s2;
	s6 =	simm.s32 $0x108;
	_ =	swait.ge @!p0 [sflag:s8], $0x0  }
0x24: {  	s3 =	sadd.s32 $0x88, s3;
	s6 =	simm.s32 @!p1 $0x1082;
	[sflag:s4] =	ssyncset.s32 $0xFFFFF086  }
0x25: {  	[simem:s6], [sflag:s4] =	dma.local [hbm:s3], $0xF7A  }
0x26: {  	[smem:$0x3F67] =	sst s1;
	(tag) =	ssettag s2;
	_ =	strace s9  }
0x27: {  	s1 =	sld [smem:$0x3F77]  }
0x28: {  	s2 =	sld [smem:$0x3F78]  }
0x29: {  	s4 =	sld [smem:$0x3F7A]  }
0x2a: {  	p0 =	seq.s32 s5, $0x0;
	s5 =	sld [smem:$0x3F7B]  }
0x2b: {  	s6 =	sld [smem:$0x3F7C]  }
0x2c: {  	s7 =	sld [smem:$0x3F7D]  }
0x2d: {  	s3 =	simm.s32 $0x108;
	s8 =	sld [smem:$0x3F7E]  }
0x2e: {  	s3 =	simm.s32 @!p0 $0x1082;
	s9 =	sld [smem:$0x3F7F]  }
0x2f: {  	lr =	sadd.s32 s0, s3;
	s0 =	sld [smem:$0x3F76]  }
0x30: {  	s3 =	sld [smem:$0x3F79]  }
0x31: {  	[smem:$0x3F82] =	sst s10  }
0x32: {  	s10 =	sld [smem:$0x3F80];
	_ =	sdelay $0x3  }
0x33: {  	p0 =	seq.s32 s10, $0x1;
	s10 =	sld [smem:$0x3F82];
	_ =	sdelay $0x3  }
0x34: {  	[smem:$0x3F82] =	sst s10  }
0x35: {  	s10 =	sld [smem:$0x3F81];
	_ =	sdelay $0x3  }
0x36: {  	p1 =	seq.s32 s10, $0x1;
	s10 =	sld [smem:$0x3F82];
	_ =	sdelay $0x3  }
0x37: {  	[smem:$0x3F82] =	sst s10  }
0x38: {  	s10 =	sld [smem:$0x3F83]  }
0x39: {  	_ = 	snop;
	(pc) =	sbr.ind lr, $3  }
0x3a: {  	_ = 	snop  }
0x3b: {  	_ = 	snop  }
0x3c: {  	p2 =	seq.s32 s10, $0x1;
	s10 =	sld [smem:$0x3F82]  }
0x3d: {  	_ =	shalt  }
0x3e: {  	_ =	shalt  }
0x3f: {  	_ =	shalt  }
0x40: {  	_ =	shalt  }
0x41: {  	_ =	shalt  }
0x42: {  	_ =	shalt  }
0x43: {  	_ =	shalt  }
0x44: {  	_ =	shalt  }
0x45: {  	_ =	shalt  }
0x46: {  	_ =	shalt  }
0x47: {  	_ =	shalt  }
0x48: {  	_ =	shalt  }
0x49: {  	_ =	shalt  }
0x4a: {  	_ =	shalt  }
0x4b: {  	_ =	shalt  }
0x4c: {  	_ =	shalt  }
0x4d: {  	_ =	shalt  }
0x4e: {  	_ =	shalt  }
0x4f: {  	_ =	shalt  }
0x50: {  	_ =	shalt  }
0x51: {  	_ =	shalt  }
0x52: {  	_ =	shalt  }
0x53: {  	_ =	shalt  }
0x54: {  	_ =	shalt  }
0x55: {  	_ =	shalt  }
0x56: {  	_ =	shalt  }
0x57: {  	_ =	shalt  }
0x58: {  	_ =	shalt  }
0x59: {  	_ =	shalt  }
0x5a: {  	_ =	shalt  }
0x5b: {  	_ =	shalt  }
0x5c: {  	_ =	shalt  }
0x5d: {  	_ =	shalt  }
0x5e: {  	_ =	shalt  }
0x5f: {  	_ =	shalt  }
0x60: {  	_ =	shalt  }
0x61: {  	_ =	shalt  }
0x62: {  	_ =	shalt  }
0x63: {  	_ =	shalt  }
0x64: {  	_ =	shalt  }
0x65: {  	_ =	shalt  }
0x66: {  	_ =	shalt  }
0x67: {  	_ =	shalt  }
0x68: {  	_ =	shalt  }
0x69: {  	_ =	shalt  }
0x6a: {  	_ =	shalt  }
0x6b: {  	_ =	shalt  }
0x6c: {  	_ =	shalt  }
0x6d: {  	_ =	shalt  }
0x6e: {  	_ =	shalt  }
0x6f: {  	_ =	shalt  }
0x70: {  	_ =	shalt  }
0x71: {  	_ =	shalt  }
0x72: {  	_ =	shalt  }
0x73: {  	_ =	shalt  }
0x74: {  	_ =	shalt  }
0x75: {  	_ =	shalt  }
0x76: {  	_ =	shalt  }
0x77: {  	_ =	shalt  }
0x78: {  	_ =	shalt  }
0x79: {  	_ =	shalt  }
0x7a: {  	_ =	shalt  }
0x7b: {  	_ =	shalt  }
0x7c: {  	_ =	shalt  }
0x7d: {  	_ =	shalt  }
0x7e: {  	_ =	shalt  }
0x7f: {  	_ =	shalt  }
0x80: {  	_ =	shalt  }
0x81: {  	_ =	shalt  }
0x82: {  	_ =	shalt  }
0x83: {  	_ =	shalt  }
0x84: {  	_ =	shalt  }
0x85: {  	_ =	shalt  }
0x86: {  	_ =	shalt  }
0x87: {  	_ =	shalt  }
.Lfunc_end0:
.L_simem_size_0:
called_computation.1_lowered:
.L_overlay_start_0:
0x88: {  	s2 =	sld [smem:$0x3FD9]  }
0x89: {  	s3 =	sld [smem:$0x3FFE];
	_ =	sdelay $0x1  }
0x8a: {  	s1 =	srdreg.scid  }
0x8b: {  	s0 =	sand.u32 $0x1, s1  }
0x8c: {  	s14 =	sshll.u32 s0, $0xA;
	s2 =	sadd.s32 s3, s2  }
0x8d: {  	s2 =	sadd.s32 s2, s14  }
0x8e: {  	[smem:$0x3F8E] =	sst s2  }
0x8f: {  	_ = 	snop  }
0x90: {  	s2 =	sld [smem:$0x3FD0];
	_ =	sdelay $0x2  }
0x91: {  	s15 =	simm.s32 $0xB;
	s4 =	simm.s32 $0x10  }
0x92: {  	[smem:s4], [sflag:s15] =	dma.local [hbm:s2], $0x1  }
0x93: {  	_ =	swait.eq [sflag:s15], $0x1  }
0x94: {  	[sflag:s15] =	ssyncset.done $0x0  }
0x95: {  	s16 =	sld [smem:$0x11];
	[sflag:s15] =	ssyncadd.s32 $0xFFFFFFFF  }
0x96: {  	s17 =	sld [smem:$0x12];
	(tm) =	ssettm $0x1  }
0x97: {  	s18 =	sld [smem:$0x3FFB];
	_ =	sdelay $0x3  }
0x98: {  	_ =	strace s18  }
0x99: {  	s4 =	sld [smem:$0x3FFC];
	_ =	sdelay $0x3  }
0x9a: {  	_ =	strace s4  }
0x9b: {  	s4 =	sld [smem:$0x3FFD];
	_ =	sdelay $0x3  }
0x9c: {  	_ =	strace s4  }
0x9d: {  	_ =	strace $0x8FFFFFFF  }
0x9e: {  	s19 =	sld [smem:$0x3FDB];
	_ =	sdelay $0x1  }
0x9f: {  	s5 =	simm.s32 $_scs_section_size  }
0xa0: {  	s6 =	simm.s32 $_size__tile_overlayer_lowered;
	s7 =	simm.s32 $_tile_overlayer_lowered  }
0xa1: {  	s22 =	simm.s32 $0x1BFF;
	s21 =	sshll.u32 s7, $0x1;
	s4 =	sadd.s32 s5, s19  }
0xa2: {  	s8 =	simm.s32 $0x0;
	s20 =	sshll.u32 s6, $0x1;
	s6 =	sadd.s32 s21, s4  }
0xa3: {  	[timem:s8], [sflag:s22] =	dma.local [hbm:s6], s20  }
0xa4: {  	_ =	swait.ge [sflag:s22], s20  }
0xa5: {  	s5 =	ssub.s32 $0x0, s20;
	[sflag:s22] =	ssyncset.done $0x0  }
0xa6: {  	[sflag:s22] =	ssyncadd.s32 s5;
	_ =	sdelay $0x1  }
0xa7: {  	s23 =	simm.s32 $0x1B8B  }
0xa8: {  	_ =	swait.ge [sflag:s23], $0x1  }
0xa9: {  	[sflag:s23] =	ssyncset.done $0x0  }
0xaa: {  	s25 =	simm.s32 $0x1B8E;
	s24 =	sld [smem:$0x3FFE];
	[sflag:s23] =	ssyncadd.s32 $0xFFFFFFFF  }
0xab: {  	s26 =	simm.s32 $execute0_lowered;
	[smem:$0x3FD2] =	sst s25  }
0xac: {  	s6 =	sshll.u32 s26, $0x1;
	_ =	strace $0x80000049;
	[dreg:$0x1] =	wrdreg $0xFFFFFFFF  }
0xad: {  	s28 =	simm.s32 $_size_execute0_lowered;
	s4 =	sadd.s32 s4, s6;
	[dreg:$0x0] =	wrdreg $0x0  }
0xae: {  	s6 =	sshll.u32 s28, $0x1;
	[dreg:$0x2] =	wrdreg s4  }
0xaf: {  	[dreg:$0x3] =	wrdreg s6  }
0xb0: {  	[dreg:$0x4] =	wrdreg $0xC0  }
0xb1: {  	_ =	task [dreg:s8], $0x5FFFF  }
0xb2: {  	[dreg:$0x1] =	wrdreg $0xFFFFFFFF  }
0xb3: {  	[dreg:$0x0] =	wrdreg $0x60  }
0xb4: {  	[dreg:$0x2] =	wrdreg s24  }
0xb5: {  	[dreg:$0x3] =	wrdreg s16  }
0xb6: {  	[dreg:$0x4] =	wrdreg s17  }
0xb7: {  	[dreg:$0x5] =	wrdreg $0x95000  }
0xb8: {  	[dreg:$0x6] =	wrdreg $0x9  }
0xb9: {  	_ =	task.clear_ibuf [dreg:s8], $0x7FFFF;
	_ =	strace $0x90000049  }
0xba: {  	s29 =	simm.s32 $0x9;
	_ =	strace $0x8000004B  }
0xbb: {  	_ =	swait.ge [sflag:s29], $0x1  }
0xbc: {  	[sflag:s29] =	ssyncadd.s32 $0xFFFFFFFF  }
0xbd: {  	_ =	strace $0x9000004B  }
0xbe: {  	_ =	sfence  }
0xbf: {  	s30 =	sld [smem:$0x0];
	_ =	sdelay $0x2  }
0xc0: {  	s31 =	sshll.u32 s1, $0xD;
	s1 =	sshrl.u32 s1, $0x2  }
0xc1: {  	s3 =	sand.u32 $0x4000, s31;
	s1 =	sadd.s32 s1, s30  }
0xc2: {  	s0 =	sor.u32 s3, s0;
	s1 =	sshll.u32 s1, $0x11  }
0xc3: {  	s0 =	sor.u32 s1, s0  }
0xc4: {  	s0 =	sadd.s32 $0x8F2B, s0  }
0xc5: {  	[sflag:s0] =	ssyncadd.remote.s32 $0x1  }
0xc6: {  	_ =	sfence.sel $0xFFFF  }
0xc7: {  	[dreg:$0x0] =	wrdreg $0xFFFFFFFF;
	(pc) =	sbr.abs _section_cstart, $3  }
0xc8: {  	[dreg:$0x1] =	wrdreg $0xFFFFFFFF  }
0xc9: {  	_ =	task.clear_ibuf [dreg:s8], $0x2FFFF;
	_ =	strace $0x9FFFFFFF  }
0xca: {  	(tm) =	ssettm $0x7FFFFFFF  }
0xcb: {  	_ =	shalt  }
tec
execute0_lowered:
.L_overlay_start_1:
0x0: {  	(tag) =	ssettag $0x1  }
0x1: {  	s9 =	rddreg [dreg:$0x0]  }
0x2: {  	s1 =	rddreg [dreg:$0x1]  }
0x3: {  	s13 =	rddreg [dreg:$0x2]  }
0x4: {  	s2 =	rddreg [dreg:$0x3]  }
0x5: {  	s0 =	rddreg [dreg:$0x4];
	s3 =	simm.s32 $0x0;
	s4 =	srdreg.scid  }
0x6: {  	s16 =	simm.s32 $0x40;
	s17 =	simm.s32 $0x100;
	s18 =	simm.s32 $0x6100  }
0x7: {  	s19 =	simm.s32 $0x1;
	[smem:$0x7FF] =	sst s3;
	s5 =	sand.u32 $0x1, s4  }
0x8: {  	s6 =	sadd.s32 $0x1132A00, s9;
	s4 =	stileid.u32;
	s10 =	smul.u32 $0x138800, s5  }
0x9: {  	s7 =	sadd.s32 $0x1128C00, s9;
	s11 =	ssub.s32 $0x2, s5;
	s12 =	smul.u32 $0x1400, s4  }
0xa: {  	s8 =	sadd.s32 $0x113C800, s9;
	s15 =	smul.u32 $0x5000, s4;
	s14 =	sshrl.u32 s11, $0x1  }
0xb: {  	s9 =	sadd.s32 $0x1B27C00, s9;
	_ =	strace $0x8000004A;
	s11 =	ssub.s32 s11, s14  }
0xc: {  	v0 =	vlaneseq.u32;
	s12 =	sadd.s32 s12, s10;
	s10 =	sshll.u32 s4, $0x1;
	s30 =	sshrl.u32 s15, $0x2  }
0xd: {  	v1 =	vand.u32 $0x3, v0;
	s14 =	simm.s32 $0x2;
	s15 =	simm.s32 $0x80;
	s31 =	sshrl.u32 s12, $0x3  }
0xe: {  	v0 =	vimm.f32 $0.0e+00;
	v1 =	vor.u32 $0x24, v1;
	s11 =	smax.u32 s11, $0x1;
	s12 =	sadd.s32 s30, s2;
	s13 =	sadd.s32 s31, s13  }
.LBB2_1:
0xf: {  	s20 =	simm.s32 $0x0;
	s21 =	simm.s32 $0x200  }
.LBB2_2:
0x10: {  	p0 =	sne.s32 s21, $0x4E00;
	[tilespmem:s20+$0x8170] =	vst v0  }
0x11: {  	[tilespmem:s20+$0x8100] =	vst v0  }
0x12: {  	[tilespmem:s20+$0x8110] =	vst v0  }
.Ltmp0:
0x13: {  	[tilespmem:s20+$0x8120] =	vst v0;
	(pc) =	sbr.rel @p0 .LBB2_2-.Ltmp0, $4  }
0x14: {  	[tilespmem:s20+$0x8130] =	vst v0  }
0x15: {  	[tilespmem:s20+$0x8140] =	vst v0  }
0x16: {  	[tilespmem:s20+$0x8150] =	vst v0  }
0x17: {  	[tilespmem:s20+$0x8160] =	vst v0;
	s20 =	sshra.s32 s21, $0x2;
	s21 =	sadd.s32 $0x200, s21  }
0x18: {  	[tilespmem:s20+$0x8170] =	vst v0  }
0x19: {  	[tilespmem:s20+$0x8100] =	vst v0  }
0x1a: {  	[tilespmem:s20+$0x8110] =	vst v0  }
0x1b: {  	[tilespmem:s20+$0x8120] =	vst v0  }
0x1c: {  	[tilespmem:s20+$0x8130] =	vst v0  }
0x1d: {  	[tilespmem:s20+$0x8140] =	vst v0  }
0x1e: {  	[tilespmem:s20+$0x8150] =	vst v0  }
0x1f: {  	[tilespmem:s20+$0x8160] =	vst v0;
	s20 =	simm.s32 $0x0;
	s21 =	simm.s32 $0x200  }
.LBB2_4:
0x20: {  	p0 =	sne.s32 s21, $0x7E00;
	[tilespmem:s20+$0x6170] =	vst v0  }
0x21: {  	[tilespmem:s20+$0x6100] =	vst v0  }
0x22: {  	[tilespmem:s20+$0x6110] =	vst v0  }
.Ltmp1:
0x23: {  	[tilespmem:s20+$0x6120] =	vst v0;
	(pc) =	sbr.rel @p0 .LBB2_4-.Ltmp1, $4  }
0x24: {  	[tilespmem:s20+$0x6130] =	vst v0  }
0x25: {  	[tilespmem:s20+$0x6140] =	vst v0  }
0x26: {  	[tilespmem:s20+$0x6150] =	vst v0  }
0x27: {  	[tilespmem:s20+$0x6160] =	vst v0;
	s20 =	sshra.s32 s21, $0x2;
	s21 =	sadd.s32 $0x200, s21  }
0x28: {  	[tilespmem:s20+$0x6170] =	vst v0  }
0x29: {  	[tilespmem:s20+$0x6100] =	vst v0  }
0x2a: {  	[tilespmem:s20+$0x6110] =	vst v0  }
0x2b: {  	[tilespmem:s20+$0x6120] =	vst v0  }
0x2c: {  	[tilespmem:s20+$0x6130] =	vst v0  }
0x2d: {  	[tilespmem:s20+$0x6140] =	vst v0;
	s21 =	sadd.s32 $0x0, s4  }
0x2e: {  	[tilespmem:s20+$0x6150] =	vst v0;
	p0 =	sgt.u32 s21, $0xF9  }
0x2f: {  	[tilespmem:s20+$0x6160] =	vst v0;
	s20 =	simm.s32 @!p0 $0x8100;
	s23 =	simm.s32 @!p0 $0x1  }
0x30: {  	[spmem:s12] =	stream.linear.scatter @!p0 [tilespmem:s20], [sflag:$0x1], $0x1400, $0x38;
	[tilespmem:$0x1CD80] =	vst v63  }
0x31: {  	s22 =	simm.s32 $0x20;
	_ =	swait.ge @!p0 [sflag:s23], $0x1400  }
0x32: {  	s21 =	simm.s32 $0x10;
	s20 =	sadd.s32 $0x14000, s12;
	[sflag:s23] =	ssyncset.done @!p0 $0x0  }
.LBB2_6:
0x33: {  	s24 =	sadd.s32 s21, s4;
	s21 =	smov.u32 s22;
	s22 =	sadd.s32 $0x10, s22  }
0x34: {  	[sflag:s23] =	ssyncadd.s32 @!p0 $0xFFFFEC00;
	p1 =	sne.s32 s22, $0x100  }
.Ltmp2:
0x35: {  	p0 =	sgt.u32 s24, $0xF9;
	(pc) =	sbr.rel @p1 .LBB2_6-.Ltmp2, $4  }
0x36: {  	s24 =	simm.s32 @!p0 $0x8100;
	s23 =	simm.s32 @!p0 $0x1  }
0x37: {  	[spmem:s20] =	stream.linear.scatter @!p0 [tilespmem:s24], [sflag:$0x1], $0x1400, $0x38;
	[tilespmem:$0x1CD80] =	vst v63  }
0x38: {  	_ =	swait.ge @!p0 [sflag:s23], $0x1400  }
0x39: {  	s20 =	sadd.s32 $0x14000, s20;
	[sflag:s23] =	ssyncset.done @!p0 $0x0  }
0x3a: {  	s21 =	sadd.s32 s21, s4  }
0x3b: {  	p1 =	sgt.u32 s21, $0xF9  }
0x3c: {  	[sflag:s23] =	ssyncadd.s32 @!p0 $0xFFFFEC00;
	s21 =	simm.s32 @!p1 $0x8100;
	s22 =	simm.s32 @!p1 $0x1  }
0x3d: {  	[spmem:s20] =	stream.linear.scatter @!p1 [tilespmem:s21], [sflag:$0x1], $0x1400, $0x38;
	[tilespmem:$0x1CD80] =	vst v63  }
.Ltmp3:
0x3e: {  	_ =	swait.ge @!p1 [sflag:s22], $0x1400;
	(pc) =	sbr.rel .LBB2_8-.Ltmp3, $4  }
0x3f: {  	[sflag:s22] =	ssyncset.done @!p1 $0x0  }
0x40: {  	[sflag:s22] =	ssyncadd.s32 @!p1 $0xFFFFEC00  }
0x41: {  	[bflag:$0x0] =	sbarrier.arrive $0xFFFF  }
0x42: {  	s20 =	simm.s32 $0x0  }
.LBB2_12:
0x43: {  	s20 =	sadd.s32 $0x1, s20  }
0x44: {  	p0 =	sne.s32 s20, $0x9D  }
.Ltmp4:
0x45: {  	_ = 	snop;
	(pc) =	sbr.rel @!p0 .LBB2_13-.Ltmp4, $1  }
0x46: {  	_ =	sdelay $0x3  }
.LBB2_8:
0x47: {  	s21 =	sshll.u32 s20, $0x5  }
0x48: {  	s21 =	sor.u32 s10, s21  }
0x49: {  	p0 =	sgt.u32 s21, $0x1387  }
.Ltmp5:
0x4a: {  	_ = 	snop;
	(pc) =	sbr.rel @p0 .LBB2_12-.Ltmp5, $1  }
0x4b: {  	_ =	sdelay $0x3  }
0x4c: {  	s21 =	sor.u32 s5, s21  }
0x4d: {  	s22 =	sshll.u32 s21, $0x3  }
0x4e: {  	s24 =	simm.s32 $0x0;
	s23 =	sadd.s32 s6, s22  }
0x4f: {  	[tilespmem:s24], [sflag:$0x2] =	stream.linear.gather [hbm4b:s23+s24], $0x40, $0x38;
	[tilespmem:$0x1CD80] =	vst v63  }
0x50: {  	_ =	swait.ge [sflag:s14], $0x40  }
0x51: {  	[sflag:s14] =	ssyncset.done $0x0  }
0x52: {  	s22 =	sadd.s32 s7, s22;
	[sflag:s14] =	ssyncadd.s32 $0xFFFFFFC0  }
0x53: {  	[tilespmem:s15], [sflag:$0x2] =	stream.linear.gather [hbm4b:s22+s24], $0x40, $0x38;
	[tilespmem:$0x1CD80] =	vst v63  }
0x54: {  	_ =	swait.ge [sflag:s14], $0x40  }
0x55: {  	[sflag:s14] =	ssyncset.done $0x0  }
0x56: {  	[sflag:s14] =	ssyncadd.s32 $0xFFFFFFC0  }
0x57: {  	[tilespmem:s17], [sflag:$0x2] =	stream.indirect.gather [hbm4b:s1+s16], $0x80, s24, s16, $0xb8;
	[tilespmem:$0x1CD80] =	vst v63  }
0x58: {  	_ =	swait.ge [sflag:s14], $0x2000  }
0x59: {  	[sflag:s14] =	ssyncset.done $0x0  }
0x5a: {  	s28 =	simm.s32 $0x2100;
	[sflag:s14] =	ssyncadd.s32 $0xFFFFE000  }
0x5b: {  	[tilespmem:s28], [sflag:$0x2] =	stream.indirect.gather [hbm4b:s8+s16], $0x80, s15, s16, $0xb8;
	[tilespmem:$0x1CD80] =	vst v63  }
0x5c: {  	_ =	swait.ge [sflag:s14], $0x2000  }
0x5d: {  	s21 =	sshll.u32 s21, $0xA;
	[sflag:s14] =	ssyncset.done $0x0  }
0x5e: {  	s29 =	simm.s32 $0x4100;
	s21 =	sadd.s32 s9, s21;
	[sflag:s14] =	ssyncadd.s32 $0xFFFFE000  }
0x5f: {  	[tilespmem:s29], [sflag:$0x2] =	stream.linear.gather [hbm4b:s21+s24], $0x2000, $0x38;
	[tilespmem:$0x1CD80] =	vst v63  }
0x60: {  	_ =	swait.ge [sflag:s14], $0x2000  }
0x61: {  	[sflag:s14] =	ssyncset.done $0x0  }
0x62: {  	s30 =	simm.s32 $0x120;
	[sflag:s14] =	ssyncadd.s32 $0xFFFFE000  }
0x63: {  	v2 =	vld [tilespmem:s30+$0x0]  }
0x64: {  	v3 =	vld [tilespmem:s28+$0x0];
	_ =	sdelay $0x1  }
0x65: {  	v4 =	vld [tilespmem:s29+$0x0];
	_ =	sdelay $0x2  }
0x66: {  	v2 =	vadd.f32 v3, v2;
	_ =	sdelay $0x1  }
0x67: {  	v2 =	vadd.f32 v4, v2;
	_ =	sdelay $0x1  }
0x68: {  	v3 =	vmul.f32 $2.000000030e-01, v2;
	_ =	sdelay $0x1  }
0x69: {  	v2 =	vmax.f32 v2, v3  }
0x6a: {  	v2 =	vmul.f32 $1.442695020e+00, v2;
	_ =	sdelay $0x1  }
0x6b: {  	(erf) = vpow2.f32 v2;
	_ =	sdelay $0x4  }
0x6c: {  	s31 =	simm.s32 $0x0  }
0x6d: {  	v2 =	vor.u32 s31, v1;
	_ =	sdelay $0x2  }
0x6e: {  	s21 =	simm.s32 $0x6120;
	v3 =	vpop (erf)  }
0x6f: {  	[tilespmem:s21+$0x0] =	vst v3  }
0x70: {  	v2 =	vld.idx.msk [tilespmem:v2+s18+$0x0], $0xffff  }
0x71: {  	v3 =	vld [tilespmem:s30+$0xFFFFFFE0];
	_ =	sdelay $0x4  }
0x72: {  	v3 =	vmul.f32 v3, v2;
	_ =	sdelay $0x1  }
0x73: {  	[tilespmem:s21+$0xFFFFFFE0] =	vst v3  }
0x74: {  	v3 =	vld [tilespmem:s30+$0xFFFFFFF0];
	_ =	sdelay $0x4  }
0x75: {  	v2 =	vmul.f32 v3, v2;
	_ =	sdelay $0x1  }
0x76: {  	s22 =	simm.s32 $0x1A0;
	[tilespmem:s21+$0xFFFFFFF0] =	vst v2  }
0x77: {  	s24 =	simm.s32 $0x2180;
	v2 =	vld [tilespmem:s22+$0x0]  }
0x78: {  	s26 =	simm.s32 $0x2;
	s25 =	simm.s32 $0x4180;
	s23 =	simm.s32 $0x1;
	v3 =	vld [tilespmem:s24+$0x0]  }
.LBB2_10:
0x79: {  	p0 =	sne.s32 s26, $0x3F;
	v4 =	vld [tilespmem:s25+$0x0];
	_ =	sdelay $0x3  }
0x7a: {  	v2 =	vadd.f32 v3, v2;
	_ =	sdelay $0x1  }
0x7b: {  	v2 =	vadd.f32 v4, v2;
	_ =	sdelay $0x1  }
0x7c: {  	v3 =	vmul.f32 $2.000000030e-01, v2;
	_ =	sdelay $0x1  }
0x7d: {  	v2 =	vmax.f32 v2, v3  }
0x7e: {  	v2 =	vmul.f32 $1.442695020e+00, v2;
	_ =	sdelay $0x1  }
0x7f: {  	(erf) = vpow2.f32 v2;
	_ =	sdelay $0x4  }
0x80: {  	s28 =	sshll.u32 s23, $0x7;
	s23 =	smov.u32 s26  }
0x81: {  	v2 =	vor.u32 s28, v1;
	_ =	sdelay $0x2  }
0x82: {  	s21 =	sadd.s32 $0x80, s21;
	v3 =	vpop (erf)  }
0x83: {  	[tilespmem:s21+$0x0] =	vst v3  }
0x84: {  	v2 =	vld.idx.msk [tilespmem:v2+s18+$0x0], $0xffff  }
0x85: {  	v3 =	vld [tilespmem:s22+$0xFFFFFFE0];
	_ =	sdelay $0x4  }
0x86: {  	v3 =	vmul.f32 v3, v2;
	_ =	sdelay $0x1  }
0x87: {  	[tilespmem:s21+$0xFFFFFFE0] =	vst v3  }
0x88: {  	v3 =	vld [tilespmem:s22+$0xFFFFFFF0];
	_ =	sdelay $0x4  }
.Ltmp6:
0x89: {  	v2 =	vmul.f32 v3, v2;
	(pc) =	sbr.rel @p0 .LBB2_10-.Ltmp6, $4  }
0x8a: {  	_ = 	snop  }
0x8b: {  	s22 =	sadd.s32 $0x80, s22;
	[tilespmem:s21+$0xFFFFFFF0] =	vst v2  }
0x8c: {  	s24 =	sadd.s32 $0x80, s24;
	v2 =	vld [tilespmem:s22+$0x0]  }
0x8d: {  	s26 =	sadd.s32 $0x1, s26;
	s25 =	sadd.s32 $0x80, s25;
	v3 =	vld [tilespmem:s24+$0x0]  }
0x8e: {  	_ = 	snop  }
0x8f: {  	v4 =	vld [tilespmem:s25+$0x0];
	_ =	sdelay $0x2  }
0x90: {  	v2 =	vadd.f32 v3, v2;
	_ =	sdelay $0x1  }
0x91: {  	v2 =	vadd.f32 v4, v2;
	_ =	sdelay $0x1  }
0x92: {  	v3 =	vmul.f32 $2.000000030e-01, v2;
	_ =	sdelay $0x1  }
0x93: {  	v2 =	vmax.f32 v2, v3  }
0x94: {  	v2 =	vmul.f32 $1.442695020e+00, v2;
	_ =	sdelay $0x1  }
0x95: {  	(erf) = vpow2.f32 v2;
	_ =	sdelay $0x4  }
0x96: {  	s23 =	sshll.u32 s23, $0x7  }
0x97: {  	v2 =	vor.u32 s23, v1;
	_ =	sdelay $0x2  }
0x98: {  	s21 =	sadd.s32 $0x80, s21;
	v3 =	vpop (erf)  }
0x99: {  	[tilespmem:s21+$0x0] =	vst v3  }
0x9a: {  	v2 =	vld.idx.msk [tilespmem:v2+s18+$0x0], $0xffff  }
0x9b: {  	v3 =	vld [tilespmem:s22+$0xFFFFFFE0];
	_ =	sdelay $0x4  }
0x9c: {  	v3 =	vmul.f32 v3, v2;
	_ =	sdelay $0x1  }
0x9d: {  	[tilespmem:s21+$0xFFFFFFE0] =	vst v3  }
0x9e: {  	v3 =	vld [tilespmem:s22+$0xFFFFFFF0];
	_ =	sdelay $0x4  }
0x9f: {  	v2 =	vmul.f32 v3, v2;
	_ =	sdelay $0x1  }
.Ltmp7:
0xa0: {  	[tilespmem:s21+$0xFFFFFFF0] =	vst v2;
	(pc) =	sbr.rel .LBB2_12-.Ltmp7, $4  }
0xa1: {  	[spmem:s2] =	stream.indirect.scatter.add.f32 [tilespmem:s18], [sflag:$0x1], $0x80, s15, s16, $0xb8;
	[tilespmem:$0x1CD80] =	vst v63  }
0xa2: {  	_ =	swait.ge [sflag:s19], $0x2000  }
0xa3: {  	[sflag:s19] =	ssyncset.done $0x0  }
0xa4: {  	[sflag:s19] =	ssyncadd.s32 $0xFFFFE000  }
.LBB2_13:
0xa5: {  	s20 =	sadd.s32 $0x0, s4  }
0xa6: {  	p0 =	sgt.u32 s20, $0xF9  }
0xa7: {  	[bflag:$0x0] =	sbarrier.arrive $0xFFFF;
	s20 =	sshll.u32 @!p0 s4, $0x6  }
0xa8: {  	s21 =	sshrl.u32 @!p0 s12, $0x3;
	s23 =	simm.s32 @!p0 $0x1;
	s20 =	sor.u32 @!p0 $0x1C01, s20  }
0xa9: {  	[hbm:s13], [sflag:s20] =	dma.local @!p0 [spmem:s21], $0x280  }
0xaa: {  	s22 =	simm.s32 $0x20;
	s24 =	sadd.s32 $0x10, s4;
	_ =	swait.ge @!p0 [sflag:s23], $0x280  }
0xab: {  	s20 =	sadd.s32 $0x14000, s12;
	s21 =	sadd.s32 $0x2800, s13;
	[sflag:s23] =	ssyncset.done @!p0 $0x0  }
.LBB2_14:
0xac: {  	[sflag:s23] =	ssyncadd.s32 @!p0 $0xFFFFFD80  }
0xad: {  	p0 =	sgt.u32 s24, $0xF9;
	s24 =	smov.u32 s22;
	s22 =	sadd.s32 $0x10, s22  }
0xae: {  	p1 =	sne.s32 s22, $0x100  }
.Ltmp8:
0xaf: {  	s23 =	sshll.u32 @!p0 s4, $0x6;
	s25 =	sshrl.u32 @!p0 s20, $0x3;
	(pc) =	sbr.rel @p1 .LBB2_14-.Ltmp8, $4  }
0xb0: {  	s26 =	sor.u32 @!p0 $0x1C01, s23;
	s23 =	simm.s32 @!p0 $0x1  }
0xb1: {  	[hbm:s21], [sflag:s26] =	dma.local @!p0 [spmem:s25], $0x280  }
0xb2: {  	s20 =	sadd.s32 $0x14000, s20;
	_ =	swait.ge @!p0 [sflag:s23], $0x280  }
0xb3: {  	s24 =	sadd.s32 s24, s4;
	s21 =	sadd.s32 $0x2800, s21;
	[sflag:s23] =	ssyncset.done @!p0 $0x0  }
0xb4: {  	p1 =	sgt.u32 s24, $0xF9;
	[sflag:s23] =	ssyncadd.s32 @!p0 $0xFFFFFD80;
	s3 =	sadd.s32 $0x1, s3  }
0xb5: {  	s22 =	sshll.u32 @!p1 s4, $0x6;
	s20 =	sshrl.u32 @!p1 s20, $0x3;
	p0 =	sne.s32 s3, s11  }
.Ltmp9:
0xb6: {  	s23 =	simm.s32 @!p1 $0x1;
	s22 =	sor.u32 @!p1 $0x1C01, s22;
	(pc) =	sbr.rel @p0 .LBB2_1-.Ltmp9, $4  }
0xb7: {  	[hbm:s21], [sflag:s22] =	dma.local @!p1 [spmem:s20], $0x280  }
0xb8: {  	_ =	swait.ge @!p1 [sflag:s23], $0x280  }
0xb9: {  	[sflag:s23] =	ssyncset.done @!p1 $0x0  }
0xba: {  	[sflag:s23] =	ssyncadd.s32 @!p1 $0xFFFFFD80  }
0xbb: {  	_ =	sfence.sel $0x180000  }
0xbc: {  	[bflag:$0x0] =	sbarrier.arrive $0xFFFF  }
0xbd: {  	p0 =	sne.s32 s4, $0x0;
	_ =	strace $0x9000004A  }
0xbe: {  	s0 =	sadd.s32 @!p0 $0x100000, s0;
	[bflag:$0x2] =	sbarrier.arrive $0xFFFF  }
0xbf: {  	[sflag:s0] =	ssyncadd.tile.s32 @!p0 $0x1;
	_ =	shalt  }
.Lfunc_end2:
_tile_overlayer_lowered:
.L_overlay_start_2:
0xc0: {  	(tag) =	ssettag $0x2  }
0xc1: {  	s0 =	rddreg [dreg:$0x0];
	s2 =	stileid.u32  }
0xc2: {  	s1 =	rddreg [dreg:$0x1];
	p0 =	sne.s32 s2, $0x0  }
0xc3: {  	s3 =	rddreg [dreg:$0x2];
	[bflag:$0x3] =	sbarrier.arrive $0xFFFF;
	s2 =	simm.s32 @!p0 $0x1C01  }
0xc4: {  	[timem:s3], [sflag:s2] =	dma.local @!p0 [hbm:s0], s1  }
0xc5: {  	s0 =	simm.s32 @!p0 $0x1  }
0xc6: {  	_ =	swait.ge @!p0 [sflag:s0], s1  }
0xc7: {  	s1 =	ssub.s32 @!p0 $0x0, s1;
	[sflag:s0] =	ssyncset.done @!p0 $0x0  }
0xc8: {  	[sflag:s0] =	ssyncadd.s32 @!p0 s1  }
0xc9: {  	[bflag:$0x3] =	sbarrier.arrive $0xFFFF  }
0xca: {  	_ =	shalt  }

// kernel: kernel.19.cloned.1.call-start
scs
__scs_entry_jumppad:
0x0: {  	(pc) =	sbr.rel $0x88, $3  }
0x1: {  	(tag) =	ssettag $0x0;
	lr =	simm.s32 $0x1  }
0x2: {  	[smem:$0x3F67] =	sst lr;
	_ =	strace $0xD0000000  }
0x3: {  	_ = 	snop  }
0x4: {  	_ = 	snop  }
0x5: {  	_ = 	snop  }
0x6: {  	_ = 	snop  }
0x7: {  	_ = 	snop  }
__scs_overlays_trampoline_lowered:
0x8: {  	[smem:$0x3F76] =	sst s0  }
0x9: {  	[smem:$0x3F77] =	sst s1  }
0xa: {  	[smem:$0x3F78] =	sst s2  }
0xb: {  	[smem:$0x3F79] =	sst s3  }
0xc: {  	[smem:$0x3F7A] =	sst s4  }
0xd: {  	[smem:$0x3F7B] =	sst s5  }
0xe: {  	[smem:$0x3F7C] =	sst s6  }
0xf: {  	[smem:$0x3F7D] =	sst s7  }
0x10: {  	[smem:$0x3F7E] =	sst s8  }
0x11: {  	[smem:$0x3F7F] =	sst s9;
	s0 =	simm.s32 @!p0 $0x0  }
0x12: {  	s1 =	sld [smem:$0x3F65];
	s0 =	simm.s32 @p0 $0x1  }
0x13: {  	[smem:$0x3F80] =	sst s0;
	s0 =	simm.s32 @!p1 $0x0  }
0x14: {  	s2 =	sld [smem:$0x3F64];
	s0 =	simm.s32 @p1 $0x1  }
0x15: {  	[smem:$0x3F81] =	sst s0;
	s0 =	simm.s32 @!p2 $0x0  }
0x16: {  	s3 =	sld [smem:$0x3FDB];
	s0 =	simm.s32 @p2 $0x1  }
0x17: {  	s4 =	simm.s32 $0x1BF5;
	[smem:$0x3F83] =	sst s0  }
0x18: {  	s0 =	sld [smem:$0x3F66];
	_ =	swait.ge [sflag:s4], $0x0  }
0x19: {  	s7 =	sld [smem:$0x3F67]  }
0x1a: {  	s8 =	sadd.s32 $0xFFFFE003, lr  }
0x1b: {  	s9 =	sadd.s32 $0xFFFFFEF7, lr;
	s5 =	simm.s32 $0xFFFFFFFF;
	p2 =	slt.u32 s8, $0xFFFFF086  }
0x1c: {  	p1 =	slt.u32 s9, $0xF7A;
	s5 =	simm.s32 @!p2 $0x0  }
0x1d: {  	s5 =	simm.s32 @p1 $0x1;
	p0 =	seq.s32 s7, s2  }
0x1e: {  	s7 =	smul.u32 @!p0 $0xF7A, s2;
	p2 =	seq.s32 @!p0 s5, $0x0  }
0x1f: {  	s9 =	smul.u32 $0xF7A, s1;
	s8 =	simm.s32 @!p0 $0x1BF5;
	p2 =	por !p2, p0  }
0x20: {  	[sflag:s8] =	ssyncset.s32 @!p0 $0xFFFFF086;
	s6 =	sadd.s32 @!p0 s3, s7;
	s7 =	simm.s32 @!p0 $0x108  }
0x21: {  	s3 =	sadd.s32 s3, s9;
	s6 =	sadd.s32 @!p0 $0x88, s6;
	s7 =	simm.s32 @p2 $0x1082  }
0x22: {  	[simem:s7], [sflag:s8] =	dma.local @!p0 [hbm:s6], $0xF7A  }
0x23: {  	s9 =	sor.u32 $0xD0000000, s2;
	s6 =	simm.s32 $0x108;
	_ =	swait.ge @!p0 [sflag:s8], $0x0  }
0x24: {  	s3 =	sadd.s32 $0x88, s3;
	s6 =	simm.s32 @!p1 $0x1082;
	[sflag:s4] =	ssyncset.s32 $0xFFFFF086  }
0x25: {  	[simem:s6], [sflag:s4] =	dma.local [hbm:s3], $0xF7A  }
0x26: {  	[smem:$0x3F67] =	sst s1;
	(tag) =	ssettag s2;
	_ =	strace s9  }
0x27: {  	s1 =	sld [smem:$0x3F77]  }
0x28: {  	s2 =	sld [smem:$0x3F78]  }
0x29: {  	s4 =	sld [smem:$0x3F7A]  }
0x2a: {  	p0 =	seq.s32 s5, $0x0;
	s5 =	sld [smem:$0x3F7B]  }
0x2b: {  	s6 =	sld [smem:$0x3F7C]  }
0x2c: {  	s7 =	sld [smem:$0x3F7D]  }
0x2d: {  	s3 =	simm.s32 $0x108;
	s8 =	sld [smem:$0x3F7E]  }
0x2e: {  	s3 =	simm.s32 @!p0 $0x1082;
	s9 =	sld [smem:$0x3F7F]  }
0x2f: {  	lr =	sadd.s32 s0, s3;
	s0 =	sld [smem:$0x3F76]  }
0x30: {  	s3 =	sld [smem:$0x3F79]  }
0x31: {  	[smem:$0x3F82] =	sst s10  }
0x32: {  	s10 =	sld [smem:$0x3F80];
	_ =	sdelay $0x3  }
0x33: {  	p0 =	seq.s32 s10, $0x1;
	s10 =	sld [smem:$0x3F82];
	_ =	sdelay $0x3  }
0x34: {  	[smem:$0x3F82] =	sst s10  }
0x35: {  	s10 =	sld [smem:$0x3F81];
	_ =	sdelay $0x3  }
0x36: {  	p1 =	seq.s32 s10, $0x1;
	s10 =	sld [smem:$0x3F82];
	_ =	sdelay $0x3  }
0x37: {  	[smem:$0x3F82] =	sst s10  }
0x38: {  	s10 =	sld [smem:$0x3F83]  }
0x39: {  	_ = 	snop;
	(pc) =	sbr.ind lr, $3  }
0x3a: {  	_ = 	snop  }
0x3b: {  	_ = 	snop  }
0x3c: {  	p2 =	seq.s32 s10, $0x1;
	s10 =	sld [smem:$0x3F82]  }
0x3d: {  	_ =	shalt  }
0x3e: {  	_ =	shalt  }
0x3f: {  	_ =	shalt  }
0x40: {  	_ =	shalt  }
0x41: {  	_ =	shalt  }
0x42: {  	_ =	shalt  }
0x43: {  	_ =	shalt  }
0x44: {  	_ =	shalt  }
0x45: {  	_ =	shalt  }
0x46: {  	_ =	shalt  }
0x47: {  	_ =	shalt  }
0x48: {  	_ =	shalt  }
0x49: {  	_ =	shalt  }
0x4a: {  	_ =	shalt  }
0x4b: {  	_ =	shalt  }
0x4c: {  	_ =	shalt  }
0x4d: {  	_ =	shalt  }
0x4e: {  	_ =	shalt  }
0x4f: {  	_ =	shalt  }
0x50: {  	_ =	shalt  }
0x51: {  	_ =	shalt  }
0x52: {  	_ =	shalt  }
0x53: {  	_ =	shalt  }
0x54: {  	_ =	shalt  }
0x55: {  	_ =	shalt  }
0x56: {  	_ =	shalt  }
0x57: {  	_ =	shalt  }
0x58: {  	_ =	shalt  }
0x59: {  	_ =	shalt  }
0x5a: {  	_ =	shalt  }
0x5b: {  	_ =	shalt  }
0x5c: {  	_ =	shalt  }
0x5d: {  	_ =	shalt  }
0x5e: {  	_ =	shalt  }
0x5f: {  	_ =	shalt  }
0x60: {  	_ =	shalt  }
0x61: {  	_ =	shalt  }
0x62: {  	_ =	shalt  }
0x63: {  	_ =	shalt  }
0x64: {  	_ =	shalt  }
0x65: {  	_ =	shalt  }
0x66: {  	_ =	shalt  }
0x67: {  	_ =	shalt  }
0x68: {  	_ =	shalt  }
0x69: {  	_ =	shalt  }
0x6a: {  	_ =	shalt  }
0x6b: {  	_ =	shalt  }
0x6c: {  	_ =	shalt  }
0x6d: {  	_ =	shalt  }
0x6e: {  	_ =	shalt  }
0x6f: {  	_ =	shalt  }
0x70: {  	_ =	shalt  }
0x71: {  	_ =	shalt  }
0x72: {  	_ =	shalt  }
0x73: {  	_ =	shalt  }
0x74: {  	_ =	shalt  }
0x75: {  	_ =	shalt  }
0x76: {  	_ =	shalt  }
0x77: {  	_ =	shalt  }
0x78: {  	_ =	shalt  }
0x79: {  	_ =	shalt  }
0x7a: {  	_ =	shalt  }
0x7b: {  	_ =	shalt  }
0x7c: {  	_ =	shalt  }
0x7d: {  	_ =	shalt  }
0x7e: {  	_ =	shalt  }
0x7f: {  	_ =	shalt  }
0x80: {  	_ =	shalt  }
0x81: {  	_ =	shalt  }
0x82: {  	_ =	shalt  }
0x83: {  	_ =	shalt  }
0x84: {  	_ =	shalt  }
0x85: {  	_ =	shalt  }
0x86: {  	_ =	shalt  }
0x87: {  	_ =	shalt  }
.Lfunc_end0:
.L_simem_size_0:
called_computation.2_lowered:
.L_overlay_start_0:
0x88: {  	s2 =	sld [smem:$0x3FD9]  }
0x89: {  	s3 =	sld [smem:$0x3FFE];
	_ =	sdelay $0x1  }
0x8a: {  	s1 =	srdreg.scid  }
0x8b: {  	s0 =	sand.u32 $0x1, s1  }
0x8c: {  	s14 =	sshll.u32 s0, $0xA;
	s2 =	sadd.s32 s3, s2  }
0x8d: {  	s2 =	sadd.s32 s2, s14  }
0x8e: {  	[smem:$0x3F8E] =	sst s2  }
0x8f: {  	_ = 	snop  }
0x90: {  	s2 =	sld [smem:$0x3FD0];
	_ =	sdelay $0x2  }
0x91: {  	s15 =	simm.s32 $0xB;
	s4 =	simm.s32 $0x10  }
0x92: {  	[smem:s4], [sflag:s15] =	dma.local [hbm:s2], $0x1  }
0x93: {  	_ =	swait.eq [sflag:s15], $0x1  }
0x94: {  	[sflag:s15] =	ssyncset.done $0x0  }
0x95: {  	s16 =	sld [smem:$0x11];
	[sflag:s15] =	ssyncadd.s32 $0xFFFFFFFF  }
0x96: {  	s17 =	sld [smem:$0x12];
	(tm) =	ssettm $0x1  }
0x97: {  	s18 =	sld [smem:$0x3FFB];
	_ =	sdelay $0x3  }
0x98: {  	_ =	strace s18  }
0x99: {  	s4 =	sld [smem:$0x3FFC];
	_ =	sdelay $0x3  }
0x9a: {  	_ =	strace s4  }
0x9b: {  	s4 =	sld [smem:$0x3FFD];
	_ =	sdelay $0x3  }
0x9c: {  	_ =	strace s4  }
0x9d: {  	_ =	strace $0x8FFFFFFF  }
0x9e: {  	s19 =	sld [smem:$0x3FDB];
	_ =	sdelay $0x1  }
0x9f: {  	s5 =	simm.s32 $_scs_section_size  }
0xa0: {  	s6 =	simm.s32 $_size__tile_overlayer_lowered;
	s7 =	simm.s32 $_tile_overlayer_lowered  }
0xa1: {  	s22 =	simm.s32 $0x1BFF;
	s21 =	sshll.u32 s7, $0x1;
	s4 =	sadd.s32 s5, s19  }
0xa2: {  	s8 =	simm.s32 $0x0;
	s20 =	sshll.u32 s6, $0x1;
	s6 =	sadd.s32 s21, s4  }
0xa3: {  	[timem:s8], [sflag:s22] =	dma.local [hbm:s6], s20  }
0xa4: {  	_ =	swait.ge [sflag:s22], s20  }
0xa5: {  	s5 =	ssub.s32 $0x0, s20;
	[sflag:s22] =	ssyncset.done $0x0  }
0xa6: {  	[sflag:s22] =	ssyncadd.s32 s5;
	_ =	sdelay $0x1  }
0xa7: {  	s23 =	simm.s32 $0x1B8B  }
0xa8: {  	_ =	swait.ge [sflag:s23], $0x1  }
0xa9: {  	[sflag:s23] =	ssyncset.done $0x0  }
0xaa: {  	s25 =	simm.s32 $0x1B8E;
	s24 =	sld [smem:$0x3FFE];
	[sflag:s23] =	ssyncadd.s32 $0xFFFFFFFF  }
0xab: {  	s26 =	simm.s32 $execute0_lowered;
	[smem:$0x3FD2] =	sst s25  }
0xac: {  	s6 =	sshll.u32 s26, $0x1;
	_ =	strace $0x8000004C;
	[dreg:$0x1] =	wrdreg $0xFFFFFFFF  }
0xad: {  	s28 =	simm.s32 $_size_execute0_lowered;
	s4 =	sadd.s32 s4, s6;
	[dreg:$0x0] =	wrdreg $0x0  }
0xae: {  	s6 =	sshll.u32 s28, $0x1;
	[dreg:$0x2] =	wrdreg s4  }
0xaf: {  	[dreg:$0x3] =	wrdreg s6  }
0xb0: {  	[dreg:$0x4] =	wrdreg $0xC0  }
0xb1: {  	_ =	task [dreg:s8], $0x5FFFF  }
0xb2: {  	[dreg:$0x1] =	wrdreg $0xFFFFFFFF  }
0xb3: {  	[dreg:$0x0] =	wrdreg $0x60  }
0xb4: {  	[dreg:$0x2] =	wrdreg s24  }
0xb5: {  	[dreg:$0x3] =	wrdreg s16  }
0xb6: {  	[dreg:$0x4] =	wrdreg s17  }
0xb7: {  	[dreg:$0x5] =	wrdreg $0x95000  }
0xb8: {  	[dreg:$0x6] =	wrdreg $0x9  }
0xb9: {  	_ =	task.clear_ibuf [dreg:s8], $0x7FFFF;
	_ =	strace $0x9000004C  }
0xba: {  	s29 =	simm.s32 $0x9;
	_ =	strace $0x8000004E  }
0xbb: {  	_ =	swait.ge [sflag:s29], $0x1  }
0xbc: {  	[sflag:s29] =	ssyncadd.s32 $0xFFFFFFFF  }
0xbd: {  	_ =	strace $0x9000004E  }
0xbe: {  	_ =	sfence  }
0xbf: {  	s30 =	sld [smem:$0x0];
	_ =	sdelay $0x2  }
0xc0: {  	s31 =	sshll.u32 s1, $0xD;
	s1 =	sshrl.u32 s1, $0x2  }
0xc1: {  	s3 =	sand.u32 $0x4000, s31;
	s1 =	sadd.s32 s1, s30  }
0xc2: {  	s0 =	sor.u32 s3, s0;
	s1 =	sshll.u32 s1, $0x11  }
0xc3: {  	s0 =	sor.u32 s1, s0  }
0xc4: {  	s0 =	sadd.s32 $0x8F2B, s0  }
0xc5: {  	[sflag:s0] =	ssyncadd.remote.s32 $0x1  }
0xc6: {  	_ =	sfence.sel $0xFFFF  }
0xc7: {  	[dreg:$0x0] =	wrdreg $0xFFFFFFFF;
	(pc) =	sbr.abs _section_cstart, $3  }
0xc8: {  	[dreg:$0x1] =	wrdreg $0xFFFFFFFF  }
0xc9: {  	_ =	task.clear_ibuf [dreg:s8], $0x2FFFF;
	_ =	strace $0x9FFFFFFF  }
0xca: {  	(tm) =	ssettm $0x7FFFFFFF  }
0xcb: {  	_ =	shalt  }
tec
execute0_lowered:
.L_overlay_start_1:
0x0: {  	(tag) =	ssettag $0x1  }
0x1: {  	s9 =	rddreg [dreg:$0x0]  }
0x2: {  	s1 =	rddreg [dreg:$0x1]  }
0x3: {  	s13 =	rddreg [dreg:$0x2]  }
0x4: {  	s2 =	rddreg [dreg:$0x3]  }
0x5: {  	s0 =	rddreg [dreg:$0x4];
	s3 =	simm.s32 $0x0;
	s4 =	srdreg.scid  }
0x6: {  	s16 =	simm.s32 $0x40;
	s17 =	simm.s32 $0x100;
	s18 =	simm.s32 $0x6100  }
0x7: {  	s19 =	simm.s32 $0x1;
	[smem:$0x7FF] =	sst s3;
	s5 =	sand.u32 $0x1, s4  }
0x8: {  	s6 =	sadd.s32 $0x1132A00, s9;
	s4 =	stileid.u32;
	s10 =	smul.u32 $0x138800, s5  }
0x9: {  	s7 =	sadd.s32 $0x1128C00, s9;
	s11 =	ssub.s32 $0x2, s5;
	s12 =	smul.u32 $0x1400, s4  }
0xa: {  	s8 =	sadd.s32 $0x113C800, s9;
	s15 =	smul.u32 $0x5000, s4;
	s14 =	sshrl.u32 s11, $0x1  }
0xb: {  	s9 =	sadd.s32 $0x1B27C00, s9;
	_ =	strace $0x8000004D;
	s11 =	ssub.s32 s11, s14  }
0xc: {  	v0 =	vlaneseq.u32;
	s12 =	sadd.s32 s12, s10;
	s10 =	sshll.u32 s4, $0x1;
	s30 =	sshrl.u32 s15, $0x2  }
0xd: {  	v1 =	vand.u32 $0x3, v0;
	s14 =	simm.s32 $0x2;
	s15 =	simm.s32 $0x80;
	s31 =	sshrl.u32 s12, $0x3  }
0xe: {  	v0 =	vimm.f32 $0.0e+00;
	v1 =	vor.u32 $0x28, v1;
	s11 =	smax.u32 s11, $0x1;
	s12 =	sadd.s32 s30, s2;
	s13 =	sadd.s32 s31, s13  }
.LBB2_1:
0xf: {  	s20 =	simm.s32 $0x0;
	s21 =	simm.s32 $0x200  }
.LBB2_2:
0x10: {  	p0 =	sne.s32 s21, $0x4E00;
	[tilespmem:s20+$0x8170] =	vst v0  }
0x11: {  	[tilespmem:s20+$0x8100] =	vst v0  }
0x12: {  	[tilespmem:s20+$0x8110] =	vst v0  }
.Ltmp0:
0x13: {  	[tilespmem:s20+$0x8120] =	vst v0;
	(pc) =	sbr.rel @p0 .LBB2_2-.Ltmp0, $4  }
0x14: {  	[tilespmem:s20+$0x8130] =	vst v0  }
0x15: {  	[tilespmem:s20+$0x8140] =	vst v0  }
0x16: {  	[tilespmem:s20+$0x8150] =	vst v0  }
0x17: {  	[tilespmem:s20+$0x8160] =	vst v0;
	s20 =	sshra.s32 s21, $0x2;
	s21 =	sadd.s32 $0x200, s21  }
0x18: {  	[tilespmem:s20+$0x8170] =	vst v0  }
0x19: {  	[tilespmem:s20+$0x8100] =	vst v0  }
0x1a: {  	[tilespmem:s20+$0x8110] =	vst v0  }
0x1b: {  	[tilespmem:s20+$0x8120] =	vst v0  }
0x1c: {  	[tilespmem:s20+$0x8130] =	vst v0  }
0x1d: {  	[tilespmem:s20+$0x8140] =	vst v0  }
0x1e: {  	[tilespmem:s20+$0x8150] =	vst v0  }
0x1f: {  	[tilespmem:s20+$0x8160] =	vst v0;
	s20 =	simm.s32 $0x0;
	s21 =	simm.s32 $0x200  }
.LBB2_4:
0x20: {  	p0 =	sne.s32 s21, $0x7E00;
	[tilespmem:s20+$0x6170] =	vst v0  }
0x21: {  	[tilespmem:s20+$0x6100] =	vst v0  }
0x22: {  	[tilespmem:s20+$0x6110] =	vst v0  }
.Ltmp1:
0x23: {  	[tilespmem:s20+$0x6120] =	vst v0;
	(pc) =	sbr.rel @p0 .LBB2_4-.Ltmp1, $4  }
0x24: {  	[tilespmem:s20+$0x6130] =	vst v0  }
0x25: {  	[tilespmem:s20+$0x6140] =	vst v0  }
0x26: {  	[tilespmem:s20+$0x6150] =	vst v0  }
0x27: {  	[tilespmem:s20+$0x6160] =	vst v0;
	s20 =	sshra.s32 s21, $0x2;
	s21 =	sadd.s32 $0x200, s21  }
0x28: {  	[tilespmem:s20+$0x6170] =	vst v0  }
0x29: {  	[tilespmem:s20+$0x6100] =	vst v0  }
0x2a: {  	[tilespmem:s20+$0x6110] =	vst v0  }
0x2b: {  	[tilespmem:s20+$0x6120] =	vst v0  }
0x2c: {  	[tilespmem:s20+$0x6130] =	vst v0  }
0x2d: {  	[tilespmem:s20+$0x6140] =	vst v0;
	s21 =	sadd.s32 $0x0, s4  }
0x2e: {  	[tilespmem:s20+$0x6150] =	vst v0;
	p0 =	sgt.u32 s21, $0xF9  }
0x2f: {  	[tilespmem:s20+$0x6160] =	vst v0;
	s20 =	simm.s32 @!p0 $0x8100;
	s23 =	simm.s32 @!p0 $0x1  }
0x30: {  	[spmem:s12] =	stream.linear.scatter @!p0 [tilespmem:s20], [sflag:$0x1], $0x1400, $0x38;
	[tilespmem:$0x1CD80] =	vst v63  }
0x31: {  	s22 =	simm.s32 $0x20;
	_ =	swait.ge @!p0 [sflag:s23], $0x1400  }
0x32: {  	s21 =	simm.s32 $0x10;
	s20 =	sadd.s32 $0x14000, s12;
	[sflag:s23] =	ssyncset.done @!p0 $0x0  }
.LBB2_6:
0x33: {  	s24 =	sadd.s32 s21, s4;
	s21 =	smov.u32 s22;
	s22 =	sadd.s32 $0x10, s22  }
0x34: {  	[sflag:s23] =	ssyncadd.s32 @!p0 $0xFFFFEC00;
	p1 =	sne.s32 s22, $0x100  }
.Ltmp2:
0x35: {  	p0 =	sgt.u32 s24, $0xF9;
	(pc) =	sbr.rel @p1 .LBB2_6-.Ltmp2, $4  }
0x36: {  	s24 =	simm.s32 @!p0 $0x8100;
	s23 =	simm.s32 @!p0 $0x1  }
0x37: {  	[spmem:s20] =	stream.linear.scatter @!p0 [tilespmem:s24], [sflag:$0x1], $0x1400, $0x38;
	[tilespmem:$0x1CD80] =	vst v63  }
0x38: {  	_ =	swait.ge @!p0 [sflag:s23], $0x1400  }
0x39: {  	s20 =	sadd.s32 $0x14000, s20;
	[sflag:s23] =	ssyncset.done @!p0 $0x0  }
0x3a: {  	s21 =	sadd.s32 s21, s4  }
0x3b: {  	p1 =	sgt.u32 s21, $0xF9  }
0x3c: {  	[sflag:s23] =	ssyncadd.s32 @!p0 $0xFFFFEC00;
	s21 =	simm.s32 @!p1 $0x8100;
	s22 =	simm.s32 @!p1 $0x1  }
0x3d: {  	[spmem:s20] =	stream.linear.scatter @!p1 [tilespmem:s21], [sflag:$0x1], $0x1400, $0x38;
	[tilespmem:$0x1CD80] =	vst v63  }
.Ltmp3:
0x3e: {  	_ =	swait.ge @!p1 [sflag:s22], $0x1400;
	(pc) =	sbr.rel .LBB2_8-.Ltmp3, $4  }
0x3f: {  	[sflag:s22] =	ssyncset.done @!p1 $0x0  }
0x40: {  	[sflag:s22] =	ssyncadd.s32 @!p1 $0xFFFFEC00  }
0x41: {  	[bflag:$0x0] =	sbarrier.arrive $0xFFFF  }
0x42: {  	s20 =	simm.s32 $0x0  }
.LBB2_12:
0x43: {  	s20 =	sadd.s32 $0x1, s20  }
0x44: {  	p0 =	sne.s32 s20, $0x9D  }
.Ltmp4:
0x45: {  	_ = 	snop;
	(pc) =	sbr.rel @!p0 .LBB2_13-.Ltmp4, $1  }
0x46: {  	_ =	sdelay $0x3  }
.LBB2_8:
0x47: {  	s21 =	sshll.u32 s20, $0x5  }
0x48: {  	s21 =	sor.u32 s10, s21  }
0x49: {  	p0 =	sgt.u32 s21, $0x1387  }
.Ltmp5:
0x4a: {  	_ = 	snop;
	(pc) =	sbr.rel @p0 .LBB2_12-.Ltmp5, $1  }
0x4b: {  	_ =	sdelay $0x3  }
0x4c: {  	s21 =	sor.u32 s5, s21  }
0x4d: {  	s22 =	sshll.u32 s21, $0x3  }
0x4e: {  	s24 =	simm.s32 $0x0;
	s23 =	sadd.s32 s6, s22  }
0x4f: {  	[tilespmem:s24], [sflag:$0x2] =	stream.linear.gather [hbm4b:s23+s24], $0x40, $0x38;
	[tilespmem:$0x1CD80] =	vst v63  }
0x50: {  	_ =	swait.ge [sflag:s14], $0x40  }
0x51: {  	[sflag:s14] =	ssyncset.done $0x0  }
0x52: {  	s22 =	sadd.s32 s7, s22;
	[sflag:s14] =	ssyncadd.s32 $0xFFFFFFC0  }
0x53: {  	[tilespmem:s15], [sflag:$0x2] =	stream.linear.gather [hbm4b:s22+s24], $0x40, $0x38;
	[tilespmem:$0x1CD80] =	vst v63  }
0x54: {  	_ =	swait.ge [sflag:s14], $0x40  }
0x55: {  	[sflag:s14] =	ssyncset.done $0x0  }
0x56: {  	[sflag:s14] =	ssyncadd.s32 $0xFFFFFFC0  }
0x57: {  	[tilespmem:s17], [sflag:$0x2] =	stream.indirect.gather [hbm4b:s1+s16], $0x80, s24, s16, $0xb8;
	[tilespmem:$0x1CD80] =	vst v63  }
0x58: {  	_ =	swait.ge [sflag:s14], $0x2000  }
0x59: {  	[sflag:s14] =	ssyncset.done $0x0  }
0x5a: {  	s28 =	simm.s32 $0x2100;
	[sflag:s14] =	ssyncadd.s32 $0xFFFFE000  }
0x5b: {  	[tilespmem:s28], [sflag:$0x2] =	stream.indirect.gather [hbm4b:s8+s16], $0x80, s15, s16, $0xb8;
	[tilespmem:$0x1CD80] =	vst v63  }
0x5c: {  	_ =	swait.ge [sflag:s14], $0x2000  }
0x5d: {  	s21 =	sshll.u32 s21, $0xA;
	[sflag:s14] =	ssyncset.done $0x0  }
0x5e: {  	s29 =	simm.s32 $0x4100;
	s21 =	sadd.s32 s9, s21;
	[sflag:s14] =	ssyncadd.s32 $0xFFFFE000  }
0x5f: {  	[tilespmem:s29], [sflag:$0x2] =	stream.linear.gather [hbm4b:s21+s24], $0x2000, $0x38;
	[tilespmem:$0x1CD80] =	vst v63  }
0x60: {  	_ =	swait.ge [sflag:s14], $0x2000  }
0x61: {  	[sflag:s14] =	ssyncset.done $0x0  }
0x62: {  	s30 =	simm.s32 $0x120;
	[sflag:s14] =	ssyncadd.s32 $0xFFFFE000  }
0x63: {  	v2 =	vld [tilespmem:s30+$0x0]  }
0x64: {  	v3 =	vld [tilespmem:s28+$0x0];
	_ =	sdelay $0x1  }
0x65: {  	v4 =	vld [tilespmem:s29+$0x0];
	_ =	sdelay $0x2  }
0x66: {  	v2 =	vadd.f32 v3, v2;
	_ =	sdelay $0x1  }
0x67: {  	v2 =	vadd.f32 v4, v2;
	_ =	sdelay $0x1  }
0x68: {  	v3 =	vmul.f32 $2.000000030e-01, v2;
	_ =	sdelay $0x1  }
0x69: {  	v2 =	vmax.f32 v2, v3  }
0x6a: {  	v2 =	vmul.f32 $1.442695020e+00, v2;
	_ =	sdelay $0x1  }
0x6b: {  	(erf) = vpow2.f32 v2;
	_ =	sdelay $0x4  }
0x6c: {  	s31 =	simm.s32 $0x0  }
0x6d: {  	v2 =	vor.u32 s31, v1;
	_ =	sdelay $0x2  }
0x6e: {  	s21 =	simm.s32 $0x6120;
	v3 =	vpop (erf)  }
0x6f: {  	[tilespmem:s21+$0x0] =	vst v3  }
0x70: {  	v2 =	vld.idx.msk [tilespmem:v2+s18+$0x0], $0xffff  }
0x71: {  	v3 =	vld [tilespmem:s30+$0xFFFFFFE0];
	_ =	sdelay $0x4  }
0x72: {  	v3 =	vmul.f32 v3, v2;
	_ =	sdelay $0x1  }
0x73: {  	[tilespmem:s21+$0xFFFFFFE0] =	vst v3  }
0x74: {  	v3 =	vld [tilespmem:s30+$0xFFFFFFF0];
	_ =	sdelay $0x4  }
0x75: {  	v2 =	vmul.f32 v3, v2;
	_ =	sdelay $0x1  }
0x76: {  	s22 =	simm.s32 $0x1A0;
	[tilespmem:s21+$0xFFFFFFF0] =	vst v2  }
0x77: {  	s24 =	simm.s32 $0x2180;
	v2 =	vld [tilespmem:s22+$0x0]  }
0x78: {  	s26 =	simm.s32 $0x2;
	s25 =	simm.s32 $0x4180;
	s23 =	simm.s32 $0x1;
	v3 =	vld [tilespmem:s24+$0x0]  }
.LBB2_10:
0x79: {  	p0 =	sne.s32 s26, $0x3F;
	v4 =	vld [tilespmem:s25+$0x0];
	_ =	sdelay $0x3  }
0x7a: {  	v2 =	vadd.f32 v3, v2;
	_ =	sdelay $0x1  }
0x7b: {  	v2 =	vadd.f32 v4, v2;
	_ =	sdelay $0x1  }
0x7c: {  	v3 =	vmul.f32 $2.000000030e-01, v2;
	_ =	sdelay $0x1  }
0x7d: {  	v2 =	vmax.f32 v2, v3  }
0x7e: {  	v2 =	vmul.f32 $1.442695020e+00, v2;
	_ =	sdelay $0x1  }
0x7f: {  	(erf) = vpow2.f32 v2;
	_ =	sdelay $0x4  }
0x80: {  	s28 =	sshll.u32 s23, $0x7;
	s23 =	smov.u32 s26  }
0x81: {  	v2 =	vor.u32 s28, v1;
	_ =	sdelay $0x2  }
0x82: {  	s21 =	sadd.s32 $0x80, s21;
	v3 =	vpop (erf)  }
0x83: {  	[tilespmem:s21+$0x0] =	vst v3  }
0x84: {  	v2 =	vld.idx.msk [tilespmem:v2+s18+$0x0], $0xffff  }
0x85: {  	v3 =	vld [tilespmem:s22+$0xFFFFFFE0];
	_ =	sdelay $0x4  }
0x86: {  	v3 =	vmul.f32 v3, v2;
	_ =	sdelay $0x1  }
0x87: {  	[tilespmem:s21+$0xFFFFFFE0] =	vst v3  }
0x88: {  	v3 =	vld [tilespmem:s22+$0xFFFFFFF0];
	_ =	sdelay $0x4  }
.Ltmp6:
0x89: {  	v2 =	vmul.f32 v3, v2;
	(pc) =	sbr.rel @p0 .LBB2_10-.Ltmp6, $4  }
0x8a: {  	_ = 	snop  }
0x8b: {  	s22 =	sadd.s32 $0x80, s22;
	[tilespmem:s21+$0xFFFFFFF0] =	vst v2  }
0x8c: {  	s24 =	sadd.s32 $0x80, s24;
	v2 =	vld [tilespmem:s22+$0x0]  }
0x8d: {  	s26 =	sadd.s32 $0x1, s26;
	s25 =	sadd.s32 $0x80, s25;
	v3 =	vld [tilespmem:s24+$0x0]  }
0x8e: {  	_ = 	snop  }
0x8f: {  	v4 =	vld [tilespmem:s25+$0x0];
	_ =	sdelay $0x2  }
0x90: {  	v2 =	vadd.f32 v3, v2;
	_ =	sdelay $0x1  }
0x91: {  	v2 =	vadd.f32 v4, v2;
	_ =	sdelay $0x1  }
0x92: {  	v3 =	vmul.f32 $2.000000030e-01, v2;
	_ =	sdelay $0x1  }
0x93: {  	v2 =	vmax.f32 v2, v3  }
0x94: {  	v2 =	vmul.f32 $1.442695020e+00, v2;
	_ =	sdelay $0x1  }
0x95: {  	(erf) = vpow2.f32 v2;
	_ =	sdelay $0x4  }
0x96: {  	s23 =	sshll.u32 s23, $0x7  }
0x97: {  	v2 =	vor.u32 s23, v1;
	_ =	sdelay $0x2  }
0x98: {  	s21 =	sadd.s32 $0x80, s21;
	v3 =	vpop (erf)  }
0x99: {  	[tilespmem:s21+$0x0] =	vst v3  }
0x9a: {  	v2 =	vld.idx.msk [tilespmem:v2+s18+$0x0], $0xffff  }
0x9b: {  	v3 =	vld [tilespmem:s22+$0xFFFFFFE0];
	_ =	sdelay $0x4  }
0x9c: {  	v3 =	vmul.f32 v3, v2;
	_ =	sdelay $0x1  }
0x9d: {  	[tilespmem:s21+$0xFFFFFFE0] =	vst v3  }
0x9e: {  	v3 =	vld [tilespmem:s22+$0xFFFFFFF0];
	_ =	sdelay $0x4  }
0x9f: {  	v2 =	vmul.f32 v3, v2;
	_ =	sdelay $0x1  }
.Ltmp7:
0xa0: {  	[tilespmem:s21+$0xFFFFFFF0] =	vst v2;
	(pc) =	sbr.rel .LBB2_12-.Ltmp7, $4  }
0xa1: {  	[spmem:s2] =	stream.indirect.scatter.add.f32 [tilespmem:s18], [sflag:$0x1], $0x80, s15, s16, $0xb8;
	[tilespmem:$0x1CD80] =	vst v63  }
0xa2: {  	_ =	swait.ge [sflag:s19], $0x2000  }
0xa3: {  	[sflag:s19] =	ssyncset.done $0x0  }
0xa4: {  	[sflag:s19] =	ssyncadd.s32 $0xFFFFE000  }
.LBB2_13:
0xa5: {  	s20 =	sadd.s32 $0x0, s4  }
0xa6: {  	p0 =	sgt.u32 s20, $0xF9  }
0xa7: {  	[bflag:$0x0] =	sbarrier.arrive $0xFFFF;
	s20 =	sshll.u32 @!p0 s4, $0x6  }
0xa8: {  	s21 =	sshrl.u32 @!p0 s12, $0x3;
	s23 =	simm.s32 @!p0 $0x1;
	s20 =	sor.u32 @!p0 $0x1C01, s20  }
0xa9: {  	[hbm:s13], [sflag:s20] =	dma.local @!p0 [spmem:s21], $0x280  }
0xaa: {  	s22 =	simm.s32 $0x20;
	s24 =	sadd.s32 $0x10, s4;
	_ =	swait.ge @!p0 [sflag:s23], $0x280  }
0xab: {  	s20 =	sadd.s32 $0x14000, s12;
	s21 =	sadd.s32 $0x2800, s13;
	[sflag:s23] =	ssyncset.done @!p0 $0x0  }
.LBB2_14:
0xac: {  	[sflag:s23] =	ssyncadd.s32 @!p0 $0xFFFFFD80  }
0xad: {  	p0 =	sgt.u32 s24, $0xF9;
	s24 =	smov.u32 s22;
	s22 =	sadd.s32 $0x10, s22  }
0xae: {  	p1 =	sne.s32 s22, $0x100  }
.Ltmp8:
0xaf: {  	s23 =	sshll.u32 @!p0 s4, $0x6;
	s25 =	sshrl.u32 @!p0 s20, $0x3;
	(pc) =	sbr.rel @p1 .LBB2_14-.Ltmp8, $4  }
0xb0: {  	s26 =	sor.u32 @!p0 $0x1C01, s23;
	s23 =	simm.s32 @!p0 $0x1  }
0xb1: {  	[hbm:s21], [sflag:s26] =	dma.local @!p0 [spmem:s25], $0x280  }
0xb2: {  	s20 =	sadd.s32 $0x14000, s20;
	_ =	swait.ge @!p0 [sflag:s23], $0x280  }
0xb3: {  	s24 =	sadd.s32 s24, s4;
	s21 =	sadd.s32 $0x2800, s21;
	[sflag:s23] =	ssyncset.done @!p0 $0x0  }
0xb4: {  	p1 =	sgt.u32 s24, $0xF9;
	[sflag:s23] =	ssyncadd.s32 @!p0 $0xFFFFFD80;
	s3 =	sadd.s32 $0x1, s3  }
0xb5: {  	s22 =	sshll.u32 @!p1 s4, $0x6;
	s20 =	sshrl.u32 @!p1 s20, $0x3;
	p0 =	sne.s32 s3, s11  }
.Ltmp9:
0xb6: {  	s23 =	simm.s32 @!p1 $0x1;
	s22 =	sor.u32 @!p1 $0x1C01, s22;
	(pc) =	sbr.rel @p0 .LBB2_1-.Ltmp9, $4  }
0xb7: {  	[hbm:s21], [sflag:s22] =	dma.local @!p1 [spmem:s20], $0x280  }
0xb8: {  	_ =	swait.ge @!p1 [sflag:s23], $0x280  }
0xb9: {  	[sflag:s23] =	ssyncset.done @!p1 $0x0  }
0xba: {  	[sflag:s23] =	ssyncadd.s32 @!p1 $0xFFFFFD80  }
0xbb: {  	_ =	sfence.sel $0x180000  }
0xbc: {  	[bflag:$0x0] =	sbarrier.arrive $0xFFFF  }
0xbd: {  	p0 =	sne.s32 s4, $0x0;
	_ =	strace $0x9000004D  }
0xbe: {  	s0 =	sadd.s32 @!p0 $0x100000, s0;
	[bflag:$0x2] =	sbarrier.arrive $0xFFFF  }
0xbf: {  	[sflag:s0] =	ssyncadd.tile.s32 @!p0 $0x1;
	_ =	shalt  }
.Lfunc_end2:
_tile_overlayer_lowered:
.L_overlay_start_2:
0xc0: {  	(tag) =	ssettag $0x2  }
0xc1: {  	s0 =	rddreg [dreg:$0x0];
	s2 =	stileid.u32  }
0xc2: {  	s1 =	rddreg [dreg:$0x1];
	p0 =	sne.s32 s2, $0x0  }
0xc3: {  	s3 =	rddreg [dreg:$0x2];
	[bflag:$0x3] =	sbarrier.arrive $0xFFFF;
	s2 =	simm.s32 @!p0 $0x1C01  }
0xc4: {  	[timem:s3], [sflag:s2] =	dma.local @!p0 [hbm:s0], s1  }
0xc5: {  	s0 =	simm.s32 @!p0 $0x1  }
0xc6: {  	_ =	swait.ge @!p0 [sflag:s0], s1  }
0xc7: {  	s1 =	ssub.s32 @!p0 $0x0, s1;
	[sflag:s0] =	ssyncset.done @!p0 $0x0  }
0xc8: {  	[sflag:s0] =	ssyncadd.s32 @!p0 s1  }
0xc9: {  	[bflag:$0x3] =	sbarrier.arrive $0xFFFF  }
0xca: {  	_ =	shalt  }

// kernel: kernel.22.cloned.1.call-start
scs
__scs_entry_jumppad:
0x0: {  	(pc) =	sbr.rel $0x88, $3  }
0x1: {  	(tag) =	ssettag $0x0;
	lr =	simm.s32 $0x1  }
0x2: {  	[smem:$0x3F67] =	sst lr;
	_ =	strace $0xD0000000  }
0x3: {  	_ = 	snop  }
0x4: {  	_ = 	snop  }
0x5: {  	_ = 	snop  }
0x6: {  	_ = 	snop  }
0x7: {  	_ = 	snop  }
__scs_overlays_trampoline_lowered:
0x8: {  	[smem:$0x3F76] =	sst s0  }
0x9: {  	[smem:$0x3F77] =	sst s1  }
0xa: {  	[smem:$0x3F78] =	sst s2  }
0xb: {  	[smem:$0x3F79] =	sst s3  }
0xc: {  	[smem:$0x3F7A] =	sst s4  }
0xd: {  	[smem:$0x3F7B] =	sst s5  }
0xe: {  	[smem:$0x3F7C] =	sst s6  }
0xf: {  	[smem:$0x3F7D] =	sst s7  }
0x10: {  	[smem:$0x3F7E] =	sst s8  }
0x11: {  	[smem:$0x3F7F] =	sst s9;
	s0 =	simm.s32 @!p0 $0x0  }
0x12: {  	s1 =	sld [smem:$0x3F65];
	s0 =	simm.s32 @p0 $0x1  }
0x13: {  	[smem:$0x3F80] =	sst s0;
	s0 =	simm.s32 @!p1 $0x0  }
0x14: {  	s2 =	sld [smem:$0x3F64];
	s0 =	simm.s32 @p1 $0x1  }
0x15: {  	[smem:$0x3F81] =	sst s0;
	s0 =	simm.s32 @!p2 $0x0  }
0x16: {  	s3 =	sld [smem:$0x3FDB];
	s0 =	simm.s32 @p2 $0x1  }
0x17: {  	s4 =	simm.s32 $0x1BF5;
	[smem:$0x3F83] =	sst s0  }
0x18: {  	s0 =	sld [smem:$0x3F66];
	_ =	swait.ge [sflag:s4], $0x0  }
0x19: {  	s7 =	sld [smem:$0x3F67]  }
0x1a: {  	s8 =	sadd.s32 $0xFFFFE003, lr  }
0x1b: {  	s9 =	sadd.s32 $0xFFFFFEF7, lr;
	s5 =	simm.s32 $0xFFFFFFFF;
	p2 =	slt.u32 s8, $0xFFFFF086  }
0x1c: {  	p1 =	slt.u32 s9, $0xF7A;
	s5 =	simm.s32 @!p2 $0x0  }
0x1d: {  	s5 =	simm.s32 @p1 $0x1;
	p0 =	seq.s32 s7, s2  }
0x1e: {  	s7 =	smul.u32 @!p0 $0xF7A, s2;
	p2 =	seq.s32 @!p0 s5, $0x0  }
0x1f: {  	s9 =	smul.u32 $0xF7A, s1;
	s8 =	simm.s32 @!p0 $0x1BF5;
	p2 =	por !p2, p0  }
0x20: {  	[sflag:s8] =	ssyncset.s32 @!p0 $0xFFFFF086;
	s6 =	sadd.s32 @!p0 s3, s7;
	s7 =	simm.s32 @!p0 $0x108  }
0x21: {  	s3 =	sadd.s32 s3, s9;
	s6 =	sadd.s32 @!p0 $0x88, s6;
	s7 =	simm.s32 @p2 $0x1082  }
0x22: {  	[simem:s7], [sflag:s8] =	dma.local @!p0 [hbm:s6], $0xF7A  }
0x23: {  	s9 =	sor.u32 $0xD0000000, s2;
	s6 =	simm.s32 $0x108;
	_ =	swait.ge @!p0 [sflag:s8], $0x0  }
0x24: {  	s3 =	sadd.s32 $0x88, s3;
	s6 =	simm.s32 @!p1 $0x1082;
	[sflag:s4] =	ssyncset.s32 $0xFFFFF086  }
0x25: {  	[simem:s6], [sflag:s4] =	dma.local [hbm:s3], $0xF7A  }
0x26: {  	[smem:$0x3F67] =	sst s1;
	(tag) =	ssettag s2;
	_ =	strace s9  }
0x27: {  	s1 =	sld [smem:$0x3F77]  }
0x28: {  	s2 =	sld [smem:$0x3F78]  }
0x29: {  	s4 =	sld [smem:$0x3F7A]  }
0x2a: {  	p0 =	seq.s32 s5, $0x0;
	s5 =	sld [smem:$0x3F7B]  }
0x2b: {  	s6 =	sld [smem:$0x3F7C]  }
0x2c: {  	s7 =	sld [smem:$0x3F7D]  }
0x2d: {  	s3 =	simm.s32 $0x108;
	s8 =	sld [smem:$0x3F7E]  }
0x2e: {  	s3 =	simm.s32 @!p0 $0x1082;
	s9 =	sld [smem:$0x3F7F]  }
0x2f: {  	lr =	sadd.s32 s0, s3;
	s0 =	sld [smem:$0x3F76]  }
0x30: {  	s3 =	sld [smem:$0x3F79]  }
0x31: {  	[smem:$0x3F82] =	sst s10  }
0x32: {  	s10 =	sld [smem:$0x3F80];
	_ =	sdelay $0x3  }
0x33: {  	p0 =	seq.s32 s10, $0x1;
	s10 =	sld [smem:$0x3F82];
	_ =	sdelay $0x3  }
0x34: {  	[smem:$0x3F82] =	sst s10  }
0x35: {  	s10 =	sld [smem:$0x3F81];
	_ =	sdelay $0x3  }
0x36: {  	p1 =	seq.s32 s10, $0x1;
	s10 =	sld [smem:$0x3F82];
	_ =	sdelay $0x3  }
0x37: {  	[smem:$0x3F82] =	sst s10  }
0x38: {  	s10 =	sld [smem:$0x3F83]  }
0x39: {  	_ = 	snop;
	(pc) =	sbr.ind lr, $3  }
0x3a: {  	_ = 	snop  }
0x3b: {  	_ = 	snop  }
0x3c: {  	p2 =	seq.s32 s10, $0x1;
	s10 =	sld [smem:$0x3F82]  }
0x3d: {  	_ =	shalt  }
0x3e: {  	_ =	shalt  }
0x3f: {  	_ =	shalt  }
0x40: {  	_ =	shalt  }
0x41: {  	_ =	shalt  }
0x42: {  	_ =	shalt  }
0x43: {  	_ =	shalt  }
0x44: {  	_ =	shalt  }
0x45: {  	_ =	shalt  }
0x46: {  	_ =	shalt  }
0x47: {  	_ =	shalt  }
0x48: {  	_ =	shalt  }
0x49: {  	_ =	shalt  }
0x4a: {  	_ =	shalt  }
0x4b: {  	_ =	shalt  }
0x4c: {  	_ =	shalt  }
0x4d: {  	_ =	shalt  }
0x4e: {  	_ =	shalt  }
0x4f: {  	_ =	shalt  }
0x50: {  	_ =	shalt  }
0x51: {  	_ =	shalt  }
0x52: {  	_ =	shalt  }
0x53: {  	_ =	shalt  }
0x54: {  	_ =	shalt  }
0x55: {  	_ =	shalt  }
0x56: {  	_ =	shalt  }
0x57: {  	_ =	shalt  }
0x58: {  	_ =	shalt  }
0x59: {  	_ =	shalt  }
0x5a: {  	_ =	shalt  }
0x5b: {  	_ =	shalt  }
0x5c: {  	_ =	shalt  }
0x5d: {  	_ =	shalt  }
0x5e: {  	_ =	shalt  }
0x5f: {  	_ =	shalt  }
0x60: {  	_ =	shalt  }
0x61: {  	_ =	shalt  }
0x62: {  	_ =	shalt  }
0x63: {  	_ =	shalt  }
0x64: {  	_ =	shalt  }
0x65: {  	_ =	shalt  }
0x66: {  	_ =	shalt  }
0x67: {  	_ =	shalt  }
0x68: {  	_ =	shalt  }
0x69: {  	_ =	shalt  }
0x6a: {  	_ =	shalt  }
0x6b: {  	_ =	shalt  }
0x6c: {  	_ =	shalt  }
0x6d: {  	_ =	shalt  }
0x6e: {  	_ =	shalt  }
0x6f: {  	_ =	shalt  }
0x70: {  	_ =	shalt  }
0x71: {  	_ =	shalt  }
0x72: {  	_ =	shalt  }
0x73: {  	_ =	shalt  }
0x74: {  	_ =	shalt  }
0x75: {  	_ =	shalt  }
0x76: {  	_ =	shalt  }
0x77: {  	_ =	shalt  }
0x78: {  	_ =	shalt  }
0x79: {  	_ =	shalt  }
0x7a: {  	_ =	shalt  }
0x7b: {  	_ =	shalt  }
0x7c: {  	_ =	shalt  }
0x7d: {  	_ =	shalt  }
0x7e: {  	_ =	shalt  }
0x7f: {  	_ =	shalt  }
0x80: {  	_ =	shalt  }
0x81: {  	_ =	shalt  }
0x82: {  	_ =	shalt  }
0x83: {  	_ =	shalt  }
0x84: {  	_ =	shalt  }
0x85: {  	_ =	shalt  }
0x86: {  	_ =	shalt  }
0x87: {  	_ =	shalt  }
.Lfunc_end0:
.L_simem_size_0:
called_computation.3_lowered:
.L_overlay_start_0:
0x88: {  	s2 =	sld [smem:$0x3FD9]  }
0x89: {  	s3 =	sld [smem:$0x3FFE];
	_ =	sdelay $0x1  }
0x8a: {  	s1 =	srdreg.scid  }
0x8b: {  	s0 =	sand.u32 $0x1, s1  }
0x8c: {  	s17 =	sshll.u32 s0, $0xA;
	s2 =	sadd.s32 s3, s2  }
0x8d: {  	s2 =	sadd.s32 s2, s17  }
0x8e: {  	[smem:$0x3F8E] =	sst s2  }
0x8f: {  	_ = 	snop  }
0x90: {  	(tm) =	ssettm $0x1  }
0x91: {  	s18 =	sld [smem:$0x3FFB];
	_ =	sdelay $0x3  }
0x92: {  	_ =	strace s18  }
0x93: {  	s2 =	sld [smem:$0x3FFC];
	_ =	sdelay $0x3  }
0x94: {  	_ =	strace s2  }
0x95: {  	s2 =	sld [smem:$0x3FFD];
	_ =	sdelay $0x3  }
0x96: {  	_ =	strace s2  }
0x97: {  	_ =	strace $0x8FFFFFFF  }
0x98: {  	s19 =	sld [smem:$0x3FDB];
	_ =	sdelay $0x1  }
0x99: {  	s20 =	simm.s32 $_scs_section_size  }
0x9a: {  	s4 =	simm.s32 $_size__tile_overlayer_lowered;
	s5 =	simm.s32 $_tile_overlayer_lowered  }
0x9b: {  	s6 =	simm.s32 $0x1BFF;
	s21 =	sshll.u32 s5, $0x1;
	s3 =	sadd.s32 s20, s19  }
0x9c: {  	s22 =	simm.s32 $0x0;
	s4 =	sshll.u32 s4, $0x1;
	s5 =	sadd.s32 s21, s3  }
0x9d: {  	[timem:s22], [sflag:s6] =	dma.local [hbm:s5], s4  }
0x9e: {  	_ =	swait.ge [sflag:s6], s4  }
0x9f: {  	s4 =	ssub.s32 $0x0, s4;
	[sflag:s6] =	ssyncset.done $0x0  }
0xa0: {  	[sflag:s6] =	ssyncadd.s32 s4;
	_ =	sdelay $0x1  }
0xa1: {  	s23 =	simm.s32 $0x1B8B  }
0xa2: {  	_ =	swait.ge [sflag:s23], $0x1  }
0xa3: {  	[sflag:s23] =	ssyncset.done $0x0  }
0xa4: {  	[sflag:s23] =	ssyncadd.s32 $0xFFFFFFFF  }
0xa5: {  	s4 =	sld [smem:$0x0]  }
0xa6: {  	s5 =	sand.u32 $0xFFFFFFFE, s1  }
0xa7: {  	p0 =	sne.s32 s1, s5  }
0xa8: {  	s5 =	sshll.u32 @p0 s5, $0xE  }
0xa9: {  	s5 =	sadd.s32 @p0 $0x11B8D, s5;
	s6 =	sshll.u32 @p0 s4, $0x11  }
0xaa: {  	s5 =	sor.u32 @p0 s6, s5  }
0xab: {  	[sflag:s5] =	ssyncadd.remote.s32 @p0 $0x1;
	_ =	sdelay $0x1  }
0xac: {  	s5 =	simm.s32 @p0 $0x1B8D  }
0xad: {  	_ =	swait.eq @p0 [sflag:s5], $0x1  }
0xae: {  	[sflag:s5] =	ssyncadd.s32 @p0 $0xFFFFFFFF  }
0xaf: {  	s6 =	sshll.u32 @!p0 s1, $0xE  }
0xb0: {  	s6 =	sor.u32 @!p0 $0x4000, s6;
	s5 =	simm.s32 @!p0 $0x1B8D  }
0xb1: {  	s4 =	sshll.u32 @!p0 s4, $0x11;
	s6 =	sadd.s32 @!p0 $0x11B8D, s6;
	_ =	swait.eq @!p0 [sflag:s5], $0x1  }
0xb2: {  	s4 =	sor.u32 @!p0 s4, s6;
	[sflag:s5] =	ssyncadd.s32 @!p0 $0xFFFFFFFF  }
0xb3: {  	s25 =	simm.s32 $0x1B8E;
	s24 =	sld [smem:$0x3FFE];
	[sflag:s4] =	ssyncadd.remote.s32 @!p0 $0x1  }
0xb4: {  	s26 =	simm.s32 $execute0_lowered;
	[smem:$0x3FD2] =	sst s25  }
0xb5: {  	s5 =	sshll.u32 s26, $0x1;
	_ =	strace $0x80000052;
	[dreg:$0x1] =	wrdreg $0xFFFFFFFF  }
0xb6: {  	s28 =	simm.s32 $_size_execute0_lowered;
	s3 =	sadd.s32 s3, s5;
	[dreg:$0x0] =	wrdreg $0x0  }
0xb7: {  	s5 =	sshll.u32 s28, $0x1;
	[dreg:$0x2] =	wrdreg s3  }
0xb8: {  	[dreg:$0x3] =	wrdreg s5  }
0xb9: {  	[dreg:$0x4] =	wrdreg $0xC0  }
0xba: {  	_ =	task [dreg:s22], $0x5FFFF  }
0xbb: {  	[dreg:$0x1] =	wrdreg $0xFFFFFFFF  }
0xbc: {  	[dreg:$0x0] =	wrdreg $0x60  }
0xbd: {  	[dreg:$0x2] =	wrdreg s24  }
0xbe: {  	[dreg:$0x3] =	wrdreg $0x95000  }
0xbf: {  	[dreg:$0x4] =	wrdreg $0x9  }
0xc0: {  	_ =	task.clear_ibuf [dreg:s22], $0x5FFFF;
	_ =	strace $0x90000052  }
0xc1: {  	s29 =	simm.s32 $0x9;
	_ =	strace $0x80000054  }
0xc2: {  	_ =	swait.ge [sflag:s29], $0x1  }
0xc3: {  	[sflag:s29] =	ssyncadd.s32 $0xFFFFFFFF  }
0xc4: {  	_ =	strace $0x90000054  }
0xc5: {  	_ =	sfence  }
0xc6: {  	s30 =	sld [smem:$0x0];
	_ =	sdelay $0x2  }
0xc7: {  	s31 =	sshll.u32 s1, $0xD;
	s1 =	sshrl.u32 s1, $0x2  }
0xc8: {  	s4 =	sand.u32 $0x4000, s31;
	s1 =	sadd.s32 s1, s30  }
0xc9: {  	s0 =	sor.u32 s4, s0;
	s1 =	sshll.u32 s1, $0x11  }
0xca: {  	s0 =	sor.u32 s1, s0  }
0xcb: {  	s0 =	sadd.s32 $0x8F2B, s0  }
0xcc: {  	[sflag:s0] =	ssyncadd.remote.s32 $0x1  }
0xcd: {  	_ =	sfence.sel $0xFFFF  }
0xce: {  	[dreg:$0x0] =	wrdreg $0xFFFFFFFF;
	(pc) =	sbr.abs _section_cstart, $3  }
0xcf: {  	[dreg:$0x1] =	wrdreg $0xFFFFFFFF  }
0xd0: {  	_ =	task.clear_ibuf [dreg:s22], $0x2FFFF;
	_ =	strace $0x9FFFFFFF  }
0xd1: {  	(tm) =	ssettm $0x7FFFFFFF  }
tec
execute0_lowered:
.L_overlay_start_1:
0x0: {  	(tag) =	ssettag $0x1  }
0x1: {  	s10 =	rddreg [dreg:$0x0]  }
0x2: {  	s1 =	rddreg [dreg:$0x1]  }
0x3: {  	s0 =	rddreg [dreg:$0x2];
	s3 =	simm.s32 $0x0  }
0x4: {  	s2 =	srdreg.scid;
	s15 =	simm.s32 $0x80;
	s16 =	simm.s32 $0x40  }
0x5: {  	s17 =	simm.s32 $0x100;
	s18 =	simm.s32 $0x6100;
	s19 =	simm.s32 $0x1  }
0x6: {  	[smem:$0x7FF] =	sst s3;
	s4 =	sand.u32 $0x1, s2;
	s5 =	sadd.s32 $0x1132A00, s10  }
0x7: {  	s2 =	stileid.u32;
	s6 =	sadd.s32 $0x1128C00, s10;
	s9 =	smul.u32 $0x138800, s4  }
0x8: {  	s7 =	sadd.s32 $0x35E00, s10;
	s11 =	smul.u32 $0x1400, s2;
	s12 =	ssub.s32 $0x2, s4  }
0x9: {  	s8 =	sadd.s32 $0x113C800, s10;
	s13 =	smul.u32 $0x5000, s2;
	s29 =	sshrl.u32 s12, $0x1  }
0xa: {  	_ =	strace $0x80000053;
	s9 =	sadd.s32 s11, s9;
	s30 =	ssub.s32 s12, s29  }
0xb: {  	s31 =	sshrl.u32 s13, $0x2;
	s11 =	sshrl.u32 s9, $0x3;
	s9 =	sadd.s32 $0x1B27C00, s10  }
0xc: {  	v1 =	vlaneseq.u32;
	s12 =	sadd.s32 s31, s1;
	s14 =	sadd.s32 s11, s10;
	s10 =	sshll.u32 s2, $0x1  }
0xd: {  	v0 =	vimm.f32 $0.0e+00;
	v1 =	vor.u32 $0x4C, v1;
	s11 =	smax.u32 s30, $0x1;
	s13 =	sadd.s32 $0xAB200, s14;
	s14 =	simm.s32 $0x2  }
.LBB2_1:
0xe: {  	s20 =	simm.s32 $0x0;
	s21 =	simm.s32 $0x200  }
.LBB2_2:
0xf: {  	p0 =	sne.s32 s21, $0x4E00;
	[tilespmem:s20+$0x8170] =	vst v0  }
0x10: {  	[tilespmem:s20+$0x8100] =	vst v0  }
0x11: {  	[tilespmem:s20+$0x8110] =	vst v0  }
.Ltmp0:
0x12: {  	[tilespmem:s20+$0x8120] =	vst v0;
	(pc) =	sbr.rel @p0 .LBB2_2-.Ltmp0, $4  }
0x13: {  	[tilespmem:s20+$0x8130] =	vst v0  }
0x14: {  	[tilespmem:s20+$0x8140] =	vst v0  }
0x15: {  	[tilespmem:s20+$0x8150] =	vst v0  }
0x16: {  	[tilespmem:s20+$0x8160] =	vst v0;
	s20 =	sshra.s32 s21, $0x2;
	s21 =	sadd.s32 $0x200, s21  }
0x17: {  	[tilespmem:s20+$0x8170] =	vst v0  }
0x18: {  	[tilespmem:s20+$0x8100] =	vst v0  }
0x19: {  	[tilespmem:s20+$0x8110] =	vst v0  }
0x1a: {  	[tilespmem:s20+$0x8120] =	vst v0  }
0x1b: {  	[tilespmem:s20+$0x8130] =	vst v0  }
0x1c: {  	[tilespmem:s20+$0x8140] =	vst v0  }
0x1d: {  	[tilespmem:s20+$0x8150] =	vst v0  }
0x1e: {  	[tilespmem:s20+$0x8160] =	vst v0;
	s20 =	simm.s32 $0x0;
	s21 =	simm.s32 $0x200  }
.LBB2_4:
0x1f: {  	p0 =	sne.s32 s21, $0x7E00;
	[tilespmem:s20+$0x6170] =	vst v0  }
0x20: {  	[tilespmem:s20+$0x6100] =	vst v0  }
0x21: {  	[tilespmem:s20+$0x6110] =	vst v0  }
.Ltmp1:
0x22: {  	[tilespmem:s20+$0x6120] =	vst v0;
	(pc) =	sbr.rel @p0 .LBB2_4-.Ltmp1, $4  }
0x23: {  	[tilespmem:s20+$0x6130] =	vst v0  }
0x24: {  	[tilespmem:s20+$0x6140] =	vst v0  }
0x25: {  	[tilespmem:s20+$0x6150] =	vst v0  }
0x26: {  	[tilespmem:s20+$0x6160] =	vst v0;
	s20 =	sshra.s32 s21, $0x2;
	s21 =	sadd.s32 $0x200, s21  }
0x27: {  	[tilespmem:s20+$0x6170] =	vst v0  }
0x28: {  	[tilespmem:s20+$0x6100] =	vst v0  }
0x29: {  	[tilespmem:s20+$0x6110] =	vst v0  }
0x2a: {  	[tilespmem:s20+$0x6120] =	vst v0  }
0x2b: {  	[tilespmem:s20+$0x6130] =	vst v0  }
0x2c: {  	[tilespmem:s20+$0x6140] =	vst v0;
	s21 =	sadd.s32 $0x0, s2  }
0x2d: {  	[tilespmem:s20+$0x6150] =	vst v0;
	p0 =	sgt.u32 s21, $0xF9  }
0x2e: {  	[tilespmem:s20+$0x6160] =	vst v0;
	s20 =	simm.s32 @!p0 $0x8100;
	s23 =	simm.s32 @!p0 $0x1  }
0x2f: {  	[spmem:s12] =	stream.linear.scatter @!p0 [tilespmem:s20], [sflag:$0x1], $0x1400, $0x38;
	[tilespmem:$0x1CD80] =	vst v63  }
0x30: {  	s22 =	simm.s32 $0x20;
	_ =	swait.ge @!p0 [sflag:s23], $0x1400  }
0x31: {  	s21 =	simm.s32 $0x10;
	s20 =	sadd.s32 $0x14000, s12;
	[sflag:s23] =	ssyncset.done @!p0 $0x0  }
.LBB2_6:
0x32: {  	s24 =	sadd.s32 s21, s2;
	s21 =	smov.u32 s22;
	s22 =	sadd.s32 $0x10, s22  }
0x33: {  	[sflag:s23] =	ssyncadd.s32 @!p0 $0xFFFFEC00;
	p1 =	sne.s32 s22, $0x100  }
.Ltmp2:
0x34: {  	p0 =	sgt.u32 s24, $0xF9;
	(pc) =	sbr.rel @p1 .LBB2_6-.Ltmp2, $4  }
0x35: {  	s24 =	simm.s32 @!p0 $0x8100;
	s23 =	simm.s32 @!p0 $0x1  }
0x36: {  	[spmem:s20] =	stream.linear.scatter @!p0 [tilespmem:s24], [sflag:$0x1], $0x1400, $0x38;
	[tilespmem:$0x1CD80] =	vst v63  }
0x37: {  	_ =	swait.ge @!p0 [sflag:s23], $0x1400  }
0x38: {  	s20 =	sadd.s32 $0x14000, s20;
	[sflag:s23] =	ssyncset.done @!p0 $0x0  }
0x39: {  	s21 =	sadd.s32 s21, s2  }
0x3a: {  	p1 =	sgt.u32 s21, $0xF9  }
0x3b: {  	[sflag:s23] =	ssyncadd.s32 @!p0 $0xFFFFEC00;
	s21 =	simm.s32 @!p1 $0x8100;
	s22 =	simm.s32 @!p1 $0x1  }
0x3c: {  	[spmem:s20] =	stream.linear.scatter @!p1 [tilespmem:s21], [sflag:$0x1], $0x1400, $0x38;
	[tilespmem:$0x1CD80] =	vst v63  }
.Ltmp3:
0x3d: {  	_ =	swait.ge @!p1 [sflag:s22], $0x1400;
	(pc) =	sbr.rel .LBB2_8-.Ltmp3, $4  }
0x3e: {  	[sflag:s22] =	ssyncset.done @!p1 $0x0  }
0x3f: {  	[sflag:s22] =	ssyncadd.s32 @!p1 $0xFFFFEC00  }
0x40: {  	[bflag:$0x0] =	sbarrier.arrive $0xFFFF  }
0x41: {  	s20 =	simm.s32 $0x0  }
.LBB2_12:
0x42: {  	s20 =	sadd.s32 $0x1, s20  }
0x43: {  	p0 =	sne.s32 s20, $0x9D  }
.Ltmp4:
0x44: {  	_ = 	snop;
	(pc) =	sbr.rel @!p0 .LBB2_13-.Ltmp4, $1  }
0x45: {  	_ =	sdelay $0x3  }
.LBB2_8:
0x46: {  	s21 =	sshll.u32 s20, $0x5  }
0x47: {  	s21 =	sor.u32 s10, s21  }
0x48: {  	p0 =	sgt.u32 s21, $0x1387  }
.Ltmp5:
0x49: {  	_ = 	snop;
	(pc) =	sbr.rel @p0 .LBB2_12-.Ltmp5, $1  }
0x4a: {  	_ =	sdelay $0x3  }
0x4b: {  	s21 =	sor.u32 s4, s21  }
0x4c: {  	s22 =	sshll.u32 s21, $0x3  }
0x4d: {  	s24 =	simm.s32 $0x0;
	s23 =	sadd.s32 s5, s22  }
0x4e: {  	[tilespmem:s24], [sflag:$0x2] =	stream.linear.gather [hbm4b:s23+s24], $0x40, $0x38;
	[tilespmem:$0x1CD80] =	vst v63  }
0x4f: {  	_ =	swait.ge [sflag:s14], $0x40  }
0x50: {  	[sflag:s14] =	ssyncset.done $0x0  }
0x51: {  	s22 =	sadd.s32 s6, s22;
	[sflag:s14] =	ssyncadd.s32 $0xFFFFFFC0  }
0x52: {  	[tilespmem:s15], [sflag:$0x2] =	stream.linear.gather [hbm4b:s22+s24], $0x40, $0x38;
	[tilespmem:$0x1CD80] =	vst v63  }
0x53: {  	_ =	swait.ge [sflag:s14], $0x40  }
0x54: {  	[sflag:s14] =	ssyncset.done $0x0  }
0x55: {  	[sflag:s14] =	ssyncadd.s32 $0xFFFFFFC0  }
0x56: {  	[tilespmem:s17], [sflag:$0x2] =	stream.indirect.gather [hbm4b:s7+s16], $0x80, s24, s16, $0xb8;
	[tilespmem:$0x1CD80] =	vst v63  }
0x57: {  	_ =	swait.ge [sflag:s14], $0x2000  }
0x58: {  	[sflag:s14] =	ssyncset.done $0x0  }
0x59: {  	s28 =	simm.s32 $0x2100;
	[sflag:s14] =	ssyncadd.s32 $0xFFFFE000  }
0x5a: {  	[tilespmem:s28], [sflag:$0x2] =	stream.indirect.gather [hbm4b:s8+s16], $0x80, s15, s16, $0xb8;
	[tilespmem:$0x1CD80] =	vst v63  }
0x5b: {  	_ =	swait.ge [sflag:s14], $0x2000  }
0x5c: {  	s21 =	sshll.u32 s21, $0xA;
	[sflag:s14] =	ssyncset.done $0x0  }
0x5d: {  	s29 =	simm.s32 $0x4100;
	s21 =	sadd.s32 s9, s21;
	[sflag:s14] =	ssyncadd.s32 $0xFFFFE000  }
0x5e: {  	[tilespmem:s29], [sflag:$0x2] =	stream.linear.gather [hbm4b:s21+s24], $0x2000, $0x38;
	[tilespmem:$0x1CD80] =	vst v63  }
0x5f: {  	_ =	swait.ge [sflag:s14], $0x2000  }
0x60: {  	[sflag:s14] =	ssyncset.done $0x0  }
0x61: {  	s30 =	simm.s32 $0x120;
	[sflag:s14] =	ssyncadd.s32 $0xFFFFE000  }
0x62: {  	v2 =	vld [tilespmem:s30+$0x20]  }
0x63: {  	v3 =	vld [tilespmem:s28+$0x0];
	_ =	sdelay $0x1  }
0x64: {  	v4 =	vld [tilespmem:s29+$0x0];
	_ =	sdelay $0x2  }
0x65: {  	v2 =	vadd.f32 v3, v2;
	_ =	sdelay $0x1  }
0x66: {  	v2 =	vadd.f32 v4, v2;
	_ =	sdelay $0x1  }
0x67: {  	v3 =	vmul.f32 $2.000000030e-01, v2;
	_ =	sdelay $0x1  }
0x68: {  	v2 =	vmax.f32 v2, v3  }
0x69: {  	v2 =	vmul.f32 $1.442695020e+00, v2;
	_ =	sdelay $0x1  }
0x6a: {  	(erf) = vpow2.f32 v2;
	_ =	sdelay $0x4  }
0x6b: {  	s31 =	simm.s32 $0x0  }
0x6c: {  	v2 =	vor.u32 s31, v1;
	_ =	sdelay $0x2  }
0x6d: {  	s21 =	simm.s32 $0x6120;
	v3 =	vpop (erf)  }
0x6e: {  	[tilespmem:s21+$0x20] =	vst v3  }
0x6f: {  	v2 =	vld.idx.msk [tilespmem:v2+s18+$0x0], $0xffff  }
0x70: {  	v3 =	vld [tilespmem:s30+$0xFFFFFFE0];
	_ =	sdelay $0x4  }
0x71: {  	v3 =	vmul.f32 v3, v2;
	_ =	sdelay $0x1  }
0x72: {  	[tilespmem:s21+$0xFFFFFFE0] =	vst v3  }
0x73: {  	v3 =	vld [tilespmem:s30+$0xFFFFFFF0];
	_ =	sdelay $0x4  }
0x74: {  	v3 =	vmul.f32 v3, v2;
	_ =	sdelay $0x1  }
0x75: {  	[tilespmem:s21+$0xFFFFFFF0] =	vst v3  }
0x76: {  	v3 =	vld [tilespmem:s30+$0x0];
	_ =	sdelay $0x4  }
0x77: {  	v3 =	vmul.f32 v3, v2;
	_ =	sdelay $0x1  }
0x78: {  	[tilespmem:s21+$0x0] =	vst v3  }
0x79: {  	v3 =	vld [tilespmem:s30+$0x10];
	_ =	sdelay $0x4  }
0x7a: {  	v2 =	vmul.f32 v3, v2;
	_ =	sdelay $0x1  }
0x7b: {  	s22 =	simm.s32 $0x1A0;
	[tilespmem:s21+$0x10] =	vst v2  }
0x7c: {  	s24 =	simm.s32 $0x2180;
	v2 =	vld [tilespmem:s22+$0x20]  }
0x7d: {  	s26 =	simm.s32 $0x2;
	s25 =	simm.s32 $0x4180;
	s23 =	simm.s32 $0x1;
	v3 =	vld [tilespmem:s24+$0x0]  }
.LBB2_10:
0x7e: {  	p0 =	sne.s32 s26, $0x3F;
	v4 =	vld [tilespmem:s25+$0x0];
	_ =	sdelay $0x3  }
0x7f: {  	v2 =	vadd.f32 v3, v2;
	_ =	sdelay $0x1  }
0x80: {  	v2 =	vadd.f32 v4, v2;
	_ =	sdelay $0x1  }
0x81: {  	v3 =	vmul.f32 $2.000000030e-01, v2;
	_ =	sdelay $0x1  }
0x82: {  	v2 =	vmax.f32 v2, v3  }
0x83: {  	v2 =	vmul.f32 $1.442695020e+00, v2;
	_ =	sdelay $0x1  }
0x84: {  	(erf) = vpow2.f32 v2;
	_ =	sdelay $0x4  }
0x85: {  	s28 =	sshll.u32 s23, $0x7;
	s23 =	smov.u32 s26  }
0x86: {  	v2 =	vor.u32 s28, v1;
	_ =	sdelay $0x2  }
0x87: {  	s21 =	sadd.s32 $0x80, s21;
	v3 =	vpop (erf)  }
0x88: {  	[tilespmem:s21+$0x20] =	vst v3  }
0x89: {  	v2 =	vld.idx.msk [tilespmem:v2+s18+$0x0], $0xffff  }
0x8a: {  	v3 =	vld [tilespmem:s22+$0xFFFFFFE0];
	_ =	sdelay $0x4  }
0x8b: {  	v3 =	vmul.f32 v3, v2;
	_ =	sdelay $0x1  }
0x8c: {  	[tilespmem:s21+$0xFFFFFFE0] =	vst v3  }
0x8d: {  	v3 =	vld [tilespmem:s22+$0xFFFFFFF0];
	_ =	sdelay $0x4  }
0x8e: {  	v3 =	vmul.f32 v3, v2;
	_ =	sdelay $0x1  }
0x8f: {  	[tilespmem:s21+$0xFFFFFFF0] =	vst v3  }
0x90: {  	v3 =	vld [tilespmem:s22+$0x0];
	_ =	sdelay $0x4  }
0x91: {  	v3 =	vmul.f32 v3, v2;
	_ =	sdelay $0x1  }
0x92: {  	[tilespmem:s21+$0x0] =	vst v3  }
0x93: {  	v3 =	vld [tilespmem:s22+$0x10];
	_ =	sdelay $0x4  }
.Ltmp6:
0x94: {  	v2 =	vmul.f32 v3, v2;
	(pc) =	sbr.rel @p0 .LBB2_10-.Ltmp6, $4  }
0x95: {  	_ = 	snop  }
0x96: {  	s22 =	sadd.s32 $0x80, s22;
	[tilespmem:s21+$0x10] =	vst v2  }
0x97: {  	s24 =	sadd.s32 $0x80, s24;
	v2 =	vld [tilespmem:s22+$0x20]  }
0x98: {  	s26 =	sadd.s32 $0x1, s26;
	s25 =	sadd.s32 $0x80, s25;
	v3 =	vld [tilespmem:s24+$0x0]  }
0x99: {  	_ = 	snop  }
0x9a: {  	v4 =	vld [tilespmem:s25+$0x0];
	_ =	sdelay $0x2  }
0x9b: {  	v2 =	vadd.f32 v3, v2;
	_ =	sdelay $0x1  }
0x9c: {  	v2 =	vadd.f32 v4, v2;
	_ =	sdelay $0x1  }
0x9d: {  	v3 =	vmul.f32 $2.000000030e-01, v2;
	_ =	sdelay $0x1  }
0x9e: {  	v2 =	vmax.f32 v2, v3  }
0x9f: {  	v2 =	vmul.f32 $1.442695020e+00, v2;
	_ =	sdelay $0x1  }
0xa0: {  	(erf) = vpow2.f32 v2;
	_ =	sdelay $0x4  }
0xa1: {  	s23 =	sshll.u32 s23, $0x7  }
0xa2: {  	v2 =	vor.u32 s23, v1;
	_ =	sdelay $0x2  }
0xa3: {  	s21 =	sadd.s32 $0x80, s21;
	v3 =	vpop (erf)  }
0xa4: {  	[tilespmem:s21+$0x20] =	vst v3  }
0xa5: {  	v2 =	vld.idx.msk [tilespmem:v2+s18+$0x0], $0xffff  }
0xa6: {  	v3 =	vld [tilespmem:s22+$0xFFFFFFE0];
	_ =	sdelay $0x4  }
0xa7: {  	v3 =	vmul.f32 v3, v2;
	_ =	sdelay $0x1  }
0xa8: {  	[tilespmem:s21+$0xFFFFFFE0] =	vst v3  }
0xa9: {  	v3 =	vld [tilespmem:s22+$0xFFFFFFF0];
	_ =	sdelay $0x4  }
0xaa: {  	v3 =	vmul.f32 v3, v2;
	_ =	sdelay $0x1  }
0xab: {  	[tilespmem:s21+$0xFFFFFFF0] =	vst v3  }
0xac: {  	v3 =	vld [tilespmem:s22+$0x0];
	_ =	sdelay $0x4  }
0xad: {  	v3 =	vmul.f32 v3, v2;
	_ =	sdelay $0x1  }
0xae: {  	[tilespmem:s21+$0x0] =	vst v3  }
0xaf: {  	v3 =	vld [tilespmem:s22+$0x10];
	_ =	sdelay $0x4  }
0xb0: {  	v2 =	vmul.f32 v3, v2;
	_ =	sdelay $0x1  }
.Ltmp7:
0xb1: {  	[tilespmem:s21+$0x10] =	vst v2;
	(pc) =	sbr.rel .LBB2_12-.Ltmp7, $4  }
0xb2: {  	[spmem:s1] =	stream.indirect.scatter.add.f32 [tilespmem:s18], [sflag:$0x1], $0x80, s15, s16, $0xb8;
	[tilespmem:$0x1CD80] =	vst v63  }
0xb3: {  	_ =	swait.ge [sflag:s19], $0x2000  }
0xb4: {  	[sflag:s19] =	ssyncset.done $0x0  }
0xb5: {  	[sflag:s19] =	ssyncadd.s32 $0xFFFFE000  }
.LBB2_13:
0xb6: {  	s20 =	sadd.s32 $0x0, s2  }
0xb7: {  	p0 =	sgt.u32 s20, $0xF9  }
0xb8: {  	[bflag:$0x0] =	sbarrier.arrive $0xFFFF;
	s20 =	sshll.u32 @!p0 s2, $0x6  }
0xb9: {  	s21 =	sshrl.u32 @!p0 s12, $0x3;
	s23 =	simm.s32 @!p0 $0x1;
	s20 =	sor.u32 @!p0 $0x1C01, s20  }
0xba: {  	[hbm:s13], [sflag:s20] =	dma.local @!p0 [spmem:s21], $0x280  }
0xbb: {  	s22 =	simm.s32 $0x20;
	s24 =	sadd.s32 $0x10, s2;
	_ =	swait.ge @!p0 [sflag:s23], $0x280  }
0xbc: {  	s20 =	sadd.s32 $0x14000, s12;
	s21 =	sadd.s32 $0x2800, s13;
	[sflag:s23] =	ssyncset.done @!p0 $0x0  }
.LBB2_14:
0xbd: {  	[sflag:s23] =	ssyncadd.s32 @!p0 $0xFFFFFD80  }
0xbe: {  	p0 =	sgt.u32 s24, $0xF9;
	s24 =	smov.u32 s22;
	s22 =	sadd.s32 $0x10, s22  }
0xbf: {  	p1 =	sne.s32 s22, $0x100  }
.Ltmp8:
0xc0: {  	s23 =	sshll.u32 @!p0 s2, $0x6;
	s25 =	sshrl.u32 @!p0 s20, $0x3;
	(pc) =	sbr.rel @p1 .LBB2_14-.Ltmp8, $4  }
0xc1: {  	s26 =	sor.u32 @!p0 $0x1C01, s23;
	s23 =	simm.s32 @!p0 $0x1  }
0xc2: {  	[hbm:s21], [sflag:s26] =	dma.local @!p0 [spmem:s25], $0x280  }
0xc3: {  	s20 =	sadd.s32 $0x14000, s20;
	_ =	swait.ge @!p0 [sflag:s23], $0x280  }
0xc4: {  	s24 =	sadd.s32 s24, s2;
	s21 =	sadd.s32 $0x2800, s21;
	[sflag:s23] =	ssyncset.done @!p0 $0x0  }
0xc5: {  	p1 =	sgt.u32 s24, $0xF9;
	[sflag:s23] =	ssyncadd.s32 @!p0 $0xFFFFFD80;
	s3 =	sadd.s32 $0x1, s3  }
0xc6: {  	s22 =	sshll.u32 @!p1 s2, $0x6;
	s20 =	sshrl.u32 @!p1 s20, $0x3;
	p0 =	sne.s32 s3, s11  }
.Ltmp9:
0xc7: {  	s23 =	simm.s32 @!p1 $0x1;
	s22 =	sor.u32 @!p1 $0x1C01, s22;
	(pc) =	sbr.rel @p0 .LBB2_1-.Ltmp9, $4  }
0xc8: {  	[hbm:s21], [sflag:s22] =	dma.local @!p1 [spmem:s20], $0x280  }
0xc9: {  	_ =	swait.ge @!p1 [sflag:s23], $0x280  }
0xca: {  	[sflag:s23] =	ssyncset.done @!p1 $0x0  }
0xcb: {  	[sflag:s23] =	ssyncadd.s32 @!p1 $0xFFFFFD80  }
0xcc: {  	_ =	sfence.sel $0x180000  }
0xcd: {  	[bflag:$0x0] =	sbarrier.arrive $0xFFFF  }
0xce: {  	p0 =	sne.s32 s2, $0x0;
	_ =	strace $0x90000053  }
0xcf: {  	s0 =	sadd.s32 @!p0 $0x100000, s0;
	[bflag:$0x2] =	sbarrier.arrive $0xFFFF  }
0xd0: {  	[sflag:s0] =	ssyncadd.tile.s32 @!p0 $0x1;
	_ =	shalt  }
.Lfunc_end2:
_tile_overlayer_lowered:
.L_overlay_start_2:
0xd1: {  	(tag) =	ssettag $0x2  }
0xd2: {  	s0 =	rddreg [dreg:$0x0];
	s2 =	stileid.u32  }
0xd3: {  	s1 =	rddreg [dreg:$0x1];
	p0 =	sne.s32 s2, $0x0  }
0xd4: {  	s3 =	rddreg [dreg:$0x2];
	[bflag:$0x3] =	sbarrier.arrive $0xFFFF;
	s2 =	simm.s32 @!p0 $0x1C01  }
0xd5: {  	[timem:s3], [sflag:s2] =	dma.local @!p0 [hbm:s0], s1  }
0xd6: {  	s0 =	simm.s32 @!p0 $0x1  }
0xd7: {  	_ =	swait.ge @!p0 [sflag:s0], s1  }
0xd8: {  	s1 =	ssub.s32 @!p0 $0x0, s1;
	[sflag:s0] =	ssyncset.done @!p0 $0x0  }
0xd9: {  	[sflag:s0] =	ssyncadd.s32 @!p0 s1  }
0xda: {  	[bflag:$0x3] =	sbarrier.arrive $0xFFFF  }
0xdb: {  	_ =	shalt  }

// kernel: kernel.25.cloned.1.call-start
scs
__scs_entry_jumppad:
0x0: {  	(pc) =	sbr.rel $0x88, $3  }
0x1: {  	(tag) =	ssettag $0x0;
	lr =	simm.s32 $0x1  }
0x2: {  	[smem:$0x3F67] =	sst lr;
	_ =	strace $0xD0000000  }
0x3: {  	_ = 	snop  }
0x4: {  	_ = 	snop  }
0x5: {  	_ = 	snop  }
0x6: {  	_ = 	snop  }
0x7: {  	_ = 	snop  }
__scs_overlays_trampoline_lowered:
0x8: {  	[smem:$0x3F76] =	sst s0  }
0x9: {  	[smem:$0x3F77] =	sst s1  }
0xa: {  	[smem:$0x3F78] =	sst s2  }
0xb: {  	[smem:$0x3F79] =	sst s3  }
0xc: {  	[smem:$0x3F7A] =	sst s4  }
0xd: {  	[smem:$0x3F7B] =	sst s5  }
0xe: {  	[smem:$0x3F7C] =	sst s6  }
0xf: {  	[smem:$0x3F7D] =	sst s7  }
0x10: {  	[smem:$0x3F7E] =	sst s8  }
0x11: {  	[smem:$0x3F7F] =	sst s9;
	s0 =	simm.s32 @!p0 $0x0  }
0x12: {  	s1 =	sld [smem:$0x3F65];
	s0 =	simm.s32 @p0 $0x1  }
0x13: {  	[smem:$0x3F80] =	sst s0;
	s0 =	simm.s32 @!p1 $0x0  }
0x14: {  	s2 =	sld [smem:$0x3F64];
	s0 =	simm.s32 @p1 $0x1  }
0x15: {  	[smem:$0x3F81] =	sst s0;
	s0 =	simm.s32 @!p2 $0x0  }
0x16: {  	s3 =	sld [smem:$0x3FDB];
	s0 =	simm.s32 @p2 $0x1  }
0x17: {  	s4 =	simm.s32 $0x1BF5;
	[smem:$0x3F83] =	sst s0  }
0x18: {  	s0 =	sld [smem:$0x3F66];
	_ =	swait.ge [sflag:s4], $0x0  }
0x19: {  	s7 =	sld [smem:$0x3F67]  }
0x1a: {  	s8 =	sadd.s32 $0xFFFFE003, lr  }
0x1b: {  	s9 =	sadd.s32 $0xFFFFFEF7, lr;
	s5 =	simm.s32 $0xFFFFFFFF;
	p2 =	slt.u32 s8, $0xFFFFF086  }
0x1c: {  	p1 =	slt.u32 s9, $0xF7A;
	s5 =	simm.s32 @!p2 $0x0  }
0x1d: {  	s5 =	simm.s32 @p1 $0x1;
	p0 =	seq.s32 s7, s2  }
0x1e: {  	s7 =	smul.u32 @!p0 $0xF7A, s2;
	p2 =	seq.s32 @!p0 s5, $0x0  }
0x1f: {  	s9 =	smul.u32 $0xF7A, s1;
	s8 =	simm.s32 @!p0 $0x1BF5;
	p2 =	por !p2, p0  }
0x20: {  	[sflag:s8] =	ssyncset.s32 @!p0 $0xFFFFF086;
	s6 =	sadd.s32 @!p0 s3, s7;
	s7 =	simm.s32 @!p0 $0x108  }
0x21: {  	s3 =	sadd.s32 s3, s9;
	s6 =	sadd.s32 @!p0 $0x88, s6;
	s7 =	simm.s32 @p2 $0x1082  }
0x22: {  	[simem:s7], [sflag:s8] =	dma.local @!p0 [hbm:s6], $0xF7A  }
0x23: {  	s9 =	sor.u32 $0xD0000000, s2;
	s6 =	simm.s32 $0x108;
	_ =	swait.ge @!p0 [sflag:s8], $0x0  }
0x24: {  	s3 =	sadd.s32 $0x88, s3;
	s6 =	simm.s32 @!p1 $0x1082;
	[sflag:s4] =	ssyncset.s32 $0xFFFFF086  }
0x25: {  	[simem:s6], [sflag:s4] =	dma.local [hbm:s3], $0xF7A  }
0x26: {  	[smem:$0x3F67] =	sst s1;
	(tag) =	ssettag s2;
	_ =	strace s9  }
0x27: {  	s1 =	sld [smem:$0x3F77]  }
0x28: {  	s2 =	sld [smem:$0x3F78]  }
0x29: {  	s4 =	sld [smem:$0x3F7A]  }
0x2a: {  	p0 =	seq.s32 s5, $0x0;
	s5 =	sld [smem:$0x3F7B]  }
0x2b: {  	s6 =	sld [smem:$0x3F7C]  }
0x2c: {  	s7 =	sld [smem:$0x3F7D]  }
0x2d: {  	s3 =	simm.s32 $0x108;
	s8 =	sld [smem:$0x3F7E]  }
0x2e: {  	s3 =	simm.s32 @!p0 $0x1082;
	s9 =	sld [smem:$0x3F7F]  }
0x2f: {  	lr =	sadd.s32 s0, s3;
	s0 =	sld [smem:$0x3F76]  }
0x30: {  	s3 =	sld [smem:$0x3F79]  }
0x31: {  	[smem:$0x3F82] =	sst s10  }
0x32: {  	s10 =	sld [smem:$0x3F80];
	_ =	sdelay $0x3  }
0x33: {  	p0 =	seq.s32 s10, $0x1;
	s10 =	sld [smem:$0x3F82];
	_ =	sdelay $0x3  }
0x34: {  	[smem:$0x3F82] =	sst s10  }
0x35: {  	s10 =	sld [smem:$0x3F81];
	_ =	sdelay $0x3  }
0x36: {  	p1 =	seq.s32 s10, $0x1;
	s10 =	sld [smem:$0x3F82];
	_ =	sdelay $0x3  }
0x37: {  	[smem:$0x3F82] =	sst s10  }
0x38: {  	s10 =	sld [smem:$0x3F83]  }
0x39: {  	_ = 	snop;
	(pc) =	sbr.ind lr, $3  }
0x3a: {  	_ = 	snop  }
0x3b: {  	_ = 	snop  }
0x3c: {  	p2 =	seq.s32 s10, $0x1;
	s10 =	sld [smem:$0x3F82]  }
0x3d: {  	_ =	shalt  }
0x3e: {  	_ =	shalt  }
0x3f: {  	_ =	shalt  }
0x40: {  	_ =	shalt  }
0x41: {  	_ =	shalt  }
0x42: {  	_ =	shalt  }
0x43: {  	_ =	shalt  }
0x44: {  	_ =	shalt  }
0x45: {  	_ =	shalt  }
0x46: {  	_ =	shalt  }
0x47: {  	_ =	shalt  }
0x48: {  	_ =	shalt  }
0x49: {  	_ =	shalt  }
0x4a: {  	_ =	shalt  }
0x4b: {  	_ =	shalt  }
0x4c: {  	_ =	shalt  }
0x4d: {  	_ =	shalt  }
0x4e: {  	_ =	shalt  }
0x4f: {  	_ =	shalt  }
0x50: {  	_ =	shalt  }
0x51: {  	_ =	shalt  }
0x52: {  	_ =	shalt  }
0x53: {  	_ =	shalt  }
0x54: {  	_ =	shalt  }
0x55: {  	_ =	shalt  }
0x56: {  	_ =	shalt  }
0x57: {  	_ =	shalt  }
0x58: {  	_ =	shalt  }
0x59: {  	_ =	shalt  }
0x5a: {  	_ =	shalt  }
0x5b: {  	_ =	shalt  }
0x5c: {  	_ =	shalt  }
0x5d: {  	_ =	shalt  }
0x5e: {  	_ =	shalt  }
0x5f: {  	_ =	shalt  }
0x60: {  	_ =	shalt  }
0x61: {  	_ =	shalt  }
0x62: {  	_ =	shalt  }
0x63: {  	_ =	shalt  }
0x64: {  	_ =	shalt  }
0x65: {  	_ =	shalt  }
0x66: {  	_ =	shalt  }
0x67: {  	_ =	shalt  }
0x68: {  	_ =	shalt  }
0x69: {  	_ =	shalt  }
0x6a: {  	_ =	shalt  }
0x6b: {  	_ =	shalt  }
0x6c: {  	_ =	shalt  }
0x6d: {  	_ =	shalt  }
0x6e: {  	_ =	shalt  }
0x6f: {  	_ =	shalt  }
0x70: {  	_ =	shalt  }
0x71: {  	_ =	shalt  }
0x72: {  	_ =	shalt  }
0x73: {  	_ =	shalt  }
0x74: {  	_ =	shalt  }
0x75: {  	_ =	shalt  }
0x76: {  	_ =	shalt  }
0x77: {  	_ =	shalt  }
0x78: {  	_ =	shalt  }
0x79: {  	_ =	shalt  }
0x7a: {  	_ =	shalt  }
0x7b: {  	_ =	shalt  }
0x7c: {  	_ =	shalt  }
0x7d: {  	_ =	shalt  }
0x7e: {  	_ =	shalt  }
0x7f: {  	_ =	shalt  }
0x80: {  	_ =	shalt  }
0x81: {  	_ =	shalt  }
0x82: {  	_ =	shalt  }
0x83: {  	_ =	shalt  }
0x84: {  	_ =	shalt  }
0x85: {  	_ =	shalt  }
0x86: {  	_ =	shalt  }
0x87: {  	_ =	shalt  }
.Lfunc_end0:
.L_simem_size_0:
called_computation.4_lowered:
.L_overlay_start_0:
0x88: {  	s2 =	sld [smem:$0x3FD9]  }
0x89: {  	s3 =	sld [smem:$0x3FFE];
	_ =	sdelay $0x1  }
0x8a: {  	s1 =	srdreg.scid  }
0x8b: {  	s0 =	sand.u32 $0x1, s1  }
0x8c: {  	s16 =	sshll.u32 s0, $0xA;
	s2 =	sadd.s32 s3, s2  }
0x8d: {  	s2 =	sadd.s32 s2, s16  }
0x8e: {  	[smem:$0x3F8E] =	sst s2  }
0x8f: {  	_ = 	snop  }
0x90: {  	(tm) =	ssettm $0x1  }
0x91: {  	s17 =	sld [smem:$0x3FFB];
	_ =	sdelay $0x3  }
0x92: {  	_ =	strace s17  }
0x93: {  	s2 =	sld [smem:$0x3FFC];
	_ =	sdelay $0x3  }
0x94: {  	_ =	strace s2  }
0x95: {  	s2 =	sld [smem:$0x3FFD];
	_ =	sdelay $0x3  }
0x96: {  	_ =	strace s2  }
0x97: {  	_ =	strace $0x8FFFFFFF  }
0x98: {  	s18 =	sld [smem:$0x3FDB];
	_ =	sdelay $0x1  }
0x99: {  	s19 =	simm.s32 $_scs_section_size  }
0x9a: {  	s4 =	simm.s32 $_size__tile_overlayer_lowered;
	s5 =	simm.s32 $_tile_overlayer_lowered  }
0x9b: {  	s22 =	simm.s32 $0x1BFF;
	s21 =	sshll.u32 s5, $0x1;
	s2 =	sadd.s32 s19, s18  }
0x9c: {  	s6 =	simm.s32 $0x0;
	s20 =	sshll.u32 s4, $0x1;
	s4 =	sadd.s32 s21, s2  }
0x9d: {  	[timem:s6], [sflag:s22] =	dma.local [hbm:s4], s20  }
0x9e: {  	_ =	swait.ge [sflag:s22], s20  }
0x9f: {  	s3 =	ssub.s32 $0x0, s20;
	[sflag:s22] =	ssyncset.done $0x0  }
0xa0: {  	[sflag:s22] =	ssyncadd.s32 s3;
	_ =	sdelay $0x1  }
0xa1: {  	s23 =	simm.s32 $0x1B8B  }
0xa2: {  	_ =	swait.ge [sflag:s23], $0x1  }
0xa3: {  	[sflag:s23] =	ssyncset.done $0x0  }
0xa4: {  	s25 =	simm.s32 $0x1B8E;
	s24 =	sld [smem:$0x3FFE];
	[sflag:s23] =	ssyncadd.s32 $0xFFFFFFFF  }
0xa5: {  	s26 =	simm.s32 $execute0_lowered;
	[smem:$0x3FD2] =	sst s25  }
0xa6: {  	s4 =	sshll.u32 s26, $0x1;
	_ =	strace $0x8000004F;
	[dreg:$0x1] =	wrdreg $0xFFFFFFFF  }
0xa7: {  	s28 =	simm.s32 $_size_execute0_lowered;
	s2 =	sadd.s32 s2, s4;
	[dreg:$0x0] =	wrdreg $0x0  }
0xa8: {  	s4 =	sshll.u32 s28, $0x1;
	[dreg:$0x2] =	wrdreg s2  }
0xa9: {  	[dreg:$0x3] =	wrdreg s4  }
0xaa: {  	[dreg:$0x4] =	wrdreg $0xC0  }
0xab: {  	_ =	task [dreg:s6], $0x5FFFF  }
0xac: {  	[dreg:$0x1] =	wrdreg $0xFFFFFFFF  }
0xad: {  	[dreg:$0x0] =	wrdreg $0x60  }
0xae: {  	[dreg:$0x2] =	wrdreg s24  }
0xaf: {  	[dreg:$0x3] =	wrdreg $0x95000  }
0xb0: {  	[dreg:$0x4] =	wrdreg $0xA  }
0xb1: {  	_ =	task.clear_ibuf [dreg:s6], $0x5FFFF;
	_ =	strace $0x9000004F  }
0xb2: {  	s29 =	simm.s32 $0xA;
	_ =	strace $0x80000051  }
0xb3: {  	_ =	swait.ge [sflag:s29], $0x1  }
0xb4: {  	[sflag:s29] =	ssyncadd.s32 $0xFFFFFFFF  }
0xb5: {  	_ =	strace $0x90000051  }
0xb6: {  	_ =	sfence  }
0xb7: {  	s30 =	sld [smem:$0x0];
	_ =	sdelay $0x2  }
0xb8: {  	s31 =	sshll.u32 s1, $0xD;
	s1 =	sshrl.u32 s1, $0x2  }
0xb9: {  	s3 =	sand.u32 $0x4000, s31;
	s1 =	sadd.s32 s1, s30  }
0xba: {  	s0 =	sor.u32 s3, s0;
	s1 =	sshll.u32 s1, $0x11  }
0xbb: {  	s0 =	sor.u32 s1, s0  }
0xbc: {  	s0 =	sadd.s32 $0x8F2B, s0  }
0xbd: {  	[sflag:s0] =	ssyncadd.remote.s32 $0x1  }
0xbe: {  	_ =	sfence.sel $0xFFFF  }
0xbf: {  	[dreg:$0x0] =	wrdreg $0xFFFFFFFF;
	(pc) =	sbr.abs _section_cstart, $3  }
0xc0: {  	[dreg:$0x1] =	wrdreg $0xFFFFFFFF  }
0xc1: {  	_ =	task.clear_ibuf [dreg:s6], $0x2FFFF;
	_ =	strace $0x9FFFFFFF  }
0xc2: {  	(tm) =	ssettm $0x7FFFFFFF  }
0xc3: {  	_ =	shalt  }
tec
execute0_lowered:
.L_overlay_start_1:
0x0: {  	(tag) =	ssettag $0x1  }
0x1: {  	s10 =	rddreg [dreg:$0x0]  }
0x2: {  	s1 =	rddreg [dreg:$0x1]  }
0x3: {  	s0 =	rddreg [dreg:$0x2];
	s3 =	simm.s32 $0x0  }
0x4: {  	s2 =	srdreg.scid;
	s15 =	simm.s32 $0x80;
	s16 =	simm.s32 $0x40  }
0x5: {  	s17 =	simm.s32 $0x100;
	s18 =	simm.s32 $0x6100;
	s19 =	simm.s32 $0x1  }
0x6: {  	[smem:$0x7FF] =	sst s3;
	s4 =	sand.u32 $0x1, s2;
	s5 =	sadd.s32 $0x1132A00, s10  }
0x7: {  	s2 =	stileid.u32;
	s6 =	sadd.s32 $0x1128C00, s10;
	s9 =	smul.u32 $0x138800, s4  }
0x8: {  	s7 =	sadd.s32 $0xEC00, s10;
	s11 =	smul.u32 $0x1400, s2;
	s12 =	ssub.s32 $0x2, s4  }
0x9: {  	s8 =	sadd.s32 $0x113C800, s10;
	s13 =	smul.u32 $0x5000, s2;
	s29 =	sshrl.u32 s12, $0x1  }
0xa: {  	_ =	strace $0x80000050;
	s9 =	sadd.s32 s11, s9;
	s30 =	ssub.s32 s12, s29  }
0xb: {  	s31 =	sshrl.u32 s13, $0x2;
	s11 =	sshrl.u32 s9, $0x3;
	s9 =	sadd.s32 $0x1B27C00, s10  }
0xc: {  	v1 =	vlaneseq.u32;
	s12 =	sadd.s32 s31, s1;
	s14 =	sadd.s32 s11, s10;
	s10 =	sshll.u32 s2, $0x1  }
0xd: {  	v0 =	vimm.f32 $0.0e+00;
	v1 =	vor.u32 $0x4C, v1;
	s11 =	smax.u32 s30, $0x1;
	s13 =	sadd.s32 $0x5D000, s14;
	s14 =	simm.s32 $0x2  }
.LBB2_1:
0xe: {  	s20 =	simm.s32 $0x0;
	s21 =	simm.s32 $0x200  }
.LBB2_2:
0xf: {  	p0 =	sne.s32 s21, $0x4E00;
	[tilespmem:s20+$0x8170] =	vst v0  }
0x10: {  	[tilespmem:s20+$0x8100] =	vst v0  }
0x11: {  	[tilespmem:s20+$0x8110] =	vst v0  }
.Ltmp0:
0x12: {  	[tilespmem:s20+$0x8120] =	vst v0;
	(pc) =	sbr.rel @p0 .LBB2_2-.Ltmp0, $4  }
0x13: {  	[tilespmem:s20+$0x8130] =	vst v0  }
0x14: {  	[tilespmem:s20+$0x8140] =	vst v0  }
0x15: {  	[tilespmem:s20+$0x8150] =	vst v0  }
0x16: {  	[tilespmem:s20+$0x8160] =	vst v0;
	s20 =	sshra.s32 s21, $0x2;
	s21 =	sadd.s32 $0x200, s21  }
0x17: {  	[tilespmem:s20+$0x8170] =	vst v0  }
0x18: {  	[tilespmem:s20+$0x8100] =	vst v0  }
0x19: {  	[tilespmem:s20+$0x8110] =	vst v0  }
0x1a: {  	[tilespmem:s20+$0x8120] =	vst v0  }
0x1b: {  	[tilespmem:s20+$0x8130] =	vst v0  }
0x1c: {  	[tilespmem:s20+$0x8140] =	vst v0  }
0x1d: {  	[tilespmem:s20+$0x8150] =	vst v0  }
0x1e: {  	[tilespmem:s20+$0x8160] =	vst v0;
	s20 =	simm.s32 $0x0;
	s21 =	simm.s32 $0x200  }
.LBB2_4:
0x1f: {  	p0 =	sne.s32 s21, $0x7E00;
	[tilespmem:s20+$0x6170] =	vst v0  }
0x20: {  	[tilespmem:s20+$0x6100] =	vst v0  }
0x21: {  	[tilespmem:s20+$0x6110] =	vst v0  }
.Ltmp1:
0x22: {  	[tilespmem:s20+$0x6120] =	vst v0;
	(pc) =	sbr.rel @p0 .LBB2_4-.Ltmp1, $4  }
0x23: {  	[tilespmem:s20+$0x6130] =	vst v0  }
0x24: {  	[tilespmem:s20+$0x6140] =	vst v0  }
0x25: {  	[tilespmem:s20+$0x6150] =	vst v0  }
0x26: {  	[tilespmem:s20+$0x6160] =	vst v0;
	s20 =	sshra.s32 s21, $0x2;
	s21 =	sadd.s32 $0x200, s21  }
0x27: {  	[tilespmem:s20+$0x6170] =	vst v0  }
0x28: {  	[tilespmem:s20+$0x6100] =	vst v0  }
0x29: {  	[tilespmem:s20+$0x6110] =	vst v0  }
0x2a: {  	[tilespmem:s20+$0x6120] =	vst v0  }
0x2b: {  	[tilespmem:s20+$0x6130] =	vst v0  }
0x2c: {  	[tilespmem:s20+$0x6140] =	vst v0;
	s21 =	sadd.s32 $0x0, s2  }
0x2d: {  	[tilespmem:s20+$0x6150] =	vst v0;
	p0 =	sgt.u32 s21, $0xF9  }
0x2e: {  	[tilespmem:s20+$0x6160] =	vst v0;
	s20 =	simm.s32 @!p0 $0x8100;
	s23 =	simm.s32 @!p0 $0x1  }
0x2f: {  	[spmem:s12] =	stream.linear.scatter @!p0 [tilespmem:s20], [sflag:$0x1], $0x1400, $0x38;
	[tilespmem:$0x1CD80] =	vst v63  }
0x30: {  	s22 =	simm.s32 $0x20;
	_ =	swait.ge @!p0 [sflag:s23], $0x1400  }
0x31: {  	s21 =	simm.s32 $0x10;
	s20 =	sadd.s32 $0x14000, s12;
	[sflag:s23] =	ssyncset.done @!p0 $0x0  }
.LBB2_6:
0x32: {  	s24 =	sadd.s32 s21, s2;
	s21 =	smov.u32 s22;
	s22 =	sadd.s32 $0x10, s22  }
0x33: {  	[sflag:s23] =	ssyncadd.s32 @!p0 $0xFFFFEC00;
	p1 =	sne.s32 s22, $0x100  }
.Ltmp2:
0x34: {  	p0 =	sgt.u32 s24, $0xF9;
	(pc) =	sbr.rel @p1 .LBB2_6-.Ltmp2, $4  }
0x35: {  	s24 =	simm.s32 @!p0 $0x8100;
	s23 =	simm.s32 @!p0 $0x1  }
0x36: {  	[spmem:s20] =	stream.linear.scatter @!p0 [tilespmem:s24], [sflag:$0x1], $0x1400, $0x38;
	[tilespmem:$0x1CD80] =	vst v63  }
0x37: {  	_ =	swait.ge @!p0 [sflag:s23], $0x1400  }
0x38: {  	s20 =	sadd.s32 $0x14000, s20;
	[sflag:s23] =	ssyncset.done @!p0 $0x0  }
0x39: {  	s21 =	sadd.s32 s21, s2  }
0x3a: {  	p1 =	sgt.u32 s21, $0xF9  }
0x3b: {  	[sflag:s23] =	ssyncadd.s32 @!p0 $0xFFFFEC00;
	s21 =	simm.s32 @!p1 $0x8100;
	s22 =	simm.s32 @!p1 $0x1  }
0x3c: {  	[spmem:s20] =	stream.linear.scatter @!p1 [tilespmem:s21], [sflag:$0x1], $0x1400, $0x38;
	[tilespmem:$0x1CD80] =	vst v63  }
.Ltmp3:
0x3d: {  	_ =	swait.ge @!p1 [sflag:s22], $0x1400;
	(pc) =	sbr.rel .LBB2_8-.Ltmp3, $4  }
0x3e: {  	[sflag:s22] =	ssyncset.done @!p1 $0x0  }
0x3f: {  	[sflag:s22] =	ssyncadd.s32 @!p1 $0xFFFFEC00  }
0x40: {  	[bflag:$0x0] =	sbarrier.arrive $0xFFFF  }
0x41: {  	s20 =	simm.s32 $0x0  }
.LBB2_12:
0x42: {  	s20 =	sadd.s32 $0x1, s20  }
0x43: {  	p0 =	sne.s32 s20, $0x9D  }
.Ltmp4:
0x44: {  	_ = 	snop;
	(pc) =	sbr.rel @!p0 .LBB2_13-.Ltmp4, $1  }
0x45: {  	_ =	sdelay $0x3  }
.LBB2_8:
0x46: {  	s21 =	sshll.u32 s20, $0x5  }
0x47: {  	s21 =	sor.u32 s10, s21  }
0x48: {  	p0 =	sgt.u32 s21, $0x1387  }
.Ltmp5:
0x49: {  	_ = 	snop;
	(pc) =	sbr.rel @p0 .LBB2_12-.Ltmp5, $1  }
0x4a: {  	_ =	sdelay $0x3  }
0x4b: {  	s21 =	sor.u32 s4, s21  }
0x4c: {  	s22 =	sshll.u32 s21, $0x3  }
0x4d: {  	s24 =	simm.s32 $0x0;
	s23 =	sadd.s32 s5, s22  }
0x4e: {  	[tilespmem:s24], [sflag:$0x2] =	stream.linear.gather [hbm4b:s23+s24], $0x40, $0x38;
	[tilespmem:$0x1CD80] =	vst v63  }
0x4f: {  	_ =	swait.ge [sflag:s14], $0x40  }
0x50: {  	[sflag:s14] =	ssyncset.done $0x0  }
0x51: {  	s22 =	sadd.s32 s6, s22;
	[sflag:s14] =	ssyncadd.s32 $0xFFFFFFC0  }
0x52: {  	[tilespmem:s15], [sflag:$0x2] =	stream.linear.gather [hbm4b:s22+s24], $0x40, $0x38;
	[tilespmem:$0x1CD80] =	vst v63  }
0x53: {  	_ =	swait.ge [sflag:s14], $0x40  }
0x54: {  	[sflag:s14] =	ssyncset.done $0x0  }
0x55: {  	[sflag:s14] =	ssyncadd.s32 $0xFFFFFFC0  }
0x56: {  	[tilespmem:s17], [sflag:$0x2] =	stream.indirect.gather [hbm4b:s7+s16], $0x80, s24, s16, $0xb8;
	[tilespmem:$0x1CD80] =	vst v63  }
0x57: {  	_ =	swait.ge [sflag:s14], $0x2000  }
0x58: {  	[sflag:s14] =	ssyncset.done $0x0  }
0x59: {  	s28 =	simm.s32 $0x2100;
	[sflag:s14] =	ssyncadd.s32 $0xFFFFE000  }
0x5a: {  	[tilespmem:s28], [sflag:$0x2] =	stream.indirect.gather [hbm4b:s8+s16], $0x80, s15, s16, $0xb8;
	[tilespmem:$0x1CD80] =	vst v63  }
0x5b: {  	_ =	swait.ge [sflag:s14], $0x2000  }
0x5c: {  	s21 =	sshll.u32 s21, $0xA;
	[sflag:s14] =	ssyncset.done $0x0  }
0x5d: {  	s29 =	simm.s32 $0x4100;
	s21 =	sadd.s32 s9, s21;
	[sflag:s14] =	ssyncadd.s32 $0xFFFFE000  }
0x5e: {  	[tilespmem:s29], [sflag:$0x2] =	stream.linear.gather [hbm4b:s21+s24], $0x2000, $0x38;
	[tilespmem:$0x1CD80] =	vst v63  }
0x5f: {  	_ =	swait.ge [sflag:s14], $0x2000  }
0x60: {  	[sflag:s14] =	ssyncset.done $0x0  }
0x61: {  	s30 =	simm.s32 $0x120;
	[sflag:s14] =	ssyncadd.s32 $0xFFFFE000  }
0x62: {  	v2 =	vld [tilespmem:s30+$0x20]  }
0x63: {  	v3 =	vld [tilespmem:s28+$0x0];
	_ =	sdelay $0x1  }
0x64: {  	v4 =	vld [tilespmem:s29+$0x0];
	_ =	sdelay $0x2  }
0x65: {  	v2 =	vadd.f32 v3, v2;
	_ =	sdelay $0x1  }
0x66: {  	v2 =	vadd.f32 v4, v2;
	_ =	sdelay $0x1  }
0x67: {  	v3 =	vmul.f32 $2.000000030e-01, v2;
	_ =	sdelay $0x1  }
0x68: {  	v2 =	vmax.f32 v2, v3  }
0x69: {  	v2 =	vmul.f32 $1.442695020e+00, v2;
	_ =	sdelay $0x1  }
0x6a: {  	(erf) = vpow2.f32 v2;
	_ =	sdelay $0x4  }
0x6b: {  	s31 =	simm.s32 $0x0  }
0x6c: {  	v2 =	vor.u32 s31, v1;
	_ =	sdelay $0x2  }
0x6d: {  	s21 =	simm.s32 $0x6120;
	v3 =	vpop (erf)  }
0x6e: {  	[tilespmem:s21+$0x20] =	vst v3  }
0x6f: {  	v2 =	vld.idx.msk [tilespmem:v2+s18+$0x0], $0xffff  }
0x70: {  	v3 =	vld [tilespmem:s30+$0xFFFFFFE0];
	_ =	sdelay $0x4  }
0x71: {  	v3 =	vmul.f32 v3, v2;
	_ =	sdelay $0x1  }
0x72: {  	[tilespmem:s21+$0xFFFFFFE0] =	vst v3  }
0x73: {  	v3 =	vld [tilespmem:s30+$0xFFFFFFF0];
	_ =	sdelay $0x4  }
0x74: {  	v3 =	vmul.f32 v3, v2;
	_ =	sdelay $0x1  }
0x75: {  	[tilespmem:s21+$0xFFFFFFF0] =	vst v3  }
0x76: {  	v3 =	vld [tilespmem:s30+$0x0];
	_ =	sdelay $0x4  }
0x77: {  	v3 =	vmul.f32 v3, v2;
	_ =	sdelay $0x1  }
0x78: {  	[tilespmem:s21+$0x0] =	vst v3  }
0x79: {  	v3 =	vld [tilespmem:s30+$0x10];
	_ =	sdelay $0x4  }
0x7a: {  	v2 =	vmul.f32 v3, v2;
	_ =	sdelay $0x1  }
0x7b: {  	s22 =	simm.s32 $0x1A0;
	[tilespmem:s21+$0x10] =	vst v2  }
0x7c: {  	s24 =	simm.s32 $0x2180;
	v2 =	vld [tilespmem:s22+$0x20]  }
0x7d: {  	s26 =	simm.s32 $0x2;
	s25 =	simm.s32 $0x4180;
	s23 =	simm.s32 $0x1;
	v3 =	vld [tilespmem:s24+$0x0]  }
.LBB2_10:
0x7e: {  	p0 =	sne.s32 s26, $0x3F;
	v4 =	vld [tilespmem:s25+$0x0];
	_ =	sdelay $0x3  }
0x7f: {  	v2 =	vadd.f32 v3, v2;
	_ =	sdelay $0x1  }
0x80: {  	v2 =	vadd.f32 v4, v2;
	_ =	sdelay $0x1  }
0x81: {  	v3 =	vmul.f32 $2.000000030e-01, v2;
	_ =	sdelay $0x1  }
0x82: {  	v2 =	vmax.f32 v2, v3  }
0x83: {  	v2 =	vmul.f32 $1.442695020e+00, v2;
	_ =	sdelay $0x1  }
0x84: {  	(erf) = vpow2.f32 v2;
	_ =	sdelay $0x4  }
0x85: {  	s28 =	sshll.u32 s23, $0x7;
	s23 =	smov.u32 s26  }
0x86: {  	v2 =	vor.u32 s28, v1;
	_ =	sdelay $0x2  }
0x87: {  	s21 =	sadd.s32 $0x80, s21;
	v3 =	vpop (erf)  }
0x88: {  	[tilespmem:s21+$0x20] =	vst v3  }
0x89: {  	v2 =	vld.idx.msk [tilespmem:v2+s18+$0x0], $0xffff  }
0x8a: {  	v3 =	vld [tilespmem:s22+$0xFFFFFFE0];
	_ =	sdelay $0x4  }
0x8b: {  	v3 =	vmul.f32 v3, v2;
	_ =	sdelay $0x1  }
0x8c: {  	[tilespmem:s21+$0xFFFFFFE0] =	vst v3  }
0x8d: {  	v3 =	vld [tilespmem:s22+$0xFFFFFFF0];
	_ =	sdelay $0x4  }
0x8e: {  	v3 =	vmul.f32 v3, v2;
	_ =	sdelay $0x1  }
0x8f: {  	[tilespmem:s21+$0xFFFFFFF0] =	vst v3  }
0x90: {  	v3 =	vld [tilespmem:s22+$0x0];
	_ =	sdelay $0x4  }
0x91: {  	v3 =	vmul.f32 v3, v2;
	_ =	sdelay $0x1  }
0x92: {  	[tilespmem:s21+$0x0] =	vst v3  }
0x93: {  	v3 =	vld [tilespmem:s22+$0x10];
	_ =	sdelay $0x4  }
.Ltmp6:
0x94: {  	v2 =	vmul.f32 v3, v2;
	(pc) =	sbr.rel @p0 .LBB2_10-.Ltmp6, $4  }
0x95: {  	_ = 	snop  }
0x96: {  	s22 =	sadd.s32 $0x80, s22;
	[tilespmem:s21+$0x10] =	vst v2  }
0x97: {  	s24 =	sadd.s32 $0x80, s24;
	v2 =	vld [tilespmem:s22+$0x20]  }
0x98: {  	s26 =	sadd.s32 $0x1, s26;
	s25 =	sadd.s32 $0x80, s25;
	v3 =	vld [tilespmem:s24+$0x0]  }
0x99: {  	_ = 	snop  }
0x9a: {  	v4 =	vld [tilespmem:s25+$0x0];
	_ =	sdelay $0x2  }
0x9b: {  	v2 =	vadd.f32 v3, v2;
	_ =	sdelay $0x1  }
0x9c: {  	v2 =	vadd.f32 v4, v2;
	_ =	sdelay $0x1  }
0x9d: {  	v3 =	vmul.f32 $2.000000030e-01, v2;
	_ =	sdelay $0x1  }
0x9e: {  	v2 =	vmax.f32 v2, v3  }
0x9f: {  	v2 =	vmul.f32 $1.442695020e+00, v2;
	_ =	sdelay $0x1  }
0xa0: {  	(erf) = vpow2.f32 v2;
	_ =	sdelay $0x4  }
0xa1: {  	s23 =	sshll.u32 s23, $0x7  }
0xa2: {  	v2 =	vor.u32 s23, v1;
	_ =	sdelay $0x2  }
0xa3: {  	s21 =	sadd.s32 $0x80, s21;
	v3 =	vpop (erf)  }
0xa4: {  	[tilespmem:s21+$0x20] =	vst v3  }
0xa5: {  	v2 =	vld.idx.msk [tilespmem:v2+s18+$0x0], $0xffff  }
0xa6: {  	v3 =	vld [tilespmem:s22+$0xFFFFFFE0];
	_ =	sdelay $0x4  }
0xa7: {  	v3 =	vmul.f32 v3, v2;
	_ =	sdelay $0x1  }
0xa8: {  	[tilespmem:s21+$0xFFFFFFE0] =	vst v3  }
0xa9: {  	v3 =	vld [tilespmem:s22+$0xFFFFFFF0];
	_ =	sdelay $0x4  }
0xaa: {  	v3 =	vmul.f32 v3, v2;
	_ =	sdelay $0x1  }
0xab: {  	[tilespmem:s21+$0xFFFFFFF0] =	vst v3  }
0xac: {  	v3 =	vld [tilespmem:s22+$0x0];
	_ =	sdelay $0x4  }
0xad: {  	v3 =	vmul.f32 v3, v2;
	_ =	sdelay $0x1  }
0xae: {  	[tilespmem:s21+$0x0] =	vst v3  }
0xaf: {  	v3 =	vld [tilespmem:s22+$0x10];
	_ =	sdelay $0x4  }
0xb0: {  	v2 =	vmul.f32 v3, v2;
	_ =	sdelay $0x1  }
.Ltmp7:
0xb1: {  	[tilespmem:s21+$0x10] =	vst v2;
	(pc) =	sbr.rel .LBB2_12-.Ltmp7, $4  }
0xb2: {  	[spmem:s1] =	stream.indirect.scatter.add.f32 [tilespmem:s18], [sflag:$0x1], $0x80, s15, s16, $0xb8;
	[tilespmem:$0x1CD80] =	vst v63  }
0xb3: {  	_ =	swait.ge [sflag:s19], $0x2000  }
0xb4: {  	[sflag:s19] =	ssyncset.done $0x0  }
0xb5: {  	[sflag:s19] =	ssyncadd.s32 $0xFFFFE000  }
.LBB2_13:
0xb6: {  	s20 =	sadd.s32 $0x0, s2  }
0xb7: {  	p0 =	sgt.u32 s20, $0xF9  }
0xb8: {  	[bflag:$0x0] =	sbarrier.arrive $0xFFFF;
	s20 =	sshll.u32 @!p0 s2, $0x6  }
0xb9: {  	s21 =	sshrl.u32 @!p0 s12, $0x3;
	s23 =	simm.s32 @!p0 $0x1;
	s20 =	sor.u32 @!p0 $0x1C01, s20  }
0xba: {  	[hbm:s13], [sflag:s20] =	dma.local @!p0 [spmem:s21], $0x280  }
0xbb: {  	s22 =	simm.s32 $0x20;
	s24 =	sadd.s32 $0x10, s2;
	_ =	swait.ge @!p0 [sflag:s23], $0x280  }
0xbc: {  	s20 =	sadd.s32 $0x14000, s12;
	s21 =	sadd.s32 $0x2800, s13;
	[sflag:s23] =	ssyncset.done @!p0 $0x0  }
.LBB2_14:
0xbd: {  	[sflag:s23] =	ssyncadd.s32 @!p0 $0xFFFFFD80  }
0xbe: {  	p0 =	sgt.u32 s24, $0xF9;
	s24 =	smov.u32 s22;
	s22 =	sadd.s32 $0x10, s22  }
0xbf: {  	p1 =	sne.s32 s22, $0x100  }
.Ltmp8:
0xc0: {  	s23 =	sshll.u32 @!p0 s2, $0x6;
	s25 =	sshrl.u32 @!p0 s20, $0x3;
	(pc) =	sbr.rel @p1 .LBB2_14-.Ltmp8, $4  }
0xc1: {  	s26 =	sor.u32 @!p0 $0x1C01, s23;
	s23 =	simm.s32 @!p0 $0x1  }
0xc2: {  	[hbm:s21], [sflag:s26] =	dma.local @!p0 [spmem:s25], $0x280  }
0xc3: {  	s20 =	sadd.s32 $0x14000, s20;
	_ =	swait.ge @!p0 [sflag:s23], $0x280  }
0xc4: {  	s24 =	sadd.s32 s24, s2;
	s21 =	sadd.s32 $0x2800, s21;
	[sflag:s23] =	ssyncset.done @!p0 $0x0  }
0xc5: {  	p1 =	sgt.u32 s24, $0xF9;
	[sflag:s23] =	ssyncadd.s32 @!p0 $0xFFFFFD80;
	s3 =	sadd.s32 $0x1, s3  }
0xc6: {  	s22 =	sshll.u32 @!p1 s2, $0x6;
	s20 =	sshrl.u32 @!p1 s20, $0x3;
	p0 =	sne.s32 s3, s11  }
.Ltmp9:
0xc7: {  	s23 =	simm.s32 @!p1 $0x1;
	s22 =	sor.u32 @!p1 $0x1C01, s22;
	(pc) =	sbr.rel @p0 .LBB2_1-.Ltmp9, $4  }
0xc8: {  	[hbm:s21], [sflag:s22] =	dma.local @!p1 [spmem:s20], $0x280  }
0xc9: {  	_ =	swait.ge @!p1 [sflag:s23], $0x280  }
0xca: {  	[sflag:s23] =	ssyncset.done @!p1 $0x0  }
0xcb: {  	[sflag:s23] =	ssyncadd.s32 @!p1 $0xFFFFFD80  }
0xcc: {  	_ =	sfence.sel $0x180000  }
0xcd: {  	[bflag:$0x0] =	sbarrier.arrive $0xFFFF  }
0xce: {  	p0 =	sne.s32 s2, $0x0;
	_ =	strace $0x90000050  }
0xcf: {  	s0 =	sadd.s32 @!p0 $0x100000, s0;
	[bflag:$0x2] =	sbarrier.arrive $0xFFFF  }
0xd0: {  	[sflag:s0] =	ssyncadd.tile.s32 @!p0 $0x1;
	_ =	shalt  }
.Lfunc_end2:
_tile_overlayer_lowered:
.L_overlay_start_2:
0xd1: {  	(tag) =	ssettag $0x2  }
0xd2: {  	s0 =	rddreg [dreg:$0x0];
	s2 =	stileid.u32  }
0xd3: {  	s1 =	rddreg [dreg:$0x1];
	p0 =	sne.s32 s2, $0x0  }
0xd4: {  	s3 =	rddreg [dreg:$0x2];
	[bflag:$0x3] =	sbarrier.arrive $0xFFFF;
	s2 =	simm.s32 @!p0 $0x1C01  }
0xd5: {  	[timem:s3], [sflag:s2] =	dma.local @!p0 [hbm:s0], s1  }
0xd6: {  	s0 =	simm.s32 @!p0 $0x1  }
0xd7: {  	_ =	swait.ge @!p0 [sflag:s0], s1  }
0xd8: {  	s1 =	ssub.s32 @!p0 $0x0, s1;
	[sflag:s0] =	ssyncset.done @!p0 $0x0  }
0xd9: {  	[sflag:s0] =	ssyncadd.s32 @!p0 s1  }
0xda: {  	[bflag:$0x3] =	sbarrier.arrive $0xFFFF  }
0xdb: {  	_ =	shalt  }

</sc_bundles>
